<compile_context>
chip_gen: v7x
topology: tpu7x:2x2x1
jax: 0.10.2.dev20260603
libtpu: 0.0.44.dev20260713+nightly
codegen_flags: <defaults>
</compile_context>

<pallas_src>
import functools
import jax
import jax.numpy as jnp
from jax import lax
from jax.experimental import pallas as pl
from jax.experimental.pallas import tpu as pltpu
from jax.experimental.pallas import tpu_sc as plsc

NC = 2
NS = 16
NW = NC * NS
CH = 128


def _sc_mesh():
    return plsc.VectorSubcoreMesh(core_axis_name="c", subcore_axis_name="s")


def _make_part_kernel(e_pad, n_pad, n_real):
    half = n_pad // NC
    jw = e_pad // (NS * CH)
    epw = e_pad // NS
    cap = epw + 16

    hjw = jw // NC
    rpt = n_pad // NS

    @functools.partial(
        pl.kernel,
        out_type=[
            jax.ShapeDtypeStruct((NC, NS * jw, CH), jnp.int32),
            jax.ShapeDtypeStruct((NC, NS * jw, CH), jnp.int32),
            jax.ShapeDtypeStruct((NC, NS, 16), jnp.int32),
            jax.ShapeDtypeStruct((NC, n_pad), jnp.float32),
        ],
        mesh=_sc_mesh(),
        scratch_types=[
            pltpu.VMEM((jw, CH), jnp.int32),
            pltpu.VMEM((jw, CH), jnp.int32),
            pltpu.VMEM((cap,), jnp.int32),
            pltpu.VMEM((16,), jnp.int32),
            pltpu.VMEM((CH,), jnp.float32),
            pltpu.VMEM((rpt,), jnp.float32),
            pltpu.VMEM_SHARED((n_pad + 16,), jnp.float32),
            pltpu.SemaphoreType.DMA,
        ],
    )
    def part_kernel(src_hbm, dst_hbm, osrc_hbm, odst_hbm, ocnt_hbm, odeg_hbm,
                    src_v, dst_v, cpk_v, cnt_v, ones_v, zdeg_v, deg_sh, dsem):
        c = lax.axis_index("c")
        s = lax.axis_index("s")
        lo = c * half

        pltpu.sync_copy(src_hbm.at[pl.ds(s * jw, jw)], src_v)
        pltpu.sync_copy(dst_hbm.at[pl.ds(s * jw, jw)], dst_v)

        ones = jnp.ones((16,), jnp.float32)
        zeros = jnp.zeros((16,), jnp.float32)
        for i in range(CH // 16):
            ones_v[pl.ds(i * 16, 16)] = ones

        def zfill(i, _):
            zdeg_v[pl.ds(i * 16, 16)] = zeros
            return 0
        lax.fori_loop(0, rpt // 16, zfill, 0)
        pltpu.sync_copy(zdeg_v, deg_sh.at[pl.ds(s * rpt, rpt)])
        plsc.subcore_barrier()

        def dfire(j, _):
            pltpu.async_copy(ones_v, deg_sh.at[dst_v.at[c * hjw + j]],
                             dsem, add=True)
            return 0
        lax.fori_loop(0, hjw, dfire, 0)

        pad_pk = jnp.full((16,), n_real + (half << 14), jnp.int32)

        def fill(i, _):
            cpk_v[pl.ds(i * 16, 16)] = pad_pk
            return 0
        lax.fori_loop(0, cap // 16, fill, 0)

        def body(row, pos):
            for seg in range(CH // 16):
                sv = src_v[row, pl.ds(seg * 16, 16)]
                dv = dst_v[row, pl.ds(seg * 16, 16)]
                owned = (dv >= lo) & (dv < lo + half)
                ow = jnp.where(owned, jnp.int32(1), jnp.int32(0))
                pk = sv | ((dv - lo) << 14)
                for j in range(16):
                    cpk_v[pl.ds(pos, 16)] = jnp.broadcast_to(pk[j], (16,))
                    pos = pos + ow[j]
            return pos

        cnt = lax.fori_loop(0, jw, body, jnp.int32(0))
        cpk_v[pl.ds(cnt, 16)] = pad_pk

        def ddrain(j, _):
            pltpu.make_async_copy(ones_v, deg_sh.at[dst_v.at[c * hjw + j]],
                                  dsem).wait()
            return 0
        lax.fori_loop(0, hjw, ddrain, 0)

        def unpack(row, _):
            for seg in range(CH // 16):
                v = cpk_v[pl.ds((row * (CH // 16) + seg) * 16, 16)]
                src_v[row, pl.ds(seg * 16, 16)] = v & jnp.int32(0x3FFF)
                dst_v[row, pl.ds(seg * 16, 16)] = lax.shift_right_logical(v, 14)
            return 0
        lax.fori_loop(0, jw, unpack, 0)

        cnt_v[pl.ds(0, 16)] = jnp.broadcast_to(cnt, (16,)).astype(jnp.int32)
        plsc.subcore_barrier()
        pltpu.sync_copy(cnt_v, ocnt_hbm.at[c, s])
        pltpu.sync_copy(src_v, osrc_hbm.at[c, pl.ds(s * jw, jw)])
        pltpu.sync_copy(dst_v, odst_hbm.at[c, pl.ds(s * jw, jw)])
        pltpu.sync_copy(deg_sh.at[pl.ds(s * rpt, rpt)],
                        odeg_hbm.at[c, pl.ds(s * rpt, rpt)])

    return part_kernel


def _make_spmm_kernel(e_pad, n_pad, d):
    half = n_pad // NC
    j_per_w = e_pad // (NS * CH)
    rpt = half // NS

    K = 2

    @functools.partial(
        pl.kernel,
        out_type=jax.ShapeDtypeStruct((NC, half, d), jnp.float32),
        mesh=_sc_mesh(),
        scratch_types=[
            pltpu.VMEM((j_per_w, CH), jnp.int32),
            pltpu.VMEM((j_per_w, CH), jnp.int32),
            pltpu.VMEM((16,), jnp.int32),
            [pltpu.VMEM((CH, d), jnp.float32) for _ in range(K)],
            [pltpu.SemaphoreType.DMA for _ in range(K)],
            [pltpu.SemaphoreType.DMA for _ in range(K)],
            pltpu.VMEM_SHARED((half + 8, d), jnp.float32),
        ],
    )
    def spmm_kernel(g_hbm, src_hbm, dst_hbm, cnt_hbm, out_hbm,
                    src_v, dst_v, cnt_v, rows, gsem, ssem, acc_sh):
        c = lax.axis_index("c")
        s = lax.axis_index("s")

        pltpu.sync_copy(g_hbm.at[pl.ds(c * half + s * rpt, rpt)],
                        acc_sh.at[pl.ds(s * rpt, rpt)])
        plsc.subcore_barrier()

        pltpu.sync_copy(src_hbm.at[c, pl.ds(s * j_per_w, j_per_w)], src_v)
        pltpu.sync_copy(dst_hbm.at[c, pl.ds(s * j_per_w, j_per_w)], dst_v)
        pltpu.sync_copy(cnt_hbm.at[c, s], cnt_v)

        cnt = cnt_v[pl.ds(0, 16)][0]
        n_grp = lax.max((cnt + CH * K - 1) // (CH * K), jnp.int32(1))

        m = 2 * n_grp

        def gather(j, r):
            pltpu.async_copy(g_hbm.at[src_v.at[j]], rows[r], gsem[r])

        def gwait(j, r):
            pltpu.make_async_copy(g_hbm.at[src_v.at[j]],
                                  rows[r], gsem[r]).wait()

        def scat(j, r):
            pltpu.async_copy(rows[r], acc_sh.at[dst_v.at[j]],
                             ssem[r], add=True)

        def swait(j, r):
            pltpu.make_async_copy(rows[r], acc_sh.at[dst_v.at[j]],
                                  ssem[r]).wait()

        gather(0, 0)
        gwait(0, 0)
        scat(0, 0)
        gather(1, 1)

        def pair(g, _):
            j1 = 2 * g + 1
            gwait(j1, 1)
            scat(j1, 1)

            @pl.when(j1 + 1 < m)
            def _():
                swait(j1 - 1, 0)
                gather(j1 + 1, 0)
                gwait(j1 + 1, 0)
                scat(j1 + 1, 0)

                @pl.when(j1 + 2 < m)
                def _():
                    swait(j1, 1)
                    gather(j1 + 2, 1)
            return 0

        lax.fori_loop(0, n_grp, pair, 0)
        swait(m - 2, 0)
        swait(m - 1, 1)

        plsc.subcore_barrier()
        pltpu.sync_copy(acc_sh.at[pl.ds(s * rpt, rpt)],
                        out_hbm.at[c, pl.ds(s * rpt, rpt)])

    return spmm_kernel


def _tc1_body(cnt_ref, x_ref, w_ref, dinv_ref, g_ref):
    deg = cnt_ref[:, 0:1] + cnt_ref[:, 1:2] + 1.0
    dinv = lax.rsqrt(deg)
    dinv_ref[...] = dinv
    h = jnp.dot(x_ref[...], w_ref[...], preferred_element_type=jnp.float32)
    g_ref[...] = h * dinv


def _tc2_body(acc_ref, dinv_ref, b_ref, w_ref, g2_ref):
    a = acc_ref[...]
    dinv = dinv_ref[...]
    h = jnp.maximum(dinv * a + b_ref[...], 0.0)
    g2_ref[...] = dinv * jnp.dot(h, w_ref[...],
                                 preferred_element_type=jnp.float32)


def _tc3_body(acc_ref, dinv_ref, b_ref, out_ref):
    out_ref[...] = dinv_ref[...] * acc_ref[...] + b_ref[...]


def kernel(x, edge_index, edge_attr, W1, b1, W2, b2):
    n, d = x.shape
    e = edge_index.shape[1]

    n_pad = (n + 1 + 255) // 256 * 256
    half = n_pad // NC
    e_pad = (e + NS * CH * 8 - 1) // (NS * CH * 8) * (NS * CH * 8)

    src = edge_index[0]
    dst = edge_index[1]
    pad = e_pad - e
    src_p = jnp.concatenate([src, jnp.full((pad,), n, jnp.int32)])
    dst_p = jnp.concatenate([dst, jnp.full((pad,), n_pad, jnp.int32)])
    dst2d = dst_p.reshape(e_pad // CH, CH)

    x_pad = jnp.zeros((n_pad, d), x.dtype).at[:n].set(x)
    b1r = b1.reshape(1, d)
    b2r = b2.reshape(1, d)

    part_k = _make_part_kernel(e_pad, n_pad, n)
    spmm_k = _make_spmm_kernel(e_pad, n_pad, d)

    src2d = src_p.reshape(e_pad // CH, CH)
    psrc3, pdst3, pcnt, pdeg = part_k(src2d, dst2d)
    cnt_t = pdeg.T

    r = 1280
    grid = n_pad // r
    row_spec = pl.BlockSpec((r, d), lambda i: (i, 0))
    col_spec = pl.BlockSpec((r, 1), lambda i: (i, 0))
    full_spec = pl.BlockSpec((d, d), lambda i: (0, 0))
    bias_spec = pl.BlockSpec((1, d), lambda i: (0, 0))

    dinv, g1 = pl.pallas_call(
        _tc1_body,
        grid=grid,
        in_specs=[pl.BlockSpec((r, NC), lambda i: (i, 0)),
                  row_spec, full_spec],
        out_specs=[col_spec, row_spec],
        out_shape=[jax.ShapeDtypeStruct((n_pad, 1), jnp.float32),
                   jax.ShapeDtypeStruct((n_pad, d), jnp.float32)],
    )(cnt_t, x_pad, W1)

    acc1 = spmm_k(g1, psrc3, pdst3, pcnt).reshape(n_pad, d)

    g2 = pl.pallas_call(
        _tc2_body,
        grid=grid,
        in_specs=[row_spec, col_spec, bias_spec, full_spec],
        out_specs=row_spec,
        out_shape=jax.ShapeDtypeStruct((n_pad, d), jnp.float32),
    )(acc1, dinv, b1r, W2)

    acc2 = spmm_k(g2, psrc3, pdst3, pcnt).reshape(n_pad, d)

    out = pl.pallas_call(
        _tc3_body,
        grid=grid,
        in_specs=[row_spec, col_spec, bias_spec],
        out_specs=row_spec,
        out_shape=jax.ShapeDtypeStruct((n_pad, d), jnp.float32),
    )(acc2, dinv, b2r)

    return out[:n]

# --- scband reference (transcript-rebuilt; emitter-appended) ---
"""Pipeline reference for scband-gcnmodel-48292612276725 (READ-ONLY COPY).

The authoritative reference and input builder live on the scoring server;
editing this copy changes nothing except your own understanding.
"""

import jax, jax.numpy as jnp
import numpy as np

N = 10000
D = 128
E = 320000

def gcn_conv(x, src, dst, W, b, n):
    # PyG GCNConv: h = x @ W; symmetric normalization with self-loops (added by caller);
    # out[dst] += norm * h[src]; out += bias
    h = x @ W
    deg = jnp.zeros((n,), dtype=x.dtype).at[dst].add(1.0)
    dinv = jnp.where(deg > 0, 1.0 / jnp.sqrt(deg), 0.0)
    norm = dinv[src] * dinv[dst]
    msg = h[src] * norm[:, None]
    out = jnp.zeros((n, W.shape[1]), dtype=x.dtype).at[dst].add(msg)
    return out + b


def setup_inputs(seed: int = 0) -> dict:
    key = jax.random.key(seed)
    ks = jax.random.split(key, 8)
    x = jax.random.normal(ks[0], (N, D), dtype=jnp.float32)
    edge_index = jax.random.randint(ks[1], (2, E), 0, N, dtype=jnp.int32)
    edge_attr = jax.random.normal(ks[2], (E, 4), dtype=jnp.float32)
    s1 = 1.0 / np.sqrt(D)
    W1 = jax.random.normal(ks[3], (D, D), dtype=jnp.float32) * s1
    b1 = jnp.zeros((D,), dtype=jnp.float32)
    W2 = jax.random.normal(ks[4], (D, D), dtype=jnp.float32) * s1
    b2 = jnp.zeros((D,), dtype=jnp.float32)
    return {"x": x, "edge_index": edge_index, "edge_attr": edge_attr,
            "W1": W1, "b1": b1, "W2": W2, "b2": b2}


def reference(x, edge_index, edge_attr, W1, b1, W2, b2):
    # edge_attr is accepted by the torch forward but unused by GCNConv
    n = x.shape[0]
    sl = jnp.arange(n, dtype=edge_index.dtype)
    src = jnp.concatenate([edge_index[0], sl])
    dst = jnp.concatenate([edge_index[1], sl])
    h = gcn_conv(x, src, dst, W1, b1, n)
    h = jax.nn.relu(h)
    # dropout is identity in eval mode
    out = gcn_conv(h, src, dst, W2, b2, n)
    return out

if __name__ == "__main__":
    import jax
    _d = setup_inputs()
    print(jax.jit(kernel)(*tuple(_d.values())))

</pallas_src>

<mosaic_0001>
#map = affine_map<(d0, d1) -> (0, 0)>
#map1 = affine_map<(d0, d1) -> (0, 0, 0)>
module attributes {stable_mosaic.version = 14 : i64} {
  func.func @spmm_kernel(%arg0: i32, %arg1: i32, %arg2: memref<10240x128xf32, #tpu.memory_space<hbm>>, %arg3: memref<2x2560x128xi32, #tpu.memory_space<hbm>>, %arg4: memref<2x2560x128xi32, #tpu.memory_space<hbm>>, %arg5: memref<2x16x16xi32, #tpu.memory_space<hbm>>, %arg6: memref<2x5120x128xf32, #tpu.memory_space<hbm>>, %arg7: memref<160x128xi32, #tpu.memory_space<vmem>>, %arg8: memref<160x128xi32, #tpu.memory_space<vmem>>, %arg9: memref<16xi32, #tpu.memory_space<vmem>>, %arg10: memref<128x128xf32, #tpu.memory_space<vmem>>, %arg11: memref<128x128xf32, #tpu.memory_space<vmem>>, %arg12: memref<!tpu.dma_semaphore, #tpu.memory_space<semaphore_mem>>, %arg13: memref<!tpu.dma_semaphore, #tpu.memory_space<semaphore_mem>>, %arg14: memref<!tpu.dma_semaphore, #tpu.memory_space<semaphore_mem>>, %arg15: memref<!tpu.dma_semaphore, #tpu.memory_space<semaphore_mem>>, %arg16: memref<5128x128xf32, #tpu.memory_space<vmem_shared>>) attributes {dimension_semantics = [#tpu.dimension_semantics<core_parallel>, #tpu.dimension_semantics<subcore_parallel>], iteration_bounds = array<i64: 2, 16>, scalar_prefetch = 0 : i64, scratch_operands = 10 : i64, tpu.core_type = #tpu.core_type<sc_vector_subcore>, window_params = [{transform_indices = #map}, {transform_indices = #map1}, {transform_indices = #map1}, {transform_indices = #map1}, {transform_indices = #map1}]} {
    %mul3A = arith.constant 5120 : i32
    %mul3A_0 = arith.muli %arg0, %mul3A : i32
    %mul3A_1 = arith.constant 320 : i32
    %mul3A_2 = arith.muli %arg1, %mul3A_1 : i32
    %add3A = arith.addi %mul3A_0, %mul3A_2 : i32
    %mul3A_3 = arith.constant 320 : i32
    %mul3A_4 = arith.muli %arg1, %mul3A_3 : i32
    "tpu.region"() ({
      %run_scoped3A = tpu.sem_alloc : memref<!tpu.dma_semaphore, #tpu.memory_space<semaphore_mem>>
      %dma_start3A_92 = arith.constant 0 : i32
      %dma_start3A_93 = tpu.memref_slice %arg16[%mul3A_4, %dma_start3A_92] : memref<5128x128xf32, #tpu.memory_space<vmem_shared>> -> memref<320x128xf32, #tpu.memory_space<vmem_shared>>
      %dma_start3A_94 = arith.constant 0 : i32
      %dma_start3A_95 = tpu.memref_slice %arg2[%add3A, %dma_start3A_94] : memref<10240x128xf32, #tpu.memory_space<hbm>> -> memref<320x128xf32, #tpu.memory_space<hbm>>
      tpu.enqueue_dma source(%dma_start3A_95 : memref<320x128xf32, #tpu.memory_space<hbm>>) target(%dma_start3A_93 : memref<320x128xf32, #tpu.memory_space<vmem_shared>>) target_semaphore(%run_scoped3A : memref<!tpu.dma_semaphore, #tpu.memory_space<semaphore_mem>>)
      %dma_wait3A_96 = arith.constant 0 : i32
      %dma_wait3A_97 = tpu.memref_slice %arg16[%mul3A_4, %dma_wait3A_96] : memref<5128x128xf32, #tpu.memory_space<vmem_shared>> -> memref<320x128xf32, #tpu.memory_space<vmem_shared>>
      %dma_wait3A_98 = arith.constant 0 : i32
      %dma_wait3A_99 = tpu.memref_slice %arg2[%add3A, %dma_wait3A_98] : memref<10240x128xf32, #tpu.memory_space<hbm>> -> memref<320x128xf32, #tpu.memory_space<hbm>>
      tpu.wait_dma2 semaphore(%run_scoped3A : memref<!tpu.dma_semaphore, #tpu.memory_space<semaphore_mem>>) src(%dma_wait3A_99 : memref<320x128xf32, #tpu.memory_space<hbm>>) dst(%dma_wait3A_97 : memref<320x128xf32, #tpu.memory_space<vmem_shared>>)
      tpu.yield
    }) : () -> ()
    %barrier3A = arith.constant 0 : index
    tpu.barrier barrier_id(%barrier3A)
    %mul3A_5 = arith.constant 160 : i32
    %mul3A_6 = arith.muli %arg1, %mul3A_5 : i32
    "tpu.region"() ({
      %run_scoped3A = tpu.sem_alloc : memref<!tpu.dma_semaphore, #tpu.memory_space<semaphore_mem>>
      %dma_start3A_92 = arith.constant 0 : i32
      %dma_start3A_93 = tpu.memref_slice %arg3[%arg0, %mul3A_6, %dma_start3A_92] : memref<2x2560x128xi32, #tpu.memory_space<hbm>> -> memref<1x160x128xi32, #tpu.memory_space<hbm>>
      %dma_start3A_94 = tpu.memref_squeeze %dma_start3A_93 : memref<1x160x128xi32, #tpu.memory_space<hbm>> -> memref<160x128xi32, #tpu.memory_space<hbm>>
      %dma_start3A_95 = arith.constant 0 : i32
      %dma_start3A_96 = tpu.memref_slice %arg3[%arg0, %mul3A_6, %dma_start3A_95] : memref<2x2560x128xi32, #tpu.memory_space<hbm>> -> memref<1x160x128xi32, #tpu.memory_space<hbm>>
      %dma_start3A_97 = tpu.memref_squeeze %dma_start3A_96 : memref<1x160x128xi32, #tpu.memory_space<hbm>> -> memref<160x128xi32, #tpu.memory_space<hbm>>
      tpu.enqueue_dma source(%dma_start3A_97 : memref<160x128xi32, #tpu.memory_space<hbm>>) target(%arg7 : memref<160x128xi32, #tpu.memory_space<vmem>>) target_semaphore(%run_scoped3A : memref<!tpu.dma_semaphore, #tpu.memory_space<semaphore_mem>>)
      %dma_wait3A_98 = arith.constant 0 : i32
      %dma_wait3A_99 = tpu.memref_slice %arg3[%arg0, %mul3A_6, %dma_wait3A_98] : memref<2x2560x128xi32, #tpu.memory_space<hbm>> -> memref<1x160x128xi32, #tpu.memory_space<hbm>>
      %dma_wait3A_100 = tpu.memref_squeeze %dma_wait3A_99 : memref<1x160x128xi32, #tpu.memory_space<hbm>> -> memref<160x128xi32, #tpu.memory_space<hbm>>
      %dma_wait3A_101 = arith.constant 0 : i32
      %dma_wait3A_102 = tpu.memref_slice %arg3[%arg0, %mul3A_6, %dma_wait3A_101] : memref<2x2560x128xi32, #tpu.memory_space<hbm>> -> memref<1x160x128xi32, #tpu.memory_space<hbm>>
      %dma_wait3A_103 = tpu.memref_squeeze %dma_wait3A_102 : memref<1x160x128xi32, #tpu.memory_space<hbm>> -> memref<160x128xi32, #tpu.memory_space<hbm>>
      tpu.wait_dma2 semaphore(%run_scoped3A : memref<!tpu.dma_semaphore, #tpu.memory_space<semaphore_mem>>) src(%dma_wait3A_103 : memref<160x128xi32, #tpu.memory_space<hbm>>) dst(%arg7 : memref<160x128xi32, #tpu.memory_space<vmem>>)
      tpu.yield
    }) : () -> ()
    %mul3A_7 = arith.constant 160 : i32
    %mul3A_8 = arith.muli %arg1, %mul3A_7 : i32
    "tpu.region"() ({
      %run_scoped3A = tpu.sem_alloc : memref<!tpu.dma_semaphore, #tpu.memory_space<semaphore_mem>>
      %dma_start3A_92 = arith.constant 0 : i32
      %dma_start3A_93 = tpu.memref_slice %arg4[%arg0, %mul3A_8, %dma_start3A_92] : memref<2x2560x128xi32, #tpu.memory_space<hbm>> -> memref<1x160x128xi32, #tpu.memory_space<hbm>>
      %dma_start3A_94 = tpu.memref_squeeze %dma_start3A_93 : memref<1x160x128xi32, #tpu.memory_space<hbm>> -> memref<160x128xi32, #tpu.memory_space<hbm>>
      %dma_start3A_95 = arith.constant 0 : i32
      %dma_start3A_96 = tpu.memref_slice %arg4[%arg0, %mul3A_8, %dma_start3A_95] : memref<2x2560x128xi32, #tpu.memory_space<hbm>> -> memref<1x160x128xi32, #tpu.memory_space<hbm>>
      %dma_start3A_97 = tpu.memref_squeeze %dma_start3A_96 : memref<1x160x128xi32, #tpu.memory_space<hbm>> -> memref<160x128xi32, #tpu.memory_space<hbm>>
      tpu.enqueue_dma source(%dma_start3A_97 : memref<160x128xi32, #tpu.memory_space<hbm>>) target(%arg8 : memref<160x128xi32, #tpu.memory_space<vmem>>) target_semaphore(%run_scoped3A : memref<!tpu.dma_semaphore, #tpu.memory_space<semaphore_mem>>)
      %dma_wait3A_98 = arith.constant 0 : i32
      %dma_wait3A_99 = tpu.memref_slice %arg4[%arg0, %mul3A_8, %dma_wait3A_98] : memref<2x2560x128xi32, #tpu.memory_space<hbm>> -> memref<1x160x128xi32, #tpu.memory_space<hbm>>
      %dma_wait3A_100 = tpu.memref_squeeze %dma_wait3A_99 : memref<1x160x128xi32, #tpu.memory_space<hbm>> -> memref<160x128xi32, #tpu.memory_space<hbm>>
      %dma_wait3A_101 = arith.constant 0 : i32
      %dma_wait3A_102 = tpu.memref_slice %arg4[%arg0, %mul3A_8, %dma_wait3A_101] : memref<2x2560x128xi32, #tpu.memory_space<hbm>> -> memref<1x160x128xi32, #tpu.memory_space<hbm>>
      %dma_wait3A_103 = tpu.memref_squeeze %dma_wait3A_102 : memref<1x160x128xi32, #tpu.memory_space<hbm>> -> memref<160x128xi32, #tpu.memory_space<hbm>>
      tpu.wait_dma2 semaphore(%run_scoped3A : memref<!tpu.dma_semaphore, #tpu.memory_space<semaphore_mem>>) src(%dma_wait3A_103 : memref<160x128xi32, #tpu.memory_space<hbm>>) dst(%arg8 : memref<160x128xi32, #tpu.memory_space<vmem>>)
      tpu.yield
    }) : () -> ()
    "tpu.region"() ({
      %run_scoped3A = tpu.sem_alloc : memref<!tpu.dma_semaphore, #tpu.memory_space<semaphore_mem>>
      %dma_start3A_92 = arith.constant 0 : i32
      %dma_start3A_93 = tpu.memref_slice %arg5[%arg0, %arg1, %dma_start3A_92] : memref<2x16x16xi32, #tpu.memory_space<hbm>> -> memref<1x1x16xi32, #tpu.memory_space<hbm>>
      %dma_start3A_94 = tpu.memref_squeeze %dma_start3A_93 : memref<1x1x16xi32, #tpu.memory_space<hbm>> -> memref<16xi32, #tpu.memory_space<hbm>>
      %dma_start3A_95 = arith.constant 0 : i32
      %dma_start3A_96 = tpu.memref_slice %arg5[%arg0, %arg1, %dma_start3A_95] : memref<2x16x16xi32, #tpu.memory_space<hbm>> -> memref<1x1x16xi32, #tpu.memory_space<hbm>>
      %dma_start3A_97 = tpu.memref_squeeze %dma_start3A_96 : memref<1x1x16xi32, #tpu.memory_space<hbm>> -> memref<16xi32, #tpu.memory_space<hbm>>
      tpu.enqueue_dma source(%dma_start3A_97 : memref<16xi32, #tpu.memory_space<hbm>>) target(%arg9 : memref<16xi32, #tpu.memory_space<vmem>>) target_semaphore(%run_scoped3A : memref<!tpu.dma_semaphore, #tpu.memory_space<semaphore_mem>>)
      %dma_wait3A_98 = arith.constant 0 : i32
      %dma_wait3A_99 = tpu.memref_slice %arg5[%arg0, %arg1, %dma_wait3A_98] : memref<2x16x16xi32, #tpu.memory_space<hbm>> -> memref<1x1x16xi32, #tpu.memory_space<hbm>>
      %dma_wait3A_100 = tpu.memref_squeeze %dma_wait3A_99 : memref<1x1x16xi32, #tpu.memory_space<hbm>> -> memref<16xi32, #tpu.memory_space<hbm>>
      %dma_wait3A_101 = arith.constant 0 : i32
      %dma_wait3A_102 = tpu.memref_slice %arg5[%arg0, %arg1, %dma_wait3A_101] : memref<2x16x16xi32, #tpu.memory_space<hbm>> -> memref<1x1x16xi32, #tpu.memory_space<hbm>>
      %dma_wait3A_103 = tpu.memref_squeeze %dma_wait3A_102 : memref<1x1x16xi32, #tpu.memory_space<hbm>> -> memref<16xi32, #tpu.memory_space<hbm>>
      tpu.wait_dma2 semaphore(%run_scoped3A : memref<!tpu.dma_semaphore, #tpu.memory_space<semaphore_mem>>) src(%dma_wait3A_103 : memref<16xi32, #tpu.memory_space<hbm>>) dst(%arg9 : memref<16xi32, #tpu.memory_space<vmem>>)
      tpu.yield
    }) : () -> ()
    %get3A = arith.constant 0 : index
    %get3A_9 = tpu.vector_load %arg9[%get3A] {strides = array<i32>} : memref<16xi32, #tpu.memory_space<vmem>>, vector<16xi32>,
    %get3A_10 = vector.shape_cast %get3A_9 : vector<16xi32> to vector<16xi32>
    %slice3A = vector.extract_strided_slice %get3A_10 {offsets = [0], sizes = [1], strides = [1]} : vector<16xi32> to vector<1xi32>
    %squeeze3A = vector.extract %slice3A[0] : i32 from vector<1xi32>
    %add3A_11 = arith.constant 256 : i32
    %add3A_12 = arith.addi %squeeze3A, %add3A_11 : i32
    %sub3A = arith.constant 1 : i32
    %sub3A_13 = arith.subi %add3A_12, %sub3A : i32
    %jit3A = arith.constant 256 : i32
    %div3A = arith.divsi %sub3A_13, %jit3A : i32
    %sign3A = arith.constant 0 : i32
    %sign3A_14 = arith.cmpi sgt, %sub3A_13, %sign3A : i32
    %sign3A_15 = arith.extui %sign3A_14 : i1 to i32
    %sign3A_16 = arith.constant 0 : i32
    %sign3A_17 = arith.cmpi slt, %sub3A_13, %sign3A_16 : i32
    %sign3A_18 = arith.extui %sign3A_17 : i1 to i32
    %sign3A_19 = arith.subi %sign3A_15, %sign3A_18 : i32
    %sign3A_20 = arith.constant 0 : i32
    %sign3A_21 = arith.cmpi sgt, %jit3A, %sign3A_20 : i32
    %sign3A_22 = arith.extui %sign3A_21 : i1 to i32
    %sign3A_23 = arith.constant 0 : i32
    %sign3A_24 = arith.cmpi slt, %jit3A, %sign3A_23 : i32
    %sign3A_25 = arith.extui %sign3A_24 : i1 to i32
    %sign3A_26 = arith.subi %sign3A_22, %sign3A_25 : i32
    %ne3A = arith.cmpi ne, %sign3A_19, %sign3A_26 : i32
    %rem3A = arith.remsi %sub3A_13, %jit3A : i32
    %ne3A_27 = arith.constant 0 : i32
    %ne3A_28 = arith.cmpi ne, %rem3A, %ne3A_27 : i32
    %and3A = arith.andi %ne3A, %ne3A_28 : i1
    %sub3A_29 = arith.constant 1 : i32
    %sub3A_30 = arith.subi %div3A, %sub3A_29 : i32
    %select_n3A = arith.select %and3A, %sub3A_30, %div3A : i32
    %max3A = arith.constant 1 : i32
    %max3A_31 = arith.maxsi %select_n3A, %max3A : i32
    %mul3A_32 = arith.constant 2 : i32
    %mul3A_33 = arith.muli %mul3A_32, %max3A_31 : i32
    %dma_start3A = arith.constant 0 : i32
    %dma_start3A_34 = arith.constant 0 : i32
    %dma_start3A_35 = tpu.memref_slice %arg7[%dma_start3A, %dma_start3A_34] : memref<160x128xi32, #tpu.memory_space<vmem>> -> memref<1x128xi32, #tpu.memory_space<vmem>>
    %dma_start3A_36 = tpu.memref_squeeze %dma_start3A_35 : memref<1x128xi32, #tpu.memory_space<vmem>> -> memref<128xi32, #tpu.memory_space<vmem>>
    %dma_start3A_37 = arith.constant 0 : i32
    %dma_start3A_38 = arith.constant 0 : i32
    %dma_start3A_39 = tpu.memref_slice %arg2[%dma_start3A_37, %dma_start3A_38] : memref<10240x128xf32, #tpu.memory_space<hbm>> -> memref<10240x128xf32, #tpu.memory_space<hbm>>
    tpu.enqueue_indirect_dma source(%dma_start3A_39 : memref<10240x128xf32, #tpu.memory_space<hbm>>) target(%arg10 : memref<128x128xf32, #tpu.memory_space<vmem>>) offsets(%dma_start3A_36 : memref<128xi32, #tpu.memory_space<vmem>>) semaphore(%arg12 : memref<!tpu.dma_semaphore, #tpu.memory_space<semaphore_mem>>)
    %dma_wait3A = arith.constant 0 : i32
    %dma_wait3A_40 = arith.constant 0 : i32
    %dma_wait3A_41 = tpu.memref_slice %arg7[%dma_wait3A, %dma_wait3A_40] : memref<160x128xi32, #tpu.memory_space<vmem>> -> memref<1x128xi32, #tpu.memory_space<vmem>>
    %dma_wait3A_42 = tpu.memref_squeeze %dma_wait3A_41 : memref<1x128xi32, #tpu.memory_space<vmem>> -> memref<128xi32, #tpu.memory_space<vmem>>
    %dma_wait3A_43 = arith.constant 0 : i32
    %dma_wait3A_44 = arith.constant 0 : i32
    %dma_wait3A_45 = tpu.memref_slice %arg2[%dma_wait3A_43, %dma_wait3A_44] : memref<10240x128xf32, #tpu.memory_space<hbm>> -> memref<10240x128xf32, #tpu.memory_space<hbm>>
    tpu.wait_indirect_dma semaphore(%arg12 : memref<!tpu.dma_semaphore, #tpu.memory_space<semaphore_mem>>) src(%dma_wait3A_45 : memref<10240x128xf32, #tpu.memory_space<hbm>>) dst(%arg10 : memref<128x128xf32, #tpu.memory_space<vmem>>)
    %dma_start3A_46 = arith.constant 0 : i32
    %dma_start3A_47 = arith.constant 0 : i32
    %dma_start3A_48 = tpu.memref_slice %arg8[%dma_start3A_46, %dma_start3A_47] : memref<160x128xi32, #tpu.memory_space<vmem>> -> memref<1x128xi32, #tpu.memory_space<vmem>>
    %dma_start3A_49 = tpu.memref_squeeze %dma_start3A_48 : memref<1x128xi32, #tpu.memory_space<vmem>> -> memref<128xi32, #tpu.memory_space<vmem>>
    %dma_start3A_50 = arith.constant 0 : i32
    %dma_start3A_51 = arith.constant 0 : i32
    %dma_start3A_52 = tpu.memref_slice %arg16[%dma_start3A_50, %dma_start3A_51] : memref<5128x128xf32, #tpu.memory_space<vmem_shared>> -> memref<5128x128xf32, #tpu.memory_space<vmem_shared>>
    tpu.enqueue_indirect_dma source(%arg10 : memref<128x128xf32, #tpu.memory_space<vmem>>) target(%dma_start3A_52 : memref<5128x128xf32, #tpu.memory_space<vmem_shared>>) offsets(%dma_start3A_49 : memref<128xi32, #tpu.memory_space<vmem>>) semaphore(%arg14 : memref<!tpu.dma_semaphore, #tpu.memory_space<semaphore_mem>>) {add = true}
    %dma_start3A_53 = arith.constant 1 : i32
    %dma_start3A_54 = arith.constant 0 : i32
    %dma_start3A_55 = tpu.memref_slice %arg7[%dma_start3A_53, %dma_start3A_54] : memref<160x128xi32, #tpu.memory_space<vmem>> -> memref<1x128xi32, #tpu.memory_space<vmem>>
    %dma_start3A_56 = tpu.memref_squeeze %dma_start3A_55 : memref<1x128xi32, #tpu.memory_space<vmem>> -> memref<128xi32, #tpu.memory_space<vmem>>
    %dma_start3A_57 = arith.constant 0 : i32
    %dma_start3A_58 = arith.constant 0 : i32
    %dma_start3A_59 = tpu.memref_slice %arg2[%dma_start3A_57, %dma_start3A_58] : memref<10240x128xf32, #tpu.memory_space<hbm>> -> memref<10240x128xf32, #tpu.memory_space<hbm>>
    tpu.enqueue_indirect_dma source(%dma_start3A_59 : memref<10240x128xf32, #tpu.memory_space<hbm>>) target(%arg11 : memref<128x128xf32, #tpu.memory_space<vmem>>) offsets(%dma_start3A_56 : memref<128xi32, #tpu.memory_space<vmem>>) semaphore(%arg13 : memref<!tpu.dma_semaphore, #tpu.memory_space<semaphore_mem>>)
    %while3A = arith.constant 0 : i32
    %while3A_60 = arith.constant 0 : i32
    %while3A_61 = arith.subi %max3A_31, %while3A : i32
    %while3A_62 = arith.addi %while3A, %while3A_61 : i32
    %while3A_63 = arith.constant 1 : i32
    %while3A_64 = arith.divsi %while3A_61, %while3A_63 : i32
    %while3A_65 = arith.muli %while3A_64, %while3A_63 : i32
    %while3A_66 = arith.addi %while3A, %while3A_65 : i32
    %while3A_67 = arith.constant 1 : i32
    %while3A_68 = scf.for %while3A_92 = %while3A to %while3A_66 step %while3A_67 iter_args(%while3A_93 = %while3A_60) -> (i32)  : i32 {
      %mul3A_94 = arith.constant 2 : i32
      %mul3A_95 = arith.muli %mul3A_94, %while3A_92 : i32
      %add3A_96 = arith.constant 1 : i32
      %add3A_97 = arith.addi %mul3A_95, %add3A_96 : i32
      %dma_wait3A_98 = arith.constant 0 : i32
      %dma_wait3A_99 = tpu.memref_slice %arg7[%add3A_97, %dma_wait3A_98] : memref<160x128xi32, #tpu.memory_space<vmem>> -> memref<1x128xi32, #tpu.memory_space<vmem>>
      %dma_wait3A_100 = tpu.memref_squeeze %dma_wait3A_99 : memref<1x128xi32, #tpu.memory_space<vmem>> -> memref<128xi32, #tpu.memory_space<vmem>>
      %dma_wait3A_101 = arith.constant 0 : i32
      %dma_wait3A_102 = arith.constant 0 : i32
      %dma_wait3A_103 = tpu.memref_slice %arg2[%dma_wait3A_101, %dma_wait3A_102] : memref<10240x128xf32, #tpu.memory_space<hbm>> -> memref<10240x128xf32, #tpu.memory_space<hbm>>
      tpu.wait_indirect_dma semaphore(%arg13 : memref<!tpu.dma_semaphore, #tpu.memory_space<semaphore_mem>>) src(%dma_wait3A_103 : memref<10240x128xf32, #tpu.memory_space<hbm>>) dst(%arg11 : memref<128x128xf32, #tpu.memory_space<vmem>>)
      %dma_start3A_104 = arith.constant 0 : i32
      %dma_start3A_105 = tpu.memref_slice %arg8[%add3A_97, %dma_start3A_104] : memref<160x128xi32, #tpu.memory_space<vmem>> -> memref<1x128xi32, #tpu.memory_space<vmem>>
      %dma_start3A_106 = tpu.memref_squeeze %dma_start3A_105 : memref<1x128xi32, #tpu.memory_space<vmem>> -> memref<128xi32, #tpu.memory_space<vmem>>
      %dma_start3A_107 = arith.constant 0 : i32
      %dma_start3A_108 = arith.constant 0 : i32
      %dma_start3A_109 = tpu.memref_slice %arg16[%dma_start3A_107, %dma_start3A_108] : memref<5128x128xf32, #tpu.memory_space<vmem_shared>> -> memref<5128x128xf32, #tpu.memory_space<vmem_shared>>
      tpu.enqueue_indirect_dma source(%arg11 : memref<128x128xf32, #tpu.memory_space<vmem>>) target(%dma_start3A_109 : memref<5128x128xf32, #tpu.memory_space<vmem_shared>>) offsets(%dma_start3A_106 : memref<128xi32, #tpu.memory_space<vmem>>) semaphore(%arg15 : memref<!tpu.dma_semaphore, #tpu.memory_space<semaphore_mem>>) {add = true}
      %add3A_110 = arith.constant 1 : i32
      %add3A_111 = arith.addi %add3A_97, %add3A_110 : i32
      %lt3A = arith.cmpi slt, %add3A_111, %mul3A_33 : i32
      %convert_element_type3A = arith.extui %lt3A : i1 to i32
      %cond3A = arith.constant 0 : i32
      %cond3A_112 = arith.cmpi ne, %convert_element_type3A, %cond3A : i32
      scf.if %cond3A_112 {
        %sub3A_114 = arith.constant 1 : i32
        %sub3A_115 = arith.subi %add3A_97, %sub3A_114 : i32
        %dma_wait3A_116 = arith.constant 0 : i32
        %dma_wait3A_117 = tpu.memref_slice %arg8[%sub3A_115, %dma_wait3A_116] : memref<160x128xi32, #tpu.memory_space<vmem>> -> memref<1x128xi32, #tpu.memory_space<vmem>>
        %dma_wait3A_118 = tpu.memref_squeeze %dma_wait3A_117 : memref<1x128xi32, #tpu.memory_space<vmem>> -> memref<128xi32, #tpu.memory_space<vmem>>
        %dma_wait3A_119 = arith.constant 0 : i32
        %dma_wait3A_120 = arith.constant 0 : i32
        %dma_wait3A_121 = tpu.memref_slice %arg16[%dma_wait3A_119, %dma_wait3A_120] : memref<5128x128xf32, #tpu.memory_space<vmem_shared>> -> memref<5128x128xf32, #tpu.memory_space<vmem_shared>>
        tpu.wait_indirect_dma semaphore(%arg14 : memref<!tpu.dma_semaphore, #tpu.memory_space<semaphore_mem>>) src(%arg10 : memref<128x128xf32, #tpu.memory_space<vmem>>) dst(%dma_wait3A_121 : memref<5128x128xf32, #tpu.memory_space<vmem_shared>>)
        %add3A_122 = arith.constant 1 : i32
        %add3A_123 = arith.addi %add3A_97, %add3A_122 : i32
        %dma_start3A_124 = arith.constant 0 : i32
        %dma_start3A_125 = tpu.memref_slice %arg7[%add3A_123, %dma_start3A_124] : memref<160x128xi32, #tpu.memory_space<vmem>> -> memref<1x128xi32, #tpu.memory_space<vmem>>
        %dma_start3A_126 = tpu.memref_squeeze %dma_start3A_125 : memref<1x128xi32, #tpu.memory_space<vmem>> -> memref<128xi32, #tpu.memory_space<vmem>>
        %dma_start3A_127 = arith.constant 0 : i32
        %dma_start3A_128 = arith.constant 0 : i32
        %dma_start3A_129 = tpu.memref_slice %arg2[%dma_start3A_127, %dma_start3A_128] : memref<10240x128xf32, #tpu.memory_space<hbm>> -> memref<10240x128xf32, #tpu.memory_space<hbm>>
        tpu.enqueue_indirect_dma source(%dma_start3A_129 : memref<10240x128xf32, #tpu.memory_space<hbm>>) target(%arg10 : memref<128x128xf32, #tpu.memory_space<vmem>>) offsets(%dma_start3A_126 : memref<128xi32, #tpu.memory_space<vmem>>) semaphore(%arg12 : memref<!tpu.dma_semaphore, #tpu.memory_space<semaphore_mem>>)
        %add3A_130 = arith.constant 1 : i32
        %add3A_131 = arith.addi %add3A_97, %add3A_130 : i32
        %dma_wait3A_132 = arith.constant 0 : i32
        %dma_wait3A_133 = tpu.memref_slice %arg7[%add3A_131, %dma_wait3A_132] : memref<160x128xi32, #tpu.memory_space<vmem>> -> memref<1x128xi32, #tpu.memory_space<vmem>>
        %dma_wait3A_134 = tpu.memref_squeeze %dma_wait3A_133 : memref<1x128xi32, #tpu.memory_space<vmem>> -> memref<128xi32, #tpu.memory_space<vmem>>
        %dma_wait3A_135 = arith.constant 0 : i32
        %dma_wait3A_136 = arith.constant 0 : i32
        %dma_wait3A_137 = tpu.memref_slice %arg2[%dma_wait3A_135, %dma_wait3A_136] : memref<10240x128xf32, #tpu.memory_space<hbm>> -> memref<10240x128xf32, #tpu.memory_space<hbm>>
        tpu.wait_indirect_dma semaphore(%arg12 : memref<!tpu.dma_semaphore, #tpu.memory_space<semaphore_mem>>) src(%dma_wait3A_137 : memref<10240x128xf32, #tpu.memory_space<hbm>>) dst(%arg10 : memref<128x128xf32, #tpu.memory_space<vmem>>)
        %add3A_138 = arith.constant 1 : i32
        %add3A_139 = arith.addi %add3A_97, %add3A_138 : i32
        %dma_start3A_140 = arith.constant 0 : i32
        %dma_start3A_141 = tpu.memref_slice %arg8[%add3A_139, %dma_start3A_140] : memref<160x128xi32, #tpu.memory_space<vmem>> -> memref<1x128xi32, #tpu.memory_space<vmem>>
        %dma_start3A_142 = tpu.memref_squeeze %dma_start3A_141 : memref<1x128xi32, #tpu.memory_space<vmem>> -> memref<128xi32, #tpu.memory_space<vmem>>
        %dma_start3A_143 = arith.constant 0 : i32
        %dma_start3A_144 = arith.constant 0 : i32
        %dma_start3A_145 = tpu.memref_slice %arg16[%dma_start3A_143, %dma_start3A_144] : memref<5128x128xf32, #tpu.memory_space<vmem_shared>> -> memref<5128x128xf32, #tpu.memory_space<vmem_shared>>
        tpu.enqueue_indirect_dma source(%arg10 : memref<128x128xf32, #tpu.memory_space<vmem>>) target(%dma_start3A_145 : memref<5128x128xf32, #tpu.memory_space<vmem_shared>>) offsets(%dma_start3A_142 : memref<128xi32, #tpu.memory_space<vmem>>) semaphore(%arg14 : memref<!tpu.dma_semaphore, #tpu.memory_space<semaphore_mem>>) {add = true}
        %add3A_146 = arith.constant 2 : i32
        %add3A_147 = arith.addi %add3A_97, %add3A_146 : i32
        %lt3A_148 = arith.cmpi slt, %add3A_147, %mul3A_33 : i32
        %convert_element_type3A_149 = arith.extui %lt3A_148 : i1 to i32
        %cond3A_150 = arith.constant 0 : i32
        %cond3A_151 = arith.cmpi ne, %convert_element_type3A_149, %cond3A_150 : i32
        scf.if %cond3A_151 {
          %dma_wait3A_152 = arith.constant 0 : i32
          %dma_wait3A_153 = tpu.memref_slice %arg8[%add3A_97, %dma_wait3A_152] : memref<160x128xi32, #tpu.memory_space<vmem>> -> memref<1x128xi32, #tpu.memory_space<vmem>>
          %dma_wait3A_154 = tpu.memref_squeeze %dma_wait3A_153 : memref<1x128xi32, #tpu.memory_space<vmem>> -> memref<128xi32, #tpu.memory_space<vmem>>
          %dma_wait3A_155 = arith.constant 0 : i32
          %dma_wait3A_156 = arith.constant 0 : i32
          %dma_wait3A_157 = tpu.memref_slice %arg16[%dma_wait3A_155, %dma_wait3A_156] : memref<5128x128xf32, #tpu.memory_space<vmem_shared>> -> memref<5128x128xf32, #tpu.memory_space<vmem_shared>>
          tpu.wait_indirect_dma semaphore(%arg15 : memref<!tpu.dma_semaphore, #tpu.memory_space<semaphore_mem>>) src(%arg11 : memref<128x128xf32, #tpu.memory_space<vmem>>) dst(%dma_wait3A_157 : memref<5128x128xf32, #tpu.memory_space<vmem_shared>>)
          %add3A_158 = arith.constant 2 : i32
          %add3A_159 = arith.addi %add3A_97, %add3A_158 : i32
          %dma_start3A_160 = arith.constant 0 : i32
          %dma_start3A_161 = tpu.memref_slice %arg7[%add3A_159, %dma_start3A_160] : memref<160x128xi32, #tpu.memory_space<vmem>> -> memref<1x128xi32, #tpu.memory_space<vmem>>
          %dma_start3A_162 = tpu.memref_squeeze %dma_start3A_161 : memref<1x128xi32, #tpu.memory_space<vmem>> -> memref<128xi32, #tpu.memory_space<vmem>>
          %dma_start3A_163 = arith.constant 0 : i32
          %dma_start3A_164 = arith.constant 0 : i32
          %dma_start3A_165 = tpu.memref_slice %arg2[%dma_start3A_163, %dma_start3A_164] : memref<10240x128xf32, #tpu.memory_space<hbm>> -> memref<10240x128xf32, #tpu.memory_space<hbm>>
          tpu.enqueue_indirect_dma source(%dma_start3A_165 : memref<10240x128xf32, #tpu.memory_space<hbm>>) target(%arg11 : memref<128x128xf32, #tpu.memory_space<vmem>>) offsets(%dma_start3A_162 : memref<128xi32, #tpu.memory_space<vmem>>) semaphore(%arg13 : memref<!tpu.dma_semaphore, #tpu.memory_space<semaphore_mem>>)
        } else {
        }
      } else {
      }
      %while3A_113 = arith.constant 0 : i32
      scf.yield %while3A_113 : i32
    }
    %while3A_69 = arith.constant 1 : i32
    %while3A_70 = scf.for %while3A_92 = %while3A_66 to %while3A_62 step %while3A_69 iter_args(%while3A_93 = %while3A_68) -> (i32)  : i32 {
      %mul3A_94 = arith.constant 2 : i32
      %mul3A_95 = arith.muli %mul3A_94, %while3A_92 : i32
      %add3A_96 = arith.constant 1 : i32
      %add3A_97 = arith.addi %mul3A_95, %add3A_96 : i32
      %dma_wait3A_98 = arith.constant 0 : i32
      %dma_wait3A_99 = tpu.memref_slice %arg7[%add3A_97, %dma_wait3A_98] : memref<160x128xi32, #tpu.memory_space<vmem>> -> memref<1x128xi32, #tpu.memory_space<vmem>>
      %dma_wait3A_100 = tpu.memref_squeeze %dma_wait3A_99 : memref<1x128xi32, #tpu.memory_space<vmem>> -> memref<128xi32, #tpu.memory_space<vmem>>
      %dma_wait3A_101 = arith.constant 0 : i32
      %dma_wait3A_102 = arith.constant 0 : i32
      %dma_wait3A_103 = tpu.memref_slice %arg2[%dma_wait3A_101, %dma_wait3A_102] : memref<10240x128xf32, #tpu.memory_space<hbm>> -> memref<10240x128xf32, #tpu.memory_space<hbm>>
      tpu.wait_indirect_dma semaphore(%arg13 : memref<!tpu.dma_semaphore, #tpu.memory_space<semaphore_mem>>) src(%dma_wait3A_103 : memref<10240x128xf32, #tpu.memory_space<hbm>>) dst(%arg11 : memref<128x128xf32, #tpu.memory_space<vmem>>)
      %dma_start3A_104 = arith.constant 0 : i32
      %dma_start3A_105 = tpu.memref_slice %arg8[%add3A_97, %dma_start3A_104] : memref<160x128xi32, #tpu.memory_space<vmem>> -> memref<1x128xi32, #tpu.memory_space<vmem>>
      %dma_start3A_106 = tpu.memref_squeeze %dma_start3A_105 : memref<1x128xi32, #tpu.memory_space<vmem>> -> memref<128xi32, #tpu.memory_space<vmem>>
      %dma_start3A_107 = arith.constant 0 : i32
      %dma_start3A_108 = arith.constant 0 : i32
      %dma_start3A_109 = tpu.memref_slice %arg16[%dma_start3A_107, %dma_start3A_108] : memref<5128x128xf32, #tpu.memory_space<vmem_shared>> -> memref<5128x128xf32, #tpu.memory_space<vmem_shared>>
      tpu.enqueue_indirect_dma source(%arg11 : memref<128x128xf32, #tpu.memory_space<vmem>>) target(%dma_start3A_109 : memref<5128x128xf32, #tpu.memory_space<vmem_shared>>) offsets(%dma_start3A_106 : memref<128xi32, #tpu.memory_space<vmem>>) semaphore(%arg15 : memref<!tpu.dma_semaphore, #tpu.memory_space<semaphore_mem>>) {add = true}
      %add3A_110 = arith.constant 1 : i32
      %add3A_111 = arith.addi %add3A_97, %add3A_110 : i32
      %lt3A = arith.cmpi slt, %add3A_111, %mul3A_33 : i32
      %convert_element_type3A = arith.extui %lt3A : i1 to i32
      %cond3A = arith.constant 0 : i32
      %cond3A_112 = arith.cmpi ne, %convert_element_type3A, %cond3A : i32
      scf.if %cond3A_112 {
        %sub3A_114 = arith.constant 1 : i32
        %sub3A_115 = arith.subi %add3A_97, %sub3A_114 : i32
        %dma_wait3A_116 = arith.constant 0 : i32
        %dma_wait3A_117 = tpu.memref_slice %arg8[%sub3A_115, %dma_wait3A_116] : memref<160x128xi32, #tpu.memory_space<vmem>> -> memref<1x128xi32, #tpu.memory_space<vmem>>
        %dma_wait3A_118 = tpu.memref_squeeze %dma_wait3A_117 : memref<1x128xi32, #tpu.memory_space<vmem>> -> memref<128xi32, #tpu.memory_space<vmem>>
        %dma_wait3A_119 = arith.constant 0 : i32
        %dma_wait3A_120 = arith.constant 0 : i32
        %dma_wait3A_121 = tpu.memref_slice %arg16[%dma_wait3A_119, %dma_wait3A_120] : memref<5128x128xf32, #tpu.memory_space<vmem_shared>> -> memref<5128x128xf32, #tpu.memory_space<vmem_shared>>
        tpu.wait_indirect_dma semaphore(%arg14 : memref<!tpu.dma_semaphore, #tpu.memory_space<semaphore_mem>>) src(%arg10 : memref<128x128xf32, #tpu.memory_space<vmem>>) dst(%dma_wait3A_121 : memref<5128x128xf32, #tpu.memory_space<vmem_shared>>)
        %add3A_122 = arith.constant 1 : i32
        %add3A_123 = arith.addi %add3A_97, %add3A_122 : i32
        %dma_start3A_124 = arith.constant 0 : i32
        %dma_start3A_125 = tpu.memref_slice %arg7[%add3A_123, %dma_start3A_124] : memref<160x128xi32, #tpu.memory_space<vmem>> -> memref<1x128xi32, #tpu.memory_space<vmem>>
        %dma_start3A_126 = tpu.memref_squeeze %dma_start3A_125 : memref<1x128xi32, #tpu.memory_space<vmem>> -> memref<128xi32, #tpu.memory_space<vmem>>
        %dma_start3A_127 = arith.constant 0 : i32
        %dma_start3A_128 = arith.constant 0 : i32
        %dma_start3A_129 = tpu.memref_slice %arg2[%dma_start3A_127, %dma_start3A_128] : memref<10240x128xf32, #tpu.memory_space<hbm>> -> memref<10240x128xf32, #tpu.memory_space<hbm>>
        tpu.enqueue_indirect_dma source(%dma_start3A_129 : memref<10240x128xf32, #tpu.memory_space<hbm>>) target(%arg10 : memref<128x128xf32, #tpu.memory_space<vmem>>) offsets(%dma_start3A_126 : memref<128xi32, #tpu.memory_space<vmem>>) semaphore(%arg12 : memref<!tpu.dma_semaphore, #tpu.memory_space<semaphore_mem>>)
        %add3A_130 = arith.constant 1 : i32
        %add3A_131 = arith.addi %add3A_97, %add3A_130 : i32
        %dma_wait3A_132 = arith.constant 0 : i32
        %dma_wait3A_133 = tpu.memref_slice %arg7[%add3A_131, %dma_wait3A_132] : memref<160x128xi32, #tpu.memory_space<vmem>> -> memref<1x128xi32, #tpu.memory_space<vmem>>
        %dma_wait3A_134 = tpu.memref_squeeze %dma_wait3A_133 : memref<1x128xi32, #tpu.memory_space<vmem>> -> memref<128xi32, #tpu.memory_space<vmem>>
        %dma_wait3A_135 = arith.constant 0 : i32
        %dma_wait3A_136 = arith.constant 0 : i32
        %dma_wait3A_137 = tpu.memref_slice %arg2[%dma_wait3A_135, %dma_wait3A_136] : memref<10240x128xf32, #tpu.memory_space<hbm>> -> memref<10240x128xf32, #tpu.memory_space<hbm>>
        tpu.wait_indirect_dma semaphore(%arg12 : memref<!tpu.dma_semaphore, #tpu.memory_space<semaphore_mem>>) src(%dma_wait3A_137 : memref<10240x128xf32, #tpu.memory_space<hbm>>) dst(%arg10 : memref<128x128xf32, #tpu.memory_space<vmem>>)
        %add3A_138 = arith.constant 1 : i32
        %add3A_139 = arith.addi %add3A_97, %add3A_138 : i32
        %dma_start3A_140 = arith.constant 0 : i32
        %dma_start3A_141 = tpu.memref_slice %arg8[%add3A_139, %dma_start3A_140] : memref<160x128xi32, #tpu.memory_space<vmem>> -> memref<1x128xi32, #tpu.memory_space<vmem>>
        %dma_start3A_142 = tpu.memref_squeeze %dma_start3A_141 : memref<1x128xi32, #tpu.memory_space<vmem>> -> memref<128xi32, #tpu.memory_space<vmem>>
        %dma_start3A_143 = arith.constant 0 : i32
        %dma_start3A_144 = arith.constant 0 : i32
        %dma_start3A_145 = tpu.memref_slice %arg16[%dma_start3A_143, %dma_start3A_144] : memref<5128x128xf32, #tpu.memory_space<vmem_shared>> -> memref<5128x128xf32, #tpu.memory_space<vmem_shared>>
        tpu.enqueue_indirect_dma source(%arg10 : memref<128x128xf32, #tpu.memory_space<vmem>>) target(%dma_start3A_145 : memref<5128x128xf32, #tpu.memory_space<vmem_shared>>) offsets(%dma_start3A_142 : memref<128xi32, #tpu.memory_space<vmem>>) semaphore(%arg14 : memref<!tpu.dma_semaphore, #tpu.memory_space<semaphore_mem>>) {add = true}
        %add3A_146 = arith.constant 2 : i32
        %add3A_147 = arith.addi %add3A_97, %add3A_146 : i32
        %lt3A_148 = arith.cmpi slt, %add3A_147, %mul3A_33 : i32
        %convert_element_type3A_149 = arith.extui %lt3A_148 : i1 to i32
        %cond3A_150 = arith.constant 0 : i32
        %cond3A_151 = arith.cmpi ne, %convert_element_type3A_149, %cond3A_150 : i32
        scf.if %cond3A_151 {
          %dma_wait3A_152 = arith.constant 0 : i32
          %dma_wait3A_153 = tpu.memref_slice %arg8[%add3A_97, %dma_wait3A_152] : memref<160x128xi32, #tpu.memory_space<vmem>> -> memref<1x128xi32, #tpu.memory_space<vmem>>
          %dma_wait3A_154 = tpu.memref_squeeze %dma_wait3A_153 : memref<1x128xi32, #tpu.memory_space<vmem>> -> memref<128xi32, #tpu.memory_space<vmem>>
          %dma_wait3A_155 = arith.constant 0 : i32
          %dma_wait3A_156 = arith.constant 0 : i32
          %dma_wait3A_157 = tpu.memref_slice %arg16[%dma_wait3A_155, %dma_wait3A_156] : memref<5128x128xf32, #tpu.memory_space<vmem_shared>> -> memref<5128x128xf32, #tpu.memory_space<vmem_shared>>
          tpu.wait_indirect_dma semaphore(%arg15 : memref<!tpu.dma_semaphore, #tpu.memory_space<semaphore_mem>>) src(%arg11 : memref<128x128xf32, #tpu.memory_space<vmem>>) dst(%dma_wait3A_157 : memref<5128x128xf32, #tpu.memory_space<vmem_shared>>)
          %add3A_158 = arith.constant 2 : i32
          %add3A_159 = arith.addi %add3A_97, %add3A_158 : i32
          %dma_start3A_160 = arith.constant 0 : i32
          %dma_start3A_161 = tpu.memref_slice %arg7[%add3A_159, %dma_start3A_160] : memref<160x128xi32, #tpu.memory_space<vmem>> -> memref<1x128xi32, #tpu.memory_space<vmem>>
          %dma_start3A_162 = tpu.memref_squeeze %dma_start3A_161 : memref<1x128xi32, #tpu.memory_space<vmem>> -> memref<128xi32, #tpu.memory_space<vmem>>
          %dma_start3A_163 = arith.constant 0 : i32
          %dma_start3A_164 = arith.constant 0 : i32
          %dma_start3A_165 = tpu.memref_slice %arg2[%dma_start3A_163, %dma_start3A_164] : memref<10240x128xf32, #tpu.memory_space<hbm>> -> memref<10240x128xf32, #tpu.memory_space<hbm>>
          tpu.enqueue_indirect_dma source(%dma_start3A_165 : memref<10240x128xf32, #tpu.memory_space<hbm>>) target(%arg11 : memref<128x128xf32, #tpu.memory_space<vmem>>) offsets(%dma_start3A_162 : memref<128xi32, #tpu.memory_space<vmem>>) semaphore(%arg13 : memref<!tpu.dma_semaphore, #tpu.memory_space<semaphore_mem>>)
        } else {
        }
      } else {
      }
      %while3A_113 = arith.constant 0 : i32
      scf.yield %while3A_113 : i32
    }
    %sub3A_71 = arith.constant 2 : i32
    %sub3A_72 = arith.subi %mul3A_33, %sub3A_71 : i32
    %dma_wait3A_73 = arith.constant 0 : i32
    %dma_wait3A_74 = tpu.memref_slice %arg8[%sub3A_72, %dma_wait3A_73] : memref<160x128xi32, #tpu.memory_space<vmem>> -> memref<1x128xi32, #tpu.memory_space<vmem>>
    %dma_wait3A_75 = tpu.memref_squeeze %dma_wait3A_74 : memref<1x128xi32, #tpu.memory_space<vmem>> -> memref<128xi32, #tpu.memory_space<vmem>>
    %dma_wait3A_76 = arith.constant 0 : i32
    %dma_wait3A_77 = arith.constant 0 : i32
    %dma_wait3A_78 = tpu.memref_slice %arg16[%dma_wait3A_76, %dma_wait3A_77] : memref<5128x128xf32, #tpu.memory_space<vmem_shared>> -> memref<5128x128xf32, #tpu.memory_space<vmem_shared>>
    tpu.wait_indirect_dma semaphore(%arg14 : memref<!tpu.dma_semaphore, #tpu.memory_space<semaphore_mem>>) src(%arg10 : memref<128x128xf32, #tpu.memory_space<vmem>>) dst(%dma_wait3A_78 : memref<5128x128xf32, #tpu.memory_space<vmem_shared>>)
    %sub3A_79 = arith.constant 1 : i32
    %sub3A_80 = arith.subi %mul3A_33, %sub3A_79 : i32
    %dma_wait3A_81 = arith.constant 0 : i32
    %dma_wait3A_82 = tpu.memref_slice %arg8[%sub3A_80, %dma_wait3A_81] : memref<160x128xi32, #tpu.memory_space<vmem>> -> memref<1x128xi32, #tpu.memory_space<vmem>>
    %dma_wait3A_83 = tpu.memref_squeeze %dma_wait3A_82 : memref<1x128xi32, #tpu.memory_space<vmem>> -> memref<128xi32, #tpu.memory_space<vmem>>
    %dma_wait3A_84 = arith.constant 0 : i32
    %dma_wait3A_85 = arith.constant 0 : i32
    %dma_wait3A_86 = tpu.memref_slice %arg16[%dma_wait3A_84, %dma_wait3A_85] : memref<5128x128xf32, #tpu.memory_space<vmem_shared>> -> memref<5128x128xf32, #tpu.memory_space<vmem_shared>>
    tpu.wait_indirect_dma semaphore(%arg15 : memref<!tpu.dma_semaphore, #tpu.memory_space<semaphore_mem>>) src(%arg11 : memref<128x128xf32, #tpu.memory_space<vmem>>) dst(%dma_wait3A_86 : memref<5128x128xf32, #tpu.memory_space<vmem_shared>>)
    %barrier3A_87 = arith.constant 0 : index
    tpu.barrier barrier_id(%barrier3A_87)
    %mul3A_88 = arith.constant 320 : i32
    %mul3A_89 = arith.muli %arg1, %mul3A_88 : i32
    %mul3A_90 = arith.constant 320 : i32
    %mul3A_91 = arith.muli %arg1, %mul3A_90 : i32
    "tpu.region"() ({
      %run_scoped3A = tpu.sem_alloc : memref<!tpu.dma_semaphore, #tpu.memory_space<semaphore_mem>>
      %dma_start3A_92 = arith.constant 0 : i32
      %dma_start3A_93 = tpu.memref_slice %arg6[%arg0, %mul3A_91, %dma_start3A_92] : memref<2x5120x128xf32, #tpu.memory_space<hbm>> -> memref<1x320x128xf32, #tpu.memory_space<hbm>>
      %dma_start3A_94 = tpu.memref_squeeze %dma_start3A_93 : memref<1x320x128xf32, #tpu.memory_space<hbm>> -> memref<320x128xf32, #tpu.memory_space<hbm>>
      %dma_start3A_95 = arith.constant 0 : i32
      %dma_start3A_96 = tpu.memref_slice %arg16[%mul3A_89, %dma_start3A_95] : memref<5128x128xf32, #tpu.memory_space<vmem_shared>> -> memref<320x128xf32, #tpu.memory_space<vmem_shared>>
      tpu.enqueue_dma source(%dma_start3A_96 : memref<320x128xf32, #tpu.memory_space<vmem_shared>>) target(%dma_start3A_94 : memref<320x128xf32, #tpu.memory_space<hbm>>) target_semaphore(%run_scoped3A : memref<!tpu.dma_semaphore, #tpu.memory_space<semaphore_mem>>)
      %dma_wait3A_97 = arith.constant 0 : i32
      %dma_wait3A_98 = tpu.memref_slice %arg6[%arg0, %mul3A_91, %dma_wait3A_97] : memref<2x5120x128xf32, #tpu.memory_space<hbm>> -> memref<1x320x128xf32, #tpu.memory_space<hbm>>
      %dma_wait3A_99 = tpu.memref_squeeze %dma_wait3A_98 : memref<1x320x128xf32, #tpu.memory_space<hbm>> -> memref<320x128xf32, #tpu.memory_space<hbm>>
      %dma_wait3A_100 = arith.constant 0 : i32
      %dma_wait3A_101 = tpu.memref_slice %arg16[%mul3A_89, %dma_wait3A_100] : memref<5128x128xf32, #tpu.memory_space<vmem_shared>> -> memref<320x128xf32, #tpu.memory_space<vmem_shared>>
      tpu.wait_dma2 semaphore(%run_scoped3A : memref<!tpu.dma_semaphore, #tpu.memory_space<semaphore_mem>>) src(%dma_wait3A_101 : memref<320x128xf32, #tpu.memory_space<vmem_shared>>) dst(%dma_wait3A_99 : memref<320x128xf32, #tpu.memory_space<hbm>>)
      tpu.yield
    }) : () -> ()
    return
  }
}

#map = affine_map<(d0, d1) -> (0, 0)>
#map1 = affine_map<(d0, d1) -> (0, 0, 0)>
module attributes {stable_mosaic.version = 14 : i64} {
  func.func @part_kernel(%arg0: i32, %arg1: i32, %arg2: memref<2560x128xi32, #tpu.memory_space<hbm>>, %arg3: memref<2560x128xi32, #tpu.memory_space<hbm>>, %arg4: memref<2x2560x128xi32, #tpu.memory_space<hbm>>, %arg5: memref<2x2560x128xi32, #tpu.memory_space<hbm>>, %arg6: memref<2x16x16xi32, #tpu.memory_space<hbm>>, %arg7: memref<2x10240xf32, #tpu.memory_space<hbm>>, %arg8: memref<160x128xi32, #tpu.memory_space<vmem>>, %arg9: memref<160x128xi32, #tpu.memory_space<vmem>>, %arg10: memref<20496xi32, #tpu.memory_space<vmem>>, %arg11: memref<16xi32, #tpu.memory_space<vmem>>, %arg12: memref<128xf32, #tpu.memory_space<vmem>>, %arg13: memref<640xf32, #tpu.memory_space<vmem>>, %arg14: memref<10256xf32, #tpu.memory_space<vmem_shared>>, %arg15: memref<!tpu.dma_semaphore, #tpu.memory_space<semaphore_mem>>) attributes {dimension_semantics = [#tpu.dimension_semantics<core_parallel>, #tpu.dimension_semantics<subcore_parallel>], iteration_bounds = array<i64: 2, 16>, scalar_prefetch = 0 : i64, scratch_operands = 8 : i64, tpu.core_type = #tpu.core_type<sc_vector_subcore>, window_params = [{transform_indices = #map}, {transform_indices = #map}, {transform_indices = #map1}, {transform_indices = #map1}, {transform_indices = #map1}, {transform_indices = #map}]} {
    %mul3A = arith.constant 5120 : i32
    %mul3A_0 = arith.muli %arg0, %mul3A : i32
    %mul3A_1 = arith.constant 160 : i32
    %mul3A_2 = arith.muli %arg1, %mul3A_1 : i32
    "tpu.region"() ({
      %run_scoped3A = tpu.sem_alloc : memref<!tpu.dma_semaphore, #tpu.memory_space<semaphore_mem>>
      %dma_start3A = arith.constant 0 : i32
      %dma_start3A_102 = tpu.memref_slice %arg2[%mul3A_2, %dma_start3A] : memref<2560x128xi32, #tpu.memory_space<hbm>> -> memref<160x128xi32, #tpu.memory_space<hbm>>
      %dma_start3A_103 = arith.constant 0 : i32
      %dma_start3A_104 = tpu.memref_slice %arg2[%mul3A_2, %dma_start3A_103] : memref<2560x128xi32, #tpu.memory_space<hbm>> -> memref<160x128xi32, #tpu.memory_space<hbm>>
      tpu.enqueue_dma source(%dma_start3A_104 : memref<160x128xi32, #tpu.memory_space<hbm>>) target(%arg8 : memref<160x128xi32, #tpu.memory_space<vmem>>) target_semaphore(%run_scoped3A : memref<!tpu.dma_semaphore, #tpu.memory_space<semaphore_mem>>)
      %dma_wait3A = arith.constant 0 : i32
      %dma_wait3A_105 = tpu.memref_slice %arg2[%mul3A_2, %dma_wait3A] : memref<2560x128xi32, #tpu.memory_space<hbm>> -> memref<160x128xi32, #tpu.memory_space<hbm>>
      %dma_wait3A_106 = arith.constant 0 : i32
      %dma_wait3A_107 = tpu.memref_slice %arg2[%mul3A_2, %dma_wait3A_106] : memref<2560x128xi32, #tpu.memory_space<hbm>> -> memref<160x128xi32, #tpu.memory_space<hbm>>
      tpu.wait_dma2 semaphore(%run_scoped3A : memref<!tpu.dma_semaphore, #tpu.memory_space<semaphore_mem>>) src(%dma_wait3A_107 : memref<160x128xi32, #tpu.memory_space<hbm>>) dst(%arg8 : memref<160x128xi32, #tpu.memory_space<vmem>>)
      tpu.yield
    }) : () -> ()
    %mul3A_3 = arith.constant 160 : i32
    %mul3A_4 = arith.muli %arg1, %mul3A_3 : i32
    "tpu.region"() ({
      %run_scoped3A = tpu.sem_alloc : memref<!tpu.dma_semaphore, #tpu.memory_space<semaphore_mem>>
      %dma_start3A = arith.constant 0 : i32
      %dma_start3A_102 = tpu.memref_slice %arg3[%mul3A_4, %dma_start3A] : memref<2560x128xi32, #tpu.memory_space<hbm>> -> memref<160x128xi32, #tpu.memory_space<hbm>>
      %dma_start3A_103 = arith.constant 0 : i32
      %dma_start3A_104 = tpu.memref_slice %arg3[%mul3A_4, %dma_start3A_103] : memref<2560x128xi32, #tpu.memory_space<hbm>> -> memref<160x128xi32, #tpu.memory_space<hbm>>
      tpu.enqueue_dma source(%dma_start3A_104 : memref<160x128xi32, #tpu.memory_space<hbm>>) target(%arg9 : memref<160x128xi32, #tpu.memory_space<vmem>>) target_semaphore(%run_scoped3A : memref<!tpu.dma_semaphore, #tpu.memory_space<semaphore_mem>>)
      %dma_wait3A = arith.constant 0 : i32
      %dma_wait3A_105 = tpu.memref_slice %arg3[%mul3A_4, %dma_wait3A] : memref<2560x128xi32, #tpu.memory_space<hbm>> -> memref<160x128xi32, #tpu.memory_space<hbm>>
      %dma_wait3A_106 = arith.constant 0 : i32
      %dma_wait3A_107 = tpu.memref_slice %arg3[%mul3A_4, %dma_wait3A_106] : memref<2560x128xi32, #tpu.memory_space<hbm>> -> memref<160x128xi32, #tpu.memory_space<hbm>>
      tpu.wait_dma2 semaphore(%run_scoped3A : memref<!tpu.dma_semaphore, #tpu.memory_space<semaphore_mem>>) src(%dma_wait3A_107 : memref<160x128xi32, #tpu.memory_space<hbm>>) dst(%arg9 : memref<160x128xi32, #tpu.memory_space<vmem>>)
      tpu.yield
    }) : () -> ()
    %broadcast_in_dim3A = arith.constant 1.000000e+00 : f32
    %broadcast_in_dim3A_5 = vector.broadcast %broadcast_in_dim3A : f32 to vector<16xf32>
    %broadcast_in_dim3A_6 = arith.constant 0.000000e+00 : f32
    %broadcast_in_dim3A_7 = vector.broadcast %broadcast_in_dim3A_6 : f32 to vector<16xf32>
    %swap3A = arith.constant 0 : index
    %swap3A_8 = tpu.vector_load %arg12[%swap3A] {strides = array<i32>} : memref<128xf32, #tpu.memory_space<vmem>>, vector<16xf32>,
    %swap3A_9 = vector.shape_cast %swap3A_8 : vector<16xf32> to vector<16xf32>
    %swap3A_10 = vector.shape_cast %broadcast_in_dim3A_5 : vector<16xf32> to vector<16xf32>
    tpu.vector_store %arg12[%swap3A], %swap3A_10 {strides = array<i32>} : memref<128xf32, #tpu.memory_space<vmem>>, vector<16xf32>,
    %swap3A_11 = arith.constant 16 : index
    %swap3A_12 = tpu.vector_load %arg12[%swap3A_11] {strides = array<i32>} : memref<128xf32, #tpu.memory_space<vmem>>, vector<16xf32>,
    %swap3A_13 = vector.shape_cast %swap3A_12 : vector<16xf32> to vector<16xf32>
    %swap3A_14 = vector.shape_cast %broadcast_in_dim3A_5 : vector<16xf32> to vector<16xf32>
    tpu.vector_store %arg12[%swap3A_11], %swap3A_14 {strides = array<i32>} : memref<128xf32, #tpu.memory_space<vmem>>, vector<16xf32>,
    %swap3A_15 = arith.constant 32 : index
    %swap3A_16 = tpu.vector_load %arg12[%swap3A_15] {strides = array<i32>} : memref<128xf32, #tpu.memory_space<vmem>>, vector<16xf32>,
    %swap3A_17 = vector.shape_cast %swap3A_16 : vector<16xf32> to vector<16xf32>
    %swap3A_18 = vector.shape_cast %broadcast_in_dim3A_5 : vector<16xf32> to vector<16xf32>
    tpu.vector_store %arg12[%swap3A_15], %swap3A_18 {strides = array<i32>} : memref<128xf32, #tpu.memory_space<vmem>>, vector<16xf32>,
    %swap3A_19 = arith.constant 48 : index
    %swap3A_20 = tpu.vector_load %arg12[%swap3A_19] {strides = array<i32>} : memref<128xf32, #tpu.memory_space<vmem>>, vector<16xf32>,
    %swap3A_21 = vector.shape_cast %swap3A_20 : vector<16xf32> to vector<16xf32>
    %swap3A_22 = vector.shape_cast %broadcast_in_dim3A_5 : vector<16xf32> to vector<16xf32>
    tpu.vector_store %arg12[%swap3A_19], %swap3A_22 {strides = array<i32>} : memref<128xf32, #tpu.memory_space<vmem>>, vector<16xf32>,
    %swap3A_23 = arith.constant 64 : index
    %swap3A_24 = tpu.vector_load %arg12[%swap3A_23] {strides = array<i32>} : memref<128xf32, #tpu.memory_space<vmem>>, vector<16xf32>,
    %swap3A_25 = vector.shape_cast %swap3A_24 : vector<16xf32> to vector<16xf32>
    %swap3A_26 = vector.shape_cast %broadcast_in_dim3A_5 : vector<16xf32> to vector<16xf32>
    tpu.vector_store %arg12[%swap3A_23], %swap3A_26 {strides = array<i32>} : memref<128xf32, #tpu.memory_space<vmem>>, vector<16xf32>,
    %swap3A_27 = arith.constant 80 : index
    %swap3A_28 = tpu.vector_load %arg12[%swap3A_27] {strides = array<i32>} : memref<128xf32, #tpu.memory_space<vmem>>, vector<16xf32>,
    %swap3A_29 = vector.shape_cast %swap3A_28 : vector<16xf32> to vector<16xf32>
    %swap3A_30 = vector.shape_cast %broadcast_in_dim3A_5 : vector<16xf32> to vector<16xf32>
    tpu.vector_store %arg12[%swap3A_27], %swap3A_30 {strides = array<i32>} : memref<128xf32, #tpu.memory_space<vmem>>, vector<16xf32>,
    %swap3A_31 = arith.constant 96 : index
    %swap3A_32 = tpu.vector_load %arg12[%swap3A_31] {strides = array<i32>} : memref<128xf32, #tpu.memory_space<vmem>>, vector<16xf32>,
    %swap3A_33 = vector.shape_cast %swap3A_32 : vector<16xf32> to vector<16xf32>
    %swap3A_34 = vector.shape_cast %broadcast_in_dim3A_5 : vector<16xf32> to vector<16xf32>
    tpu.vector_store %arg12[%swap3A_31], %swap3A_34 {strides = array<i32>} : memref<128xf32, #tpu.memory_space<vmem>>, vector<16xf32>,
    %swap3A_35 = arith.constant 112 : index
    %swap3A_36 = tpu.vector_load %arg12[%swap3A_35] {strides = array<i32>} : memref<128xf32, #tpu.memory_space<vmem>>, vector<16xf32>,
    %swap3A_37 = vector.shape_cast %swap3A_36 : vector<16xf32> to vector<16xf32>
    %swap3A_38 = vector.shape_cast %broadcast_in_dim3A_5 : vector<16xf32> to vector<16xf32>
    tpu.vector_store %arg12[%swap3A_35], %swap3A_38 {strides = array<i32>} : memref<128xf32, #tpu.memory_space<vmem>>, vector<16xf32>,
    %scan3A = arith.constant 0 : i32
    %scan3A_39 = arith.constant 0 : i32
    %scan3A_40 = arith.constant 40 : i32
    %scan3A_41 = arith.addi %scan3A_39, %scan3A_40 : i32
    %scan3A_42 = arith.constant 1 : i32
    %scan3A_43 = scf.for %scan3A_102 = %scan3A_39 to %scan3A_41 step %scan3A_42 iter_args(%scan3A_103 = %scan3A) -> (i32)  : i32 {
      %mul3A_104 = arith.constant 16 : i32
      %mul3A_105 = arith.muli %scan3A_102, %mul3A_104 : i32
      %swap3A_106 = arith.index_cast %mul3A_105 : i32 to index
      %swap3A_107 = tpu.vector_load %arg13[%swap3A_106] {strides = array<i32>} : memref<640xf32, #tpu.memory_space<vmem>>, vector<16xf32>,
      %swap3A_108 = vector.shape_cast %swap3A_107 : vector<16xf32> to vector<16xf32>
      %swap3A_109 = vector.shape_cast %broadcast_in_dim3A_7 : vector<16xf32> to vector<16xf32>
      tpu.vector_store %arg13[%swap3A_106], %swap3A_109 {strides = array<i32>} : memref<640xf32, #tpu.memory_space<vmem>>, vector<16xf32>,
      %scan3A_110 = arith.constant 0 : i32
      scf.yield %scan3A_110 : i32
    }
    %scan3A_44 = arith.constant 40 : i32
    %mul3A_45 = arith.constant 640 : i32
    %mul3A_46 = arith.muli %arg1, %mul3A_45 : i32
    "tpu.region"() ({
      %run_scoped3A = tpu.sem_alloc : memref<!tpu.dma_semaphore, #tpu.memory_space<semaphore_mem>>
      %dma_start3A = tpu.memref_slice %arg14[%mul3A_46] : memref<10256xf32, #tpu.memory_space<vmem_shared>> -> memref<640xf32, #tpu.memory_space<vmem_shared>>
      %dma_start3A_102 = tpu.memref_slice %arg14[%mul3A_46] : memref<10256xf32, #tpu.memory_space<vmem_shared>> -> memref<640xf32, #tpu.memory_space<vmem_shared>>
      tpu.enqueue_dma source(%arg13 : memref<640xf32, #tpu.memory_space<vmem>>) target(%dma_start3A_102 : memref<640xf32, #tpu.memory_space<vmem_shared>>) target_semaphore(%run_scoped3A : memref<!tpu.dma_semaphore, #tpu.memory_space<semaphore_mem>>)
      %dma_wait3A = tpu.memref_slice %arg14[%mul3A_46] : memref<10256xf32, #tpu.memory_space<vmem_shared>> -> memref<640xf32, #tpu.memory_space<vmem_shared>>
      %dma_wait3A_103 = tpu.memref_slice %arg14[%mul3A_46] : memref<10256xf32, #tpu.memory_space<vmem_shared>> -> memref<640xf32, #tpu.memory_space<vmem_shared>>
      tpu.wait_dma2 semaphore(%run_scoped3A : memref<!tpu.dma_semaphore, #tpu.memory_space<semaphore_mem>>) src(%arg13 : memref<640xf32, #tpu.memory_space<vmem>>) dst(%dma_wait3A_103 : memref<640xf32, #tpu.memory_space<vmem_shared>>)
      tpu.yield
    }) : () -> ()
    %barrier3A = arith.constant 0 : index
    tpu.barrier barrier_id(%barrier3A)
    %scan3A_47 = arith.constant 0 : i32
    %scan3A_48 = arith.constant 0 : i32
    %scan3A_49 = arith.constant 80 : i32
    %scan3A_50 = arith.addi %scan3A_48, %scan3A_49 : i32
    %scan3A_51 = arith.constant 1 : i32
    %scan3A_52 = scf.for %scan3A_102 = %scan3A_48 to %scan3A_50 step %scan3A_51 iter_args(%scan3A_103 = %scan3A_47) -> (i32)  : i32 {
      %mul3A_104 = arith.constant 80 : i32
      %mul3A_105 = arith.muli %arg0, %mul3A_104 : i32
      %add3A = arith.addi %mul3A_105, %scan3A_102 : i32
      %dma_start3A = arith.constant 0 : i32
      %dma_start3A_106 = tpu.memref_slice %arg9[%add3A, %dma_start3A] : memref<160x128xi32, #tpu.memory_space<vmem>> -> memref<1x128xi32, #tpu.memory_space<vmem>>
      %dma_start3A_107 = tpu.memref_squeeze %dma_start3A_106 : memref<1x128xi32, #tpu.memory_space<vmem>> -> memref<128xi32, #tpu.memory_space<vmem>>
      %dma_start3A_108 = arith.constant 0 : i32
      %dma_start3A_109 = tpu.memref_slice %arg14[%dma_start3A_108] : memref<10256xf32, #tpu.memory_space<vmem_shared>> -> memref<10256xf32, #tpu.memory_space<vmem_shared>>
      tpu.enqueue_indirect_dma source(%arg12 : memref<128xf32, #tpu.memory_space<vmem>>) target(%dma_start3A_109 : memref<10256xf32, #tpu.memory_space<vmem_shared>>) offsets(%dma_start3A_107 : memref<128xi32, #tpu.memory_space<vmem>>) semaphore(%arg15 : memref<!tpu.dma_semaphore, #tpu.memory_space<semaphore_mem>>) {add = true}
      %scan3A_110 = arith.constant 0 : i32
      scf.yield %scan3A_110 : i32
    }
    %scan3A_53 = arith.constant 80 : i32
    %broadcast_in_dim3A_54 = arith.constant 83896080 : i32
    %broadcast_in_dim3A_55 = vector.broadcast %broadcast_in_dim3A_54 : i32 to vector<16xi32>
    %scan3A_56 = arith.constant 0 : i32
    %scan3A_57 = arith.constant 0 : i32
    %scan3A_58 = arith.constant 1281 : i32
    %scan3A_59 = arith.addi %scan3A_57, %scan3A_58 : i32
    %scan3A_60 = arith.constant 1 : i32
    %scan3A_61 = scf.for %scan3A_102 = %scan3A_57 to %scan3A_59 step %scan3A_60 iter_args(%scan3A_103 = %scan3A_56) -> (i32)  : i32 {
      %mul3A_104 = arith.constant 16 : i32
      %mul3A_105 = arith.muli %scan3A_102, %mul3A_104 : i32
      %swap3A_106 = arith.index_cast %mul3A_105 : i32 to index
      %swap3A_107 = tpu.vector_load %arg10[%swap3A_106] {strides = array<i32>} : memref<20496xi32, #tpu.memory_space<vmem>>, vector<16xi32>,
      %swap3A_108 = vector.shape_cast %swap3A_107 : vector<16xi32> to vector<16xi32>
      %swap3A_109 = vector.shape_cast %broadcast_in_dim3A_55 : vector<16xi32> to vector<16xi32>
      tpu.vector_store %arg10[%swap3A_106], %swap3A_109 {strides = array<i32>} : memref<20496xi32, #tpu.memory_space<vmem>>, vector<16xi32>,
      %scan3A_110 = arith.constant 0 : i32
      scf.yield %scan3A_110 : i32
    }
    %scan3A_62 = arith.constant 1281 : i32
    %scan3A_63 = arith.constant 0 : i32
    %scan3A_64 = arith.constant 0 : i32
    %scan3A_65 = arith.constant 160 : i32
    %scan3A_66 = arith.addi %scan3A_64, %scan3A_65 : i32
    %scan3A_67 = arith.constant 1 : i32
    %scan3A_68 = scf.for %scan3A_102 = %scan3A_64 to %scan3A_66 step %scan3A_67 iter_args(%scan3A_103 = %scan3A_63) -> (i32)  : i32 {
      %get3A = arith.index_cast %scan3A_102 : i32 to index
      %get3A_104 = arith.constant 0 : index
      %get3A_105 = tpu.vector_load %arg8[%get3A, %get3A_104] {strides = array<i32>} : memref<160x128xi32, #tpu.memory_space<vmem>>, vector<1x16xi32>,
      %get3A_106 = vector.shape_cast %get3A_105 : vector<1x16xi32> to vector<16xi32>
      %get3A_107 = arith.index_cast %scan3A_102 : i32 to index
      %get3A_108 = arith.constant 0 : index
      %get3A_109 = tpu.vector_load %arg9[%get3A_107, %get3A_108] {strides = array<i32>} : memref<160x128xi32, #tpu.memory_space<vmem>>, vector<1x16xi32>,
      %get3A_110 = vector.shape_cast %get3A_109 : vector<1x16xi32> to vector<16xi32>
      %ge3A = vector.broadcast %mul3A_0 : i32 to vector<16xi32>
      %ge3A_111 = arith.cmpi sge, %get3A_110, %ge3A : vector<16xi32>
      %add3A = arith.constant 5120 : i32
      %add3A_112 = arith.addi %mul3A_0, %add3A : i32
      %lt3A = vector.broadcast %add3A_112 : i32 to vector<16xi32>
      %lt3A_113 = arith.cmpi slt, %get3A_110, %lt3A : vector<16xi32>
      %and3A = arith.andi %ge3A_111, %lt3A_113 : vector<16xi1>
      %jit3A = arith.constant 1 : i32
      %jit3A_114 = arith.constant 0 : i32
      %broadcast_in_dim3A_115 = vector.broadcast %jit3A : i32 to vector<16xi32>
      %broadcast_in_dim3A_116 = vector.broadcast %jit3A_114 : i32 to vector<16xi32>
      %select_n3A = arith.select %and3A, %broadcast_in_dim3A_115, %broadcast_in_dim3A_116 : vector<16xi1>, vector<16xi32>
      %sub3A = vector.broadcast %mul3A_0 : i32 to vector<16xi32>
      %sub3A_117 = arith.subi %get3A_110, %sub3A : vector<16xi32>
      %shift_left3A = arith.constant 14 : i32
      %shift_left3A_118 = vector.broadcast %shift_left3A : i32 to vector<16xi32>
      %shift_left3A_119 = arith.shli %sub3A_117, %shift_left3A_118 : vector<16xi32>
      %or3A = arith.ori %get3A_106, %shift_left3A_119 : vector<16xi32>
      %slice3A = vector.extract_strided_slice %or3A {offsets = [0], sizes = [1], strides = [1]} : vector<16xi32> to vector<1xi32>
      %squeeze3A = vector.extract %slice3A[0] : i32 from vector<1xi32>
      %broadcast_in_dim3A_120 = vector.broadcast %squeeze3A : i32 to vector<16xi32>
      %swap3A_121 = arith.index_cast %scan3A_103 : i32 to index
      %swap3A_122 = tpu.vector_load %arg10[%swap3A_121] {strides = array<i32>} : memref<20496xi32, #tpu.memory_space<vmem>>, vector<16xi32>,
      %swap3A_123 = vector.shape_cast %swap3A_122 : vector<16xi32> to vector<16xi32>
      %swap3A_124 = vector.shape_cast %broadcast_in_dim3A_120 : vector<16xi32> to vector<16xi32>
      tpu.vector_store %arg10[%swap3A_121], %swap3A_124 {strides = array<i32>} : memref<20496xi32, #tpu.memory_space<vmem>>, vector<16xi32>,
      %slice3A_125 = vector.extract_strided_slice %select_n3A {offsets = [0], sizes = [1], strides = [1]} : vector<16xi32> to vector<1xi32>
      %squeeze3A_126 = vector.extract %slice3A_125[0] : i32 from vector<1xi32>
      %add3A_127 = arith.addi %scan3A_103, %squeeze3A_126 : i32
      %slice3A_128 = vector.extract_strided_slice %or3A {offsets = [1], sizes = [1], strides = [1]} : vector<16xi32> to vector<1xi32>
      %squeeze3A_129 = vector.extract %slice3A_128[0] : i32 from vector<1xi32>
      %broadcast_in_dim3A_130 = vector.broadcast %squeeze3A_129 : i32 to vector<16xi32>
      %swap3A_131 = arith.index_cast %add3A_127 : i32 to index
      %swap3A_132 = tpu.vector_load %arg10[%swap3A_131] {strides = array<i32>} : memref<20496xi32, #tpu.memory_space<vmem>>, vector<16xi32>,
      %swap3A_133 = vector.shape_cast %swap3A_132 : vector<16xi32> to vector<16xi32>
      %swap3A_134 = vector.shape_cast %broadcast_in_dim3A_130 : vector<16xi32> to vector<16xi32>
      tpu.vector_store %arg10[%swap3A_131], %swap3A_134 {strides = array<i32>} : memref<20496xi32, #tpu.memory_space<vmem>>, vector<16xi32>,
      %slice3A_135 = vector.extract_strided_slice %select_n3A {offsets = [1], sizes = [1], strides = [1]} : vector<16xi32> to vector<1xi32>
      %squeeze3A_136 = vector.extract %slice3A_135[0] : i32 from vector<1xi32>
      %add3A_137 = arith.addi %add3A_127, %squeeze3A_136 : i32
      %slice3A_138 = vector.extract_strided_slice %or3A {offsets = [2], sizes = [1], strides = [1]} : vector<16xi32> to vector<1xi32>
      %squeeze3A_139 = vector.extract %slice3A_138[0] : i32 from vector<1xi32>
      %broadcast_in_dim3A_140 = vector.broadcast %squeeze3A_139 : i32 to vector<16xi32>
      %swap3A_141 = arith.index_cast %add3A_137 : i32 to index
      %swap3A_142 = tpu.vector_load %arg10[%swap3A_141] {strides = array<i32>} : memref<20496xi32, #tpu.memory_space<vmem>>, vector<16xi32>,
      %swap3A_143 = vector.shape_cast %swap3A_142 : vector<16xi32> to vector<16xi32>
      %swap3A_144 = vector.shape_cast %broadcast_in_dim3A_140 : vector<16xi32> to vector<16xi32>
      tpu.vector_store %arg10[%swap3A_141], %swap3A_144 {strides = array<i32>} : memref<20496xi32, #tpu.memory_space<vmem>>, vector<16xi32>,
      %slice3A_145 = vector.extract_strided_slice %select_n3A {offsets = [2], sizes = [1], strides = [1]} : vector<16xi32> to vector<1xi32>
      %squeeze3A_146 = vector.extract %slice3A_145[0] : i32 from vector<1xi32>
      %add3A_147 = arith.addi %add3A_137, %squeeze3A_146 : i32
      %slice3A_148 = vector.extract_strided_slice %or3A {offsets = [3], sizes = [1], strides = [1]} : vector<16xi32> to vector<1xi32>
      %squeeze3A_149 = vector.extract %slice3A_148[0] : i32 from vector<1xi32>
      %broadcast_in_dim3A_150 = vector.broadcast %squeeze3A_149 : i32 to vector<16xi32>
      %swap3A_151 = arith.index_cast %add3A_147 : i32 to index
      %swap3A_152 = tpu.vector_load %arg10[%swap3A_151] {strides = array<i32>} : memref<20496xi32, #tpu.memory_space<vmem>>, vector<16xi32>,
      %swap3A_153 = vector.shape_cast %swap3A_152 : vector<16xi32> to vector<16xi32>
      %swap3A_154 = vector.shape_cast %broadcast_in_dim3A_150 : vector<16xi32> to vector<16xi32>
      tpu.vector_store %arg10[%swap3A_151], %swap3A_154 {strides = array<i32>} : memref<20496xi32, #tpu.memory_space<vmem>>, vector<16xi32>,
      %slice3A_155 = vector.extract_strided_slice %select_n3A {offsets = [3], sizes = [1], strides = [1]} : vector<16xi32> to vector<1xi32>
      %squeeze3A_156 = vector.extract %slice3A_155[0] : i32 from vector<1xi32>
      %add3A_157 = arith.addi %add3A_147, %squeeze3A_156 : i32
      %slice3A_158 = vector.extract_strided_slice %or3A {offsets = [4], sizes = [1], strides = [1]} : vector<16xi32> to vector<1xi32>
      %squeeze3A_159 = vector.extract %slice3A_158[0] : i32 from vector<1xi32>
      %broadcast_in_dim3A_160 = vector.broadcast %squeeze3A_159 : i32 to vector<16xi32>
      %swap3A_161 = arith.index_cast %add3A_157 : i32 to index
      %swap3A_162 = tpu.vector_load %arg10[%swap3A_161] {strides = array<i32>} : memref<20496xi32, #tpu.memory_space<vmem>>, vector<16xi32>,
      %swap3A_163 = vector.shape_cast %swap3A_162 : vector<16xi32> to vector<16xi32>
      %swap3A_164 = vector.shape_cast %broadcast_in_dim3A_160 : vector<16xi32> to vector<16xi32>
      tpu.vector_store %arg10[%swap3A_161], %swap3A_164 {strides = array<i32>} : memref<20496xi32, #tpu.memory_space<vmem>>, vector<16xi32>,
      %slice3A_165 = vector.extract_strided_slice %select_n3A {offsets = [4], sizes = [1], strides = [1]} : vector<16xi32> to vector<1xi32>
      %squeeze3A_166 = vector.extract %slice3A_165[0] : i32 from vector<1xi32>
      %add3A_167 = arith.addi %add3A_157, %squeeze3A_166 : i32
      %slice3A_168 = vector.extract_strided_slice %or3A {offsets = [5], sizes = [1], strides = [1]} : vector<16xi32> to vector<1xi32>
      %squeeze3A_169 = vector.extract %slice3A_168[0] : i32 from vector<1xi32>
      %broadcast_in_dim3A_170 = vector.broadcast %squeeze3A_169 : i32 to vector<16xi32>
      %swap3A_171 = arith.index_cast %add3A_167 : i32 to index
      %swap3A_172 = tpu.vector_load %arg10[%swap3A_171] {strides = array<i32>} : memref<20496xi32, #tpu.memory_space<vmem>>, vector<16xi32>,
      %swap3A_173 = vector.shape_cast %swap3A_172 : vector<16xi32> to vector<16xi32>
      %swap3A_174 = vector.shape_cast %broadcast_in_dim3A_170 : vector<16xi32> to vector<16xi32>
      tpu.vector_store %arg10[%swap3A_171], %swap3A_174 {strides = array<i32>} : memref<20496xi32, #tpu.memory_space<vmem>>, vector<16xi32>,
      %slice3A_175 = vector.extract_strided_slice %select_n3A {offsets = [5], sizes = [1], strides = [1]} : vector<16xi32> to vector<1xi32>
      %squeeze3A_176 = vector.extract %slice3A_175[0] : i32 from vector<1xi32>
      %add3A_177 = arith.addi %add3A_167, %squeeze3A_176 : i32
      %slice3A_178 = vector.extract_strided_slice %or3A {offsets = [6], sizes = [1], strides = [1]} : vector<16xi32> to vector<1xi32>
      %squeeze3A_179 = vector.extract %slice3A_178[0] : i32 from vector<1xi32>
      %broadcast_in_dim3A_180 = vector.broadcast %squeeze3A_179 : i32 to vector<16xi32>
      %swap3A_181 = arith.index_cast %add3A_177 : i32 to index
      %swap3A_182 = tpu.vector_load %arg10[%swap3A_181] {strides = array<i32>} : memref<20496xi32, #tpu.memory_space<vmem>>, vector<16xi32>,
      %swap3A_183 = vector.shape_cast %swap3A_182 : vector<16xi32> to vector<16xi32>
      %swap3A_184 = vector.shape_cast %broadcast_in_dim3A_180 : vector<16xi32> to vector<16xi32>
      tpu.vector_store %arg10[%swap3A_181], %swap3A_184 {strides = array<i32>} : memref<20496xi32, #tpu.memory_space<vmem>>, vector<16xi32>,
      %slice3A_185 = vector.extract_strided_slice %select_n3A {offsets = [6], sizes = [1], strides = [1]} : vector<16xi32> to vector<1xi32>
      %squeeze3A_186 = vector.extract %slice3A_185[0] : i32 from vector<1xi32>
      %add3A_187 = arith.addi %add3A_177, %squeeze3A_186 : i32
      %slice3A_188 = vector.extract_strided_slice %or3A {offsets = [7], sizes = [1], strides = [1]} : vector<16xi32> to vector<1xi32>
      %squeeze3A_189 = vector.extract %slice3A_188[0] : i32 from vector<1xi32>
      %broadcast_in_dim3A_190 = vector.broadcast %squeeze3A_189 : i32 to vector<16xi32>
      %swap3A_191 = arith.index_cast %add3A_187 : i32 to index
      %swap3A_192 = tpu.vector_load %arg10[%swap3A_191] {strides = array<i32>} : memref<20496xi32, #tpu.memory_space<vmem>>, vector<16xi32>,
      %swap3A_193 = vector.shape_cast %swap3A_192 : vector<16xi32> to vector<16xi32>
      %swap3A_194 = vector.shape_cast %broadcast_in_dim3A_190 : vector<16xi32> to vector<16xi32>
      tpu.vector_store %arg10[%swap3A_191], %swap3A_194 {strides = array<i32>} : memref<20496xi32, #tpu.memory_space<vmem>>, vector<16xi32>,
      %slice3A_195 = vector.extract_strided_slice %select_n3A {offsets = [7], sizes = [1], strides = [1]} : vector<16xi32> to vector<1xi32>
      %squeeze3A_196 = vector.extract %slice3A_195[0] : i32 from vector<1xi32>
      %add3A_197 = arith.addi %add3A_187, %squeeze3A_196 : i32
      %slice3A_198 = vector.extract_strided_slice %or3A {offsets = [8], sizes = [1], strides = [1]} : vector<16xi32> to vector<1xi32>
      %squeeze3A_199 = vector.extract %slice3A_198[0] : i32 from vector<1xi32>
      %broadcast_in_dim3A_200 = vector.broadcast %squeeze3A_199 : i32 to vector<16xi32>
      %swap3A_201 = arith.index_cast %add3A_197 : i32 to index
      %swap3A_202 = tpu.vector_load %arg10[%swap3A_201] {strides = array<i32>} : memref<20496xi32, #tpu.memory_space<vmem>>, vector<16xi32>,
      %swap3A_203 = vector.shape_cast %swap3A_202 : vector<16xi32> to vector<16xi32>
      %swap3A_204 = vector.shape_cast %broadcast_in_dim3A_200 : vector<16xi32> to vector<16xi32>
      tpu.vector_store %arg10[%swap3A_201], %swap3A_204 {strides = array<i32>} : memref<20496xi32, #tpu.memory_space<vmem>>, vector<16xi32>,
      %slice3A_205 = vector.extract_strided_slice %select_n3A {offsets = [8], sizes = [1], strides = [1]} : vector<16xi32> to vector<1xi32>
      %squeeze3A_206 = vector.extract %slice3A_205[0] : i32 from vector<1xi32>
      %add3A_207 = arith.addi %add3A_197, %squeeze3A_206 : i32
      %slice3A_208 = vector.extract_strided_slice %or3A {offsets = [9], sizes = [1], strides = [1]} : vector<16xi32> to vector<1xi32>
      %squeeze3A_209 = vector.extract %slice3A_208[0] : i32 from vector<1xi32>
      %broadcast_in_dim3A_210 = vector.broadcast %squeeze3A_209 : i32 to vector<16xi32>
      %swap3A_211 = arith.index_cast %add3A_207 : i32 to index
      %swap3A_212 = tpu.vector_load %arg10[%swap3A_211] {strides = array<i32>} : memref<20496xi32, #tpu.memory_space<vmem>>, vector<16xi32>,
      %swap3A_213 = vector.shape_cast %swap3A_212 : vector<16xi32> to vector<16xi32>
      %swap3A_214 = vector.shape_cast %broadcast_in_dim3A_210 : vector<16xi32> to vector<16xi32>
      tpu.vector_store %arg10[%swap3A_211], %swap3A_214 {strides = array<i32>} : memref<20496xi32, #tpu.memory_space<vmem>>, vector<16xi32>,
      %slice3A_215 = vector.extract_strided_slice %select_n3A {offsets = [9], sizes = [1], strides = [1]} : vector<16xi32> to vector<1xi32>
      %squeeze3A_216 = vector.extract %slice3A_215[0] : i32 from vector<1xi32>
      %add3A_217 = arith.addi %add3A_207, %squeeze3A_216 : i32
      %slice3A_218 = vector.extract_strided_slice %or3A {offsets = [10], sizes = [1], strides = [1]} : vector<16xi32> to vector<1xi32>
      %squeeze3A_219 = vector.extract %slice3A_218[0] : i32 from vector<1xi32>
      %broadcast_in_dim3A_220 = vector.broadcast %squeeze3A_219 : i32 to vector<16xi32>
      %swap3A_221 = arith.index_cast %add3A_217 : i32 to index
      %swap3A_222 = tpu.vector_load %arg10[%swap3A_221] {strides = array<i32>} : memref<20496xi32, #tpu.memory_space<vmem>>, vector<16xi32>,
      %swap3A_223 = vector.shape_cast %swap3A_222 : vector<16xi32> to vector<16xi32>
      %swap3A_224 = vector.shape_cast %broadcast_in_dim3A_220 : vector<16xi32> to vector<16xi32>
      tpu.vector_store %arg10[%swap3A_221], %swap3A_224 {strides = array<i32>} : memref<20496xi32, #tpu.memory_space<vmem>>, vector<16xi32>,
      %slice3A_225 = vector.extract_strided_slice %select_n3A {offsets = [10], sizes = [1], strides = [1]} : vector<16xi32> to vector<1xi32>
      %squeeze3A_226 = vector.extract %slice3A_225[0] : i32 from vector<1xi32>
      %add3A_227 = arith.addi %add3A_217, %squeeze3A_226 : i32
      %slice3A_228 = vector.extract_strided_slice %or3A {offsets = [11], sizes = [1], strides = [1]} : vector<16xi32> to vector<1xi32>
      %squeeze3A_229 = vector.extract %slice3A_228[0] : i32 from vector<1xi32>
      %broadcast_in_dim3A_230 = vector.broadcast %squeeze3A_229 : i32 to vector<16xi32>
      %swap3A_231 = arith.index_cast %add3A_227 : i32 to index
      %swap3A_232 = tpu.vector_load %arg10[%swap3A_231] {strides = array<i32>} : memref<20496xi32, #tpu.memory_space<vmem>>, vector<16xi32>,
      %swap3A_233 = vector.shape_cast %swap3A_232 : vector<16xi32> to vector<16xi32>
      %swap3A_234 = vector.shape_cast %broadcast_in_dim3A_230 : vector<16xi32> to vector<16xi32>
      tpu.vector_store %arg10[%swap3A_231], %swap3A_234 {strides = array<i32>} : memref<20496xi32, #tpu.memory_space<vmem>>, vector<16xi32>,
      %slice3A_235 = vector.extract_strided_slice %select_n3A {offsets = [11], sizes = [1], strides = [1]} : vector<16xi32> to vector<1xi32>
      %squeeze3A_236 = vector.extract %slice3A_235[0] : i32 from vector<1xi32>
      %add3A_237 = arith.addi %add3A_227, %squeeze3A_236 : i32
      %slice3A_238 = vector.extract_strided_slice %or3A {offsets = [12], sizes = [1], strides = [1]} : vector<16xi32> to vector<1xi32>
      %squeeze3A_239 = vector.extract %slice3A_238[0] : i32 from vector<1xi32>
      %broadcast_in_dim3A_240 = vector.broadcast %squeeze3A_239 : i32 to vector<16xi32>
      %swap3A_241 = arith.index_cast %add3A_237 : i32 to index
      %swap3A_242 = tpu.vector_load %arg10[%swap3A_241] {strides = array<i32>} : memref<20496xi32, #tpu.memory_space<vmem>>, vector<16xi32>,
      %swap3A_243 = vector.shape_cast %swap3A_242 : vector<16xi32> to vector<16xi32>
      %swap3A_244 = vector.shape_cast %broadcast_in_dim3A_240 : vector<16xi32> to vector<16xi32>
      tpu.vector_store %arg10[%swap3A_241], %swap3A_244 {strides = array<i32>} : memref<20496xi32, #tpu.memory_space<vmem>>, vector<16xi32>,
      %slice3A_245 = vector.extract_strided_slice %select_n3A {offsets = [12], sizes = [1], strides = [1]} : vector<16xi32> to vector<1xi32>
      %squeeze3A_246 = vector.extract %slice3A_245[0] : i32 from vector<1xi32>
      %add3A_247 = arith.addi %add3A_237, %squeeze3A_246 : i32
      %slice3A_248 = vector.extract_strided_slice %or3A {offsets = [13], sizes = [1], strides = [1]} : vector<16xi32> to vector<1xi32>
      %squeeze3A_249 = vector.extract %slice3A_248[0] : i32 from vector<1xi32>
      %broadcast_in_dim3A_250 = vector.broadcast %squeeze3A_249 : i32 to vector<16xi32>
      %swap3A_251 = arith.index_cast %add3A_247 : i32 to index
      %swap3A_252 = tpu.vector_load %arg10[%swap3A_251] {strides = array<i32>} : memref<20496xi32, #tpu.memory_space<vmem>>, vector<16xi32>,
      %swap3A_253 = vector.shape_cast %swap3A_252 : vector<16xi32> to vector<16xi32>
      %swap3A_254 = vector.shape_cast %broadcast_in_dim3A_250 : vector<16xi32> to vector<16xi32>
      tpu.vector_store %arg10[%swap3A_251], %swap3A_254 {strides = array<i32>} : memref<20496xi32, #tpu.memory_space<vmem>>, vector<16xi32>,
      %slice3A_255 = vector.extract_strided_slice %select_n3A {offsets = [13], sizes = [1], strides = [1]} : vector<16xi32> to vector<1xi32>
      %squeeze3A_256 = vector.extract %slice3A_255[0] : i32 from vector<1xi32>
      %add3A_257 = arith.addi %add3A_247, %squeeze3A_256 : i32
      %slice3A_258 = vector.extract_strided_slice %or3A {offsets = [14], sizes = [1], strides = [1]} : vector<16xi32> to vector<1xi32>
      %squeeze3A_259 = vector.extract %slice3A_258[0] : i32 from vector<1xi32>
      %broadcast_in_dim3A_260 = vector.broadcast %squeeze3A_259 : i32 to vector<16xi32>
      %swap3A_261 = arith.index_cast %add3A_257 : i32 to index
      %swap3A_262 = tpu.vector_load %arg10[%swap3A_261] {strides = array<i32>} : memref<20496xi32, #tpu.memory_space<vmem>>, vector<16xi32>,
      %swap3A_263 = vector.shape_cast %swap3A_262 : vector<16xi32> to vector<16xi32>
      %swap3A_264 = vector.shape_cast %broadcast_in_dim3A_260 : vector<16xi32> to vector<16xi32>
      tpu.vector_store %arg10[%swap3A_261], %swap3A_264 {strides = array<i32>} : memref<20496xi32, #tpu.memory_space<vmem>>, vector<16xi32>,
      %slice3A_265 = vector.extract_strided_slice %select_n3A {offsets = [14], sizes = [1], strides = [1]} : vector<16xi32> to vector<1xi32>
      %squeeze3A_266 = vector.extract %slice3A_265[0] : i32 from vector<1xi32>
      %add3A_267 = arith.addi %add3A_257, %squeeze3A_266 : i32
      %slice3A_268 = vector.extract_strided_slice %or3A {offsets = [15], sizes = [1], strides = [1]} : vector<16xi32> to vector<1xi32>
      %squeeze3A_269 = vector.extract %slice3A_268[0] : i32 from vector<1xi32>
      %broadcast_in_dim3A_270 = vector.broadcast %squeeze3A_269 : i32 to vector<16xi32>
      %swap3A_271 = arith.index_cast %add3A_267 : i32 to index
      %swap3A_272 = tpu.vector_load %arg10[%swap3A_271] {strides = array<i32>} : memref<20496xi32, #tpu.memory_space<vmem>>, vector<16xi32>,
      %swap3A_273 = vector.shape_cast %swap3A_272 : vector<16xi32> to vector<16xi32>
      %swap3A_274 = vector.shape_cast %broadcast_in_dim3A_270 : vector<16xi32> to vector<16xi32>
      tpu.vector_store %arg10[%swap3A_271], %swap3A_274 {strides = array<i32>} : memref<20496xi32, #tpu.memory_space<vmem>>, vector<16xi32>,
      %slice3A_275 = vector.extract_strided_slice %select_n3A {offsets = [15], sizes = [1], strides = [1]} : vector<16xi32> to vector<1xi32>
      %squeeze3A_276 = vector.extract %slice3A_275[0] : i32 from vector<1xi32>
      %add3A_277 = arith.addi %add3A_267, %squeeze3A_276 : i32
      %get3A_278 = arith.index_cast %scan3A_102 : i32 to index
      %get3A_279 = arith.constant 16 : index
      %get3A_280 = tpu.vector_load %arg8[%get3A_278, %get3A_279] {strides = array<i32>} : memref<160x128xi32, #tpu.memory_space<vmem>>, vector<1x16xi32>,
      %get3A_281 = vector.shape_cast %get3A_280 : vector<1x16xi32> to vector<16xi32>
      %get3A_282 = arith.index_cast %scan3A_102 : i32 to index
      %get3A_283 = arith.constant 16 : index
      %get3A_284 = tpu.vector_load %arg9[%get3A_282, %get3A_283] {strides = array<i32>} : memref<160x128xi32, #tpu.memory_space<vmem>>, vector<1x16xi32>,
      %get3A_285 = vector.shape_cast %get3A_284 : vector<1x16xi32> to vector<16xi32>
      %ge3A_286 = vector.broadcast %mul3A_0 : i32 to vector<16xi32>
      %ge3A_287 = arith.cmpi sge, %get3A_285, %ge3A_286 : vector<16xi32>
      %add3A_288 = arith.constant 5120 : i32
      %add3A_289 = arith.addi %mul3A_0, %add3A_288 : i32
      %lt3A_290 = vector.broadcast %add3A_289 : i32 to vector<16xi32>
      %lt3A_291 = arith.cmpi slt, %get3A_285, %lt3A_290 : vector<16xi32>
      %and3A_292 = arith.andi %ge3A_287, %lt3A_291 : vector<16xi1>
      %jit3A_293 = arith.constant 1 : i32
      %jit3A_294 = arith.constant 0 : i32
      %broadcast_in_dim3A_295 = vector.broadcast %jit3A_293 : i32 to vector<16xi32>
      %broadcast_in_dim3A_296 = vector.broadcast %jit3A_294 : i32 to vector<16xi32>
      %select_n3A_297 = arith.select %and3A_292, %broadcast_in_dim3A_295, %broadcast_in_dim3A_296 : vector<16xi1>, vector<16xi32>
      %sub3A_298 = vector.broadcast %mul3A_0 : i32 to vector<16xi32>
      %sub3A_299 = arith.subi %get3A_285, %sub3A_298 : vector<16xi32>
      %shift_left3A_300 = arith.constant 14 : i32
      %shift_left3A_301 = vector.broadcast %shift_left3A_300 : i32 to vector<16xi32>
      %shift_left3A_302 = arith.shli %sub3A_299, %shift_left3A_301 : vector<16xi32>
      %or3A_303 = arith.ori %get3A_281, %shift_left3A_302 : vector<16xi32>
      %slice3A_304 = vector.extract_strided_slice %or3A_303 {offsets = [0], sizes = [1], strides = [1]} : vector<16xi32> to vector<1xi32>
      %squeeze3A_305 = vector.extract %slice3A_304[0] : i32 from vector<1xi32>
      %broadcast_in_dim3A_306 = vector.broadcast %squeeze3A_305 : i32 to vector<16xi32>
      %swap3A_307 = arith.index_cast %add3A_277 : i32 to index
      %swap3A_308 = tpu.vector_load %arg10[%swap3A_307] {strides = array<i32>} : memref<20496xi32, #tpu.memory_space<vmem>>, vector<16xi32>,
      %swap3A_309 = vector.shape_cast %swap3A_308 : vector<16xi32> to vector<16xi32>
      %swap3A_310 = vector.shape_cast %broadcast_in_dim3A_306 : vector<16xi32> to vector<16xi32>
      tpu.vector_store %arg10[%swap3A_307], %swap3A_310 {strides = array<i32>} : memref<20496xi32, #tpu.memory_space<vmem>>, vector<16xi32>,
      %slice3A_311 = vector.extract_strided_slice %select_n3A_297 {offsets = [0], sizes = [1], strides = [1]} : vector<16xi32> to vector<1xi32>
      %squeeze3A_312 = vector.extract %slice3A_311[0] : i32 from vector<1xi32>
      %add3A_313 = arith.addi %add3A_277, %squeeze3A_312 : i32
      %slice3A_314 = vector.extract_strided_slice %or3A_303 {offsets = [1], sizes = [1], strides = [1]} : vector<16xi32> to vector<1xi32>
      %squeeze3A_315 = vector.extract %slice3A_314[0] : i32 from vector<1xi32>
      %broadcast_in_dim3A_316 = vector.broadcast %squeeze3A_315 : i32 to vector<16xi32>
      %swap3A_317 = arith.index_cast %add3A_313 : i32 to index
      %swap3A_318 = tpu.vector_load %arg10[%swap3A_317] {strides = array<i32>} : memref<20496xi32, #tpu.memory_space<vmem>>, vector<16xi32>,
      %swap3A_319 = vector.shape_cast %swap3A_318 : vector<16xi32> to vector<16xi32>
      %swap3A_320 = vector.shape_cast %broadcast_in_dim3A_316 : vector<16xi32> to vector<16xi32>
      tpu.vector_store %arg10[%swap3A_317], %swap3A_320 {strides = array<i32>} : memref<20496xi32, #tpu.memory_space<vmem>>, vector<16xi32>,
      %slice3A_321 = vector.extract_strided_slice %select_n3A_297 {offsets = [1], sizes = [1], strides = [1]} : vector<16xi32> to vector<1xi32>
      %squeeze3A_322 = vector.extract %slice3A_321[0] : i32 from vector<1xi32>
      %add3A_323 = arith.addi %add3A_313, %squeeze3A_322 : i32
      %slice3A_324 = vector.extract_strided_slice %or3A_303 {offsets = [2], sizes = [1], strides = [1]} : vector<16xi32> to vector<1xi32>
      %squeeze3A_325 = vector.extract %slice3A_324[0] : i32 from vector<1xi32>
      %broadcast_in_dim3A_326 = vector.broadcast %squeeze3A_325 : i32 to vector<16xi32>
      %swap3A_327 = arith.index_cast %add3A_323 : i32 to index
      %swap3A_328 = tpu.vector_load %arg10[%swap3A_327] {strides = array<i32>} : memref<20496xi32, #tpu.memory_space<vmem>>, vector<16xi32>,
      %swap3A_329 = vector.shape_cast %swap3A_328 : vector<16xi32> to vector<16xi32>
      %swap3A_330 = vector.shape_cast %broadcast_in_dim3A_326 : vector<16xi32> to vector<16xi32>
      tpu.vector_store %arg10[%swap3A_327], %swap3A_330 {strides = array<i32>} : memref<20496xi32, #tpu.memory_space<vmem>>, vector<16xi32>,
      %slice3A_331 = vector.extract_strided_slice %select_n3A_297 {offsets = [2], sizes = [1], strides = [1]} : vector<16xi32> to vector<1xi32>
      %squeeze3A_332 = vector.extract %slice3A_331[0] : i32 from vector<1xi32>
      %add3A_333 = arith.addi %add3A_323, %squeeze3A_332 : i32
      %slice3A_334 = vector.extract_strided_slice %or3A_303 {offsets = [3], sizes = [1], strides = [1]} : vector<16xi32> to vector<1xi32>
      %squeeze3A_335 = vector.extract %slice3A_334[0] : i32 from vector<1xi32>
      %broadcast_in_dim3A_336 = vector.broadcast %squeeze3A_335 : i32 to vector<16xi32>
      %swap3A_337 = arith.index_cast %add3A_333 : i32 to index
      %swap3A_338 = tpu.vector_load %arg10[%swap3A_337] {strides = array<i32>} : memref<20496xi32, #tpu.memory_space<vmem>>, vector<16xi32>,
      %swap3A_339 = vector.shape_cast %swap3A_338 : vector<16xi32> to vector<16xi32>
      %swap3A_340 = vector.shape_cast %broadcast_in_dim3A_336 : vector<16xi32> to vector<16xi32>
      tpu.vector_store %arg10[%swap3A_337], %swap3A_340 {strides = array<i32>} : memref<20496xi32, #tpu.memory_space<vmem>>, vector<16xi32>,
      %slice3A_341 = vector.extract_strided_slice %select_n3A_297 {offsets = [3], sizes = [1], strides = [1]} : vector<16xi32> to vector<1xi32>
      %squeeze3A_342 = vector.extract %slice3A_341[0] : i32 from vector<1xi32>
      %add3A_343 = arith.addi %add3A_333, %squeeze3A_342 : i32
      %slice3A_344 = vector.extract_strided_slice %or3A_303 {offsets = [4], sizes = [1], strides = [1]} : vector<16xi32> to vector<1xi32>
      %squeeze3A_345 = vector.extract %slice3A_344[0] : i32 from vector<1xi32>
      %broadcast_in_dim3A_346 = vector.broadcast %squeeze3A_345 : i32 to vector<16xi32>
      %swap3A_347 = arith.index_cast %add3A_343 : i32 to index
      %swap3A_348 = tpu.vector_load %arg10[%swap3A_347] {strides = array<i32>} : memref<20496xi32, #tpu.memory_space<vmem>>, vector<16xi32>,
      %swap3A_349 = vector.shape_cast %swap3A_348 : vector<16xi32> to vector<16xi32>
      %swap3A_350 = vector.shape_cast %broadcast_in_dim3A_346 : vector<16xi32> to vector<16xi32>
      tpu.vector_store %arg10[%swap3A_347], %swap3A_350 {strides = array<i32>} : memref<20496xi32, #tpu.memory_space<vmem>>, vector<16xi32>,
      %slice3A_351 = vector.extract_strided_slice %select_n3A_297 {offsets = [4], sizes = [1], strides = [1]} : vector<16xi32> to vector<1xi32>
      %squeeze3A_352 = vector.extract %slice3A_351[0] : i32 from vector<1xi32>
      %add3A_353 = arith.addi %add3A_343, %squeeze3A_352 : i32
      %slice3A_354 = vector.extract_strided_slice %or3A_303 {offsets = [5], sizes = [1], strides = [1]} : vector<16xi32> to vector<1xi32>
      %squeeze3A_355 = vector.extract %slice3A_354[0] : i32 from vector<1xi32>
      %broadcast_in_dim3A_356 = vector.broadcast %squeeze3A_355 : i32 to vector<16xi32>
      %swap3A_357 = arith.index_cast %add3A_353 : i32 to index
      %swap3A_358 = tpu.vector_load %arg10[%swap3A_357] {strides = array<i32>} : memref<20496xi32, #tpu.memory_space<vmem>>, vector<16xi32>,
      %swap3A_359 = vector.shape_cast %swap3A_358 : vector<16xi32> to vector<16xi32>
      %swap3A_360 = vector.shape_cast %broadcast_in_dim3A_356 : vector<16xi32> to vector<16xi32>
      tpu.vector_store %arg10[%swap3A_357], %swap3A_360 {strides = array<i32>} : memref<20496xi32, #tpu.memory_space<vmem>>, vector<16xi32>,
      %slice3A_361 = vector.extract_strided_slice %select_n3A_297 {offsets = [5], sizes = [1], strides = [1]} : vector<16xi32> to vector<1xi32>
      %squeeze3A_362 = vector.extract %slice3A_361[0] : i32 from vector<1xi32>
      %add3A_363 = arith.addi %add3A_353, %squeeze3A_362 : i32
      %slice3A_364 = vector.extract_strided_slice %or3A_303 {offsets = [6], sizes = [1], strides = [1]} : vector<16xi32> to vector<1xi32>
      %squeeze3A_365 = vector.extract %slice3A_364[0] : i32 from vector<1xi32>
      %broadcast_in_dim3A_366 = vector.broadcast %squeeze3A_365 : i32 to vector<16xi32>
      %swap3A_367 = arith.index_cast %add3A_363 : i32 to index
      %swap3A_368 = tpu.vector_load %arg10[%swap3A_367] {strides = array<i32>} : memref<20496xi32, #tpu.memory_space<vmem>>, vector<16xi32>,
      %swap3A_369 = vector.shape_cast %swap3A_368 : vector<16xi32> to vector<16xi32>
      %swap3A_370 = vector.shape_cast %broadcast_in_dim3A_366 : vector<16xi32> to vector<16xi32>
      tpu.vector_store %arg10[%swap3A_367], %swap3A_370 {strides = array<i32>} : memref<20496xi32, #tpu.memory_space<vmem>>, vector<16xi32>,
      %slice3A_371 = vector.extract_strided_slice %select_n3A_297 {offsets = [6], sizes = [1], strides = [1]} : vector<16xi32> to vector<1xi32>
      %squeeze3A_372 = vector.extract %slice3A_371[0] : i32 from vector<1xi32>
      %add3A_373 = arith.addi %add3A_363, %squeeze3A_372 : i32
      %slice3A_374 = vector.extract_strided_slice %or3A_303 {offsets = [7], sizes = [1], strides = [1]} : vector<16xi32> to vector<1xi32>
      %squeeze3A_375 = vector.extract %slice3A_374[0] : i32 from vector<1xi32>
      %broadcast_in_dim3A_376 = vector.broadcast %squeeze3A_375 : i32 to vector<16xi32>
      %swap3A_377 = arith.index_cast %add3A_373 : i32 to index
      %swap3A_378 = tpu.vector_load %arg10[%swap3A_377] {strides = array<i32>} : memref<20496xi32, #tpu.memory_space<vmem>>, vector<16xi32>,
      %swap3A_379 = vector.shape_cast %swap3A_378 : vector<16xi32> to vector<16xi32>
      %swap3A_380 = vector.shape_cast %broadcast_in_dim3A_376 : vector<16xi32> to vector<16xi32>
      tpu.vector_store %arg10[%swap3A_377], %swap3A_380 {strides = array<i32>} : memref<20496xi32, #tpu.memory_space<vmem>>, vector<16xi32>,
      %slice3A_381 = vector.extract_strided_slice %select_n3A_297 {offsets = [7], sizes = [1], strides = [1]} : vector<16xi32> to vector<1xi32>
      %squeeze3A_382 = vector.extract %slice3A_381[0] : i32 from vector<1xi32>
      %add3A_383 = arith.addi %add3A_373, %squeeze3A_382 : i32
      %slice3A_384 = vector.extract_strided_slice %or3A_303 {offsets = [8], sizes = [1], strides = [1]} : vector<16xi32> to vector<1xi32>
      %squeeze3A_385 = vector.extract %slice3A_384[0] : i32 from vector<1xi32>
      %broadcast_in_dim3A_386 = vector.broadcast %squeeze3A_385 : i32 to vector<16xi32>
      %swap3A_387 = arith.index_cast %add3A_383 : i32 to index
      %swap3A_388 = tpu.vector_load %arg10[%swap3A_387] {strides = array<i32>} : memref<20496xi32, #tpu.memory_space<vmem>>, vector<16xi32>,
      %swap3A_389 = vector.shape_cast %swap3A_388 : vector<16xi32> to vector<16xi32>
      %swap3A_390 = vector.shape_cast %broadcast_in_dim3A_386 : vector<16xi32> to vector<16xi32>
      tpu.vector_store %arg10[%swap3A_387], %swap3A_390 {strides = array<i32>} : memref<20496xi32, #tpu.memory_space<vmem>>, vector<16xi32>,
      %slice3A_391 = vector.extract_strided_slice %select_n3A_297 {offsets = [8], sizes = [1], strides = [1]} : vector<16xi32> to vector<1xi32>
      %squeeze3A_392 = vector.extract %slice3A_391[0] : i32 from vector<1xi32>
      %add3A_393 = arith.addi %add3A_383, %squeeze3A_392 : i32
      %slice3A_394 = vector.extract_strided_slice %or3A_303 {offsets = [9], sizes = [1], strides = [1]} : vector<16xi32> to vector<1xi32>
      %squeeze3A_395 = vector.extract %slice3A_394[0] : i32 from vector<1xi32>
      %broadcast_in_dim3A_396 = vector.broadcast %squeeze3A_395 : i32 to vector<16xi32>
      %swap3A_397 = arith.index_cast %add3A_393 : i32 to index
      %swap3A_398 = tpu.vector_load %arg10[%swap3A_397] {strides = array<i32>} : memref<20496xi32, #tpu.memory_space<vmem>>, vector<16xi32>,
      %swap3A_399 = vector.shape_cast %swap3A_398 : vector<16xi32> to vector<16xi32>
      %swap3A_400 = vector.shape_cast %broadcast_in_dim3A_396 : vector<16xi32> to vector<16xi32>
      tpu.vector_store %arg10[%swap3A_397], %swap3A_400 {strides = array<i32>} : memref<20496xi32, #tpu.memory_space<vmem>>, vector<16xi32>,
      %slice3A_401 = vector.extract_strided_slice %select_n3A_297 {offsets = [9], sizes = [1], strides = [1]} : vector<16xi32> to vector<1xi32>
      %squeeze3A_402 = vector.extract %slice3A_401[0] : i32 from vector<1xi32>
      %add3A_403 = arith.addi %add3A_393, %squeeze3A_402 : i32
      %slice3A_404 = vector.extract_strided_slice %or3A_303 {offsets = [10], sizes = [1], strides = [1]} : vector<16xi32> to vector<1xi32>
      %squeeze3A_405 = vector.extract %slice3A_404[0] : i32 from vector<1xi32>
      %broadcast_in_dim3A_406 = vector.broadcast %squeeze3A_405 : i32 to vector<16xi32>
      %swap3A_407 = arith.index_cast %add3A_403 : i32 to index
      %swap3A_408 = tpu.vector_load %arg10[%swap3A_407] {strides = array<i32>} : memref<20496xi32, #tpu.memory_space<vmem>>, vector<16xi32>,
      %swap3A_409 = vector.shape_cast %swap3A_408 : vector<16xi32> to vector<16xi32>
      %swap3A_410 = vector.shape_cast %broadcast_in_dim3A_406 : vector<16xi32> to vector<16xi32>
      tpu.vector_store %arg10[%swap3A_407], %swap3A_410 {strides = array<i32>} : memref<20496xi32, #tpu.memory_space<vmem>>, vector<16xi32>,
      %slice3A_411 = vector.extract_strided_slice %select_n3A_297 {offsets = [10], sizes = [1], strides = [1]} : vector<16xi32> to vector<1xi32>
      %squeeze3A_412 = vector.extract %slice3A_411[0] : i32 from vector<1xi32>
      %add3A_413 = arith.addi %add3A_403, %squeeze3A_412 : i32
      %slice3A_414 = vector.extract_strided_slice %or3A_303 {offsets = [11], sizes = [1], strides = [1]} : vector<16xi32> to vector<1xi32>
      %squeeze3A_415 = vector.extract %slice3A_414[0] : i32 from vector<1xi32>
      %broadcast_in_dim3A_416 = vector.broadcast %squeeze3A_415 : i32 to vector<16xi32>
      %swap3A_417 = arith.index_cast %add3A_413 : i32 to index
      %swap3A_418 = tpu.vector_load %arg10[%swap3A_417] {strides = array<i32>} : memref<20496xi32, #tpu.memory_space<vmem>>, vector<16xi32>,
      %swap3A_419 = vector.shape_cast %swap3A_418 : vector<16xi32> to vector<16xi32>
      %swap3A_420 = vector.shape_cast %broadcast_in_dim3A_416 : vector<16xi32> to vector<16xi32>
      tpu.vector_store %arg10[%swap3A_417], %swap3A_420 {strides = array<i32>} : memref<20496xi32, #tpu.memory_space<vmem>>, vector<16xi32>,
      %slice3A_421 = vector.extract_strided_slice %select_n3A_297 {offsets = [11], sizes = [1], strides = [1]} : vector<16xi32> to vector<1xi32>
      %squeeze3A_422 = vector.extract %slice3A_421[0] : i32 from vector<1xi32>
      %add3A_423 = arith.addi %add3A_413, %squeeze3A_422 : i32
      %slice3A_424 = vector.extract_strided_slice %or3A_303 {offsets = [12], sizes = [1], strides = [1]} : vector<16xi32> to vector<1xi32>
      %squeeze3A_425 = vector.extract %slice3A_424[0] : i32 from vector<1xi32>
      %broadcast_in_dim3A_426 = vector.broadcast %squeeze3A_425 : i32 to vector<16xi32>
      %swap3A_427 = arith.index_cast %add3A_423 : i32 to index
      %swap3A_428 = tpu.vector_load %arg10[%swap3A_427] {strides = array<i32>} : memref<20496xi32, #tpu.memory_space<vmem>>, vector<16xi32>,
      %swap3A_429 = vector.shape_cast %swap3A_428 : vector<16xi32> to vector<16xi32>
      %swap3A_430 = vector.shape_cast %broadcast_in_dim3A_426 : vector<16xi32> to vector<16xi32>
      tpu.vector_store %arg10[%swap3A_427], %swap3A_430 {strides = array<i32>} : memref<20496xi32, #tpu.memory_space<vmem>>, vector<16xi32>,
      %slice3A_431 = vector.extract_strided_slice %select_n3A_297 {offsets = [12], sizes = [1], strides = [1]} : vector<16xi32> to vector<1xi32>
      %squeeze3A_432 = vector.extract %slice3A_431[0] : i32 from vector<1xi32>
      %add3A_433 = arith.addi %add3A_423, %squeeze3A_432 : i32
      %slice3A_434 = vector.extract_strided_slice %or3A_303 {offsets = [13], sizes = [1], strides = [1]} : vector<16xi32> to vector<1xi32>
      %squeeze3A_435 = vector.extract %slice3A_434[0] : i32 from vector<1xi32>
      %broadcast_in_dim3A_436 = vector.broadcast %squeeze3A_435 : i32 to vector<16xi32>
      %swap3A_437 = arith.index_cast %add3A_433 : i32 to index
      %swap3A_438 = tpu.vector_load %arg10[%swap3A_437] {strides = array<i32>} : memref<20496xi32, #tpu.memory_space<vmem>>, vector<16xi32>,
      %swap3A_439 = vector.shape_cast %swap3A_438 : vector<16xi32> to vector<16xi32>
      %swap3A_440 = vector.shape_cast %broadcast_in_dim3A_436 : vector<16xi32> to vector<16xi32>
      tpu.vector_store %arg10[%swap3A_437], %swap3A_440 {strides = array<i32>} : memref<20496xi32, #tpu.memory_space<vmem>>, vector<16xi32>,
      %slice3A_441 = vector.extract_strided_slice %select_n3A_297 {offsets = [13], sizes = [1], strides = [1]} : vector<16xi32> to vector<1xi32>
      %squeeze3A_442 = vector.extract %slice3A_441[0] : i32 from vector<1xi32>
      %add3A_443 = arith.addi %add3A_433, %squeeze3A_442 : i32
      %slice3A_444 = vector.extract_strided_slice %or3A_303 {offsets = [14], sizes = [1], strides = [1]} : vector<16xi32> to vector<1xi32>
      %squeeze3A_445 = vector.extract %slice3A_444[0] : i32 from vector<1xi32>
      %broadcast_in_dim3A_446 = vector.broadcast %squeeze3A_445 : i32 to vector<16xi32>
      %swap3A_447 = arith.index_cast %add3A_443 : i32 to index
      %swap3A_448 = tpu.vector_load %arg10[%swap3A_447] {strides = array<i32>} : memref<20496xi32, #tpu.memory_space<vmem>>, vector<16xi32>,
      %swap3A_449 = vector.shape_cast %swap3A_448 : vector<16xi32> to vector<16xi32>
      %swap3A_450 = vector.shape_cast %broadcast_in_dim3A_446 : vector<16xi32> to vector<16xi32>
      tpu.vector_store %arg10[%swap3A_447], %swap3A_450 {strides = array<i32>} : memref<20496xi32, #tpu.memory_space<vmem>>, vector<16xi32>,
      %slice3A_451 = vector.extract_strided_slice %select_n3A_297 {offsets = [14], sizes = [1], strides = [1]} : vector<16xi32> to vector<1xi32>
      %squeeze3A_452 = vector.extract %slice3A_451[0] : i32 from vector<1xi32>
      %add3A_453 = arith.addi %add3A_443, %squeeze3A_452 : i32
      %slice3A_454 = vector.extract_strided_slice %or3A_303 {offsets = [15], sizes = [1], strides = [1]} : vector<16xi32> to vector<1xi32>
      %squeeze3A_455 = vector.extract %slice3A_454[0] : i32 from vector<1xi32>
      %broadcast_in_dim3A_456 = vector.broadcast %squeeze3A_455 : i32 to vector<16xi32>
      %swap3A_457 = arith.index_cast %add3A_453 : i32 to index
      %swap3A_458 = tpu.vector_load %arg10[%swap3A_457] {strides = array<i32>} : memref<20496xi32, #tpu.memory_space<vmem>>, vector<16xi32>,
      %swap3A_459 = vector.shape_cast %swap3A_458 : vector<16xi32> to vector<16xi32>
      %swap3A_460 = vector.shape_cast %broadcast_in_dim3A_456 : vector<16xi32> to vector<16xi32>
      tpu.vector_store %arg10[%swap3A_457], %swap3A_460 {strides = array<i32>} : memref<20496xi32, #tpu.memory_space<vmem>>, vector<16xi32>,
      %slice3A_461 = vector.extract_strided_slice %select_n3A_297 {offsets = [15], sizes = [1], strides = [1]} : vector<16xi32> to vector<1xi32>
      %squeeze3A_462 = vector.extract %slice3A_461[0] : i32 from vector<1xi32>
      %add3A_463 = arith.addi %add3A_453, %squeeze3A_462 : i32
      %get3A_464 = arith.index_cast %scan3A_102 : i32 to index
      %get3A_465 = arith.constant 32 : index
      %get3A_466 = tpu.vector_load %arg8[%get3A_464, %get3A_465] {strides = array<i32>} : memref<160x128xi32, #tpu.memory_space<vmem>>, vector<1x16xi32>,
      %get3A_467 = vector.shape_cast %get3A_466 : vector<1x16xi32> to vector<16xi32>
      %get3A_468 = arith.index_cast %scan3A_102 : i32 to index
      %get3A_469 = arith.constant 32 : index
      %get3A_470 = tpu.vector_load %arg9[%get3A_468, %get3A_469] {strides = array<i32>} : memref<160x128xi32, #tpu.memory_space<vmem>>, vector<1x16xi32>,
      %get3A_471 = vector.shape_cast %get3A_470 : vector<1x16xi32> to vector<16xi32>
      %ge3A_472 = vector.broadcast %mul3A_0 : i32 to vector<16xi32>
      %ge3A_473 = arith.cmpi sge, %get3A_471, %ge3A_472 : vector<16xi32>
      %add3A_474 = arith.constant 5120 : i32
      %add3A_475 = arith.addi %mul3A_0, %add3A_474 : i32
      %lt3A_476 = vector.broadcast %add3A_475 : i32 to vector<16xi32>
      %lt3A_477 = arith.cmpi slt, %get3A_471, %lt3A_476 : vector<16xi32>
      %and3A_478 = arith.andi %ge3A_473, %lt3A_477 : vector<16xi1>
      %jit3A_479 = arith.constant 1 : i32
      %jit3A_480 = arith.constant 0 : i32
      %broadcast_in_dim3A_481 = vector.broadcast %jit3A_479 : i32 to vector<16xi32>
      %broadcast_in_dim3A_482 = vector.broadcast %jit3A_480 : i32 to vector<16xi32>
      %select_n3A_483 = arith.select %and3A_478, %broadcast_in_dim3A_481, %broadcast_in_dim3A_482 : vector<16xi1>, vector<16xi32>
      %sub3A_484 = vector.broadcast %mul3A_0 : i32 to vector<16xi32>
      %sub3A_485 = arith.subi %get3A_471, %sub3A_484 : vector<16xi32>
      %shift_left3A_486 = arith.constant 14 : i32
      %shift_left3A_487 = vector.broadcast %shift_left3A_486 : i32 to vector<16xi32>
      %shift_left3A_488 = arith.shli %sub3A_485, %shift_left3A_487 : vector<16xi32>
      %or3A_489 = arith.ori %get3A_467, %shift_left3A_488 : vector<16xi32>
      %slice3A_490 = vector.extract_strided_slice %or3A_489 {offsets = [0], sizes = [1], strides = [1]} : vector<16xi32> to vector<1xi32>
      %squeeze3A_491 = vector.extract %slice3A_490[0] : i32 from vector<1xi32>
      %broadcast_in_dim3A_492 = vector.broadcast %squeeze3A_491 : i32 to vector<16xi32>
      %swap3A_493 = arith.index_cast %add3A_463 : i32 to index
      %swap3A_494 = tpu.vector_load %arg10[%swap3A_493] {strides = array<i32>} : memref<20496xi32, #tpu.memory_space<vmem>>, vector<16xi32>,
      %swap3A_495 = vector.shape_cast %swap3A_494 : vector<16xi32> to vector<16xi32>
      %swap3A_496 = vector.shape_cast %broadcast_in_dim3A_492 : vector<16xi32> to vector<16xi32>
      tpu.vector_store %arg10[%swap3A_493], %swap3A_496 {strides = array<i32>} : memref<20496xi32, #tpu.memory_space<vmem>>, vector<16xi32>,
      %slice3A_497 = vector.extract_strided_slice %select_n3A_483 {offsets = [0], sizes = [1], strides = [1]} : vector<16xi32> to vector<1xi32>
      %squeeze3A_498 = vector.extract %slice3A_497[0] : i32 from vector<1xi32>
      %add3A_499 = arith.addi %add3A_463, %squeeze3A_498 : i32
      %slice3A_500 = vector.extract_strided_slice %or3A_489 {offsets = [1], sizes = [1], strides = [1]} : vector<16xi32> to vector<1xi32>
      %squeeze3A_501 = vector.extract %slice3A_500[0] : i32 from vector<1xi32>
      %broadcast_in_dim3A_502 = vector.broadcast %squeeze3A_501 : i32 to vector<16xi32>
      %swap3A_503 = arith.index_cast %add3A_499 : i32 to index
      %swap3A_504 = tpu.vector_load %arg10[%swap3A_503] {strides = array<i32>} : memref<20496xi32, #tpu.memory_space<vmem>>, vector<16xi32>,
      %swap3A_505 = vector.shape_cast %swap3A_504 : vector<16xi32> to vector<16xi32>
      %swap3A_506 = vector.shape_cast %broadcast_in_dim3A_502 : vector<16xi32> to vector<16xi32>
      tpu.vector_store %arg10[%swap3A_503], %swap3A_506 {strides = array<i32>} : memref<20496xi32, #tpu.memory_space<vmem>>, vector<16xi32>,
      %slice3A_507 = vector.extract_strided_slice %select_n3A_483 {offsets = [1], sizes = [1], strides = [1]} : vector<16xi32> to vector<1xi32>
      %squeeze3A_508 = vector.extract %slice3A_507[0] : i32 from vector<1xi32>
      %add3A_509 = arith.addi %add3A_499, %squeeze3A_508 : i32
      %slice3A_510 = vector.extract_strided_slice %or3A_489 {offsets = [2], sizes = [1], strides = [1]} : vector<16xi32> to vector<1xi32>
      %squeeze3A_511 = vector.extract %slice3A_510[0] : i32 from vector<1xi32>
      %broadcast_in_dim3A_512 = vector.broadcast %squeeze3A_511 : i32 to vector<16xi32>
      %swap3A_513 = arith.index_cast %add3A_509 : i32 to index
      %swap3A_514 = tpu.vector_load %arg10[%swap3A_513] {strides = array<i32>} : memref<20496xi32, #tpu.memory_space<vmem>>, vector<16xi32>,
      %swap3A_515 = vector.shape_cast %swap3A_514 : vector<16xi32> to vector<16xi32>
      %swap3A_516 = vector.shape_cast %broadcast_in_dim3A_512 : vector<16xi32> to vector<16xi32>
      tpu.vector_store %arg10[%swap3A_513], %swap3A_516 {strides = array<i32>} : memref<20496xi32, #tpu.memory_space<vmem>>, vector<16xi32>,
      %slice3A_517 = vector.extract_strided_slice %select_n3A_483 {offsets = [2], sizes = [1], strides = [1]} : vector<16xi32> to vector<1xi32>
      %squeeze3A_518 = vector.extract %slice3A_517[0] : i32 from vector<1xi32>
      %add3A_519 = arith.addi %add3A_509, %squeeze3A_518 : i32
      %slice3A_520 = vector.extract_strided_slice %or3A_489 {offsets = [3], sizes = [1], strides = [1]} : vector<16xi32> to vector<1xi32>
      %squeeze3A_521 = vector.extract %slice3A_520[0] : i32 from vector<1xi32>
      %broadcast_in_dim3A_522 = vector.broadcast %squeeze3A_521 : i32 to vector<16xi32>
      %swap3A_523 = arith.index_cast %add3A_519 : i32 to index
      %swap3A_524 = tpu.vector_load %arg10[%swap3A_523] {strides = array<i32>} : memref<20496xi32, #tpu.memory_space<vmem>>, vector<16xi32>,
      %swap3A_525 = vector.shape_cast %swap3A_524 : vector<16xi32> to vector<16xi32>
      %swap3A_526 = vector.shape_cast %broadcast_in_dim3A_522 : vector<16xi32> to vector<16xi32>
      tpu.vector_store %arg10[%swap3A_523], %swap3A_526 {strides = array<i32>} : memref<20496xi32, #tpu.memory_space<vmem>>, vector<16xi32>,
      %slice3A_527 = vector.extract_strided_slice %select_n3A_483 {offsets = [3], sizes = [1], strides = [1]} : vector<16xi32> to vector<1xi32>
      %squeeze3A_528 = vector.extract %slice3A_527[0] : i32 from vector<1xi32>
      %add3A_529 = arith.addi %add3A_519, %squeeze3A_528 : i32
      %slice3A_530 = vector.extract_strided_slice %or3A_489 {offsets = [4], sizes = [1], strides = [1]} : vector<16xi32> to vector<1xi32>
      %squeeze3A_531 = vector.extract %slice3A_530[0] : i32 from vector<1xi32>
      %broadcast_in_dim3A_532 = vector.broadcast %squeeze3A_531 : i32 to vector<16xi32>
      %swap3A_533 = arith.index_cast %add3A_529 : i32 to index
      %swap3A_534 = tpu.vector_load %arg10[%swap3A_533] {strides = array<i32>} : memref<20496xi32, #tpu.memory_space<vmem>>, vector<16xi32>,
      %swap3A_535 = vector.shape_cast %swap3A_534 : vector<16xi32> to vector<16xi32>
      %swap3A_536 = vector.shape_cast %broadcast_in_dim3A_532 : vector<16xi32> to vector<16xi32>
      tpu.vector_store %arg10[%swap3A_533], %swap3A_536 {strides = array<i32>} : memref<20496xi32, #tpu.memory_space<vmem>>, vector<16xi32>,
      %slice3A_537 = vector.extract_strided_slice %select_n3A_483 {offsets = [4], sizes = [1], strides = [1]} : vector<16xi32> to vector<1xi32>
      %squeeze3A_538 = vector.extract %slice3A_537[0] : i32 from vector<1xi32>
      %add3A_539 = arith.addi %add3A_529, %squeeze3A_538 : i32
      %slice3A_540 = vector.extract_strided_slice %or3A_489 {offsets = [5], sizes = [1], strides = [1]} : vector<16xi32> to vector<1xi32>
      %squeeze3A_541 = vector.extract %slice3A_540[0] : i32 from vector<1xi32>
      %broadcast_in_dim3A_542 = vector.broadcast %squeeze3A_541 : i32 to vector<16xi32>
      %swap3A_543 = arith.index_cast %add3A_539 : i32 to index
      %swap3A_544 = tpu.vector_load %arg10[%swap3A_543] {strides = array<i32>} : memref<20496xi32, #tpu.memory_space<vmem>>, vector<16xi32>,
      %swap3A_545 = vector.shape_cast %swap3A_544 : vector<16xi32> to vector<16xi32>
      %swap3A_546 = vector.shape_cast %broadcast_in_dim3A_542 : vector<16xi32> to vector<16xi32>
      tpu.vector_store %arg10[%swap3A_543], %swap3A_546 {strides = array<i32>} : memref<20496xi32, #tpu.memory_space<vmem>>, vector<16xi32>,
      %slice3A_547 = vector.extract_strided_slice %select_n3A_483 {offsets = [5], sizes = [1], strides = [1]} : vector<16xi32> to vector<1xi32>
      %squeeze3A_548 = vector.extract %slice3A_547[0] : i32 from vector<1xi32>
      %add3A_549 = arith.addi %add3A_539, %squeeze3A_548 : i32
      %slice3A_550 = vector.extract_strided_slice %or3A_489 {offsets = [6], sizes = [1], strides = [1]} : vector<16xi32> to vector<1xi32>
      %squeeze3A_551 = vector.extract %slice3A_550[0] : i32 from vector<1xi32>
      %broadcast_in_dim3A_552 = vector.broadcast %squeeze3A_551 : i32 to vector<16xi32>
      %swap3A_553 = arith.index_cast %add3A_549 : i32 to index
      %swap3A_554 = tpu.vector_load %arg10[%swap3A_553] {strides = array<i32>} : memref<20496xi32, #tpu.memory_space<vmem>>, vector<16xi32>,
      %swap3A_555 = vector.shape_cast %swap3A_554 : vector<16xi32> to vector<16xi32>
      %swap3A_556 = vector.shape_cast %broadcast_in_dim3A_552 : vector<16xi32> to vector<16xi32>
      tpu.vector_store %arg10[%swap3A_553], %swap3A_556 {strides = array<i32>} : memref<20496xi32, #tpu.memory_space<vmem>>, vector<16xi32>,
      %slice3A_557 = vector.extract_strided_slice %select_n3A_483 {offsets = [6], sizes = [1], strides = [1]} : vector<16xi32> to vector<1xi32>
      %squeeze3A_558 = vector.extract %slice3A_557[0] : i32 from vector<1xi32>
      %add3A_559 = arith.addi %add3A_549, %squeeze3A_558 : i32
      %slice3A_560 = vector.extract_strided_slice %or3A_489 {offsets = [7], sizes = [1], strides = [1]} : vector<16xi32> to vector<1xi32>
      %squeeze3A_561 = vector.extract %slice3A_560[0] : i32 from vector<1xi32>
      %broadcast_in_dim3A_562 = vector.broadcast %squeeze3A_561 : i32 to vector<16xi32>
      %swap3A_563 = arith.index_cast %add3A_559 : i32 to index
      %swap3A_564 = tpu.vector_load %arg10[%swap3A_563] {strides = array<i32>} : memref<20496xi32, #tpu.memory_space<vmem>>, vector<16xi32>,
      %swap3A_565 = vector.shape_cast %swap3A_564 : vector<16xi32> to vector<16xi32>
      %swap3A_566 = vector.shape_cast %broadcast_in_dim3A_562 : vector<16xi32> to vector<16xi32>
      tpu.vector_store %arg10[%swap3A_563], %swap3A_566 {strides = array<i32>} : memref<20496xi32, #tpu.memory_space<vmem>>, vector<16xi32>,
      %slice3A_567 = vector.extract_strided_slice %select_n3A_483 {offsets = [7], sizes = [1], strides = [1]} : vector<16xi32> to vector<1xi32>
      %squeeze3A_568 = vector.extract %slice3A_567[0] : i32 from vector<1xi32>
      %add3A_569 = arith.addi %add3A_559, %squeeze3A_568 : i32
      %slice3A_570 = vector.extract_strided_slice %or3A_489 {offsets = [8], sizes = [1], strides = [1]} : vector<16xi32> to vector<1xi32>
      %squeeze3A_571 = vector.extract %slice3A_570[0] : i32 from vector<1xi32>
      %broadcast_in_dim3A_572 = vector.broadcast %squeeze3A_571 : i32 to vector<16xi32>
      %swap3A_573 = arith.index_cast %add3A_569 : i32 to index
      %swap3A_574 = tpu.vector_load %arg10[%swap3A_573] {strides = array<i32>} : memref<20496xi32, #tpu.memory_space<vmem>>, vector<16xi32>,
      %swap3A_575 = vector.shape_cast %swap3A_574 : vector<16xi32> to vector<16xi32>
      %swap3A_576 = vector.shape_cast %broadcast_in_dim3A_572 : vector<16xi32> to vector<16xi32>
      tpu.vector_store %arg10[%swap3A_573], %swap3A_576 {strides = array<i32>} : memref<20496xi32, #tpu.memory_space<vmem>>, vector<16xi32>,
      %slice3A_577 = vector.extract_strided_slice %select_n3A_483 {offsets = [8], sizes = [1], strides = [1]} : vector<16xi32> to vector<1xi32>
      %squeeze3A_578 = vector.extract %slice3A_577[0] : i32 from vector<1xi32>
      %add3A_579 = arith.addi %add3A_569, %squeeze3A_578 : i32
      %slice3A_580 = vector.extract_strided_slice %or3A_489 {offsets = [9], sizes = [1], strides = [1]} : vector<16xi32> to vector<1xi32>
      %squeeze3A_581 = vector.extract %slice3A_580[0] : i32 from vector<1xi32>
      %broadcast_in_dim3A_582 = vector.broadcast %squeeze3A_581 : i32 to vector<16xi32>
      %swap3A_583 = arith.index_cast %add3A_579 : i32 to index
      %swap3A_584 = tpu.vector_load %arg10[%swap3A_583] {strides = array<i32>} : memref<20496xi32, #tpu.memory_space<vmem>>, vector<16xi32>,
      %swap3A_585 = vector.shape_cast %swap3A_584 : vector<16xi32> to vector<16xi32>
      %swap3A_586 = vector.shape_cast %broadcast_in_dim3A_582 : vector<16xi32> to vector<16xi32>
      tpu.vector_store %arg10[%swap3A_583], %swap3A_586 {strides = array<i32>} : memref<20496xi32, #tpu.memory_space<vmem>>, vector<16xi32>,
      %slice3A_587 = vector.extract_strided_slice %select_n3A_483 {offsets = [9], sizes = [1], strides = [1]} : vector<16xi32> to vector<1xi32>
      %squeeze3A_588 = vector.extract %slice3A_587[0] : i32 from vector<1xi32>
      %add3A_589 = arith.addi %add3A_579, %squeeze3A_588 : i32
      %slice3A_590 = vector.extract_strided_slice %or3A_489 {offsets = [10], sizes = [1], strides = [1]} : vector<16xi32> to vector<1xi32>
      %squeeze3A_591 = vector.extract %slice3A_590[0] : i32 from vector<1xi32>
      %broadcast_in_dim3A_592 = vector.broadcast %squeeze3A_591 : i32 to vector<16xi32>
      %swap3A_593 = arith.index_cast %add3A_589 : i32 to index
      %swap3A_594 = tpu.vector_load %arg10[%swap3A_593] {strides = array<i32>} : memref<20496xi32, #tpu.memory_space<vmem>>, vector<16xi32>,
      %swap3A_595 = vector.shape_cast %swap3A_594 : vector<16xi32> to vector<16xi32>
      %swap3A_596 = vector.shape_cast %broadcast_in_dim3A_592 : vector<16xi32> to vector<16xi32>
      tpu.vector_store %arg10[%swap3A_593], %swap3A_596 {strides = array<i32>} : memref<20496xi32, #tpu.memory_space<vmem>>, vector<16xi32>,
      %slice3A_597 = vector.extract_strided_slice %select_n3A_483 {offsets = [10], sizes = [1], strides = [1]} : vector<16xi32> to vector<1xi32>
      %squeeze3A_598 = vector.extract %slice3A_597[0] : i32 from vector<1xi32>
      %add3A_599 = arith.addi %add3A_589, %squeeze3A_598 : i32
      %slice3A_600 = vector.extract_strided_slice %or3A_489 {offsets = [11], sizes = [1], strides = [1]} : vector<16xi32> to vector<1xi32>
      %squeeze3A_601 = vector.extract %slice3A_600[0] : i32 from vector<1xi32>
      %broadcast_in_dim3A_602 = vector.broadcast %squeeze3A_601 : i32 to vector<16xi32>
      %swap3A_603 = arith.index_cast %add3A_599 : i32 to index
      %swap3A_604 = tpu.vector_load %arg10[%swap3A_603] {strides = array<i32>} : memref<20496xi32, #tpu.memory_space<vmem>>, vector<16xi32>,
      %swap3A_605 = vector.shape_cast %swap3A_604 : vector<16xi32> to vector<16xi32>
      %swap3A_606 = vector.shape_cast %broadcast_in_dim3A_602 : vector<16xi32> to vector<16xi32>
      tpu.vector_store %arg10[%swap3A_603], %swap3A_606 {strides = array<i32>} : memref<20496xi32, #tpu.memory_space<vmem>>, vector<16xi32>,
      %slice3A_607 = vector.extract_strided_slice %select_n3A_483 {offsets = [11], sizes = [1], strides = [1]} : vector<16xi32> to vector<1xi32>
      %squeeze3A_608 = vector.extract %slice3A_607[0] : i32 from vector<1xi32>
      %add3A_609 = arith.addi %add3A_599, %squeeze3A_608 : i32
      %slice3A_610 = vector.extract_strided_slice %or3A_489 {offsets = [12], sizes = [1], strides = [1]} : vector<16xi32> to vector<1xi32>
      %squeeze3A_611 = vector.extract %slice3A_610[0] : i32 from vector<1xi32>
      %broadcast_in_dim3A_612 = vector.broadcast %squeeze3A_611 : i32 to vector<16xi32>
      %swap3A_613 = arith.index_cast %add3A_609 : i32 to index
      %swap3A_614 = tpu.vector_load %arg10[%swap3A_613] {strides = array<i32>} : memref<20496xi32, #tpu.memory_space<vmem>>, vector<16xi32>,
      %swap3A_615 = vector.shape_cast %swap3A_614 : vector<16xi32> to vector<16xi32>
      %swap3A_616 = vector.shape_cast %broadcast_in_dim3A_612 : vector<16xi32> to vector<16xi32>
      tpu.vector_store %arg10[%swap3A_613], %swap3A_616 {strides = array<i32>} : memref<20496xi32, #tpu.memory_space<vmem>>, vector<16xi32>,
      %slice3A_617 = vector.extract_strided_slice %select_n3A_483 {offsets = [12], sizes = [1], strides = [1]} : vector<16xi32> to vector<1xi32>
      %squeeze3A_618 = vector.extract %slice3A_617[0] : i32 from vector<1xi32>
      %add3A_619 = arith.addi %add3A_609, %squeeze3A_618 : i32
      %slice3A_620 = vector.extract_strided_slice %or3A_489 {offsets = [13], sizes = [1], strides = [1]} : vector<16xi32> to vector<1xi32>
      %squeeze3A_621 = vector.extract %slice3A_620[0] : i32 from vector<1xi32>
      %broadcast_in_dim3A_622 = vector.broadcast %squeeze3A_621 : i32 to vector<16xi32>
      %swap3A_623 = arith.index_cast %add3A_619 : i32 to index
      %swap3A_624 = tpu.vector_load %arg10[%swap3A_623] {strides = array<i32>} : memref<20496xi32, #tpu.memory_space<vmem>>, vector<16xi32>,
      %swap3A_625 = vector.shape_cast %swap3A_624 : vector<16xi32> to vector<16xi32>
      %swap3A_626 = vector.shape_cast %broadcast_in_dim3A_622 : vector<16xi32> to vector<16xi32>
      tpu.vector_store %arg10[%swap3A_623], %swap3A_626 {strides = array<i32>} : memref<20496xi32, #tpu.memory_space<vmem>>, vector<16xi32>,
      %slice3A_627 = vector.extract_strided_slice %select_n3A_483 {offsets = [13], sizes = [1], strides = [1]} : vector<16xi32> to vector<1xi32>
      %squeeze3A_628 = vector.extract %slice3A_627[0] : i32 from vector<1xi32>
      %add3A_629 = arith.addi %add3A_619, %squeeze3A_628 : i32
      %slice3A_630 = vector.extract_strided_slice %or3A_489 {offsets = [14], sizes = [1], strides = [1]} : vector<16xi32> to vector<1xi32>
      %squeeze3A_631 = vector.extract %slice3A_630[0] : i32 from vector<1xi32>
      %broadcast_in_dim3A_632 = vector.broadcast %squeeze3A_631 : i32 to vector<16xi32>
      %swap3A_633 = arith.index_cast %add3A_629 : i32 to index
      %swap3A_634 = tpu.vector_load %arg10[%swap3A_633] {strides = array<i32>} : memref<20496xi32, #tpu.memory_space<vmem>>, vector<16xi32>,
      %swap3A_635 = vector.shape_cast %swap3A_634 : vector<16xi32> to vector<16xi32>
      %swap3A_636 = vector.shape_cast %broadcast_in_dim3A_632 : vector<16xi32> to vector<16xi32>
      tpu.vector_store %arg10[%swap3A_633], %swap3A_636 {strides = array<i32>} : memref<20496xi32, #tpu.memory_space<vmem>>, vector<16xi32>,
      %slice3A_637 = vector.extract_strided_slice %select_n3A_483 {offsets = [14], sizes = [1], strides = [1]} : vector<16xi32> to vector<1xi32>
      %squeeze3A_638 = vector.extract %slice3A_637[0] : i32 from vector<1xi32>
      %add3A_639 = arith.addi %add3A_629, %squeeze3A_638 : i32
      %slice3A_640 = vector.extract_strided_slice %or3A_489 {offsets = [15], sizes = [1], strides = [1]} : vector<16xi32> to vector<1xi32>
      %squeeze3A_641 = vector.extract %slice3A_640[0] : i32 from vector<1xi32>
      %broadcast_in_dim3A_642 = vector.broadcast %squeeze3A_641 : i32 to vector<16xi32>
      %swap3A_643 = arith.index_cast %add3A_639 : i32 to index
      %swap3A_644 = tpu.vector_load %arg10[%swap3A_643] {strides = array<i32>} : memref<20496xi32, #tpu.memory_space<vmem>>, vector<16xi32>,
      %swap3A_645 = vector.shape_cast %swap3A_644 : vector<16xi32> to vector<16xi32>
      %swap3A_646 = vector.shape_cast %broadcast_in_dim3A_642 : vector<16xi32> to vector<16xi32>
      tpu.vector_store %arg10[%swap3A_643], %swap3A_646 {strides = array<i32>} : memref<20496xi32, #tpu.memory_space<vmem>>, vector<16xi32>,
      %slice3A_647 = vector.extract_strided_slice %select_n3A_483 {offsets = [15], sizes = [1], strides = [1]} : vector<16xi32> to vector<1xi32>
      %squeeze3A_648 = vector.extract %slice3A_647[0] : i32 from vector<1xi32>
      %add3A_649 = arith.addi %add3A_639, %squeeze3A_648 : i32
      %get3A_650 = arith.index_cast %scan3A_102 : i32 to index
      %get3A_651 = arith.constant 48 : index
      %get3A_652 = tpu.vector_load %arg8[%get3A_650, %get3A_651] {strides = array<i32>} : memref<160x128xi32, #tpu.memory_space<vmem>>, vector<1x16xi32>,
      %get3A_653 = vector.shape_cast %get3A_652 : vector<1x16xi32> to vector<16xi32>
      %get3A_654 = arith.index_cast %scan3A_102 : i32 to index
      %get3A_655 = arith.constant 48 : index
      %get3A_656 = tpu.vector_load %arg9[%get3A_654, %get3A_655] {strides = array<i32>} : memref<160x128xi32, #tpu.memory_space<vmem>>, vector<1x16xi32>,
      %get3A_657 = vector.shape_cast %get3A_656 : vector<1x16xi32> to vector<16xi32>
      %ge3A_658 = vector.broadcast %mul3A_0 : i32 to vector<16xi32>
      %ge3A_659 = arith.cmpi sge, %get3A_657, %ge3A_658 : vector<16xi32>
      %add3A_660 = arith.constant 5120 : i32
      %add3A_661 = arith.addi %mul3A_0, %add3A_660 : i32
      %lt3A_662 = vector.broadcast %add3A_661 : i32 to vector<16xi32>
      %lt3A_663 = arith.cmpi slt, %get3A_657, %lt3A_662 : vector<16xi32>
      %and3A_664 = arith.andi %ge3A_659, %lt3A_663 : vector<16xi1>
      %jit3A_665 = arith.constant 1 : i32
      %jit3A_666 = arith.constant 0 : i32
      %broadcast_in_dim3A_667 = vector.broadcast %jit3A_665 : i32 to vector<16xi32>
      %broadcast_in_dim3A_668 = vector.broadcast %jit3A_666 : i32 to vector<16xi32>
      %select_n3A_669 = arith.select %and3A_664, %broadcast_in_dim3A_667, %broadcast_in_dim3A_668 : vector<16xi1>, vector<16xi32>
      %sub3A_670 = vector.broadcast %mul3A_0 : i32 to vector<16xi32>
      %sub3A_671 = arith.subi %get3A_657, %sub3A_670 : vector<16xi32>
      %shift_left3A_672 = arith.constant 14 : i32
      %shift_left3A_673 = vector.broadcast %shift_left3A_672 : i32 to vector<16xi32>
      %shift_left3A_674 = arith.shli %sub3A_671, %shift_left3A_673 : vector<16xi32>
      %or3A_675 = arith.ori %get3A_653, %shift_left3A_674 : vector<16xi32>
      %slice3A_676 = vector.extract_strided_slice %or3A_675 {offsets = [0], sizes = [1], strides = [1]} : vector<16xi32> to vector<1xi32>
      %squeeze3A_677 = vector.extract %slice3A_676[0] : i32 from vector<1xi32>
      %broadcast_in_dim3A_678 = vector.broadcast %squeeze3A_677 : i32 to vector<16xi32>
      %swap3A_679 = arith.index_cast %add3A_649 : i32 to index
      %swap3A_680 = tpu.vector_load %arg10[%swap3A_679] {strides = array<i32>} : memref<20496xi32, #tpu.memory_space<vmem>>, vector<16xi32>,
      %swap3A_681 = vector.shape_cast %swap3A_680 : vector<16xi32> to vector<16xi32>
      %swap3A_682 = vector.shape_cast %broadcast_in_dim3A_678 : vector<16xi32> to vector<16xi32>
      tpu.vector_store %arg10[%swap3A_679], %swap3A_682 {strides = array<i32>} : memref<20496xi32, #tpu.memory_space<vmem>>, vector<16xi32>,
      %slice3A_683 = vector.extract_strided_slice %select_n3A_669 {offsets = [0], sizes = [1], strides = [1]} : vector<16xi32> to vector<1xi32>
      %squeeze3A_684 = vector.extract %slice3A_683[0] : i32 from vector<1xi32>
      %add3A_685 = arith.addi %add3A_649, %squeeze3A_684 : i32
      %slice3A_686 = vector.extract_strided_slice %or3A_675 {offsets = [1], sizes = [1], strides = [1]} : vector<16xi32> to vector<1xi32>
      %squeeze3A_687 = vector.extract %slice3A_686[0] : i32 from vector<1xi32>
      %broadcast_in_dim3A_688 = vector.broadcast %squeeze3A_687 : i32 to vector<16xi32>
      %swap3A_689 = arith.index_cast %add3A_685 : i32 to index
      %swap3A_690 = tpu.vector_load %arg10[%swap3A_689] {strides = array<i32>} : memref<20496xi32, #tpu.memory_space<vmem>>, vector<16xi32>,
      %swap3A_691 = vector.shape_cast %swap3A_690 : vector<16xi32> to vector<16xi32>
      %swap3A_692 = vector.shape_cast %broadcast_in_dim3A_688 : vector<16xi32> to vector<16xi32>
      tpu.vector_store %arg10[%swap3A_689], %swap3A_692 {strides = array<i32>} : memref<20496xi32, #tpu.memory_space<vmem>>, vector<16xi32>,
      %slice3A_693 = vector.extract_strided_slice %select_n3A_669 {offsets = [1], sizes = [1], strides = [1]} : vector<16xi32> to vector<1xi32>
      %squeeze3A_694 = vector.extract %slice3A_693[0] : i32 from vector<1xi32>
      %add3A_695 = arith.addi %add3A_685, %squeeze3A_694 : i32
      %slice3A_696 = vector.extract_strided_slice %or3A_675 {offsets = [2], sizes = [1], strides = [1]} : vector<16xi32> to vector<1xi32>
      %squeeze3A_697 = vector.extract %slice3A_696[0] : i32 from vector<1xi32>
      %broadcast_in_dim3A_698 = vector.broadcast %squeeze3A_697 : i32 to vector<16xi32>
      %swap3A_699 = arith.index_cast %add3A_695 : i32 to index
      %swap3A_700 = tpu.vector_load %arg10[%swap3A_699] {strides = array<i32>} : memref<20496xi32, #tpu.memory_space<vmem>>, vector<16xi32>,
      %swap3A_701 = vector.shape_cast %swap3A_700 : vector<16xi32> to vector<16xi32>
      %swap3A_702 = vector.shape_cast %broadcast_in_dim3A_698 : vector<16xi32> to vector<16xi32>
      tpu.vector_store %arg10[%swap3A_699], %swap3A_702 {strides = array<i32>} : memref<20496xi32, #tpu.memory_space<vmem>>, vector<16xi32>,
      %slice3A_703 = vector.extract_strided_slice %select_n3A_669 {offsets = [2], sizes = [1], strides = [1]} : vector<16xi32> to vector<1xi32>
      %squeeze3A_704 = vector.extract %slice3A_703[0] : i32 from vector<1xi32>
      %add3A_705 = arith.addi %add3A_695, %squeeze3A_704 : i32
      %slice3A_706 = vector.extract_strided_slice %or3A_675 {offsets = [3], sizes = [1], strides = [1]} : vector<16xi32> to vector<1xi32>
      %squeeze3A_707 = vector.extract %slice3A_706[0] : i32 from vector<1xi32>
      %broadcast_in_dim3A_708 = vector.broadcast %squeeze3A_707 : i32 to vector<16xi32>
      %swap3A_709 = arith.index_cast %add3A_705 : i32 to index
      %swap3A_710 = tpu.vector_load %arg10[%swap3A_709] {strides = array<i32>} : memref<20496xi32, #tpu.memory_space<vmem>>, vector<16xi32>,
      %swap3A_711 = vector.shape_cast %swap3A_710 : vector<16xi32> to vector<16xi32>
      %swap3A_712 = vector.shape_cast %broadcast_in_dim3A_708 : vector<16xi32> to vector<16xi32>
      tpu.vector_store %arg10[%swap3A_709], %swap3A_712 {strides = array<i32>} : memref<20496xi32, #tpu.memory_space<vmem>>, vector<16xi32>,
      %slice3A_713 = vector.extract_strided_slice %select_n3A_669 {offsets = [3], sizes = [1], strides = [1]} : vector<16xi32> to vector<1xi32>
      %squeeze3A_714 = vector.extract %slice3A_713[0] : i32 from vector<1xi32>
      %add3A_715 = arith.addi %add3A_705, %squeeze3A_714 : i32
      %slice3A_716 = vector.extract_strided_slice %or3A_675 {offsets = [4], sizes = [1], strides = [1]} : vector<16xi32> to vector<1xi32>
      %squeeze3A_717 = vector.extract %slice3A_716[0] : i32 from vector<1xi32>
      %broadcast_in_dim3A_718 = vector.broadcast %squeeze3A_717 : i32 to vector<16xi32>
      %swap3A_719 = arith.index_cast %add3A_715 : i32 to index
      %swap3A_720 = tpu.vector_load %arg10[%swap3A_719] {strides = array<i32>} : memref<20496xi32, #tpu.memory_space<vmem>>, vector<16xi32>,
      %swap3A_721 = vector.shape_cast %swap3A_720 : vector<16xi32> to vector<16xi32>
      %swap3A_722 = vector.shape_cast %broadcast_in_dim3A_718 : vector<16xi32> to vector<16xi32>
      tpu.vector_store %arg10[%swap3A_719], %swap3A_722 {strides = array<i32>} : memref<20496xi32, #tpu.memory_space<vmem>>, vector<16xi32>,
      %slice3A_723 = vector.extract_strided_slice %select_n3A_669 {offsets = [4], sizes = [1], strides = [1]} : vector<16xi32> to vector<1xi32>
      %squeeze3A_724 = vector.extract %slice3A_723[0] : i32 from vector<1xi32>
      %add3A_725 = arith.addi %add3A_715, %squeeze3A_724 : i32
      %slice3A_726 = vector.extract_strided_slice %or3A_675 {offsets = [5], sizes = [1], strides = [1]} : vector<16xi32> to vector<1xi32>
      %squeeze3A_727 = vector.extract %slice3A_726[0] : i32 from vector<1xi32>
      %broadcast_in_dim3A_728 = vector.broadcast %squeeze3A_727 : i32 to vector<16xi32>
      %swap3A_729 = arith.index_cast %add3A_725 : i32 to index
      %swap3A_730 = tpu.vector_load %arg10[%swap3A_729] {strides = array<i32>} : memref<20496xi32, #tpu.memory_space<vmem>>, vector<16xi32>,
      %swap3A_731 = vector.shape_cast %swap3A_730 : vector<16xi32> to vector<16xi32>
      %swap3A_732 = vector.shape_cast %broadcast_in_dim3A_728 : vector<16xi32> to vector<16xi32>
      tpu.vector_store %arg10[%swap3A_729], %swap3A_732 {strides = array<i32>} : memref<20496xi32, #tpu.memory_space<vmem>>, vector<16xi32>,
      %slice3A_733 = vector.extract_strided_slice %select_n3A_669 {offsets = [5], sizes = [1], strides = [1]} : vector<16xi32> to vector<1xi32>
      %squeeze3A_734 = vector.extract %slice3A_733[0] : i32 from vector<1xi32>
      %add3A_735 = arith.addi %add3A_725, %squeeze3A_734 : i32
      %slice3A_736 = vector.extract_strided_slice %or3A_675 {offsets = [6], sizes = [1], strides = [1]} : vector<16xi32> to vector<1xi32>
      %squeeze3A_737 = vector.extract %slice3A_736[0] : i32 from vector<1xi32>
      %broadcast_in_dim3A_738 = vector.broadcast %squeeze3A_737 : i32 to vector<16xi32>
      %swap3A_739 = arith.index_cast %add3A_735 : i32 to index
      %swap3A_740 = tpu.vector_load %arg10[%swap3A_739] {strides = array<i32>} : memref<20496xi32, #tpu.memory_space<vmem>>, vector<16xi32>,
      %swap3A_741 = vector.shape_cast %swap3A_740 : vector<16xi32> to vector<16xi32>
      %swap3A_742 = vector.shape_cast %broadcast_in_dim3A_738 : vector<16xi32> to vector<16xi32>
      tpu.vector_store %arg10[%swap3A_739], %swap3A_742 {strides = array<i32>} : memref<20496xi32, #tpu.memory_space<vmem>>, vector<16xi32>,
      %slice3A_743 = vector.extract_strided_slice %select_n3A_669 {offsets = [6], sizes = [1], strides = [1]} : vector<16xi32> to vector<1xi32>
      %squeeze3A_744 = vector.extract %slice3A_743[0] : i32 from vector<1xi32>
      %add3A_745 = arith.addi %add3A_735, %squeeze3A_744 : i32
      %slice3A_746 = vector.extract_strided_slice %or3A_675 {offsets = [7], sizes = [1], strides = [1]} : vector<16xi32> to vector<1xi32>
      %squeeze3A_747 = vector.extract %slice3A_746[0] : i32 from vector<1xi32>
      %broadcast_in_dim3A_748 = vector.broadcast %squeeze3A_747 : i32 to vector<16xi32>
      %swap3A_749 = arith.index_cast %add3A_745 : i32 to index
      %swap3A_750 = tpu.vector_load %arg10[%swap3A_749] {strides = array<i32>} : memref<20496xi32, #tpu.memory_space<vmem>>, vector<16xi32>,
      %swap3A_751 = vector.shape_cast %swap3A_750 : vector<16xi32> to vector<16xi32>
      %swap3A_752 = vector.shape_cast %broadcast_in_dim3A_748 : vector<16xi32> to vector<16xi32>
      tpu.vector_store %arg10[%swap3A_749], %swap3A_752 {strides = array<i32>} : memref<20496xi32, #tpu.memory_space<vmem>>, vector<16xi32>,
      %slice3A_753 = vector.extract_strided_slice %select_n3A_669 {offsets = [7], sizes = [1], strides = [1]} : vector<16xi32> to vector<1xi32>
      %squeeze3A_754 = vector.extract %slice3A_753[0] : i32 from vector<1xi32>
      %add3A_755 = arith.addi %add3A_745, %squeeze3A_754 : i32
      %slice3A_756 = vector.extract_strided_slice %or3A_675 {offsets = [8], sizes = [1], strides = [1]} : vector<16xi32> to vector<1xi32>
      %squeeze3A_757 = vector.extract %slice3A_756[0] : i32 from vector<1xi32>
      %broadcast_in_dim3A_758 = vector.broadcast %squeeze3A_757 : i32 to vector<16xi32>
      %swap3A_759 = arith.index_cast %add3A_755 : i32 to index
      %swap3A_760 = tpu.vector_load %arg10[%swap3A_759] {strides = array<i32>} : memref<20496xi32, #tpu.memory_space<vmem>>, vector<16xi32>,
      %swap3A_761 = vector.shape_cast %swap3A_760 : vector<16xi32> to vector<16xi32>
      %swap3A_762 = vector.shape_cast %broadcast_in_dim3A_758 : vector<16xi32> to vector<16xi32>
      tpu.vector_store %arg10[%swap3A_759], %swap3A_762 {strides = array<i32>} : memref<20496xi32, #tpu.memory_space<vmem>>, vector<16xi32>,
      %slice3A_763 = vector.extract_strided_slice %select_n3A_669 {offsets = [8], sizes = [1], strides = [1]} : vector<16xi32> to vector<1xi32>
      %squeeze3A_764 = vector.extract %slice3A_763[0] : i32 from vector<1xi32>
      %add3A_765 = arith.addi %add3A_755, %squeeze3A_764 : i32
      %slice3A_766 = vector.extract_strided_slice %or3A_675 {offsets = [9], sizes = [1], strides = [1]} : vector<16xi32> to vector<1xi32>
      %squeeze3A_767 = vector.extract %slice3A_766[0] : i32 from vector<1xi32>
      %broadcast_in_dim3A_768 = vector.broadcast %squeeze3A_767 : i32 to vector<16xi32>
      %swap3A_769 = arith.index_cast %add3A_765 : i32 to index
      %swap3A_770 = tpu.vector_load %arg10[%swap3A_769] {strides = array<i32>} : memref<20496xi32, #tpu.memory_space<vmem>>, vector<16xi32>,
      %swap3A_771 = vector.shape_cast %swap3A_770 : vector<16xi32> to vector<16xi32>
      %swap3A_772 = vector.shape_cast %broadcast_in_dim3A_768 : vector<16xi32> to vector<16xi32>
      tpu.vector_store %arg10[%swap3A_769], %swap3A_772 {strides = array<i32>} : memref<20496xi32, #tpu.memory_space<vmem>>, vector<16xi32>,
      %slice3A_773 = vector.extract_strided_slice %select_n3A_669 {offsets = [9], sizes = [1], strides = [1]} : vector<16xi32> to vector<1xi32>
      %squeeze3A_774 = vector.extract %slice3A_773[0] : i32 from vector<1xi32>
      %add3A_775 = arith.addi %add3A_765, %squeeze3A_774 : i32
      %slice3A_776 = vector.extract_strided_slice %or3A_675 {offsets = [10], sizes = [1], strides = [1]} : vector<16xi32> to vector<1xi32>
      %squeeze3A_777 = vector.extract %slice3A_776[0] : i32 from vector<1xi32>
      %broadcast_in_dim3A_778 = vector.broadcast %squeeze3A_777 : i32 to vector<16xi32>
      %swap3A_779 = arith.index_cast %add3A_775 : i32 to index
      %swap3A_780 = tpu.vector_load %arg10[%swap3A_779] {strides = array<i32>} : memref<20496xi32, #tpu.memory_space<vmem>>, vector<16xi32>,
      %swap3A_781 = vector.shape_cast %swap3A_780 : vector<16xi32> to vector<16xi32>
      %swap3A_782 = vector.shape_cast %broadcast_in_dim3A_778 : vector<16xi32> to vector<16xi32>
      tpu.vector_store %arg10[%swap3A_779], %swap3A_782 {strides = array<i32>} : memref<20496xi32, #tpu.memory_space<vmem>>, vector<16xi32>,
      %slice3A_783 = vector.extract_strided_slice %select_n3A_669 {offsets = [10], sizes = [1], strides = [1]} : vector<16xi32> to vector<1xi32>
      %squeeze3A_784 = vector.extract %slice3A_783[0] : i32 from vector<1xi32>
      %add3A_785 = arith.addi %add3A_775, %squeeze3A_784 : i32
      %slice3A_786 = vector.extract_strided_slice %or3A_675 {offsets = [11], sizes = [1], strides = [1]} : vector<16xi32> to vector<1xi32>
      %squeeze3A_787 = vector.extract %slice3A_786[0] : i32 from vector<1xi32>
      %broadcast_in_dim3A_788 = vector.broadcast %squeeze3A_787 : i32 to vector<16xi32>
      %swap3A_789 = arith.index_cast %add3A_785 : i32 to index
      %swap3A_790 = tpu.vector_load %arg10[%swap3A_789] {strides = array<i32>} : memref<20496xi32, #tpu.memory_space<vmem>>, vector<16xi32>,
      %swap3A_791 = vector.shape_cast %swap3A_790 : vector<16xi32> to vector<16xi32>
      %swap3A_792 = vector.shape_cast %broadcast_in_dim3A_788 : vector<16xi32> to vector<16xi32>
      tpu.vector_store %arg10[%swap3A_789], %swap3A_792 {strides = array<i32>} : memref<20496xi32, #tpu.memory_space<vmem>>, vector<16xi32>,
      %slice3A_793 = vector.extract_strided_slice %select_n3A_669 {offsets = [11], sizes = [1], strides = [1]} : vector<16xi32> to vector<1xi32>
      %squeeze3A_794 = vector.extract %slice3A_793[0] : i32 from vector<1xi32>
      %add3A_795 = arith.addi %add3A_785, %squeeze3A_794 : i32
      %slice3A_796 = vector.extract_strided_slice %or3A_675 {offsets = [12], sizes = [1], strides = [1]} : vector<16xi32> to vector<1xi32>
      %squeeze3A_797 = vector.extract %slice3A_796[0] : i32 from vector<1xi32>
      %broadcast_in_dim3A_798 = vector.broadcast %squeeze3A_797 : i32 to vector<16xi32>
      %swap3A_799 = arith.index_cast %add3A_795 : i32 to index
      %swap3A_800 = tpu.vector_load %arg10[%swap3A_799] {strides = array<i32>} : memref<20496xi32, #tpu.memory_space<vmem>>, vector<16xi32>,
      %swap3A_801 = vector.shape_cast %swap3A_800 : vector<16xi32> to vector<16xi32>
      %swap3A_802 = vector.shape_cast %broadcast_in_dim3A_798 : vector<16xi32> to vector<16xi32>
      tpu.vector_store %arg10[%swap3A_799], %swap3A_802 {strides = array<i32>} : memref<20496xi32, #tpu.memory_space<vmem>>, vector<16xi32>,
      %slice3A_803 = vector.extract_strided_slice %select_n3A_669 {offsets = [12], sizes = [1], strides = [1]} : vector<16xi32> to vector<1xi32>
      %squeeze3A_804 = vector.extract %slice3A_803[0] : i32 from vector<1xi32>
      %add3A_805 = arith.addi %add3A_795, %squeeze3A_804 : i32
      %slice3A_806 = vector.extract_strided_slice %or3A_675 {offsets = [13], sizes = [1], strides = [1]} : vector<16xi32> to vector<1xi32>
      %squeeze3A_807 = vector.extract %slice3A_806[0] : i32 from vector<1xi32>
      %broadcast_in_dim3A_808 = vector.broadcast %squeeze3A_807 : i32 to vector<16xi32>
      %swap3A_809 = arith.index_cast %add3A_805 : i32 to index
      %swap3A_810 = tpu.vector_load %arg10[%swap3A_809] {strides = array<i32>} : memref<20496xi32, #tpu.memory_space<vmem>>, vector<16xi32>,
      %swap3A_811 = vector.shape_cast %swap3A_810 : vector<16xi32> to vector<16xi32>
      %swap3A_812 = vector.shape_cast %broadcast_in_dim3A_808 : vector<16xi32> to vector<16xi32>
      tpu.vector_store %arg10[%swap3A_809], %swap3A_812 {strides = array<i32>} : memref<20496xi32, #tpu.memory_space<vmem>>, vector<16xi32>,
      %slice3A_813 = vector.extract_strided_slice %select_n3A_669 {offsets = [13], sizes = [1], strides = [1]} : vector<16xi32> to vector<1xi32>
      %squeeze3A_814 = vector.extract %slice3A_813[0] : i32 from vector<1xi32>
      %add3A_815 = arith.addi %add3A_805, %squeeze3A_814 : i32
      %slice3A_816 = vector.extract_strided_slice %or3A_675 {offsets = [14], sizes = [1], strides = [1]} : vector<16xi32> to vector<1xi32>
      %squeeze3A_817 = vector.extract %slice3A_816[0] : i32 from vector<1xi32>
      %broadcast_in_dim3A_818 = vector.broadcast %squeeze3A_817 : i32 to vector<16xi32>
      %swap3A_819 = arith.index_cast %add3A_815 : i32 to index
      %swap3A_820 = tpu.vector_load %arg10[%swap3A_819] {strides = array<i32>} : memref<20496xi32, #tpu.memory_space<vmem>>, vector<16xi32>,
      %swap3A_821 = vector.shape_cast %swap3A_820 : vector<16xi32> to vector<16xi32>
      %swap3A_822 = vector.shape_cast %broadcast_in_dim3A_818 : vector<16xi32> to vector<16xi32>
      tpu.vector_store %arg10[%swap3A_819], %swap3A_822 {strides = array<i32>} : memref<20496xi32, #tpu.memory_space<vmem>>, vector<16xi32>,
      %slice3A_823 = vector.extract_strided_slice %select_n3A_669 {offsets = [14], sizes = [1], strides = [1]} : vector<16xi32> to vector<1xi32>
      %squeeze3A_824 = vector.extract %slice3A_823[0] : i32 from vector<1xi32>
      %add3A_825 = arith.addi %add3A_815, %squeeze3A_824 : i32
      %slice3A_826 = vector.extract_strided_slice %or3A_675 {offsets = [15], sizes = [1], strides = [1]} : vector<16xi32> to vector<1xi32>
      %squeeze3A_827 = vector.extract %slice3A_826[0] : i32 from vector<1xi32>
      %broadcast_in_dim3A_828 = vector.broadcast %squeeze3A_827 : i32 to vector<16xi32>
      %swap3A_829 = arith.index_cast %add3A_825 : i32 to index
      %swap3A_830 = tpu.vector_load %arg10[%swap3A_829] {strides = array<i32>} : memref<20496xi32, #tpu.memory_space<vmem>>, vector<16xi32>,
      %swap3A_831 = vector.shape_cast %swap3A_830 : vector<16xi32> to vector<16xi32>
      %swap3A_832 = vector.shape_cast %broadcast_in_dim3A_828 : vector<16xi32> to vector<16xi32>
      tpu.vector_store %arg10[%swap3A_829], %swap3A_832 {strides = array<i32>} : memref<20496xi32, #tpu.memory_space<vmem>>, vector<16xi32>,
      %slice3A_833 = vector.extract_strided_slice %select_n3A_669 {offsets = [15], sizes = [1], strides = [1]} : vector<16xi32> to vector<1xi32>
      %squeeze3A_834 = vector.extract %slice3A_833[0] : i32 from vector<1xi32>
      %add3A_835 = arith.addi %add3A_825, %squeeze3A_834 : i32
      %get3A_836 = arith.index_cast %scan3A_102 : i32 to index
      %get3A_837 = arith.constant 64 : index
      %get3A_838 = tpu.vector_load %arg8[%get3A_836, %get3A_837] {strides = array<i32>} : memref<160x128xi32, #tpu.memory_space<vmem>>, vector<1x16xi32>,
      %get3A_839 = vector.shape_cast %get3A_838 : vector<1x16xi32> to vector<16xi32>
      %get3A_840 = arith.index_cast %scan3A_102 : i32 to index
      %get3A_841 = arith.constant 64 : index
      %get3A_842 = tpu.vector_load %arg9[%get3A_840, %get3A_841] {strides = array<i32>} : memref<160x128xi32, #tpu.memory_space<vmem>>, vector<1x16xi32>,
      %get3A_843 = vector.shape_cast %get3A_842 : vector<1x16xi32> to vector<16xi32>
      %ge3A_844 = vector.broadcast %mul3A_0 : i32 to vector<16xi32>
      %ge3A_845 = arith.cmpi sge, %get3A_843, %ge3A_844 : vector<16xi32>
      %add3A_846 = arith.constant 5120 : i32
      %add3A_847 = arith.addi %mul3A_0, %add3A_846 : i32
      %lt3A_848 = vector.broadcast %add3A_847 : i32 to vector<16xi32>
      %lt3A_849 = arith.cmpi slt, %get3A_843, %lt3A_848 : vector<16xi32>
      %and3A_850 = arith.andi %ge3A_845, %lt3A_849 : vector<16xi1>
      %jit3A_851 = arith.constant 1 : i32
      %jit3A_852 = arith.constant 0 : i32
      %broadcast_in_dim3A_853 = vector.broadcast %jit3A_851 : i32 to vector<16xi32>
      %broadcast_in_dim3A_854 = vector.broadcast %jit3A_852 : i32 to vector<16xi32>
      %select_n3A_855 = arith.select %and3A_850, %broadcast_in_dim3A_853, %broadcast_in_dim3A_854 : vector<16xi1>, vector<16xi32>
      %sub3A_856 = vector.broadcast %mul3A_0 : i32 to vector<16xi32>
      %sub3A_857 = arith.subi %get3A_843, %sub3A_856 : vector<16xi32>
      %shift_left3A_858 = arith.constant 14 : i32
      %shift_left3A_859 = vector.broadcast %shift_left3A_858 : i32 to vector<16xi32>
      %shift_left3A_860 = arith.shli %sub3A_857, %shift_left3A_859 : vector<16xi32>
      %or3A_861 = arith.ori %get3A_839, %shift_left3A_860 : vector<16xi32>
      %slice3A_862 = vector.extract_strided_slice %or3A_861 {offsets = [0], sizes = [1], strides = [1]} : vector<16xi32> to vector<1xi32>
      %squeeze3A_863 = vector.extract %slice3A_862[0] : i32 from vector<1xi32>
      %broadcast_in_dim3A_864 = vector.broadcast %squeeze3A_863 : i32 to vector<16xi32>
      %swap3A_865 = arith.index_cast %add3A_835 : i32 to index
      %swap3A_866 = tpu.vector_load %arg10[%swap3A_865] {strides = array<i32>} : memref<20496xi32, #tpu.memory_space<vmem>>, vector<16xi32>,
      %swap3A_867 = vector.shape_cast %swap3A_866 : vector<16xi32> to vector<16xi32>
      %swap3A_868 = vector.shape_cast %broadcast_in_dim3A_864 : vector<16xi32> to vector<16xi32>
      tpu.vector_store %arg10[%swap3A_865], %swap3A_868 {strides = array<i32>} : memref<20496xi32, #tpu.memory_space<vmem>>, vector<16xi32>,
      %slice3A_869 = vector.extract_strided_slice %select_n3A_855 {offsets = [0], sizes = [1], strides = [1]} : vector<16xi32> to vector<1xi32>
      %squeeze3A_870 = vector.extract %slice3A_869[0] : i32 from vector<1xi32>
      %add3A_871 = arith.addi %add3A_835, %squeeze3A_870 : i32
      %slice3A_872 = vector.extract_strided_slice %or3A_861 {offsets = [1], sizes = [1], strides = [1]} : vector<16xi32> to vector<1xi32>
      %squeeze3A_873 = vector.extract %slice3A_872[0] : i32 from vector<1xi32>
      %broadcast_in_dim3A_874 = vector.broadcast %squeeze3A_873 : i32 to vector<16xi32>
      %swap3A_875 = arith.index_cast %add3A_871 : i32 to index
      %swap3A_876 = tpu.vector_load %arg10[%swap3A_875] {strides = array<i32>} : memref<20496xi32, #tpu.memory_space<vmem>>, vector<16xi32>,
      %swap3A_877 = vector.shape_cast %swap3A_876 : vector<16xi32> to vector<16xi32>
      %swap3A_878 = vector.shape_cast %broadcast_in_dim3A_874 : vector<16xi32> to vector<16xi32>
      tpu.vector_store %arg10[%swap3A_875], %swap3A_878 {strides = array<i32>} : memref<20496xi32, #tpu.memory_space<vmem>>, vector<16xi32>,
      %slice3A_879 = vector.extract_strided_slice %select_n3A_855 {offsets = [1], sizes = [1], strides = [1]} : vector<16xi32> to vector<1xi32>
      %squeeze3A_880 = vector.extract %slice3A_879[0] : i32 from vector<1xi32>
      %add3A_881 = arith.addi %add3A_871, %squeeze3A_880 : i32
      %slice3A_882 = vector.extract_strided_slice %or3A_861 {offsets = [2], sizes = [1], strides = [1]} : vector<16xi32> to vector<1xi32>
      %squeeze3A_883 = vector.extract %slice3A_882[0] : i32 from vector<1xi32>
      %broadcast_in_dim3A_884 = vector.broadcast %squeeze3A_883 : i32 to vector<16xi32>
      %swap3A_885 = arith.index_cast %add3A_881 : i32 to index
      %swap3A_886 = tpu.vector_load %arg10[%swap3A_885] {strides = array<i32>} : memref<20496xi32, #tpu.memory_space<vmem>>, vector<16xi32>,
      %swap3A_887 = vector.shape_cast %swap3A_886 : vector<16xi32> to vector<16xi32>
      %swap3A_888 = vector.shape_cast %broadcast_in_dim3A_884 : vector<16xi32> to vector<16xi32>
      tpu.vector_store %arg10[%swap3A_885], %swap3A_888 {strides = array<i32>} : memref<20496xi32, #tpu.memory_space<vmem>>, vector<16xi32>,
      %slice3A_889 = vector.extract_strided_slice %select_n3A_855 {offsets = [2], sizes = [1], strides = [1]} : vector<16xi32> to vector<1xi32>
      %squeeze3A_890 = vector.extract %slice3A_889[0] : i32 from vector<1xi32>
      %add3A_891 = arith.addi %add3A_881, %squeeze3A_890 : i32
      %slice3A_892 = vector.extract_strided_slice %or3A_861 {offsets = [3], sizes = [1], strides = [1]} : vector<16xi32> to vector<1xi32>
      %squeeze3A_893 = vector.extract %slice3A_892[0] : i32 from vector<1xi32>
      %broadcast_in_dim3A_894 = vector.broadcast %squeeze3A_893 : i32 to vector<16xi32>
      %swap3A_895 = arith.index_cast %add3A_891 : i32 to index
      %swap3A_896 = tpu.vector_load %arg10[%swap3A_895] {strides = array<i32>} : memref<20496xi32, #tpu.memory_space<vmem>>, vector<16xi32>,
      %swap3A_897 = vector.shape_cast %swap3A_896 : vector<16xi32> to vector<16xi32>
      %swap3A_898 = vector.shape_cast %broadcast_in_dim3A_894 : vector<16xi32> to vector<16xi32>
      tpu.vector_store %arg10[%swap3A_895], %swap3A_898 {strides = array<i32>} : memref<20496xi32, #tpu.memory_space<vmem>>, vector<16xi32>,
      %slice3A_899 = vector.extract_strided_slice %select_n3A_855 {offsets = [3], sizes = [1], strides = [1]} : vector<16xi32> to vector<1xi32>
      %squeeze3A_900 = vector.extract %slice3A_899[0] : i32 from vector<1xi32>
      %add3A_901 = arith.addi %add3A_891, %squeeze3A_900 : i32
      %slice3A_902 = vector.extract_strided_slice %or3A_861 {offsets = [4], sizes = [1], strides = [1]} : vector<16xi32> to vector<1xi32>
      %squeeze3A_903 = vector.extract %slice3A_902[0] : i32 from vector<1xi32>
      %broadcast_in_dim3A_904 = vector.broadcast %squeeze3A_903 : i32 to vector<16xi32>
      %swap3A_905 = arith.index_cast %add3A_901 : i32 to index
      %swap3A_906 = tpu.vector_load %arg10[%swap3A_905] {strides = array<i32>} : memref<20496xi32, #tpu.memory_space<vmem>>, vector<16xi32>,
      %swap3A_907 = vector.shape_cast %swap3A_906 : vector<16xi32> to vector<16xi32>
      %swap3A_908 = vector.shape_cast %broadcast_in_dim3A_904 : vector<16xi32> to vector<16xi32>
      tpu.vector_store %arg10[%swap3A_905], %swap3A_908 {strides = array<i32>} : memref<20496xi32, #tpu.memory_space<vmem>>, vector<16xi32>,
      %slice3A_909 = vector.extract_strided_slice %select_n3A_855 {offsets = [4], sizes = [1], strides = [1]} : vector<16xi32> to vector<1xi32>
      %squeeze3A_910 = vector.extract %slice3A_909[0] : i32 from vector<1xi32>
      %add3A_911 = arith.addi %add3A_901, %squeeze3A_910 : i32
      %slice3A_912 = vector.extract_strided_slice %or3A_861 {offsets = [5], sizes = [1], strides = [1]} : vector<16xi32> to vector<1xi32>
      %squeeze3A_913 = vector.extract %slice3A_912[0] : i32 from vector<1xi32>
      %broadcast_in_dim3A_914 = vector.broadcast %squeeze3A_913 : i32 to vector<16xi32>
      %swap3A_915 = arith.index_cast %add3A_911 : i32 to index
      %swap3A_916 = tpu.vector_load %arg10[%swap3A_915] {strides = array<i32>} : memref<20496xi32, #tpu.memory_space<vmem>>, vector<16xi32>,
      %swap3A_917 = vector.shape_cast %swap3A_916 : vector<16xi32> to vector<16xi32>
      %swap3A_918 = vector.shape_cast %broadcast_in_dim3A_914 : vector<16xi32> to vector<16xi32>
      tpu.vector_store %arg10[%swap3A_915], %swap3A_918 {strides = array<i32>} : memref<20496xi32, #tpu.memory_space<vmem>>, vector<16xi32>,
      %slice3A_919 = vector.extract_strided_slice %select_n3A_855 {offsets = [5], sizes = [1], strides = [1]} : vector<16xi32> to vector<1xi32>
      %squeeze3A_920 = vector.extract %slice3A_919[0] : i32 from vector<1xi32>
      %add3A_921 = arith.addi %add3A_911, %squeeze3A_920 : i32
      %slice3A_922 = vector.extract_strided_slice %or3A_861 {offsets = [6], sizes = [1], strides = [1]} : vector<16xi32> to vector<1xi32>
      %squeeze3A_923 = vector.extract %slice3A_922[0] : i32 from vector<1xi32>
      %broadcast_in_dim3A_924 = vector.broadcast %squeeze3A_923 : i32 to vector<16xi32>
      %swap3A_925 = arith.index_cast %add3A_921 : i32 to index
      %swap3A_926 = tpu.vector_load %arg10[%swap3A_925] {strides = array<i32>} : memref<20496xi32, #tpu.memory_space<vmem>>, vector<16xi32>,
      %swap3A_927 = vector.shape_cast %swap3A_926 : vector<16xi32> to vector<16xi32>
      %swap3A_928 = vector.shape_cast %broadcast_in_dim3A_924 : vector<16xi32> to vector<16xi32>
      tpu.vector_store %arg10[%swap3A_925], %swap3A_928 {strides = array<i32>} : memref<20496xi32, #tpu.memory_space<vmem>>, vector<16xi32>,
      %slice3A_929 = vector.extract_strided_slice %select_n3A_855 {offsets = [6], sizes = [1], strides = [1]} : vector<16xi32> to vector<1xi32>
      %squeeze3A_930 = vector.extract %slice3A_929[0] : i32 from vector<1xi32>
      %add3A_931 = arith.addi %add3A_921, %squeeze3A_930 : i32
      %slice3A_932 = vector.extract_strided_slice %or3A_861 {offsets = [7], sizes = [1], strides = [1]} : vector<16xi32> to vector<1xi32>
      %squeeze3A_933 = vector.extract %slice3A_932[0] : i32 from vector<1xi32>
      %broadcast_in_dim3A_934 = vector.broadcast %squeeze3A_933 : i32 to vector<16xi32>
      %swap3A_935 = arith.index_cast %add3A_931 : i32 to index
      %swap3A_936 = tpu.vector_load %arg10[%swap3A_935] {strides = array<i32>} : memref<20496xi32, #tpu.memory_space<vmem>>, vector<16xi32>,
      %swap3A_937 = vector.shape_cast %swap3A_936 : vector<16xi32> to vector<16xi32>
      %swap3A_938 = vector.shape_cast %broadcast_in_dim3A_934 : vector<16xi32> to vector<16xi32>
      tpu.vector_store %arg10[%swap3A_935], %swap3A_938 {strides = array<i32>} : memref<20496xi32, #tpu.memory_space<vmem>>, vector<16xi32>,
      %slice3A_939 = vector.extract_strided_slice %select_n3A_855 {offsets = [7], sizes = [1], strides = [1]} : vector<16xi32> to vector<1xi32>
      %squeeze3A_940 = vector.extract %slice3A_939[0] : i32 from vector<1xi32>
      %add3A_941 = arith.addi %add3A_931, %squeeze3A_940 : i32
      %slice3A_942 = vector.extract_strided_slice %or3A_861 {offsets = [8], sizes = [1], strides = [1]} : vector<16xi32> to vector<1xi32>
      %squeeze3A_943 = vector.extract %slice3A_942[0] : i32 from vector<1xi32>
      %broadcast_in_dim3A_944 = vector.broadcast %squeeze3A_943 : i32 to vector<16xi32>
      %swap3A_945 = arith.index_cast %add3A_941 : i32 to index
      %swap3A_946 = tpu.vector_load %arg10[%swap3A_945] {strides = array<i32>} : memref<20496xi32, #tpu.memory_space<vmem>>, vector<16xi32>,
      %swap3A_947 = vector.shape_cast %swap3A_946 : vector<16xi32> to vector<16xi32>
      %swap3A_948 = vector.shape_cast %broadcast_in_dim3A_944 : vector<16xi32> to vector<16xi32>
      tpu.vector_store %arg10[%swap3A_945], %swap3A_948 {strides = array<i32>} : memref<20496xi32, #tpu.memory_space<vmem>>, vector<16xi32>,
      %slice3A_949 = vector.extract_strided_slice %select_n3A_855 {offsets = [8], sizes = [1], strides = [1]} : vector<16xi32> to vector<1xi32>
      %squeeze3A_950 = vector.extract %slice3A_949[0] : i32 from vector<1xi32>
      %add3A_951 = arith.addi %add3A_941, %squeeze3A_950 : i32
      %slice3A_952 = vector.extract_strided_slice %or3A_861 {offsets = [9], sizes = [1], strides = [1]} : vector<16xi32> to vector<1xi32>
      %squeeze3A_953 = vector.extract %slice3A_952[0] : i32 from vector<1xi32>
      %broadcast_in_dim3A_954 = vector.broadcast %squeeze3A_953 : i32 to vector<16xi32>
      %swap3A_955 = arith.index_cast %add3A_951 : i32 to index
      %swap3A_956 = tpu.vector_load %arg10[%swap3A_955] {strides = array<i32>} : memref<20496xi32, #tpu.memory_space<vmem>>, vector<16xi32>,
      %swap3A_957 = vector.shape_cast %swap3A_956 : vector<16xi32> to vector<16xi32>
      %swap3A_958 = vector.shape_cast %broadcast_in_dim3A_954 : vector<16xi32> to vector<16xi32>
      tpu.vector_store %arg10[%swap3A_955], %swap3A_958 {strides = array<i32>} : memref<20496xi32, #tpu.memory_space<vmem>>, vector<16xi32>,
      %slice3A_959 = vector.extract_strided_slice %select_n3A_855 {offsets = [9], sizes = [1], strides = [1]} : vector<16xi32> to vector<1xi32>
      %squeeze3A_960 = vector.extract %slice3A_959[0] : i32 from vector<1xi32>
      %add3A_961 = arith.addi %add3A_951, %squeeze3A_960 : i32
      %slice3A_962 = vector.extract_strided_slice %or3A_861 {offsets = [10], sizes = [1], strides = [1]} : vector<16xi32> to vector<1xi32>
      %squeeze3A_963 = vector.extract %slice3A_962[0] : i32 from vector<1xi32>
      %broadcast_in_dim3A_964 = vector.broadcast %squeeze3A_963 : i32 to vector<16xi32>
      %swap3A_965 = arith.index_cast %add3A_961 : i32 to index
      %swap3A_966 = tpu.vector_load %arg10[%swap3A_965] {strides = array<i32>} : memref<20496xi32, #tpu.memory_space<vmem>>, vector<16xi32>,
      %swap3A_967 = vector.shape_cast %swap3A_966 : vector<16xi32> to vector<16xi32>
      %swap3A_968 = vector.shape_cast %broadcast_in_dim3A_964 : vector<16xi32> to vector<16xi32>
      tpu.vector_store %arg10[%swap3A_965], %swap3A_968 {strides = array<i32>} : memref<20496xi32, #tpu.memory_space<vmem>>, vector<16xi32>,
      %slice3A_969 = vector.extract_strided_slice %select_n3A_855 {offsets = [10], sizes = [1], strides = [1]} : vector<16xi32> to vector<1xi32>
      %squeeze3A_970 = vector.extract %slice3A_969[0] : i32 from vector<1xi32>
      %add3A_971 = arith.addi %add3A_961, %squeeze3A_970 : i32
      %slice3A_972 = vector.extract_strided_slice %or3A_861 {offsets = [11], sizes = [1], strides = [1]} : vector<16xi32> to vector<1xi32>
      %squeeze3A_973 = vector.extract %slice3A_972[0] : i32 from vector<1xi32>
      %broadcast_in_dim3A_974 = vector.broadcast %squeeze3A_973 : i32 to vector<16xi32>
      %swap3A_975 = arith.index_cast %add3A_971 : i32 to index
      %swap3A_976 = tpu.vector_load %arg10[%swap3A_975] {strides = array<i32>} : memref<20496xi32, #tpu.memory_space<vmem>>, vector<16xi32>,
      %swap3A_977 = vector.shape_cast %swap3A_976 : vector<16xi32> to vector<16xi32>
      %swap3A_978 = vector.shape_cast %broadcast_in_dim3A_974 : vector<16xi32> to vector<16xi32>
      tpu.vector_store %arg10[%swap3A_975], %swap3A_978 {strides = array<i32>} : memref<20496xi32, #tpu.memory_space<vmem>>, vector<16xi32>,
      %slice3A_979 = vector.extract_strided_slice %select_n3A_855 {offsets = [11], sizes = [1], strides = [1]} : vector<16xi32> to vector<1xi32>
      %squeeze3A_980 = vector.extract %slice3A_979[0] : i32 from vector<1xi32>
      %add3A_981 = arith.addi %add3A_971, %squeeze3A_980 : i32
      %slice3A_982 = vector.extract_strided_slice %or3A_861 {offsets = [12], sizes = [1], strides = [1]} : vector<16xi32> to vector<1xi32>
      %squeeze3A_983 = vector.extract %slice3A_982[0] : i32 from vector<1xi32>
      %broadcast_in_dim3A_984 = vector.broadcast %squeeze3A_983 : i32 to vector<16xi32>
      %swap3A_985 = arith.index_cast %add3A_981 : i32 to index
      %swap3A_986 = tpu.vector_load %arg10[%swap3A_985] {strides = array<i32>} : memref<20496xi32, #tpu.memory_space<vmem>>, vector<16xi32>,
      %swap3A_987 = vector.shape_cast %swap3A_986 : vector<16xi32> to vector<16xi32>
      %swap3A_988 = vector.shape_cast %broadcast_in_dim3A_984 : vector<16xi32> to vector<16xi32>
      tpu.vector_store %arg10[%swap3A_985], %swap3A_988 {strides = array<i32>} : memref<20496xi32, #tpu.memory_space<vmem>>, vector<16xi32>,
      %slice3A_989 = vector.extract_strided_slice %select_n3A_855 {offsets = [12], sizes = [1], strides = [1]} : vector<16xi32> to vector<1xi32>
      %squeeze3A_990 = vector.extract %slice3A_989[0] : i32 from vector<1xi32>
      %add3A_991 = arith.addi %add3A_981, %squeeze3A_990 : i32
      %slice3A_992 = vector.extract_strided_slice %or3A_861 {offsets = [13], sizes = [1], strides = [1]} : vector<16xi32> to vector<1xi32>
      %squeeze3A_993 = vector.extract %slice3A_992[0] : i32 from vector<1xi32>
      %broadcast_in_dim3A_994 = vector.broadcast %squeeze3A_993 : i32 to vector<16xi32>
      %swap3A_995 = arith.index_cast %add3A_991 : i32 to index
      %swap3A_996 = tpu.vector_load %arg10[%swap3A_995] {strides = array<i32>} : memref<20496xi32, #tpu.memory_space<vmem>>, vector<16xi32>,
      %swap3A_997 = vector.shape_cast %swap3A_996 : vector<16xi32> to vector<16xi32>
      %swap3A_998 = vector.shape_cast %broadcast_in_dim3A_994 : vector<16xi32> to vector<16xi32>
      tpu.vector_store %arg10[%swap3A_995], %swap3A_998 {strides = array<i32>} : memref<20496xi32, #tpu.memory_space<vmem>>, vector<16xi32>,
      %slice3A_999 = vector.extract_strided_slice %select_n3A_855 {offsets = [13], sizes = [1], strides = [1]} : vector<16xi32> to vector<1xi32>
      %squeeze3A_1000 = vector.extract %slice3A_999[0] : i32 from vector<1xi32>
      %add3A_1001 = arith.addi %add3A_991, %squeeze3A_1000 : i32
      %slice3A_1002 = vector.extract_strided_slice %or3A_861 {offsets = [14], sizes = [1], strides = [1]} : vector<16xi32> to vector<1xi32>
      %squeeze3A_1003 = vector.extract %slice3A_1002[0] : i32 from vector<1xi32>
      %broadcast_in_dim3A_1004 = vector.broadcast %squeeze3A_1003 : i32 to vector<16xi32>
      %swap3A_1005 = arith.index_cast %add3A_1001 : i32 to index
      %swap3A_1006 = tpu.vector_load %arg10[%swap3A_1005] {strides = array<i32>} : memref<20496xi32, #tpu.memory_space<vmem>>, vector<16xi32>,
      %swap3A_1007 = vector.shape_cast %swap3A_1006 : vector<16xi32> to vector<16xi32>
      %swap3A_1008 = vector.shape_cast %broadcast_in_dim3A_1004 : vector<16xi32> to vector<16xi32>
      tpu.vector_store %arg10[%swap3A_1005], %swap3A_1008 {strides = array<i32>} : memref<20496xi32, #tpu.memory_space<vmem>>, vector<16xi32>,
      %slice3A_1009 = vector.extract_strided_slice %select_n3A_855 {offsets = [14], sizes = [1], strides = [1]} : vector<16xi32> to vector<1xi32>
      %squeeze3A_1010 = vector.extract %slice3A_1009[0] : i32 from vector<1xi32>
      %add3A_1011 = arith.addi %add3A_1001, %squeeze3A_1010 : i32
      %slice3A_1012 = vector.extract_strided_slice %or3A_861 {offsets = [15], sizes = [1], strides = [1]} : vector<16xi32> to vector<1xi32>
      %squeeze3A_1013 = vector.extract %slice3A_1012[0] : i32 from vector<1xi32>
      %broadcast_in_dim3A_1014 = vector.broadcast %squeeze3A_1013 : i32 to vector<16xi32>
      %swap3A_1015 = arith.index_cast %add3A_1011 : i32 to index
      %swap3A_1016 = tpu.vector_load %arg10[%swap3A_1015] {strides = array<i32>} : memref<20496xi32, #tpu.memory_space<vmem>>, vector<16xi32>,
      %swap3A_1017 = vector.shape_cast %swap3A_1016 : vector<16xi32> to vector<16xi32>
      %swap3A_1018 = vector.shape_cast %broadcast_in_dim3A_1014 : vector<16xi32> to vector<16xi32>
      tpu.vector_store %arg10[%swap3A_1015], %swap3A_1018 {strides = array<i32>} : memref<20496xi32, #tpu.memory_space<vmem>>, vector<16xi32>,
      %slice3A_1019 = vector.extract_strided_slice %select_n3A_855 {offsets = [15], sizes = [1], strides = [1]} : vector<16xi32> to vector<1xi32>
      %squeeze3A_1020 = vector.extract %slice3A_1019[0] : i32 from vector<1xi32>
      %add3A_1021 = arith.addi %add3A_1011, %squeeze3A_1020 : i32
      %get3A_1022 = arith.index_cast %scan3A_102 : i32 to index
      %get3A_1023 = arith.constant 80 : index
      %get3A_1024 = tpu.vector_load %arg8[%get3A_1022, %get3A_1023] {strides = array<i32>} : memref<160x128xi32, #tpu.memory_space<vmem>>, vector<1x16xi32>,
      %get3A_1025 = vector.shape_cast %get3A_1024 : vector<1x16xi32> to vector<16xi32>
      %get3A_1026 = arith.index_cast %scan3A_102 : i32 to index
      %get3A_1027 = arith.constant 80 : index
      %get3A_1028 = tpu.vector_load %arg9[%get3A_1026, %get3A_1027] {strides = array<i32>} : memref<160x128xi32, #tpu.memory_space<vmem>>, vector<1x16xi32>,
      %get3A_1029 = vector.shape_cast %get3A_1028 : vector<1x16xi32> to vector<16xi32>
      %ge3A_1030 = vector.broadcast %mul3A_0 : i32 to vector<16xi32>
      %ge3A_1031 = arith.cmpi sge, %get3A_1029, %ge3A_1030 : vector<16xi32>
      %add3A_1032 = arith.constant 5120 : i32
      %add3A_1033 = arith.addi %mul3A_0, %add3A_1032 : i32
      %lt3A_1034 = vector.broadcast %add3A_1033 : i32 to vector<16xi32>
      %lt3A_1035 = arith.cmpi slt, %get3A_1029, %lt3A_1034 : vector<16xi32>
      %and3A_1036 = arith.andi %ge3A_1031, %lt3A_1035 : vector<16xi1>
      %jit3A_1037 = arith.constant 1 : i32
      %jit3A_1038 = arith.constant 0 : i32
      %broadcast_in_dim3A_1039 = vector.broadcast %jit3A_1037 : i32 to vector<16xi32>
      %broadcast_in_dim3A_1040 = vector.broadcast %jit3A_1038 : i32 to vector<16xi32>
      %select_n3A_1041 = arith.select %and3A_1036, %broadcast_in_dim3A_1039, %broadcast_in_dim3A_1040 : vector<16xi1>, vector<16xi32>
      %sub3A_1042 = vector.broadcast %mul3A_0 : i32 to vector<16xi32>
      %sub3A_1043 = arith.subi %get3A_1029, %sub3A_1042 : vector<16xi32>
      %shift_left3A_1044 = arith.constant 14 : i32
      %shift_left3A_1045 = vector.broadcast %shift_left3A_1044 : i32 to vector<16xi32>
      %shift_left3A_1046 = arith.shli %sub3A_1043, %shift_left3A_1045 : vector<16xi32>
      %or3A_1047 = arith.ori %get3A_1025, %shift_left3A_1046 : vector<16xi32>
      %slice3A_1048 = vector.extract_strided_slice %or3A_1047 {offsets = [0], sizes = [1], strides = [1]} : vector<16xi32> to vector<1xi32>
      %squeeze3A_1049 = vector.extract %slice3A_1048[0] : i32 from vector<1xi32>
      %broadcast_in_dim3A_1050 = vector.broadcast %squeeze3A_1049 : i32 to vector<16xi32>
      %swap3A_1051 = arith.index_cast %add3A_1021 : i32 to index
      %swap3A_1052 = tpu.vector_load %arg10[%swap3A_1051] {strides = array<i32>} : memref<20496xi32, #tpu.memory_space<vmem>>, vector<16xi32>,
      %swap3A_1053 = vector.shape_cast %swap3A_1052 : vector<16xi32> to vector<16xi32>
      %swap3A_1054 = vector.shape_cast %broadcast_in_dim3A_1050 : vector<16xi32> to vector<16xi32>
      tpu.vector_store %arg10[%swap3A_1051], %swap3A_1054 {strides = array<i32>} : memref<20496xi32, #tpu.memory_space<vmem>>, vector<16xi32>,
      %slice3A_1055 = vector.extract_strided_slice %select_n3A_1041 {offsets = [0], sizes = [1], strides = [1]} : vector<16xi32> to vector<1xi32>
      %squeeze3A_1056 = vector.extract %slice3A_1055[0] : i32 from vector<1xi32>
      %add3A_1057 = arith.addi %add3A_1021, %squeeze3A_1056 : i32
      %slice3A_1058 = vector.extract_strided_slice %or3A_1047 {offsets = [1], sizes = [1], strides = [1]} : vector<16xi32> to vector<1xi32>
      %squeeze3A_1059 = vector.extract %slice3A_1058[0] : i32 from vector<1xi32>
      %broadcast_in_dim3A_1060 = vector.broadcast %squeeze3A_1059 : i32 to vector<16xi32>
      %swap3A_1061 = arith.index_cast %add3A_1057 : i32 to index
      %swap3A_1062 = tpu.vector_load %arg10[%swap3A_1061] {strides = array<i32>} : memref<20496xi32, #tpu.memory_space<vmem>>, vector<16xi32>,
      %swap3A_1063 = vector.shape_cast %swap3A_1062 : vector<16xi32> to vector<16xi32>
      %swap3A_1064 = vector.shape_cast %broadcast_in_dim3A_1060 : vector<16xi32> to vector<16xi32>
      tpu.vector_store %arg10[%swap3A_1061], %swap3A_1064 {strides = array<i32>} : memref<20496xi32, #tpu.memory_space<vmem>>, vector<16xi32>,
      %slice3A_1065 = vector.extract_strided_slice %select_n3A_1041 {offsets = [1], sizes = [1], strides = [1]} : vector<16xi32> to vector<1xi32>
      %squeeze3A_1066 = vector.extract %slice3A_1065[0] : i32 from vector<1xi32>
      %add3A_1067 = arith.addi %add3A_1057, %squeeze3A_1066 : i32
      %slice3A_1068 = vector.extract_strided_slice %or3A_1047 {offsets = [2], sizes = [1], strides = [1]} : vector<16xi32> to vector<1xi32>
      %squeeze3A_1069 = vector.extract %slice3A_1068[0] : i32 from vector<1xi32>
      %broadcast_in_dim3A_1070 = vector.broadcast %squeeze3A_1069 : i32 to vector<16xi32>
      %swap3A_1071 = arith.index_cast %add3A_1067 : i32 to index
      %swap3A_1072 = tpu.vector_load %arg10[%swap3A_1071] {strides = array<i32>} : memref<20496xi32, #tpu.memory_space<vmem>>, vector<16xi32>,
      %swap3A_1073 = vector.shape_cast %swap3A_1072 : vector<16xi32> to vector<16xi32>
      %swap3A_1074 = vector.shape_cast %broadcast_in_dim3A_1070 : vector<16xi32> to vector<16xi32>
      tpu.vector_store %arg10[%swap3A_1071], %swap3A_1074 {strides = array<i32>} : memref<20496xi32, #tpu.memory_space<vmem>>, vector<16xi32>,
      %slice3A_1075 = vector.extract_strided_slice %select_n3A_1041 {offsets = [2], sizes = [1], strides = [1]} : vector<16xi32> to vector<1xi32>
      %squeeze3A_1076 = vector.extract %slice3A_1075[0] : i32 from vector<1xi32>
      %add3A_1077 = arith.addi %add3A_1067, %squeeze3A_1076 : i32
      %slice3A_1078 = vector.extract_strided_slice %or3A_1047 {offsets = [3], sizes = [1], strides = [1]} : vector<16xi32> to vector<1xi32>
      %squeeze3A_1079 = vector.extract %slice3A_1078[0] : i32 from vector<1xi32>
      %broadcast_in_dim3A_1080 = vector.broadcast %squeeze3A_1079 : i32 to vector<16xi32>
      %swap3A_1081 = arith.index_cast %add3A_1077 : i32 to index
      %swap3A_1082 = tpu.vector_load %arg10[%swap3A_1081] {strides = array<i32>} : memref<20496xi32, #tpu.memory_space<vmem>>, vector<16xi32>,
      %swap3A_1083 = vector.shape_cast %swap3A_1082 : vector<16xi32> to vector<16xi32>
      %swap3A_1084 = vector.shape_cast %broadcast_in_dim3A_1080 : vector<16xi32> to vector<16xi32>
      tpu.vector_store %arg10[%swap3A_1081], %swap3A_1084 {strides = array<i32>} : memref<20496xi32, #tpu.memory_space<vmem>>, vector<16xi32>,
      %slice3A_1085 = vector.extract_strided_slice %select_n3A_1041 {offsets = [3], sizes = [1], strides = [1]} : vector<16xi32> to vector<1xi32>
      %squeeze3A_1086 = vector.extract %slice3A_1085[0] : i32 from vector<1xi32>
      %add3A_1087 = arith.addi %add3A_1077, %squeeze3A_1086 : i32
      %slice3A_1088 = vector.extract_strided_slice %or3A_1047 {offsets = [4], sizes = [1], strides = [1]} : vector<16xi32> to vector<1xi32>
      %squeeze3A_1089 = vector.extract %slice3A_1088[0] : i32 from vector<1xi32>
      %broadcast_in_dim3A_1090 = vector.broadcast %squeeze3A_1089 : i32 to vector<16xi32>
      %swap3A_1091 = arith.index_cast %add3A_1087 : i32 to index
      %swap3A_1092 = tpu.vector_load %arg10[%swap3A_1091] {strides = array<i32>} : memref<20496xi32, #tpu.memory_space<vmem>>, vector<16xi32>,
      %swap3A_1093 = vector.shape_cast %swap3A_1092 : vector<16xi32> to vector<16xi32>
      %swap3A_1094 = vector.shape_cast %broadcast_in_dim3A_1090 : vector<16xi32> to vector<16xi32>
      tpu.vector_store %arg10[%swap3A_1091], %swap3A_1094 {strides = array<i32>} : memref<20496xi32, #tpu.memory_space<vmem>>, vector<16xi32>,
      %slice3A_1095 = vector.extract_strided_slice %select_n3A_1041 {offsets = [4], sizes = [1], strides = [1]} : vector<16xi32> to vector<1xi32>
      %squeeze3A_1096 = vector.extract %slice3A_1095[0] : i32 from vector<1xi32>
      %add3A_1097 = arith.addi %add3A_1087, %squeeze3A_1096 : i32
      %slice3A_1098 = vector.extract_strided_slice %or3A_1047 {offsets = [5], sizes = [1], strides = [1]} : vector<16xi32> to vector<1xi32>
      %squeeze3A_1099 = vector.extract %slice3A_1098[0] : i32 from vector<1xi32>
      %broadcast_in_dim3A_1100 = vector.broadcast %squeeze3A_1099 : i32 to vector<16xi32>
      %swap3A_1101 = arith.index_cast %add3A_1097 : i32 to index
      %swap3A_1102 = tpu.vector_load %arg10[%swap3A_1101] {strides = array<i32>} : memref<20496xi32, #tpu.memory_space<vmem>>, vector<16xi32>,
      %swap3A_1103 = vector.shape_cast %swap3A_1102 : vector<16xi32> to vector<16xi32>
      %swap3A_1104 = vector.shape_cast %broadcast_in_dim3A_1100 : vector<16xi32> to vector<16xi32>
      tpu.vector_store %arg10[%swap3A_1101], %swap3A_1104 {strides = array<i32>} : memref<20496xi32, #tpu.memory_space<vmem>>, vector<16xi32>,
      %slice3A_1105 = vector.extract_strided_slice %select_n3A_1041 {offsets = [5], sizes = [1], strides = [1]} : vector<16xi32> to vector<1xi32>
      %squeeze3A_1106 = vector.extract %slice3A_1105[0] : i32 from vector<1xi32>
      %add3A_1107 = arith.addi %add3A_1097, %squeeze3A_1106 : i32
      %slice3A_1108 = vector.extract_strided_slice %or3A_1047 {offsets = [6], sizes = [1], strides = [1]} : vector<16xi32> to vector<1xi32>
      %squeeze3A_1109 = vector.extract %slice3A_1108[0] : i32 from vector<1xi32>
      %broadcast_in_dim3A_1110 = vector.broadcast %squeeze3A_1109 : i32 to vector<16xi32>
      %swap3A_1111 = arith.index_cast %add3A_1107 : i32 to index
      %swap3A_1112 = tpu.vector_load %arg10[%swap3A_1111] {strides = array<i32>} : memref<20496xi32, #tpu.memory_space<vmem>>, vector<16xi32>,
      %swap3A_1113 = vector.shape_cast %swap3A_1112 : vector<16xi32> to vector<16xi32>
      %swap3A_1114 = vector.shape_cast %broadcast_in_dim3A_1110 : vector<16xi32> to vector<16xi32>
      tpu.vector_store %arg10[%swap3A_1111], %swap3A_1114 {strides = array<i32>} : memref<20496xi32, #tpu.memory_space<vmem>>, vector<16xi32>,
      %slice3A_1115 = vector.extract_strided_slice %select_n3A_1041 {offsets = [6], sizes = [1], strides = [1]} : vector<16xi32> to vector<1xi32>
      %squeeze3A_1116 = vector.extract %slice3A_1115[0] : i32 from vector<1xi32>
      %add3A_1117 = arith.addi %add3A_1107, %squeeze3A_1116 : i32
      %slice3A_1118 = vector.extract_strided_slice %or3A_1047 {offsets = [7], sizes = [1], strides = [1]} : vector<16xi32> to vector<1xi32>
      %squeeze3A_1119 = vector.extract %slice3A_1118[0] : i32 from vector<1xi32>
      %broadcast_in_dim3A_1120 = vector.broadcast %squeeze3A_1119 : i32 to vector<16xi32>
      %swap3A_1121 = arith.index_cast %add3A_1117 : i32 to index
      %swap3A_1122 = tpu.vector_load %arg10[%swap3A_1121] {strides = array<i32>} : memref<20496xi32, #tpu.memory_space<vmem>>, vector<16xi32>,
      %swap3A_1123 = vector.shape_cast %swap3A_1122 : vector<16xi32> to vector<16xi32>
      %swap3A_1124 = vector.shape_cast %broadcast_in_dim3A_1120 : vector<16xi32> to vector<16xi32>
      tpu.vector_store %arg10[%swap3A_1121], %swap3A_1124 {strides = array<i32>} : memref<20496xi32, #tpu.memory_space<vmem>>, vector<16xi32>,
      %slice3A_1125 = vector.extract_strided_slice %select_n3A_1041 {offsets = [7], sizes = [1], strides = [1]} : vector<16xi32> to vector<1xi32>
      %squeeze3A_1126 = vector.extract %slice3A_1125[0] : i32 from vector<1xi32>
      %add3A_1127 = arith.addi %add3A_1117, %squeeze3A_1126 : i32
      %slice3A_1128 = vector.extract_strided_slice %or3A_1047 {offsets = [8], sizes = [1], strides = [1]} : vector<16xi32> to vector<1xi32>
      %squeeze3A_1129 = vector.extract %slice3A_1128[0] : i32 from vector<1xi32>
      %broadcast_in_dim3A_1130 = vector.broadcast %squeeze3A_1129 : i32 to vector<16xi32>
      %swap3A_1131 = arith.index_cast %add3A_1127 : i32 to index
      %swap3A_1132 = tpu.vector_load %arg10[%swap3A_1131] {strides = array<i32>} : memref<20496xi32, #tpu.memory_space<vmem>>, vector<16xi32>,
      %swap3A_1133 = vector.shape_cast %swap3A_1132 : vector<16xi32> to vector<16xi32>
      %swap3A_1134 = vector.shape_cast %broadcast_in_dim3A_1130 : vector<16xi32> to vector<16xi32>
      tpu.vector_store %arg10[%swap3A_1131], %swap3A_1134 {strides = array<i32>} : memref<20496xi32, #tpu.memory_space<vmem>>, vector<16xi32>,
      %slice3A_1135 = vector.extract_strided_slice %select_n3A_1041 {offsets = [8], sizes = [1], strides = [1]} : vector<16xi32> to vector<1xi32>
      %squeeze3A_1136 = vector.extract %slice3A_1135[0] : i32 from vector<1xi32>
      %add3A_1137 = arith.addi %add3A_1127, %squeeze3A_1136 : i32
      %slice3A_1138 = vector.extract_strided_slice %or3A_1047 {offsets = [9], sizes = [1], strides = [1]} : vector<16xi32> to vector<1xi32>
      %squeeze3A_1139 = vector.extract %slice3A_1138[0] : i32 from vector<1xi32>
      %broadcast_in_dim3A_1140 = vector.broadcast %squeeze3A_1139 : i32 to vector<16xi32>
      %swap3A_1141 = arith.index_cast %add3A_1137 : i32 to index
      %swap3A_1142 = tpu.vector_load %arg10[%swap3A_1141] {strides = array<i32>} : memref<20496xi32, #tpu.memory_space<vmem>>, vector<16xi32>,
      %swap3A_1143 = vector.shape_cast %swap3A_1142 : vector<16xi32> to vector<16xi32>
      %swap3A_1144 = vector.shape_cast %broadcast_in_dim3A_1140 : vector<16xi32> to vector<16xi32>
      tpu.vector_store %arg10[%swap3A_1141], %swap3A_1144 {strides = array<i32>} : memref<20496xi32, #tpu.memory_space<vmem>>, vector<16xi32>,
      %slice3A_1145 = vector.extract_strided_slice %select_n3A_1041 {offsets = [9], sizes = [1], strides = [1]} : vector<16xi32> to vector<1xi32>
      %squeeze3A_1146 = vector.extract %slice3A_1145[0] : i32 from vector<1xi32>
      %add3A_1147 = arith.addi %add3A_1137, %squeeze3A_1146 : i32
      %slice3A_1148 = vector.extract_strided_slice %or3A_1047 {offsets = [10], sizes = [1], strides = [1]} : vector<16xi32> to vector<1xi32>
      %squeeze3A_1149 = vector.extract %slice3A_1148[0] : i32 from vector<1xi32>
      %broadcast_in_dim3A_1150 = vector.broadcast %squeeze3A_1149 : i32 to vector<16xi32>
      %swap3A_1151 = arith.index_cast %add3A_1147 : i32 to index
      %swap3A_1152 = tpu.vector_load %arg10[%swap3A_1151] {strides = array<i32>} : memref<20496xi32, #tpu.memory_space<vmem>>, vector<16xi32>,
      %swap3A_1153 = vector.shape_cast %swap3A_1152 : vector<16xi32> to vector<16xi32>
      %swap3A_1154 = vector.shape_cast %broadcast_in_dim3A_1150 : vector<16xi32> to vector<16xi32>
      tpu.vector_store %arg10[%swap3A_1151], %swap3A_1154 {strides = array<i32>} : memref<20496xi32, #tpu.memory_space<vmem>>, vector<16xi32>,
      %slice3A_1155 = vector.extract_strided_slice %select_n3A_1041 {offsets = [10], sizes = [1], strides = [1]} : vector<16xi32> to vector<1xi32>
      %squeeze3A_1156 = vector.extract %slice3A_1155[0] : i32 from vector<1xi32>
      %add3A_1157 = arith.addi %add3A_1147, %squeeze3A_1156 : i32
      %slice3A_1158 = vector.extract_strided_slice %or3A_1047 {offsets = [11], sizes = [1], strides = [1]} : vector<16xi32> to vector<1xi32>
      %squeeze3A_1159 = vector.extract %slice3A_1158[0] : i32 from vector<1xi32>
      %broadcast_in_dim3A_1160 = vector.broadcast %squeeze3A_1159 : i32 to vector<16xi32>
      %swap3A_1161 = arith.index_cast %add3A_1157 : i32 to index
      %swap3A_1162 = tpu.vector_load %arg10[%swap3A_1161] {strides = array<i32>} : memref<20496xi32, #tpu.memory_space<vmem>>, vector<16xi32>,
      %swap3A_1163 = vector.shape_cast %swap3A_1162 : vector<16xi32> to vector<16xi32>
      %swap3A_1164 = vector.shape_cast %broadcast_in_dim3A_1160 : vector<16xi32> to vector<16xi32>
      tpu.vector_store %arg10[%swap3A_1161], %swap3A_1164 {strides = array<i32>} : memref<20496xi32, #tpu.memory_space<vmem>>, vector<16xi32>,
      %slice3A_1165 = vector.extract_strided_slice %select_n3A_1041 {offsets = [11], sizes = [1], strides = [1]} : vector<16xi32> to vector<1xi32>
      %squeeze3A_1166 = vector.extract %slice3A_1165[0] : i32 from vector<1xi32>
      %add3A_1167 = arith.addi %add3A_1157, %squeeze3A_1166 : i32
      %slice3A_1168 = vector.extract_strided_slice %or3A_1047 {offsets = [12], sizes = [1], strides = [1]} : vector<16xi32> to vector<1xi32>
      %squeeze3A_1169 = vector.extract %slice3A_1168[0] : i32 from vector<1xi32>
      %broadcast_in_dim3A_1170 = vector.broadcast %squeeze3A_1169 : i32 to vector<16xi32>
      %swap3A_1171 = arith.index_cast %add3A_1167 : i32 to index
      %swap3A_1172 = tpu.vector_load %arg10[%swap3A_1171] {strides = array<i32>} : memref<20496xi32, #tpu.memory_space<vmem>>, vector<16xi32>,
      %swap3A_1173 = vector.shape_cast %swap3A_1172 : vector<16xi32> to vector<16xi32>
      %swap3A_1174 = vector.shape_cast %broadcast_in_dim3A_1170 : vector<16xi32> to vector<16xi32>
      tpu.vector_store %arg10[%swap3A_1171], %swap3A_1174 {strides = array<i32>} : memref<20496xi32, #tpu.memory_space<vmem>>, vector<16xi32>,
      %slice3A_1175 = vector.extract_strided_slice %select_n3A_1041 {offsets = [12], sizes = [1], strides = [1]} : vector<16xi32> to vector<1xi32>
      %squeeze3A_1176 = vector.extract %slice3A_1175[0] : i32 from vector<1xi32>
      %add3A_1177 = arith.addi %add3A_1167, %squeeze3A_1176 : i32
      %slice3A_1178 = vector.extract_strided_slice %or3A_1047 {offsets = [13], sizes = [1], strides = [1]} : vector<16xi32> to vector<1xi32>
      %squeeze3A_1179 = vector.extract %slice3A_1178[0] : i32 from vector<1xi32>
      %broadcast_in_dim3A_1180 = vector.broadcast %squeeze3A_1179 : i32 to vector<16xi32>
      %swap3A_1181 = arith.index_cast %add3A_1177 : i32 to index
      %swap3A_1182 = tpu.vector_load %arg10[%swap3A_1181] {strides = array<i32>} : memref<20496xi32, #tpu.memory_space<vmem>>, vector<16xi32>,
      %swap3A_1183 = vector.shape_cast %swap3A_1182 : vector<16xi32> to vector<16xi32>
      %swap3A_1184 = vector.shape_cast %broadcast_in_dim3A_1180 : vector<16xi32> to vector<16xi32>
      tpu.vector_store %arg10[%swap3A_1181], %swap3A_1184 {strides = array<i32>} : memref<20496xi32, #tpu.memory_space<vmem>>, vector<16xi32>,
      %slice3A_1185 = vector.extract_strided_slice %select_n3A_1041 {offsets = [13], sizes = [1], strides = [1]} : vector<16xi32> to vector<1xi32>
      %squeeze3A_1186 = vector.extract %slice3A_1185[0] : i32 from vector<1xi32>
      %add3A_1187 = arith.addi %add3A_1177, %squeeze3A_1186 : i32
      %slice3A_1188 = vector.extract_strided_slice %or3A_1047 {offsets = [14], sizes = [1], strides = [1]} : vector<16xi32> to vector<1xi32>
      %squeeze3A_1189 = vector.extract %slice3A_1188[0] : i32 from vector<1xi32>
      %broadcast_in_dim3A_1190 = vector.broadcast %squeeze3A_1189 : i32 to vector<16xi32>
      %swap3A_1191 = arith.index_cast %add3A_1187 : i32 to index
      %swap3A_1192 = tpu.vector_load %arg10[%swap3A_1191] {strides = array<i32>} : memref<20496xi32, #tpu.memory_space<vmem>>, vector<16xi32>,
      %swap3A_1193 = vector.shape_cast %swap3A_1192 : vector<16xi32> to vector<16xi32>
      %swap3A_1194 = vector.shape_cast %broadcast_in_dim3A_1190 : vector<16xi32> to vector<16xi32>
      tpu.vector_store %arg10[%swap3A_1191], %swap3A_1194 {strides = array<i32>} : memref<20496xi32, #tpu.memory_space<vmem>>, vector<16xi32>,
      %slice3A_1195 = vector.extract_strided_slice %select_n3A_1041 {offsets = [14], sizes = [1], strides = [1]} : vector<16xi32> to vector<1xi32>
      %squeeze3A_1196 = vector.extract %slice3A_1195[0] : i32 from vector<1xi32>
      %add3A_1197 = arith.addi %add3A_1187, %squeeze3A_1196 : i32
      %slice3A_1198 = vector.extract_strided_slice %or3A_1047 {offsets = [15], sizes = [1], strides = [1]} : vector<16xi32> to vector<1xi32>
      %squeeze3A_1199 = vector.extract %slice3A_1198[0] : i32 from vector<1xi32>
      %broadcast_in_dim3A_1200 = vector.broadcast %squeeze3A_1199 : i32 to vector<16xi32>
      %swap3A_1201 = arith.index_cast %add3A_1197 : i32 to index
      %swap3A_1202 = tpu.vector_load %arg10[%swap3A_1201] {strides = array<i32>} : memref<20496xi32, #tpu.memory_space<vmem>>, vector<16xi32>,
      %swap3A_1203 = vector.shape_cast %swap3A_1202 : vector<16xi32> to vector<16xi32>
      %swap3A_1204 = vector.shape_cast %broadcast_in_dim3A_1200 : vector<16xi32> to vector<16xi32>
      tpu.vector_store %arg10[%swap3A_1201], %swap3A_1204 {strides = array<i32>} : memref<20496xi32, #tpu.memory_space<vmem>>, vector<16xi32>,
      %slice3A_1205 = vector.extract_strided_slice %select_n3A_1041 {offsets = [15], sizes = [1], strides = [1]} : vector<16xi32> to vector<1xi32>
      %squeeze3A_1206 = vector.extract %slice3A_1205[0] : i32 from vector<1xi32>
      %add3A_1207 = arith.addi %add3A_1197, %squeeze3A_1206 : i32
      %get3A_1208 = arith.index_cast %scan3A_102 : i32 to index
      %get3A_1209 = arith.constant 96 : index
      %get3A_1210 = tpu.vector_load %arg8[%get3A_1208, %get3A_1209] {strides = array<i32>} : memref<160x128xi32, #tpu.memory_space<vmem>>, vector<1x16xi32>,
      %get3A_1211 = vector.shape_cast %get3A_1210 : vector<1x16xi32> to vector<16xi32>
      %get3A_1212 = arith.index_cast %scan3A_102 : i32 to index
      %get3A_1213 = arith.constant 96 : index
      %get3A_1214 = tpu.vector_load %arg9[%get3A_1212, %get3A_1213] {strides = array<i32>} : memref<160x128xi32, #tpu.memory_space<vmem>>, vector<1x16xi32>,
      %get3A_1215 = vector.shape_cast %get3A_1214 : vector<1x16xi32> to vector<16xi32>
      %ge3A_1216 = vector.broadcast %mul3A_0 : i32 to vector<16xi32>
      %ge3A_1217 = arith.cmpi sge, %get3A_1215, %ge3A_1216 : vector<16xi32>
      %add3A_1218 = arith.constant 5120 : i32
      %add3A_1219 = arith.addi %mul3A_0, %add3A_1218 : i32
      %lt3A_1220 = vector.broadcast %add3A_1219 : i32 to vector<16xi32>
      %lt3A_1221 = arith.cmpi slt, %get3A_1215, %lt3A_1220 : vector<16xi32>
      %and3A_1222 = arith.andi %ge3A_1217, %lt3A_1221 : vector<16xi1>
      %jit3A_1223 = arith.constant 1 : i32
      %jit3A_1224 = arith.constant 0 : i32
      %broadcast_in_dim3A_1225 = vector.broadcast %jit3A_1223 : i32 to vector<16xi32>
      %broadcast_in_dim3A_1226 = vector.broadcast %jit3A_1224 : i32 to vector<16xi32>
      %select_n3A_1227 = arith.select %and3A_1222, %broadcast_in_dim3A_1225, %broadcast_in_dim3A_1226 : vector<16xi1>, vector<16xi32>
      %sub3A_1228 = vector.broadcast %mul3A_0 : i32 to vector<16xi32>
      %sub3A_1229 = arith.subi %get3A_1215, %sub3A_1228 : vector<16xi32>
      %shift_left3A_1230 = arith.constant 14 : i32
      %shift_left3A_1231 = vector.broadcast %shift_left3A_1230 : i32 to vector<16xi32>
      %shift_left3A_1232 = arith.shli %sub3A_1229, %shift_left3A_1231 : vector<16xi32>
      %or3A_1233 = arith.ori %get3A_1211, %shift_left3A_1232 : vector<16xi32>
      %slice3A_1234 = vector.extract_strided_slice %or3A_1233 {offsets = [0], sizes = [1], strides = [1]} : vector<16xi32> to vector<1xi32>
      %squeeze3A_1235 = vector.extract %slice3A_1234[0] : i32 from vector<1xi32>
      %broadcast_in_dim3A_1236 = vector.broadcast %squeeze3A_1235 : i32 to vector<16xi32>
      %swap3A_1237 = arith.index_cast %add3A_1207 : i32 to index
      %swap3A_1238 = tpu.vector_load %arg10[%swap3A_1237] {strides = array<i32>} : memref<20496xi32, #tpu.memory_space<vmem>>, vector<16xi32>,
      %swap3A_1239 = vector.shape_cast %swap3A_1238 : vector<16xi32> to vector<16xi32>
      %swap3A_1240 = vector.shape_cast %broadcast_in_dim3A_1236 : vector<16xi32> to vector<16xi32>
      tpu.vector_store %arg10[%swap3A_1237], %swap3A_1240 {strides = array<i32>} : memref<20496xi32, #tpu.memory_space<vmem>>, vector<16xi32>,
      %slice3A_1241 = vector.extract_strided_slice %select_n3A_1227 {offsets = [0], sizes = [1], strides = [1]} : vector<16xi32> to vector<1xi32>
      %squeeze3A_1242 = vector.extract %slice3A_1241[0] : i32 from vector<1xi32>
      %add3A_1243 = arith.addi %add3A_1207, %squeeze3A_1242 : i32
      %slice3A_1244 = vector.extract_strided_slice %or3A_1233 {offsets = [1], sizes = [1], strides = [1]} : vector<16xi32> to vector<1xi32>
      %squeeze3A_1245 = vector.extract %slice3A_1244[0] : i32 from vector<1xi32>
      %broadcast_in_dim3A_1246 = vector.broadcast %squeeze3A_1245 : i32 to vector<16xi32>
      %swap3A_1247 = arith.index_cast %add3A_1243 : i32 to index
      %swap3A_1248 = tpu.vector_load %arg10[%swap3A_1247] {strides = array<i32>} : memref<20496xi32, #tpu.memory_space<vmem>>, vector<16xi32>,
      %swap3A_1249 = vector.shape_cast %swap3A_1248 : vector<16xi32> to vector<16xi32>
      %swap3A_1250 = vector.shape_cast %broadcast_in_dim3A_1246 : vector<16xi32> to vector<16xi32>
      tpu.vector_store %arg10[%swap3A_1247], %swap3A_1250 {strides = array<i32>} : memref<20496xi32, #tpu.memory_space<vmem>>, vector<16xi32>,
      %slice3A_1251 = vector.extract_strided_slice %select_n3A_1227 {offsets = [1], sizes = [1], strides = [1]} : vector<16xi32> to vector<1xi32>
      %squeeze3A_1252 = vector.extract %slice3A_1251[0] : i32 from vector<1xi32>
      %add3A_1253 = arith.addi %add3A_1243, %squeeze3A_1252 : i32
      %slice3A_1254 = vector.extract_strided_slice %or3A_1233 {offsets = [2], sizes = [1], strides = [1]} : vector<16xi32> to vector<1xi32>
      %squeeze3A_1255 = vector.extract %slice3A_1254[0] : i32 from vector<1xi32>
      %broadcast_in_dim3A_1256 = vector.broadcast %squeeze3A_1255 : i32 to vector<16xi32>
      %swap3A_1257 = arith.index_cast %add3A_1253 : i32 to index
      %swap3A_1258 = tpu.vector_load %arg10[%swap3A_1257] {strides = array<i32>} : memref<20496xi32, #tpu.memory_space<vmem>>, vector<16xi32>,
      %swap3A_1259 = vector.shape_cast %swap3A_1258 : vector<16xi32> to vector<16xi32>
      %swap3A_1260 = vector.shape_cast %broadcast_in_dim3A_1256 : vector<16xi32> to vector<16xi32>
      tpu.vector_store %arg10[%swap3A_1257], %swap3A_1260 {strides = array<i32>} : memref<20496xi32, #tpu.memory_space<vmem>>, vector<16xi32>,
      %slice3A_1261 = vector.extract_strided_slice %select_n3A_1227 {offsets = [2], sizes = [1], strides = [1]} : vector<16xi32> to vector<1xi32>
      %squeeze3A_1262 = vector.extract %slice3A_1261[0] : i32 from vector<1xi32>
      %add3A_1263 = arith.addi %add3A_1253, %squeeze3A_1262 : i32
      %slice3A_1264 = vector.extract_strided_slice %or3A_1233 {offsets = [3], sizes = [1], strides = [1]} : vector<16xi32> to vector<1xi32>
      %squeeze3A_1265 = vector.extract %slice3A_1264[0] : i32 from vector<1xi32>
      %broadcast_in_dim3A_1266 = vector.broadcast %squeeze3A_1265 : i32 to vector<16xi32>
      %swap3A_1267 = arith.index_cast %add3A_1263 : i32 to index
      %swap3A_1268 = tpu.vector_load %arg10[%swap3A_1267] {strides = array<i32>} : memref<20496xi32, #tpu.memory_space<vmem>>, vector<16xi32>,
      %swap3A_1269 = vector.shape_cast %swap3A_1268 : vector<16xi32> to vector<16xi32>
      %swap3A_1270 = vector.shape_cast %broadcast_in_dim3A_1266 : vector<16xi32> to vector<16xi32>
      tpu.vector_store %arg10[%swap3A_1267], %swap3A_1270 {strides = array<i32>} : memref<20496xi32, #tpu.memory_space<vmem>>, vector<16xi32>,
      %slice3A_1271 = vector.extract_strided_slice %select_n3A_1227 {offsets = [3], sizes = [1], strides = [1]} : vector<16xi32> to vector<1xi32>
      %squeeze3A_1272 = vector.extract %slice3A_1271[0] : i32 from vector<1xi32>
      %add3A_1273 = arith.addi %add3A_1263, %squeeze3A_1272 : i32
      %slice3A_1274 = vector.extract_strided_slice %or3A_1233 {offsets = [4], sizes = [1], strides = [1]} : vector<16xi32> to vector<1xi32>
      %squeeze3A_1275 = vector.extract %slice3A_1274[0] : i32 from vector<1xi32>
      %broadcast_in_dim3A_1276 = vector.broadcast %squeeze3A_1275 : i32 to vector<16xi32>
      %swap3A_1277 = arith.index_cast %add3A_1273 : i32 to index
      %swap3A_1278 = tpu.vector_load %arg10[%swap3A_1277] {strides = array<i32>} : memref<20496xi32, #tpu.memory_space<vmem>>, vector<16xi32>,
      %swap3A_1279 = vector.shape_cast %swap3A_1278 : vector<16xi32> to vector<16xi32>
      %swap3A_1280 = vector.shape_cast %broadcast_in_dim3A_1276 : vector<16xi32> to vector<16xi32>
      tpu.vector_store %arg10[%swap3A_1277], %swap3A_1280 {strides = array<i32>} : memref<20496xi32, #tpu.memory_space<vmem>>, vector<16xi32>,
      %slice3A_1281 = vector.extract_strided_slice %select_n3A_1227 {offsets = [4], sizes = [1], strides = [1]} : vector<16xi32> to vector<1xi32>
      %squeeze3A_1282 = vector.extract %slice3A_1281[0] : i32 from vector<1xi32>
      %add3A_1283 = arith.addi %add3A_1273, %squeeze3A_1282 : i32
      %slice3A_1284 = vector.extract_strided_slice %or3A_1233 {offsets = [5], sizes = [1], strides = [1]} : vector<16xi32> to vector<1xi32>
      %squeeze3A_1285 = vector.extract %slice3A_1284[0] : i32 from vector<1xi32>
      %broadcast_in_dim3A_1286 = vector.broadcast %squeeze3A_1285 : i32 to vector<16xi32>
      %swap3A_1287 = arith.index_cast %add3A_1283 : i32 to index
      %swap3A_1288 = tpu.vector_load %arg10[%swap3A_1287] {strides = array<i32>} : memref<20496xi32, #tpu.memory_space<vmem>>, vector<16xi32>,
      %swap3A_1289 = vector.shape_cast %swap3A_1288 : vector<16xi32> to vector<16xi32>
      %swap3A_1290 = vector.shape_cast %broadcast_in_dim3A_1286 : vector<16xi32> to vector<16xi32>
      tpu.vector_store %arg10[%swap3A_1287], %swap3A_1290 {strides = array<i32>} : memref<20496xi32, #tpu.memory_space<vmem>>, vector<16xi32>,
      %slice3A_1291 = vector.extract_strided_slice %select_n3A_1227 {offsets = [5], sizes = [1], strides = [1]} : vector<16xi32> to vector<1xi32>
      %squeeze3A_1292 = vector.extract %slice3A_1291[0] : i32 from vector<1xi32>
      %add3A_1293 = arith.addi %add3A_1283, %squeeze3A_1292 : i32
      %slice3A_1294 = vector.extract_strided_slice %or3A_1233 {offsets = [6], sizes = [1], strides = [1]} : vector<16xi32> to vector<1xi32>
      %squeeze3A_1295 = vector.extract %slice3A_1294[0] : i32 from vector<1xi32>
      %broadcast_in_dim3A_1296 = vector.broadcast %squeeze3A_1295 : i32 to vector<16xi32>
      %swap3A_1297 = arith.index_cast %add3A_1293 : i32 to index
      %swap3A_1298 = tpu.vector_load %arg10[%swap3A_1297] {strides = array<i32>} : memref<20496xi32, #tpu.memory_space<vmem>>, vector<16xi32>,
      %swap3A_1299 = vector.shape_cast %swap3A_1298 : vector<16xi32> to vector<16xi32>
      %swap3A_1300 = vector.shape_cast %broadcast_in_dim3A_1296 : vector<16xi32> to vector<16xi32>
      tpu.vector_store %arg10[%swap3A_1297], %swap3A_1300 {strides = array<i32>} : memref<20496xi32, #tpu.memory_space<vmem>>, vector<16xi32>,
      %slice3A_1301 = vector.extract_strided_slice %select_n3A_1227 {offsets = [6], sizes = [1], strides = [1]} : vector<16xi32> to vector<1xi32>
      %squeeze3A_1302 = vector.extract %slice3A_1301[0] : i32 from vector<1xi32>
      %add3A_1303 = arith.addi %add3A_1293, %squeeze3A_1302 : i32
      %slice3A_1304 = vector.extract_strided_slice %or3A_1233 {offsets = [7], sizes = [1], strides = [1]} : vector<16xi32> to vector<1xi32>
      %squeeze3A_1305 = vector.extract %slice3A_1304[0] : i32 from vector<1xi32>
      %broadcast_in_dim3A_1306 = vector.broadcast %squeeze3A_1305 : i32 to vector<16xi32>
      %swap3A_1307 = arith.index_cast %add3A_1303 : i32 to index
      %swap3A_1308 = tpu.vector_load %arg10[%swap3A_1307] {strides = array<i32>} : memref<20496xi32, #tpu.memory_space<vmem>>, vector<16xi32>,
      %swap3A_1309 = vector.shape_cast %swap3A_1308 : vector<16xi32> to vector<16xi32>
      %swap3A_1310 = vector.shape_cast %broadcast_in_dim3A_1306 : vector<16xi32> to vector<16xi32>
      tpu.vector_store %arg10[%swap3A_1307], %swap3A_1310 {strides = array<i32>} : memref<20496xi32, #tpu.memory_space<vmem>>, vector<16xi32>,
      %slice3A_1311 = vector.extract_strided_slice %select_n3A_1227 {offsets = [7], sizes = [1], strides = [1]} : vector<16xi32> to vector<1xi32>
      %squeeze3A_1312 = vector.extract %slice3A_1311[0] : i32 from vector<1xi32>
      %add3A_1313 = arith.addi %add3A_1303, %squeeze3A_1312 : i32
      %slice3A_1314 = vector.extract_strided_slice %or3A_1233 {offsets = [8], sizes = [1], strides = [1]} : vector<16xi32> to vector<1xi32>
      %squeeze3A_1315 = vector.extract %slice3A_1314[0] : i32 from vector<1xi32>
      %broadcast_in_dim3A_1316 = vector.broadcast %squeeze3A_1315 : i32 to vector<16xi32>
      %swap3A_1317 = arith.index_cast %add3A_1313 : i32 to index
      %swap3A_1318 = tpu.vector_load %arg10[%swap3A_1317] {strides = array<i32>} : memref<20496xi32, #tpu.memory_space<vmem>>, vector<16xi32>,
      %swap3A_1319 = vector.shape_cast %swap3A_1318 : vector<16xi32> to vector<16xi32>
      %swap3A_1320 = vector.shape_cast %broadcast_in_dim3A_1316 : vector<16xi32> to vector<16xi32>
      tpu.vector_store %arg10[%swap3A_1317], %swap3A_1320 {strides = array<i32>} : memref<20496xi32, #tpu.memory_space<vmem>>, vector<16xi32>,
      %slice3A_1321 = vector.extract_strided_slice %select_n3A_1227 {offsets = [8], sizes = [1], strides = [1]} : vector<16xi32> to vector<1xi32>
      %squeeze3A_1322 = vector.extract %slice3A_1321[0] : i32 from vector<1xi32>
      %add3A_1323 = arith.addi %add3A_1313, %squeeze3A_1322 : i32
      %slice3A_1324 = vector.extract_strided_slice %or3A_1233 {offsets = [9], sizes = [1], strides = [1]} : vector<16xi32> to vector<1xi32>
      %squeeze3A_1325 = vector.extract %slice3A_1324[0] : i32 from vector<1xi32>
      %broadcast_in_dim3A_1326 = vector.broadcast %squeeze3A_1325 : i32 to vector<16xi32>
      %swap3A_1327 = arith.index_cast %add3A_1323 : i32 to index
      %swap3A_1328 = tpu.vector_load %arg10[%swap3A_1327] {strides = array<i32>} : memref<20496xi32, #tpu.memory_space<vmem>>, vector<16xi32>,
      %swap3A_1329 = vector.shape_cast %swap3A_1328 : vector<16xi32> to vector<16xi32>
      %swap3A_1330 = vector.shape_cast %broadcast_in_dim3A_1326 : vector<16xi32> to vector<16xi32>
      tpu.vector_store %arg10[%swap3A_1327], %swap3A_1330 {strides = array<i32>} : memref<20496xi32, #tpu.memory_space<vmem>>, vector<16xi32>,
      %slice3A_1331 = vector.extract_strided_slice %select_n3A_1227 {offsets = [9], sizes = [1], strides = [1]} : vector<16xi32> to vector<1xi32>
      %squeeze3A_1332 = vector.extract %slice3A_1331[0] : i32 from vector<1xi32>
      %add3A_1333 = arith.addi %add3A_1323, %squeeze3A_1332 : i32
      %slice3A_1334 = vector.extract_strided_slice %or3A_1233 {offsets = [10], sizes = [1], strides = [1]} : vector<16xi32> to vector<1xi32>
      %squeeze3A_1335 = vector.extract %slice3A_1334[0] : i32 from vector<1xi32>
      %broadcast_in_dim3A_1336 = vector.broadcast %squeeze3A_1335 : i32 to vector<16xi32>
      %swap3A_1337 = arith.index_cast %add3A_1333 : i32 to index
      %swap3A_1338 = tpu.vector_load %arg10[%swap3A_1337] {strides = array<i32>} : memref<20496xi32, #tpu.memory_space<vmem>>, vector<16xi32>,
      %swap3A_1339 = vector.shape_cast %swap3A_1338 : vector<16xi32> to vector<16xi32>
      %swap3A_1340 = vector.shape_cast %broadcast_in_dim3A_1336 : vector<16xi32> to vector<16xi32>
      tpu.vector_store %arg10[%swap3A_1337], %swap3A_1340 {strides = array<i32>} : memref<20496xi32, #tpu.memory_space<vmem>>, vector<16xi32>,
      %slice3A_1341 = vector.extract_strided_slice %select_n3A_1227 {offsets = [10], sizes = [1], strides = [1]} : vector<16xi32> to vector<1xi32>
      %squeeze3A_1342 = vector.extract %slice3A_1341[0] : i32 from vector<1xi32>
      %add3A_1343 = arith.addi %add3A_1333, %squeeze3A_1342 : i32
      %slice3A_1344 = vector.extract_strided_slice %or3A_1233 {offsets = [11], sizes = [1], strides = [1]} : vector<16xi32> to vector<1xi32>
      %squeeze3A_1345 = vector.extract %slice3A_1344[0] : i32 from vector<1xi32>
      %broadcast_in_dim3A_1346 = vector.broadcast %squeeze3A_1345 : i32 to vector<16xi32>
      %swap3A_1347 = arith.index_cast %add3A_1343 : i32 to index
      %swap3A_1348 = tpu.vector_load %arg10[%swap3A_1347] {strides = array<i32>} : memref<20496xi32, #tpu.memory_space<vmem>>, vector<16xi32>,
      %swap3A_1349 = vector.shape_cast %swap3A_1348 : vector<16xi32> to vector<16xi32>
      %swap3A_1350 = vector.shape_cast %broadcast_in_dim3A_1346 : vector<16xi32> to vector<16xi32>
      tpu.vector_store %arg10[%swap3A_1347], %swap3A_1350 {strides = array<i32>} : memref<20496xi32, #tpu.memory_space<vmem>>, vector<16xi32>,
      %slice3A_1351 = vector.extract_strided_slice %select_n3A_1227 {offsets = [11], sizes = [1], strides = [1]} : vector<16xi32> to vector<1xi32>
      %squeeze3A_1352 = vector.extract %slice3A_1351[0] : i32 from vector<1xi32>
      %add3A_1353 = arith.addi %add3A_1343, %squeeze3A_1352 : i32
      %slice3A_1354 = vector.extract_strided_slice %or3A_1233 {offsets = [12], sizes = [1], strides = [1]} : vector<16xi32> to vector<1xi32>
      %squeeze3A_1355 = vector.extract %slice3A_1354[0] : i32 from vector<1xi32>
      %broadcast_in_dim3A_1356 = vector.broadcast %squeeze3A_1355 : i32 to vector<16xi32>
      %swap3A_1357 = arith.index_cast %add3A_1353 : i32 to index
      %swap3A_1358 = tpu.vector_load %arg10[%swap3A_1357] {strides = array<i32>} : memref<20496xi32, #tpu.memory_space<vmem>>, vector<16xi32>,
      %swap3A_1359 = vector.shape_cast %swap3A_1358 : vector<16xi32> to vector<16xi32>
      %swap3A_1360 = vector.shape_cast %broadcast_in_dim3A_1356 : vector<16xi32> to vector<16xi32>
      tpu.vector_store %arg10[%swap3A_1357], %swap3A_1360 {strides = array<i32>} : memref<20496xi32, #tpu.memory_space<vmem>>, vector<16xi32>,
      %slice3A_1361 = vector.extract_strided_slice %select_n3A_1227 {offsets = [12], sizes = [1], strides = [1]} : vector<16xi32> to vector<1xi32>
      %squeeze3A_1362 = vector.extract %slice3A_1361[0] : i32 from vector<1xi32>
      %add3A_1363 = arith.addi %add3A_1353, %squeeze3A_1362 : i32
      %slice3A_1364 = vector.extract_strided_slice %or3A_1233 {offsets = [13], sizes = [1], strides = [1]} : vector<16xi32> to vector<1xi32>
      %squeeze3A_1365 = vector.extract %slice3A_1364[0] : i32 from vector<1xi32>
      %broadcast_in_dim3A_1366 = vector.broadcast %squeeze3A_1365 : i32 to vector<16xi32>
      %swap3A_1367 = arith.index_cast %add3A_1363 : i32 to index
      %swap3A_1368 = tpu.vector_load %arg10[%swap3A_1367] {strides = array<i32>} : memref<20496xi32, #tpu.memory_space<vmem>>, vector<16xi32>,
      %swap3A_1369 = vector.shape_cast %swap3A_1368 : vector<16xi32> to vector<16xi32>
      %swap3A_1370 = vector.shape_cast %broadcast_in_dim3A_1366 : vector<16xi32> to vector<16xi32>
      tpu.vector_store %arg10[%swap3A_1367], %swap3A_1370 {strides = array<i32>} : memref<20496xi32, #tpu.memory_space<vmem>>, vector<16xi32>,
      %slice3A_1371 = vector.extract_strided_slice %select_n3A_1227 {offsets = [13], sizes = [1], strides = [1]} : vector<16xi32> to vector<1xi32>
      %squeeze3A_1372 = vector.extract %slice3A_1371[0] : i32 from vector<1xi32>
      %add3A_1373 = arith.addi %add3A_1363, %squeeze3A_1372 : i32
      %slice3A_1374 = vector.extract_strided_slice %or3A_1233 {offsets = [14], sizes = [1], strides = [1]} : vector<16xi32> to vector<1xi32>
      %squeeze3A_1375 = vector.extract %slice3A_1374[0] : i32 from vector<1xi32>
      %broadcast_in_dim3A_1376 = vector.broadcast %squeeze3A_1375 : i32 to vector<16xi32>
      %swap3A_1377 = arith.index_cast %add3A_1373 : i32 to index
      %swap3A_1378 = tpu.vector_load %arg10[%swap3A_1377] {strides = array<i32>} : memref<20496xi32, #tpu.memory_space<vmem>>, vector<16xi32>,
      %swap3A_1379 = vector.shape_cast %swap3A_1378 : vector<16xi32> to vector<16xi32>
      %swap3A_1380 = vector.shape_cast %broadcast_in_dim3A_1376 : vector<16xi32> to vector<16xi32>
      tpu.vector_store %arg10[%swap3A_1377], %swap3A_1380 {strides = array<i32>} : memref<20496xi32, #tpu.memory_space<vmem>>, vector<16xi32>,
      %slice3A_1381 = vector.extract_strided_slice %select_n3A_1227 {offsets = [14], sizes = [1], strides = [1]} : vector<16xi32> to vector<1xi32>
      %squeeze3A_1382 = vector.extract %slice3A_1381[0] : i32 from vector<1xi32>
      %add3A_1383 = arith.addi %add3A_1373, %squeeze3A_1382 : i32
      %slice3A_1384 = vector.extract_strided_slice %or3A_1233 {offsets = [15], sizes = [1], strides = [1]} : vector<16xi32> to vector<1xi32>
      %squeeze3A_1385 = vector.extract %slice3A_1384[0] : i32 from vector<1xi32>
      %broadcast_in_dim3A_1386 = vector.broadcast %squeeze3A_1385 : i32 to vector<16xi32>
      %swap3A_1387 = arith.index_cast %add3A_1383 : i32 to index
      %swap3A_1388 = tpu.vector_load %arg10[%swap3A_1387] {strides = array<i32>} : memref<20496xi32, #tpu.memory_space<vmem>>, vector<16xi32>,
      %swap3A_1389 = vector.shape_cast %swap3A_1388 : vector<16xi32> to vector<16xi32>
      %swap3A_1390 = vector.shape_cast %broadcast_in_dim3A_1386 : vector<16xi32> to vector<16xi32>
      tpu.vector_store %arg10[%swap3A_1387], %swap3A_1390 {strides = array<i32>} : memref<20496xi32, #tpu.memory_space<vmem>>, vector<16xi32>,
      %slice3A_1391 = vector.extract_strided_slice %select_n3A_1227 {offsets = [15], sizes = [1], strides = [1]} : vector<16xi32> to vector<1xi32>
      %squeeze3A_1392 = vector.extract %slice3A_1391[0] : i32 from vector<1xi32>
      %add3A_1393 = arith.addi %add3A_1383, %squeeze3A_1392 : i32
      %get3A_1394 = arith.index_cast %scan3A_102 : i32 to index
      %get3A_1395 = arith.constant 112 : index
      %get3A_1396 = tpu.vector_load %arg8[%get3A_1394, %get3A_1395] {strides = array<i32>} : memref<160x128xi32, #tpu.memory_space<vmem>>, vector<1x16xi32>,
      %get3A_1397 = vector.shape_cast %get3A_1396 : vector<1x16xi32> to vector<16xi32>
      %get3A_1398 = arith.index_cast %scan3A_102 : i32 to index
      %get3A_1399 = arith.constant 112 : index
      %get3A_1400 = tpu.vector_load %arg9[%get3A_1398, %get3A_1399] {strides = array<i32>} : memref<160x128xi32, #tpu.memory_space<vmem>>, vector<1x16xi32>,
      %get3A_1401 = vector.shape_cast %get3A_1400 : vector<1x16xi32> to vector<16xi32>
      %ge3A_1402 = vector.broadcast %mul3A_0 : i32 to vector<16xi32>
      %ge3A_1403 = arith.cmpi sge, %get3A_1401, %ge3A_1402 : vector<16xi32>
      %add3A_1404 = arith.constant 5120 : i32
      %add3A_1405 = arith.addi %mul3A_0, %add3A_1404 : i32
      %lt3A_1406 = vector.broadcast %add3A_1405 : i32 to vector<16xi32>
      %lt3A_1407 = arith.cmpi slt, %get3A_1401, %lt3A_1406 : vector<16xi32>
      %and3A_1408 = arith.andi %ge3A_1403, %lt3A_1407 : vector<16xi1>
      %jit3A_1409 = arith.constant 1 : i32
      %jit3A_1410 = arith.constant 0 : i32
      %broadcast_in_dim3A_1411 = vector.broadcast %jit3A_1409 : i32 to vector<16xi32>
      %broadcast_in_dim3A_1412 = vector.broadcast %jit3A_1410 : i32 to vector<16xi32>
      %select_n3A_1413 = arith.select %and3A_1408, %broadcast_in_dim3A_1411, %broadcast_in_dim3A_1412 : vector<16xi1>, vector<16xi32>
      %sub3A_1414 = vector.broadcast %mul3A_0 : i32 to vector<16xi32>
      %sub3A_1415 = arith.subi %get3A_1401, %sub3A_1414 : vector<16xi32>
      %shift_left3A_1416 = arith.constant 14 : i32
      %shift_left3A_1417 = vector.broadcast %shift_left3A_1416 : i32 to vector<16xi32>
      %shift_left3A_1418 = arith.shli %sub3A_1415, %shift_left3A_1417 : vector<16xi32>
      %or3A_1419 = arith.ori %get3A_1397, %shift_left3A_1418 : vector<16xi32>
      %slice3A_1420 = vector.extract_strided_slice %or3A_1419 {offsets = [0], sizes = [1], strides = [1]} : vector<16xi32> to vector<1xi32>
      %squeeze3A_1421 = vector.extract %slice3A_1420[0] : i32 from vector<1xi32>
      %broadcast_in_dim3A_1422 = vector.broadcast %squeeze3A_1421 : i32 to vector<16xi32>
      %swap3A_1423 = arith.index_cast %add3A_1393 : i32 to index
      %swap3A_1424 = tpu.vector_load %arg10[%swap3A_1423] {strides = array<i32>} : memref<20496xi32, #tpu.memory_space<vmem>>, vector<16xi32>,
      %swap3A_1425 = vector.shape_cast %swap3A_1424 : vector<16xi32> to vector<16xi32>
      %swap3A_1426 = vector.shape_cast %broadcast_in_dim3A_1422 : vector<16xi32> to vector<16xi32>
      tpu.vector_store %arg10[%swap3A_1423], %swap3A_1426 {strides = array<i32>} : memref<20496xi32, #tpu.memory_space<vmem>>, vector<16xi32>,
      %slice3A_1427 = vector.extract_strided_slice %select_n3A_1413 {offsets = [0], sizes = [1], strides = [1]} : vector<16xi32> to vector<1xi32>
      %squeeze3A_1428 = vector.extract %slice3A_1427[0] : i32 from vector<1xi32>
      %add3A_1429 = arith.addi %add3A_1393, %squeeze3A_1428 : i32
      %slice3A_1430 = vector.extract_strided_slice %or3A_1419 {offsets = [1], sizes = [1], strides = [1]} : vector<16xi32> to vector<1xi32>
      %squeeze3A_1431 = vector.extract %slice3A_1430[0] : i32 from vector<1xi32>
      %broadcast_in_dim3A_1432 = vector.broadcast %squeeze3A_1431 : i32 to vector<16xi32>
      %swap3A_1433 = arith.index_cast %add3A_1429 : i32 to index
      %swap3A_1434 = tpu.vector_load %arg10[%swap3A_1433] {strides = array<i32>} : memref<20496xi32, #tpu.memory_space<vmem>>, vector<16xi32>,
      %swap3A_1435 = vector.shape_cast %swap3A_1434 : vector<16xi32> to vector<16xi32>
      %swap3A_1436 = vector.shape_cast %broadcast_in_dim3A_1432 : vector<16xi32> to vector<16xi32>
      tpu.vector_store %arg10[%swap3A_1433], %swap3A_1436 {strides = array<i32>} : memref<20496xi32, #tpu.memory_space<vmem>>, vector<16xi32>,
      %slice3A_1437 = vector.extract_strided_slice %select_n3A_1413 {offsets = [1], sizes = [1], strides = [1]} : vector<16xi32> to vector<1xi32>
      %squeeze3A_1438 = vector.extract %slice3A_1437[0] : i32 from vector<1xi32>
      %add3A_1439 = arith.addi %add3A_1429, %squeeze3A_1438 : i32
      %slice3A_1440 = vector.extract_strided_slice %or3A_1419 {offsets = [2], sizes = [1], strides = [1]} : vector<16xi32> to vector<1xi32>
      %squeeze3A_1441 = vector.extract %slice3A_1440[0] : i32 from vector<1xi32>
      %broadcast_in_dim3A_1442 = vector.broadcast %squeeze3A_1441 : i32 to vector<16xi32>
      %swap3A_1443 = arith.index_cast %add3A_1439 : i32 to index
      %swap3A_1444 = tpu.vector_load %arg10[%swap3A_1443] {strides = array<i32>} : memref<20496xi32, #tpu.memory_space<vmem>>, vector<16xi32>,
      %swap3A_1445 = vector.shape_cast %swap3A_1444 : vector<16xi32> to vector<16xi32>
      %swap3A_1446 = vector.shape_cast %broadcast_in_dim3A_1442 : vector<16xi32> to vector<16xi32>
      tpu.vector_store %arg10[%swap3A_1443], %swap3A_1446 {strides = array<i32>} : memref<20496xi32, #tpu.memory_space<vmem>>, vector<16xi32>,
      %slice3A_1447 = vector.extract_strided_slice %select_n3A_1413 {offsets = [2], sizes = [1], strides = [1]} : vector<16xi32> to vector<1xi32>
      %squeeze3A_1448 = vector.extract %slice3A_1447[0] : i32 from vector<1xi32>
      %add3A_1449 = arith.addi %add3A_1439, %squeeze3A_1448 : i32
      %slice3A_1450 = vector.extract_strided_slice %or3A_1419 {offsets = [3], sizes = [1], strides = [1]} : vector<16xi32> to vector<1xi32>
      %squeeze3A_1451 = vector.extract %slice3A_1450[0] : i32 from vector<1xi32>
      %broadcast_in_dim3A_1452 = vector.broadcast %squeeze3A_1451 : i32 to vector<16xi32>
      %swap3A_1453 = arith.index_cast %add3A_1449 : i32 to index
      %swap3A_1454 = tpu.vector_load %arg10[%swap3A_1453] {strides = array<i32>} : memref<20496xi32, #tpu.memory_space<vmem>>, vector<16xi32>,
      %swap3A_1455 = vector.shape_cast %swap3A_1454 : vector<16xi32> to vector<16xi32>
      %swap3A_1456 = vector.shape_cast %broadcast_in_dim3A_1452 : vector<16xi32> to vector<16xi32>
      tpu.vector_store %arg10[%swap3A_1453], %swap3A_1456 {strides = array<i32>} : memref<20496xi32, #tpu.memory_space<vmem>>, vector<16xi32>,
      %slice3A_1457 = vector.extract_strided_slice %select_n3A_1413 {offsets = [3], sizes = [1], strides = [1]} : vector<16xi32> to vector<1xi32>
      %squeeze3A_1458 = vector.extract %slice3A_1457[0] : i32 from vector<1xi32>
      %add3A_1459 = arith.addi %add3A_1449, %squeeze3A_1458 : i32
      %slice3A_1460 = vector.extract_strided_slice %or3A_1419 {offsets = [4], sizes = [1], strides = [1]} : vector<16xi32> to vector<1xi32>
      %squeeze3A_1461 = vector.extract %slice3A_1460[0] : i32 from vector<1xi32>
      %broadcast_in_dim3A_1462 = vector.broadcast %squeeze3A_1461 : i32 to vector<16xi32>
      %swap3A_1463 = arith.index_cast %add3A_1459 : i32 to index
      %swap3A_1464 = tpu.vector_load %arg10[%swap3A_1463] {strides = array<i32>} : memref<20496xi32, #tpu.memory_space<vmem>>, vector<16xi32>,
      %swap3A_1465 = vector.shape_cast %swap3A_1464 : vector<16xi32> to vector<16xi32>
      %swap3A_1466 = vector.shape_cast %broadcast_in_dim3A_1462 : vector<16xi32> to vector<16xi32>
      tpu.vector_store %arg10[%swap3A_1463], %swap3A_1466 {strides = array<i32>} : memref<20496xi32, #tpu.memory_space<vmem>>, vector<16xi32>,
      %slice3A_1467 = vector.extract_strided_slice %select_n3A_1413 {offsets = [4], sizes = [1], strides = [1]} : vector<16xi32> to vector<1xi32>
      %squeeze3A_1468 = vector.extract %slice3A_1467[0] : i32 from vector<1xi32>
      %add3A_1469 = arith.addi %add3A_1459, %squeeze3A_1468 : i32
      %slice3A_1470 = vector.extract_strided_slice %or3A_1419 {offsets = [5], sizes = [1], strides = [1]} : vector<16xi32> to vector<1xi32>
      %squeeze3A_1471 = vector.extract %slice3A_1470[0] : i32 from vector<1xi32>
      %broadcast_in_dim3A_1472 = vector.broadcast %squeeze3A_1471 : i32 to vector<16xi32>
      %swap3A_1473 = arith.index_cast %add3A_1469 : i32 to index
      %swap3A_1474 = tpu.vector_load %arg10[%swap3A_1473] {strides = array<i32>} : memref<20496xi32, #tpu.memory_space<vmem>>, vector<16xi32>,
      %swap3A_1475 = vector.shape_cast %swap3A_1474 : vector<16xi32> to vector<16xi32>
      %swap3A_1476 = vector.shape_cast %broadcast_in_dim3A_1472 : vector<16xi32> to vector<16xi32>
      tpu.vector_store %arg10[%swap3A_1473], %swap3A_1476 {strides = array<i32>} : memref<20496xi32, #tpu.memory_space<vmem>>, vector<16xi32>,
      %slice3A_1477 = vector.extract_strided_slice %select_n3A_1413 {offsets = [5], sizes = [1], strides = [1]} : vector<16xi32> to vector<1xi32>
      %squeeze3A_1478 = vector.extract %slice3A_1477[0] : i32 from vector<1xi32>
      %add3A_1479 = arith.addi %add3A_1469, %squeeze3A_1478 : i32
      %slice3A_1480 = vector.extract_strided_slice %or3A_1419 {offsets = [6], sizes = [1], strides = [1]} : vector<16xi32> to vector<1xi32>
      %squeeze3A_1481 = vector.extract %slice3A_1480[0] : i32 from vector<1xi32>
      %broadcast_in_dim3A_1482 = vector.broadcast %squeeze3A_1481 : i32 to vector<16xi32>
      %swap3A_1483 = arith.index_cast %add3A_1479 : i32 to index
      %swap3A_1484 = tpu.vector_load %arg10[%swap3A_1483] {strides = array<i32>} : memref<20496xi32, #tpu.memory_space<vmem>>, vector<16xi32>,
      %swap3A_1485 = vector.shape_cast %swap3A_1484 : vector<16xi32> to vector<16xi32>
      %swap3A_1486 = vector.shape_cast %broadcast_in_dim3A_1482 : vector<16xi32> to vector<16xi32>
      tpu.vector_store %arg10[%swap3A_1483], %swap3A_1486 {strides = array<i32>} : memref<20496xi32, #tpu.memory_space<vmem>>, vector<16xi32>,
      %slice3A_1487 = vector.extract_strided_slice %select_n3A_1413 {offsets = [6], sizes = [1], strides = [1]} : vector<16xi32> to vector<1xi32>
      %squeeze3A_1488 = vector.extract %slice3A_1487[0] : i32 from vector<1xi32>
      %add3A_1489 = arith.addi %add3A_1479, %squeeze3A_1488 : i32
      %slice3A_1490 = vector.extract_strided_slice %or3A_1419 {offsets = [7], sizes = [1], strides = [1]} : vector<16xi32> to vector<1xi32>
      %squeeze3A_1491 = vector.extract %slice3A_1490[0] : i32 from vector<1xi32>
      %broadcast_in_dim3A_1492 = vector.broadcast %squeeze3A_1491 : i32 to vector<16xi32>
      %swap3A_1493 = arith.index_cast %add3A_1489 : i32 to index
      %swap3A_1494 = tpu.vector_load %arg10[%swap3A_1493] {strides = array<i32>} : memref<20496xi32, #tpu.memory_space<vmem>>, vector<16xi32>,
      %swap3A_1495 = vector.shape_cast %swap3A_1494 : vector<16xi32> to vector<16xi32>
      %swap3A_1496 = vector.shape_cast %broadcast_in_dim3A_1492 : vector<16xi32> to vector<16xi32>
      tpu.vector_store %arg10[%swap3A_1493], %swap3A_1496 {strides = array<i32>} : memref<20496xi32, #tpu.memory_space<vmem>>, vector<16xi32>,
      %slice3A_1497 = vector.extract_strided_slice %select_n3A_1413 {offsets = [7], sizes = [1], strides = [1]} : vector<16xi32> to vector<1xi32>
      %squeeze3A_1498 = vector.extract %slice3A_1497[0] : i32 from vector<1xi32>
      %add3A_1499 = arith.addi %add3A_1489, %squeeze3A_1498 : i32
      %slice3A_1500 = vector.extract_strided_slice %or3A_1419 {offsets = [8], sizes = [1], strides = [1]} : vector<16xi32> to vector<1xi32>
      %squeeze3A_1501 = vector.extract %slice3A_1500[0] : i32 from vector<1xi32>
      %broadcast_in_dim3A_1502 = vector.broadcast %squeeze3A_1501 : i32 to vector<16xi32>
      %swap3A_1503 = arith.index_cast %add3A_1499 : i32 to index
      %swap3A_1504 = tpu.vector_load %arg10[%swap3A_1503] {strides = array<i32>} : memref<20496xi32, #tpu.memory_space<vmem>>, vector<16xi32>,
      %swap3A_1505 = vector.shape_cast %swap3A_1504 : vector<16xi32> to vector<16xi32>
      %swap3A_1506 = vector.shape_cast %broadcast_in_dim3A_1502 : vector<16xi32> to vector<16xi32>
      tpu.vector_store %arg10[%swap3A_1503], %swap3A_1506 {strides = array<i32>} : memref<20496xi32, #tpu.memory_space<vmem>>, vector<16xi32>,
      %slice3A_1507 = vector.extract_strided_slice %select_n3A_1413 {offsets = [8], sizes = [1], strides = [1]} : vector<16xi32> to vector<1xi32>
      %squeeze3A_1508 = vector.extract %slice3A_1507[0] : i32 from vector<1xi32>
      %add3A_1509 = arith.addi %add3A_1499, %squeeze3A_1508 : i32
      %slice3A_1510 = vector.extract_strided_slice %or3A_1419 {offsets = [9], sizes = [1], strides = [1]} : vector<16xi32> to vector<1xi32>
      %squeeze3A_1511 = vector.extract %slice3A_1510[0] : i32 from vector<1xi32>
      %broadcast_in_dim3A_1512 = vector.broadcast %squeeze3A_1511 : i32 to vector<16xi32>
      %swap3A_1513 = arith.index_cast %add3A_1509 : i32 to index
      %swap3A_1514 = tpu.vector_load %arg10[%swap3A_1513] {strides = array<i32>} : memref<20496xi32, #tpu.memory_space<vmem>>, vector<16xi32>,
      %swap3A_1515 = vector.shape_cast %swap3A_1514 : vector<16xi32> to vector<16xi32>
      %swap3A_1516 = vector.shape_cast %broadcast_in_dim3A_1512 : vector<16xi32> to vector<16xi32>
      tpu.vector_store %arg10[%swap3A_1513], %swap3A_1516 {strides = array<i32>} : memref<20496xi32, #tpu.memory_space<vmem>>, vector<16xi32>,
      %slice3A_1517 = vector.extract_strided_slice %select_n3A_1413 {offsets = [9], sizes = [1], strides = [1]} : vector<16xi32> to vector<1xi32>
      %squeeze3A_1518 = vector.extract %slice3A_1517[0] : i32 from vector<1xi32>
      %add3A_1519 = arith.addi %add3A_1509, %squeeze3A_1518 : i32
      %slice3A_1520 = vector.extract_strided_slice %or3A_1419 {offsets = [10], sizes = [1], strides = [1]} : vector<16xi32> to vector<1xi32>
      %squeeze3A_1521 = vector.extract %slice3A_1520[0] : i32 from vector<1xi32>
      %broadcast_in_dim3A_1522 = vector.broadcast %squeeze3A_1521 : i32 to vector<16xi32>
      %swap3A_1523 = arith.index_cast %add3A_1519 : i32 to index
      %swap3A_1524 = tpu.vector_load %arg10[%swap3A_1523] {strides = array<i32>} : memref<20496xi32, #tpu.memory_space<vmem>>, vector<16xi32>,
      %swap3A_1525 = vector.shape_cast %swap3A_1524 : vector<16xi32> to vector<16xi32>
      %swap3A_1526 = vector.shape_cast %broadcast_in_dim3A_1522 : vector<16xi32> to vector<16xi32>
      tpu.vector_store %arg10[%swap3A_1523], %swap3A_1526 {strides = array<i32>} : memref<20496xi32, #tpu.memory_space<vmem>>, vector<16xi32>,
      %slice3A_1527 = vector.extract_strided_slice %select_n3A_1413 {offsets = [10], sizes = [1], strides = [1]} : vector<16xi32> to vector<1xi32>
      %squeeze3A_1528 = vector.extract %slice3A_1527[0] : i32 from vector<1xi32>
      %add3A_1529 = arith.addi %add3A_1519, %squeeze3A_1528 : i32
      %slice3A_1530 = vector.extract_strided_slice %or3A_1419 {offsets = [11], sizes = [1], strides = [1]} : vector<16xi32> to vector<1xi32>
      %squeeze3A_1531 = vector.extract %slice3A_1530[0] : i32 from vector<1xi32>
      %broadcast_in_dim3A_1532 = vector.broadcast %squeeze3A_1531 : i32 to vector<16xi32>
      %swap3A_1533 = arith.index_cast %add3A_1529 : i32 to index
      %swap3A_1534 = tpu.vector_load %arg10[%swap3A_1533] {strides = array<i32>} : memref<20496xi32, #tpu.memory_space<vmem>>, vector<16xi32>,
      %swap3A_1535 = vector.shape_cast %swap3A_1534 : vector<16xi32> to vector<16xi32>
      %swap3A_1536 = vector.shape_cast %broadcast_in_dim3A_1532 : vector<16xi32> to vector<16xi32>
      tpu.vector_store %arg10[%swap3A_1533], %swap3A_1536 {strides = array<i32>} : memref<20496xi32, #tpu.memory_space<vmem>>, vector<16xi32>,
      %slice3A_1537 = vector.extract_strided_slice %select_n3A_1413 {offsets = [11], sizes = [1], strides = [1]} : vector<16xi32> to vector<1xi32>
      %squeeze3A_1538 = vector.extract %slice3A_1537[0] : i32 from vector<1xi32>
      %add3A_1539 = arith.addi %add3A_1529, %squeeze3A_1538 : i32
      %slice3A_1540 = vector.extract_strided_slice %or3A_1419 {offsets = [12], sizes = [1], strides = [1]} : vector<16xi32> to vector<1xi32>
      %squeeze3A_1541 = vector.extract %slice3A_1540[0] : i32 from vector<1xi32>
      %broadcast_in_dim3A_1542 = vector.broadcast %squeeze3A_1541 : i32 to vector<16xi32>
      %swap3A_1543 = arith.index_cast %add3A_1539 : i32 to index
      %swap3A_1544 = tpu.vector_load %arg10[%swap3A_1543] {strides = array<i32>} : memref<20496xi32, #tpu.memory_space<vmem>>, vector<16xi32>,
      %swap3A_1545 = vector.shape_cast %swap3A_1544 : vector<16xi32> to vector<16xi32>
      %swap3A_1546 = vector.shape_cast %broadcast_in_dim3A_1542 : vector<16xi32> to vector<16xi32>
      tpu.vector_store %arg10[%swap3A_1543], %swap3A_1546 {strides = array<i32>} : memref<20496xi32, #tpu.memory_space<vmem>>, vector<16xi32>,
      %slice3A_1547 = vector.extract_strided_slice %select_n3A_1413 {offsets = [12], sizes = [1], strides = [1]} : vector<16xi32> to vector<1xi32>
      %squeeze3A_1548 = vector.extract %slice3A_1547[0] : i32 from vector<1xi32>
      %add3A_1549 = arith.addi %add3A_1539, %squeeze3A_1548 : i32
      %slice3A_1550 = vector.extract_strided_slice %or3A_1419 {offsets = [13], sizes = [1], strides = [1]} : vector<16xi32> to vector<1xi32>
      %squeeze3A_1551 = vector.extract %slice3A_1550[0] : i32 from vector<1xi32>
      %broadcast_in_dim3A_1552 = vector.broadcast %squeeze3A_1551 : i32 to vector<16xi32>
      %swap3A_1553 = arith.index_cast %add3A_1549 : i32 to index
      %swap3A_1554 = tpu.vector_load %arg10[%swap3A_1553] {strides = array<i32>} : memref<20496xi32, #tpu.memory_space<vmem>>, vector<16xi32>,
      %swap3A_1555 = vector.shape_cast %swap3A_1554 : vector<16xi32> to vector<16xi32>
      %swap3A_1556 = vector.shape_cast %broadcast_in_dim3A_1552 : vector<16xi32> to vector<16xi32>
      tpu.vector_store %arg10[%swap3A_1553], %swap3A_1556 {strides = array<i32>} : memref<20496xi32, #tpu.memory_space<vmem>>, vector<16xi32>,
      %slice3A_1557 = vector.extract_strided_slice %select_n3A_1413 {offsets = [13], sizes = [1], strides = [1]} : vector<16xi32> to vector<1xi32>
      %squeeze3A_1558 = vector.extract %slice3A_1557[0] : i32 from vector<1xi32>
      %add3A_1559 = arith.addi %add3A_1549, %squeeze3A_1558 : i32
      %slice3A_1560 = vector.extract_strided_slice %or3A_1419 {offsets = [14], sizes = [1], strides = [1]} : vector<16xi32> to vector<1xi32>
      %squeeze3A_1561 = vector.extract %slice3A_1560[0] : i32 from vector<1xi32>
      %broadcast_in_dim3A_1562 = vector.broadcast %squeeze3A_1561 : i32 to vector<16xi32>
      %swap3A_1563 = arith.index_cast %add3A_1559 : i32 to index
      %swap3A_1564 = tpu.vector_load %arg10[%swap3A_1563] {strides = array<i32>} : memref<20496xi32, #tpu.memory_space<vmem>>, vector<16xi32>,
      %swap3A_1565 = vector.shape_cast %swap3A_1564 : vector<16xi32> to vector<16xi32>
      %swap3A_1566 = vector.shape_cast %broadcast_in_dim3A_1562 : vector<16xi32> to vector<16xi32>
      tpu.vector_store %arg10[%swap3A_1563], %swap3A_1566 {strides = array<i32>} : memref<20496xi32, #tpu.memory_space<vmem>>, vector<16xi32>,
      %slice3A_1567 = vector.extract_strided_slice %select_n3A_1413 {offsets = [14], sizes = [1], strides = [1]} : vector<16xi32> to vector<1xi32>
      %squeeze3A_1568 = vector.extract %slice3A_1567[0] : i32 from vector<1xi32>
      %add3A_1569 = arith.addi %add3A_1559, %squeeze3A_1568 : i32
      %slice3A_1570 = vector.extract_strided_slice %or3A_1419 {offsets = [15], sizes = [1], strides = [1]} : vector<16xi32> to vector<1xi32>
      %squeeze3A_1571 = vector.extract %slice3A_1570[0] : i32 from vector<1xi32>
      %broadcast_in_dim3A_1572 = vector.broadcast %squeeze3A_1571 : i32 to vector<16xi32>
      %swap3A_1573 = arith.index_cast %add3A_1569 : i32 to index
      %swap3A_1574 = tpu.vector_load %arg10[%swap3A_1573] {strides = array<i32>} : memref<20496xi32, #tpu.memory_space<vmem>>, vector<16xi32>,
      %swap3A_1575 = vector.shape_cast %swap3A_1574 : vector<16xi32> to vector<16xi32>
      %swap3A_1576 = vector.shape_cast %broadcast_in_dim3A_1572 : vector<16xi32> to vector<16xi32>
      tpu.vector_store %arg10[%swap3A_1573], %swap3A_1576 {strides = array<i32>} : memref<20496xi32, #tpu.memory_space<vmem>>, vector<16xi32>,
      %slice3A_1577 = vector.extract_strided_slice %select_n3A_1413 {offsets = [15], sizes = [1], strides = [1]} : vector<16xi32> to vector<1xi32>
      %squeeze3A_1578 = vector.extract %slice3A_1577[0] : i32 from vector<1xi32>
      %add3A_1579 = arith.addi %add3A_1569, %squeeze3A_1578 : i32
      scf.yield %add3A_1579 : i32
    }
    %scan3A_69 = arith.constant 160 : i32
    %swap3A_70 = arith.index_cast %scan3A_68 : i32 to index
    %swap3A_71 = tpu.vector_load %arg10[%swap3A_70] {strides = array<i32>} : memref<20496xi32, #tpu.memory_space<vmem>>, vector<16xi32>,
    %swap3A_72 = vector.shape_cast %swap3A_71 : vector<16xi32> to vector<16xi32>
    %swap3A_73 = vector.shape_cast %broadcast_in_dim3A_55 : vector<16xi32> to vector<16xi32>
    tpu.vector_store %arg10[%swap3A_70], %swap3A_73 {strides = array<i32>} : memref<20496xi32, #tpu.memory_space<vmem>>, vector<16xi32>,
    %scan3A_74 = arith.constant 0 : i32
    %scan3A_75 = arith.constant 0 : i32
    %scan3A_76 = arith.constant 80 : i32
    %scan3A_77 = arith.addi %scan3A_75, %scan3A_76 : i32
    %scan3A_78 = arith.constant 1 : i32
    %scan3A_79 = scf.for %scan3A_102 = %scan3A_75 to %scan3A_77 step %scan3A_78 iter_args(%scan3A_103 = %scan3A_74) -> (i32)  : i32 {
      %mul3A_104 = arith.constant 80 : i32
      %mul3A_105 = arith.muli %arg0, %mul3A_104 : i32
      %add3A = arith.addi %mul3A_105, %scan3A_102 : i32
      %dma_wait3A = arith.constant 0 : i32
      %dma_wait3A_106 = tpu.memref_slice %arg9[%add3A, %dma_wait3A] : memref<160x128xi32, #tpu.memory_space<vmem>> -> memref<1x128xi32, #tpu.memory_space<vmem>>
      %dma_wait3A_107 = tpu.memref_squeeze %dma_wait3A_106 : memref<1x128xi32, #tpu.memory_space<vmem>> -> memref<128xi32, #tpu.memory_space<vmem>>
      %dma_wait3A_108 = arith.constant 0 : i32
      %dma_wait3A_109 = tpu.memref_slice %arg14[%dma_wait3A_108] : memref<10256xf32, #tpu.memory_space<vmem_shared>> -> memref<10256xf32, #tpu.memory_space<vmem_shared>>
      tpu.wait_indirect_dma semaphore(%arg15 : memref<!tpu.dma_semaphore, #tpu.memory_space<semaphore_mem>>) src(%arg12 : memref<128xf32, #tpu.memory_space<vmem>>) dst(%dma_wait3A_109 : memref<10256xf32, #tpu.memory_space<vmem_shared>>)
      %scan3A_110 = arith.constant 0 : i32
      scf.yield %scan3A_110 : i32
    }
    %scan3A_80 = arith.constant 80 : i32
    %scan3A_81 = arith.constant 0 : i32
    %scan3A_82 = arith.constant 0 : i32
    %scan3A_83 = arith.constant 160 : i32
    %scan3A_84 = arith.addi %scan3A_82, %scan3A_83 : i32
    %scan3A_85 = arith.constant 1 : i32
    %scan3A_86 = scf.for %scan3A_102 = %scan3A_82 to %scan3A_84 step %scan3A_85 iter_args(%scan3A_103 = %scan3A_81) -> (i32)  : i32 {
      %mul3A_104 = arith.constant 8 : i32
      %mul3A_105 = arith.muli %scan3A_102, %mul3A_104 : i32
      %add3A = arith.constant 0 : i32
      %add3A_106 = arith.addi %mul3A_105, %add3A : i32
      %mul3A_107 = arith.constant 16 : i32
      %mul3A_108 = arith.muli %add3A_106, %mul3A_107 : i32
      %get3A = arith.index_cast %mul3A_108 : i32 to index
      %get3A_109 = tpu.vector_load %arg10[%get3A] {strides = array<i32>} : memref<20496xi32, #tpu.memory_space<vmem>>, vector<16xi32>,
      %get3A_110 = vector.shape_cast %get3A_109 : vector<16xi32> to vector<16xi32>
      %and3A = arith.constant 16383 : i32
      %and3A_111 = vector.broadcast %and3A : i32 to vector<16xi32>
      %and3A_112 = arith.andi %get3A_110, %and3A_111 : vector<16xi32>
      %swap3A_113 = arith.index_cast %scan3A_102 : i32 to index
      %swap3A_114 = arith.constant 0 : index
      %swap3A_115 = tpu.vector_load %arg8[%swap3A_113, %swap3A_114] {strides = array<i32>} : memref<160x128xi32, #tpu.memory_space<vmem>>, vector<1x16xi32>,
      %swap3A_116 = vector.shape_cast %swap3A_115 : vector<1x16xi32> to vector<16xi32>
      %swap3A_117 = vector.shape_cast %and3A_112 : vector<16xi32> to vector<1x16xi32>
      tpu.vector_store %arg8[%swap3A_113, %swap3A_114], %swap3A_117 {strides = array<i32>} : memref<160x128xi32, #tpu.memory_space<vmem>>, vector<1x16xi32>,
      %shift_right_logical3A = arith.constant 14 : i32
      %shift_right_logical3A_118 = vector.broadcast %shift_right_logical3A : i32 to vector<16xi32>
      %shift_right_logical3A_119 = arith.shrui %get3A_110, %shift_right_logical3A_118 : vector<16xi32>
      %swap3A_120 = arith.index_cast %scan3A_102 : i32 to index
      %swap3A_121 = arith.constant 0 : index
      %swap3A_122 = tpu.vector_load %arg9[%swap3A_120, %swap3A_121] {strides = array<i32>} : memref<160x128xi32, #tpu.memory_space<vmem>>, vector<1x16xi32>,
      %swap3A_123 = vector.shape_cast %swap3A_122 : vector<1x16xi32> to vector<16xi32>
      %swap3A_124 = vector.shape_cast %shift_right_logical3A_119 : vector<16xi32> to vector<1x16xi32>
      tpu.vector_store %arg9[%swap3A_120, %swap3A_121], %swap3A_124 {strides = array<i32>} : memref<160x128xi32, #tpu.memory_space<vmem>>, vector<1x16xi32>,
      %mul3A_125 = arith.constant 8 : i32
      %mul3A_126 = arith.muli %scan3A_102, %mul3A_125 : i32
      %add3A_127 = arith.constant 1 : i32
      %add3A_128 = arith.addi %mul3A_126, %add3A_127 : i32
      %mul3A_129 = arith.constant 16 : i32
      %mul3A_130 = arith.muli %add3A_128, %mul3A_129 : i32
      %get3A_131 = arith.index_cast %mul3A_130 : i32 to index
      %get3A_132 = tpu.vector_load %arg10[%get3A_131] {strides = array<i32>} : memref<20496xi32, #tpu.memory_space<vmem>>, vector<16xi32>,
      %get3A_133 = vector.shape_cast %get3A_132 : vector<16xi32> to vector<16xi32>
      %and3A_134 = arith.constant 16383 : i32
      %and3A_135 = vector.broadcast %and3A_134 : i32 to vector<16xi32>
      %and3A_136 = arith.andi %get3A_133, %and3A_135 : vector<16xi32>
      %swap3A_137 = arith.index_cast %scan3A_102 : i32 to index
      %swap3A_138 = arith.constant 16 : index
      %swap3A_139 = tpu.vector_load %arg8[%swap3A_137, %swap3A_138] {strides = array<i32>} : memref<160x128xi32, #tpu.memory_space<vmem>>, vector<1x16xi32>,
      %swap3A_140 = vector.shape_cast %swap3A_139 : vector<1x16xi32> to vector<16xi32>
      %swap3A_141 = vector.shape_cast %and3A_136 : vector<16xi32> to vector<1x16xi32>
      tpu.vector_store %arg8[%swap3A_137, %swap3A_138], %swap3A_141 {strides = array<i32>} : memref<160x128xi32, #tpu.memory_space<vmem>>, vector<1x16xi32>,
      %shift_right_logical3A_142 = arith.constant 14 : i32
      %shift_right_logical3A_143 = vector.broadcast %shift_right_logical3A_142 : i32 to vector<16xi32>
      %shift_right_logical3A_144 = arith.shrui %get3A_133, %shift_right_logical3A_143 : vector<16xi32>
      %swap3A_145 = arith.index_cast %scan3A_102 : i32 to index
      %swap3A_146 = arith.constant 16 : index
      %swap3A_147 = tpu.vector_load %arg9[%swap3A_145, %swap3A_146] {strides = array<i32>} : memref<160x128xi32, #tpu.memory_space<vmem>>, vector<1x16xi32>,
      %swap3A_148 = vector.shape_cast %swap3A_147 : vector<1x16xi32> to vector<16xi32>
      %swap3A_149 = vector.shape_cast %shift_right_logical3A_144 : vector<16xi32> to vector<1x16xi32>
      tpu.vector_store %arg9[%swap3A_145, %swap3A_146], %swap3A_149 {strides = array<i32>} : memref<160x128xi32, #tpu.memory_space<vmem>>, vector<1x16xi32>,
      %mul3A_150 = arith.constant 8 : i32
      %mul3A_151 = arith.muli %scan3A_102, %mul3A_150 : i32
      %add3A_152 = arith.constant 2 : i32
      %add3A_153 = arith.addi %mul3A_151, %add3A_152 : i32
      %mul3A_154 = arith.constant 16 : i32
      %mul3A_155 = arith.muli %add3A_153, %mul3A_154 : i32
      %get3A_156 = arith.index_cast %mul3A_155 : i32 to index
      %get3A_157 = tpu.vector_load %arg10[%get3A_156] {strides = array<i32>} : memref<20496xi32, #tpu.memory_space<vmem>>, vector<16xi32>,
      %get3A_158 = vector.shape_cast %get3A_157 : vector<16xi32> to vector<16xi32>
      %and3A_159 = arith.constant 16383 : i32
      %and3A_160 = vector.broadcast %and3A_159 : i32 to vector<16xi32>
      %and3A_161 = arith.andi %get3A_158, %and3A_160 : vector<16xi32>
      %swap3A_162 = arith.index_cast %scan3A_102 : i32 to index
      %swap3A_163 = arith.constant 32 : index
      %swap3A_164 = tpu.vector_load %arg8[%swap3A_162, %swap3A_163] {strides = array<i32>} : memref<160x128xi32, #tpu.memory_space<vmem>>, vector<1x16xi32>,
      %swap3A_165 = vector.shape_cast %swap3A_164 : vector<1x16xi32> to vector<16xi32>
      %swap3A_166 = vector.shape_cast %and3A_161 : vector<16xi32> to vector<1x16xi32>
      tpu.vector_store %arg8[%swap3A_162, %swap3A_163], %swap3A_166 {strides = array<i32>} : memref<160x128xi32, #tpu.memory_space<vmem>>, vector<1x16xi32>,
      %shift_right_logical3A_167 = arith.constant 14 : i32
      %shift_right_logical3A_168 = vector.broadcast %shift_right_logical3A_167 : i32 to vector<16xi32>
      %shift_right_logical3A_169 = arith.shrui %get3A_158, %shift_right_logical3A_168 : vector<16xi32>
      %swap3A_170 = arith.index_cast %scan3A_102 : i32 to index
      %swap3A_171 = arith.constant 32 : index
      %swap3A_172 = tpu.vector_load %arg9[%swap3A_170, %swap3A_171] {strides = array<i32>} : memref<160x128xi32, #tpu.memory_space<vmem>>, vector<1x16xi32>,
      %swap3A_173 = vector.shape_cast %swap3A_172 : vector<1x16xi32> to vector<16xi32>
      %swap3A_174 = vector.shape_cast %shift_right_logical3A_169 : vector<16xi32> to vector<1x16xi32>
      tpu.vector_store %arg9[%swap3A_170, %swap3A_171], %swap3A_174 {strides = array<i32>} : memref<160x128xi32, #tpu.memory_space<vmem>>, vector<1x16xi32>,
      %mul3A_175 = arith.constant 8 : i32
      %mul3A_176 = arith.muli %scan3A_102, %mul3A_175 : i32
      %add3A_177 = arith.constant 3 : i32
      %add3A_178 = arith.addi %mul3A_176, %add3A_177 : i32
      %mul3A_179 = arith.constant 16 : i32
      %mul3A_180 = arith.muli %add3A_178, %mul3A_179 : i32
      %get3A_181 = arith.index_cast %mul3A_180 : i32 to index
      %get3A_182 = tpu.vector_load %arg10[%get3A_181] {strides = array<i32>} : memref<20496xi32, #tpu.memory_space<vmem>>, vector<16xi32>,
      %get3A_183 = vector.shape_cast %get3A_182 : vector<16xi32> to vector<16xi32>
      %and3A_184 = arith.constant 16383 : i32
      %and3A_185 = vector.broadcast %and3A_184 : i32 to vector<16xi32>
      %and3A_186 = arith.andi %get3A_183, %and3A_185 : vector<16xi32>
      %swap3A_187 = arith.index_cast %scan3A_102 : i32 to index
      %swap3A_188 = arith.constant 48 : index
      %swap3A_189 = tpu.vector_load %arg8[%swap3A_187, %swap3A_188] {strides = array<i32>} : memref<160x128xi32, #tpu.memory_space<vmem>>, vector<1x16xi32>,
      %swap3A_190 = vector.shape_cast %swap3A_189 : vector<1x16xi32> to vector<16xi32>
      %swap3A_191 = vector.shape_cast %and3A_186 : vector<16xi32> to vector<1x16xi32>
      tpu.vector_store %arg8[%swap3A_187, %swap3A_188], %swap3A_191 {strides = array<i32>} : memref<160x128xi32, #tpu.memory_space<vmem>>, vector<1x16xi32>,
      %shift_right_logical3A_192 = arith.constant 14 : i32
      %shift_right_logical3A_193 = vector.broadcast %shift_right_logical3A_192 : i32 to vector<16xi32>
      %shift_right_logical3A_194 = arith.shrui %get3A_183, %shift_right_logical3A_193 : vector<16xi32>
      %swap3A_195 = arith.index_cast %scan3A_102 : i32 to index
      %swap3A_196 = arith.constant 48 : index
      %swap3A_197 = tpu.vector_load %arg9[%swap3A_195, %swap3A_196] {strides = array<i32>} : memref<160x128xi32, #tpu.memory_space<vmem>>, vector<1x16xi32>,
      %swap3A_198 = vector.shape_cast %swap3A_197 : vector<1x16xi32> to vector<16xi32>
      %swap3A_199 = vector.shape_cast %shift_right_logical3A_194 : vector<16xi32> to vector<1x16xi32>
      tpu.vector_store %arg9[%swap3A_195, %swap3A_196], %swap3A_199 {strides = array<i32>} : memref<160x128xi32, #tpu.memory_space<vmem>>, vector<1x16xi32>,
      %mul3A_200 = arith.constant 8 : i32
      %mul3A_201 = arith.muli %scan3A_102, %mul3A_200 : i32
      %add3A_202 = arith.constant 4 : i32
      %add3A_203 = arith.addi %mul3A_201, %add3A_202 : i32
      %mul3A_204 = arith.constant 16 : i32
      %mul3A_205 = arith.muli %add3A_203, %mul3A_204 : i32
      %get3A_206 = arith.index_cast %mul3A_205 : i32 to index
      %get3A_207 = tpu.vector_load %arg10[%get3A_206] {strides = array<i32>} : memref<20496xi32, #tpu.memory_space<vmem>>, vector<16xi32>,
      %get3A_208 = vector.shape_cast %get3A_207 : vector<16xi32> to vector<16xi32>
      %and3A_209 = arith.constant 16383 : i32
      %and3A_210 = vector.broadcast %and3A_209 : i32 to vector<16xi32>
      %and3A_211 = arith.andi %get3A_208, %and3A_210 : vector<16xi32>
      %swap3A_212 = arith.index_cast %scan3A_102 : i32 to index
      %swap3A_213 = arith.constant 64 : index
      %swap3A_214 = tpu.vector_load %arg8[%swap3A_212, %swap3A_213] {strides = array<i32>} : memref<160x128xi32, #tpu.memory_space<vmem>>, vector<1x16xi32>,
      %swap3A_215 = vector.shape_cast %swap3A_214 : vector<1x16xi32> to vector<16xi32>
      %swap3A_216 = vector.shape_cast %and3A_211 : vector<16xi32> to vector<1x16xi32>
      tpu.vector_store %arg8[%swap3A_212, %swap3A_213], %swap3A_216 {strides = array<i32>} : memref<160x128xi32, #tpu.memory_space<vmem>>, vector<1x16xi32>,
      %shift_right_logical3A_217 = arith.constant 14 : i32
      %shift_right_logical3A_218 = vector.broadcast %shift_right_logical3A_217 : i32 to vector<16xi32>
      %shift_right_logical3A_219 = arith.shrui %get3A_208, %shift_right_logical3A_218 : vector<16xi32>
      %swap3A_220 = arith.index_cast %scan3A_102 : i32 to index
      %swap3A_221 = arith.constant 64 : index
      %swap3A_222 = tpu.vector_load %arg9[%swap3A_220, %swap3A_221] {strides = array<i32>} : memref<160x128xi32, #tpu.memory_space<vmem>>, vector<1x16xi32>,
      %swap3A_223 = vector.shape_cast %swap3A_222 : vector<1x16xi32> to vector<16xi32>
      %swap3A_224 = vector.shape_cast %shift_right_logical3A_219 : vector<16xi32> to vector<1x16xi32>
      tpu.vector_store %arg9[%swap3A_220, %swap3A_221], %swap3A_224 {strides = array<i32>} : memref<160x128xi32, #tpu.memory_space<vmem>>, vector<1x16xi32>,
      %mul3A_225 = arith.constant 8 : i32
      %mul3A_226 = arith.muli %scan3A_102, %mul3A_225 : i32
      %add3A_227 = arith.constant 5 : i32
      %add3A_228 = arith.addi %mul3A_226, %add3A_227 : i32
      %mul3A_229 = arith.constant 16 : i32
      %mul3A_230 = arith.muli %add3A_228, %mul3A_229 : i32
      %get3A_231 = arith.index_cast %mul3A_230 : i32 to index
      %get3A_232 = tpu.vector_load %arg10[%get3A_231] {strides = array<i32>} : memref<20496xi32, #tpu.memory_space<vmem>>, vector<16xi32>,
      %get3A_233 = vector.shape_cast %get3A_232 : vector<16xi32> to vector<16xi32>
      %and3A_234 = arith.constant 16383 : i32
      %and3A_235 = vector.broadcast %and3A_234 : i32 to vector<16xi32>
      %and3A_236 = arith.andi %get3A_233, %and3A_235 : vector<16xi32>
      %swap3A_237 = arith.index_cast %scan3A_102 : i32 to index
      %swap3A_238 = arith.constant 80 : index
      %swap3A_239 = tpu.vector_load %arg8[%swap3A_237, %swap3A_238] {strides = array<i32>} : memref<160x128xi32, #tpu.memory_space<vmem>>, vector<1x16xi32>,
      %swap3A_240 = vector.shape_cast %swap3A_239 : vector<1x16xi32> to vector<16xi32>
      %swap3A_241 = vector.shape_cast %and3A_236 : vector<16xi32> to vector<1x16xi32>
      tpu.vector_store %arg8[%swap3A_237, %swap3A_238], %swap3A_241 {strides = array<i32>} : memref<160x128xi32, #tpu.memory_space<vmem>>, vector<1x16xi32>,
      %shift_right_logical3A_242 = arith.constant 14 : i32
      %shift_right_logical3A_243 = vector.broadcast %shift_right_logical3A_242 : i32 to vector<16xi32>
      %shift_right_logical3A_244 = arith.shrui %get3A_233, %shift_right_logical3A_243 : vector<16xi32>
      %swap3A_245 = arith.index_cast %scan3A_102 : i32 to index
      %swap3A_246 = arith.constant 80 : index
      %swap3A_247 = tpu.vector_load %arg9[%swap3A_245, %swap3A_246] {strides = array<i32>} : memref<160x128xi32, #tpu.memory_space<vmem>>, vector<1x16xi32>,
      %swap3A_248 = vector.shape_cast %swap3A_247 : vector<1x16xi32> to vector<16xi32>
      %swap3A_249 = vector.shape_cast %shift_right_logical3A_244 : vector<16xi32> to vector<1x16xi32>
      tpu.vector_store %arg9[%swap3A_245, %swap3A_246], %swap3A_249 {strides = array<i32>} : memref<160x128xi32, #tpu.memory_space<vmem>>, vector<1x16xi32>,
      %mul3A_250 = arith.constant 8 : i32
      %mul3A_251 = arith.muli %scan3A_102, %mul3A_250 : i32
      %add3A_252 = arith.constant 6 : i32
      %add3A_253 = arith.addi %mul3A_251, %add3A_252 : i32
      %mul3A_254 = arith.constant 16 : i32
      %mul3A_255 = arith.muli %add3A_253, %mul3A_254 : i32
      %get3A_256 = arith.index_cast %mul3A_255 : i32 to index
      %get3A_257 = tpu.vector_load %arg10[%get3A_256] {strides = array<i32>} : memref<20496xi32, #tpu.memory_space<vmem>>, vector<16xi32>,
      %get3A_258 = vector.shape_cast %get3A_257 : vector<16xi32> to vector<16xi32>
      %and3A_259 = arith.constant 16383 : i32
      %and3A_260 = vector.broadcast %and3A_259 : i32 to vector<16xi32>
      %and3A_261 = arith.andi %get3A_258, %and3A_260 : vector<16xi32>
      %swap3A_262 = arith.index_cast %scan3A_102 : i32 to index
      %swap3A_263 = arith.constant 96 : index
      %swap3A_264 = tpu.vector_load %arg8[%swap3A_262, %swap3A_263] {strides = array<i32>} : memref<160x128xi32, #tpu.memory_space<vmem>>, vector<1x16xi32>,
      %swap3A_265 = vector.shape_cast %swap3A_264 : vector<1x16xi32> to vector<16xi32>
      %swap3A_266 = vector.shape_cast %and3A_261 : vector<16xi32> to vector<1x16xi32>
      tpu.vector_store %arg8[%swap3A_262, %swap3A_263], %swap3A_266 {strides = array<i32>} : memref<160x128xi32, #tpu.memory_space<vmem>>, vector<1x16xi32>,
      %shift_right_logical3A_267 = arith.constant 14 : i32
      %shift_right_logical3A_268 = vector.broadcast %shift_right_logical3A_267 : i32 to vector<16xi32>
      %shift_right_logical3A_269 = arith.shrui %get3A_258, %shift_right_logical3A_268 : vector<16xi32>
      %swap3A_270 = arith.index_cast %scan3A_102 : i32 to index
      %swap3A_271 = arith.constant 96 : index
      %swap3A_272 = tpu.vector_load %arg9[%swap3A_270, %swap3A_271] {strides = array<i32>} : memref<160x128xi32, #tpu.memory_space<vmem>>, vector<1x16xi32>,
      %swap3A_273 = vector.shape_cast %swap3A_272 : vector<1x16xi32> to vector<16xi32>
      %swap3A_274 = vector.shape_cast %shift_right_logical3A_269 : vector<16xi32> to vector<1x16xi32>
      tpu.vector_store %arg9[%swap3A_270, %swap3A_271], %swap3A_274 {strides = array<i32>} : memref<160x128xi32, #tpu.memory_space<vmem>>, vector<1x16xi32>,
      %mul3A_275 = arith.constant 8 : i32
      %mul3A_276 = arith.muli %scan3A_102, %mul3A_275 : i32
      %add3A_277 = arith.constant 7 : i32
      %add3A_278 = arith.addi %mul3A_276, %add3A_277 : i32
      %mul3A_279 = arith.constant 16 : i32
      %mul3A_280 = arith.muli %add3A_278, %mul3A_279 : i32
      %get3A_281 = arith.index_cast %mul3A_280 : i32 to index
      %get3A_282 = tpu.vector_load %arg10[%get3A_281] {strides = array<i32>} : memref<20496xi32, #tpu.memory_space<vmem>>, vector<16xi32>,
      %get3A_283 = vector.shape_cast %get3A_282 : vector<16xi32> to vector<16xi32>
      %and3A_284 = arith.constant 16383 : i32
      %and3A_285 = vector.broadcast %and3A_284 : i32 to vector<16xi32>
      %and3A_286 = arith.andi %get3A_283, %and3A_285 : vector<16xi32>
      %swap3A_287 = arith.index_cast %scan3A_102 : i32 to index
      %swap3A_288 = arith.constant 112 : index
      %swap3A_289 = tpu.vector_load %arg8[%swap3A_287, %swap3A_288] {strides = array<i32>} : memref<160x128xi32, #tpu.memory_space<vmem>>, vector<1x16xi32>,
      %swap3A_290 = vector.shape_cast %swap3A_289 : vector<1x16xi32> to vector<16xi32>
      %swap3A_291 = vector.shape_cast %and3A_286 : vector<16xi32> to vector<1x16xi32>
      tpu.vector_store %arg8[%swap3A_287, %swap3A_288], %swap3A_291 {strides = array<i32>} : memref<160x128xi32, #tpu.memory_space<vmem>>, vector<1x16xi32>,
      %shift_right_logical3A_292 = arith.constant 14 : i32
      %shift_right_logical3A_293 = vector.broadcast %shift_right_logical3A_292 : i32 to vector<16xi32>
      %shift_right_logical3A_294 = arith.shrui %get3A_283, %shift_right_logical3A_293 : vector<16xi32>
      %swap3A_295 = arith.index_cast %scan3A_102 : i32 to index
      %swap3A_296 = arith.constant 112 : index
      %swap3A_297 = tpu.vector_load %arg9[%swap3A_295, %swap3A_296] {strides = array<i32>} : memref<160x128xi32, #tpu.memory_space<vmem>>, vector<1x16xi32>,
      %swap3A_298 = vector.shape_cast %swap3A_297 : vector<1x16xi32> to vector<16xi32>
      %swap3A_299 = vector.shape_cast %shift_right_logical3A_294 : vector<16xi32> to vector<1x16xi32>
      tpu.vector_store %arg9[%swap3A_295, %swap3A_296], %swap3A_299 {strides = array<i32>} : memref<160x128xi32, #tpu.memory_space<vmem>>, vector<1x16xi32>,
      %scan3A_300 = arith.constant 0 : i32
      scf.yield %scan3A_300 : i32
    }
    %scan3A_87 = arith.constant 160 : i32
    %broadcast_in_dim3A_88 = vector.broadcast %scan3A_68 : i32 to vector<16xi32>
    %swap3A_89 = arith.constant 0 : index
    %swap3A_90 = tpu.vector_load %arg11[%swap3A_89] {strides = array<i32>} : memref<16xi32, #tpu.memory_space<vmem>>, vector<16xi32>,
    %swap3A_91 = vector.shape_cast %swap3A_90 : vector<16xi32> to vector<16xi32>
    %swap3A_92 = vector.shape_cast %broadcast_in_dim3A_88 : vector<16xi32> to vector<16xi32>
    tpu.vector_store %arg11[%swap3A_89], %swap3A_92 {strides = array<i32>} : memref<16xi32, #tpu.memory_space<vmem>>, vector<16xi32>,
    %barrier3A_93 = arith.constant 0 : index
    tpu.barrier barrier_id(%barrier3A_93)
    "tpu.region"() ({
      %run_scoped3A = tpu.sem_alloc : memref<!tpu.dma_semaphore, #tpu.memory_space<semaphore_mem>>
      %dma_start3A = arith.constant 0 : i32
      %dma_start3A_102 = tpu.memref_slice %arg6[%arg0, %arg1, %dma_start3A] : memref<2x16x16xi32, #tpu.memory_space<hbm>> -> memref<1x1x16xi32, #tpu.memory_space<hbm>>
      %dma_start3A_103 = tpu.memref_squeeze %dma_start3A_102 : memref<1x1x16xi32, #tpu.memory_space<hbm>> -> memref<16xi32, #tpu.memory_space<hbm>>
      %dma_start3A_104 = arith.constant 0 : i32
      %dma_start3A_105 = tpu.memref_slice %arg6[%arg0, %arg1, %dma_start3A_104] : memref<2x16x16xi32, #tpu.memory_space<hbm>> -> memref<1x1x16xi32, #tpu.memory_space<hbm>>
      %dma_start3A_106 = tpu.memref_squeeze %dma_start3A_105 : memref<1x1x16xi32, #tpu.memory_space<hbm>> -> memref<16xi32, #tpu.memory_space<hbm>>
      tpu.enqueue_dma source(%arg11 : memref<16xi32, #tpu.memory_space<vmem>>) target(%dma_start3A_106 : memref<16xi32, #tpu.memory_space<hbm>>) target_semaphore(%run_scoped3A : memref<!tpu.dma_semaphore, #tpu.memory_space<semaphore_mem>>)
      %dma_wait3A = arith.constant 0 : i32
      %dma_wait3A_107 = tpu.memref_slice %arg6[%arg0, %arg1, %dma_wait3A] : memref<2x16x16xi32, #tpu.memory_space<hbm>> -> memref<1x1x16xi32, #tpu.memory_space<hbm>>
      %dma_wait3A_108 = tpu.memref_squeeze %dma_wait3A_107 : memref<1x1x16xi32, #tpu.memory_space<hbm>> -> memref<16xi32, #tpu.memory_space<hbm>>
      %dma_wait3A_109 = arith.constant 0 : i32
      %dma_wait3A_110 = tpu.memref_slice %arg6[%arg0, %arg1, %dma_wait3A_109] : memref<2x16x16xi32, #tpu.memory_space<hbm>> -> memref<1x1x16xi32, #tpu.memory_space<hbm>>
      %dma_wait3A_111 = tpu.memref_squeeze %dma_wait3A_110 : memref<1x1x16xi32, #tpu.memory_space<hbm>> -> memref<16xi32, #tpu.memory_space<hbm>>
      tpu.wait_dma2 semaphore(%run_scoped3A : memref<!tpu.dma_semaphore, #tpu.memory_space<semaphore_mem>>) src(%arg11 : memref<16xi32, #tpu.memory_space<vmem>>) dst(%dma_wait3A_111 : memref<16xi32, #tpu.memory_space<hbm>>)
      tpu.yield
    }) : () -> ()
    %mul3A_94 = arith.constant 160 : i32
    %mul3A_95 = arith.muli %arg1, %mul3A_94 : i32
    "tpu.region"() ({
      %run_scoped3A = tpu.sem_alloc : memref<!tpu.dma_semaphore, #tpu.memory_space<semaphore_mem>>
      %dma_start3A = arith.constant 0 : i32
      %dma_start3A_102 = tpu.memref_slice %arg4[%arg0, %mul3A_95, %dma_start3A] : memref<2x2560x128xi32, #tpu.memory_space<hbm>> -> memref<1x160x128xi32, #tpu.memory_space<hbm>>
      %dma_start3A_103 = tpu.memref_squeeze %dma_start3A_102 : memref<1x160x128xi32, #tpu.memory_space<hbm>> -> memref<160x128xi32, #tpu.memory_space<hbm>>
      %dma_start3A_104 = arith.constant 0 : i32
      %dma_start3A_105 = tpu.memref_slice %arg4[%arg0, %mul3A_95, %dma_start3A_104] : memref<2x2560x128xi32, #tpu.memory_space<hbm>> -> memref<1x160x128xi32, #tpu.memory_space<hbm>>
      %dma_start3A_106 = tpu.memref_squeeze %dma_start3A_105 : memref<1x160x128xi32, #tpu.memory_space<hbm>> -> memref<160x128xi32, #tpu.memory_space<hbm>>
      tpu.enqueue_dma source(%arg8 : memref<160x128xi32, #tpu.memory_space<vmem>>) target(%dma_start3A_106 : memref<160x128xi32, #tpu.memory_space<hbm>>) target_semaphore(%run_scoped3A : memref<!tpu.dma_semaphore, #tpu.memory_space<semaphore_mem>>)
      %dma_wait3A = arith.constant 0 : i32
      %dma_wait3A_107 = tpu.memref_slice %arg4[%arg0, %mul3A_95, %dma_wait3A] : memref<2x2560x128xi32, #tpu.memory_space<hbm>> -> memref<1x160x128xi32, #tpu.memory_space<hbm>>
      %dma_wait3A_108 = tpu.memref_squeeze %dma_wait3A_107 : memref<1x160x128xi32, #tpu.memory_space<hbm>> -> memref<160x128xi32, #tpu.memory_space<hbm>>
      %dma_wait3A_109 = arith.constant 0 : i32
      %dma_wait3A_110 = tpu.memref_slice %arg4[%arg0, %mul3A_95, %dma_wait3A_109] : memref<2x2560x128xi32, #tpu.memory_space<hbm>> -> memref<1x160x128xi32, #tpu.memory_space<hbm>>
      %dma_wait3A_111 = tpu.memref_squeeze %dma_wait3A_110 : memref<1x160x128xi32, #tpu.memory_space<hbm>> -> memref<160x128xi32, #tpu.memory_space<hbm>>
      tpu.wait_dma2 semaphore(%run_scoped3A : memref<!tpu.dma_semaphore, #tpu.memory_space<semaphore_mem>>) src(%arg8 : memref<160x128xi32, #tpu.memory_space<vmem>>) dst(%dma_wait3A_111 : memref<160x128xi32, #tpu.memory_space<hbm>>)
      tpu.yield
    }) : () -> ()
    %mul3A_96 = arith.constant 160 : i32
    %mul3A_97 = arith.muli %arg1, %mul3A_96 : i32
    "tpu.region"() ({
      %run_scoped3A = tpu.sem_alloc : memref<!tpu.dma_semaphore, #tpu.memory_space<semaphore_mem>>
      %dma_start3A = arith.constant 0 : i32
      %dma_start3A_102 = tpu.memref_slice %arg5[%arg0, %mul3A_97, %dma_start3A] : memref<2x2560x128xi32, #tpu.memory_space<hbm>> -> memref<1x160x128xi32, #tpu.memory_space<hbm>>
      %dma_start3A_103 = tpu.memref_squeeze %dma_start3A_102 : memref<1x160x128xi32, #tpu.memory_space<hbm>> -> memref<160x128xi32, #tpu.memory_space<hbm>>
      %dma_start3A_104 = arith.constant 0 : i32
      %dma_start3A_105 = tpu.memref_slice %arg5[%arg0, %mul3A_97, %dma_start3A_104] : memref<2x2560x128xi32, #tpu.memory_space<hbm>> -> memref<1x160x128xi32, #tpu.memory_space<hbm>>
      %dma_start3A_106 = tpu.memref_squeeze %dma_start3A_105 : memref<1x160x128xi32, #tpu.memory_space<hbm>> -> memref<160x128xi32, #tpu.memory_space<hbm>>
      tpu.enqueue_dma source(%arg9 : memref<160x128xi32, #tpu.memory_space<vmem>>) target(%dma_start3A_106 : memref<160x128xi32, #tpu.memory_space<hbm>>) target_semaphore(%run_scoped3A : memref<!tpu.dma_semaphore, #tpu.memory_space<semaphore_mem>>)
      %dma_wait3A = arith.constant 0 : i32
      %dma_wait3A_107 = tpu.memref_slice %arg5[%arg0, %mul3A_97, %dma_wait3A] : memref<2x2560x128xi32, #tpu.memory_space<hbm>> -> memref<1x160x128xi32, #tpu.memory_space<hbm>>
      %dma_wait3A_108 = tpu.memref_squeeze %dma_wait3A_107 : memref<1x160x128xi32, #tpu.memory_space<hbm>> -> memref<160x128xi32, #tpu.memory_space<hbm>>
      %dma_wait3A_109 = arith.constant 0 : i32
      %dma_wait3A_110 = tpu.memref_slice %arg5[%arg0, %mul3A_97, %dma_wait3A_109] : memref<2x2560x128xi32, #tpu.memory_space<hbm>> -> memref<1x160x128xi32, #tpu.memory_space<hbm>>
      %dma_wait3A_111 = tpu.memref_squeeze %dma_wait3A_110 : memref<1x160x128xi32, #tpu.memory_space<hbm>> -> memref<160x128xi32, #tpu.memory_space<hbm>>
      tpu.wait_dma2 semaphore(%run_scoped3A : memref<!tpu.dma_semaphore, #tpu.memory_space<semaphore_mem>>) src(%arg9 : memref<160x128xi32, #tpu.memory_space<vmem>>) dst(%dma_wait3A_111 : memref<160x128xi32, #tpu.memory_space<hbm>>)
      tpu.yield
    }) : () -> ()
    %mul3A_98 = arith.constant 640 : i32
    %mul3A_99 = arith.muli %arg1, %mul3A_98 : i32
    %mul3A_100 = arith.constant 640 : i32
    %mul3A_101 = arith.muli %arg1, %mul3A_100 : i32
    "tpu.region"() ({
      %run_scoped3A = tpu.sem_alloc : memref<!tpu.dma_semaphore, #tpu.memory_space<semaphore_mem>>
      %dma_start3A = tpu.memref_slice %arg7[%arg0, %mul3A_101] : memref<2x10240xf32, #tpu.memory_space<hbm>> -> memref<1x640xf32, #tpu.memory_space<hbm>>
      %dma_start3A_102 = tpu.memref_squeeze %dma_start3A : memref<1x640xf32, #tpu.memory_space<hbm>> -> memref<640xf32, #tpu.memory_space<hbm>>
      %dma_start3A_103 = tpu.memref_slice %arg14[%mul3A_99] : memref<10256xf32, #tpu.memory_space<vmem_shared>> -> memref<640xf32, #tpu.memory_space<vmem_shared>>
      tpu.enqueue_dma source(%dma_start3A_103 : memref<640xf32, #tpu.memory_space<vmem_shared>>) target(%dma_start3A_102 : memref<640xf32, #tpu.memory_space<hbm>>) target_semaphore(%run_scoped3A : memref<!tpu.dma_semaphore, #tpu.memory_space<semaphore_mem>>)
      %dma_wait3A = tpu.memref_slice %arg7[%arg0, %mul3A_101] : memref<2x10240xf32, #tpu.memory_space<hbm>> -> memref<1x640xf32, #tpu.memory_space<hbm>>
      %dma_wait3A_104 = tpu.memref_squeeze %dma_wait3A : memref<1x640xf32, #tpu.memory_space<hbm>> -> memref<640xf32, #tpu.memory_space<hbm>>
      %dma_wait3A_105 = tpu.memref_slice %arg14[%mul3A_99] : memref<10256xf32, #tpu.memory_space<vmem_shared>> -> memref<640xf32, #tpu.memory_space<vmem_shared>>
      tpu.wait_dma2 semaphore(%run_scoped3A : memref<!tpu.dma_semaphore, #tpu.memory_space<semaphore_mem>>) src(%dma_wait3A_105 : memref<640xf32, #tpu.memory_space<vmem_shared>>) dst(%dma_wait3A_104 : memref<640xf32, #tpu.memory_space<hbm>>)
      tpu.yield
    }) : () -> ()
    return
  }
}

#map = affine_map<(d0, d1) -> (0, 0)>
#map1 = affine_map<(d0, d1) -> (0, 0, 0)>
module attributes {stable_mosaic.version = 14 : i64} {
  func.func @spmm_kernel(%arg0: i32, %arg1: i32, %arg2: memref<10240x128xf32, #tpu.memory_space<hbm>>, %arg3: memref<2x2560x128xi32, #tpu.memory_space<hbm>>, %arg4: memref<2x2560x128xi32, #tpu.memory_space<hbm>>, %arg5: memref<2x16x16xi32, #tpu.memory_space<hbm>>, %arg6: memref<2x5120x128xf32, #tpu.memory_space<hbm>>, %arg7: memref<160x128xi32, #tpu.memory_space<vmem>>, %arg8: memref<160x128xi32, #tpu.memory_space<vmem>>, %arg9: memref<16xi32, #tpu.memory_space<vmem>>, %arg10: memref<128x128xf32, #tpu.memory_space<vmem>>, %arg11: memref<128x128xf32, #tpu.memory_space<vmem>>, %arg12: memref<!tpu.dma_semaphore, #tpu.memory_space<semaphore_mem>>, %arg13: memref<!tpu.dma_semaphore, #tpu.memory_space<semaphore_mem>>, %arg14: memref<!tpu.dma_semaphore, #tpu.memory_space<semaphore_mem>>, %arg15: memref<!tpu.dma_semaphore, #tpu.memory_space<semaphore_mem>>, %arg16: memref<5128x128xf32, #tpu.memory_space<vmem_shared>>) attributes {dimension_semantics = [#tpu.dimension_semantics<core_parallel>, #tpu.dimension_semantics<subcore_parallel>], iteration_bounds = array<i64: 2, 16>, scalar_prefetch = 0 : i64, scratch_operands = 10 : i64, tpu.core_type = #tpu.core_type<sc_vector_subcore>, window_params = [{transform_indices = #map}, {transform_indices = #map1}, {transform_indices = #map1}, {transform_indices = #map1}, {transform_indices = #map1}]} {
    %mul3A = arith.constant 5120 : i32
    %mul3A_0 = arith.muli %arg0, %mul3A : i32
    %mul3A_1 = arith.constant 320 : i32
    %mul3A_2 = arith.muli %arg1, %mul3A_1 : i32
    %add3A = arith.addi %mul3A_0, %mul3A_2 : i32
    %mul3A_3 = arith.constant 320 : i32
    %mul3A_4 = arith.muli %arg1, %mul3A_3 : i32
    "tpu.region"() ({
      %run_scoped3A = tpu.sem_alloc : memref<!tpu.dma_semaphore, #tpu.memory_space<semaphore_mem>>
      %dma_start3A_92 = arith.constant 0 : i32
      %dma_start3A_93 = tpu.memref_slice %arg16[%mul3A_4, %dma_start3A_92] : memref<5128x128xf32, #tpu.memory_space<vmem_shared>> -> memref<320x128xf32, #tpu.memory_space<vmem_shared>>
      %dma_start3A_94 = arith.constant 0 : i32
      %dma_start3A_95 = tpu.memref_slice %arg2[%add3A, %dma_start3A_94] : memref<10240x128xf32, #tpu.memory_space<hbm>> -> memref<320x128xf32, #tpu.memory_space<hbm>>
      tpu.enqueue_dma source(%dma_start3A_95 : memref<320x128xf32, #tpu.memory_space<hbm>>) target(%dma_start3A_93 : memref<320x128xf32, #tpu.memory_space<vmem_shared>>) target_semaphore(%run_scoped3A : memref<!tpu.dma_semaphore, #tpu.memory_space<semaphore_mem>>)
      %dma_wait3A_96 = arith.constant 0 : i32
      %dma_wait3A_97 = tpu.memref_slice %arg16[%mul3A_4, %dma_wait3A_96] : memref<5128x128xf32, #tpu.memory_space<vmem_shared>> -> memref<320x128xf32, #tpu.memory_space<vmem_shared>>
      %dma_wait3A_98 = arith.constant 0 : i32
      %dma_wait3A_99 = tpu.memref_slice %arg2[%add3A, %dma_wait3A_98] : memref<10240x128xf32, #tpu.memory_space<hbm>> -> memref<320x128xf32, #tpu.memory_space<hbm>>
      tpu.wait_dma2 semaphore(%run_scoped3A : memref<!tpu.dma_semaphore, #tpu.memory_space<semaphore_mem>>) src(%dma_wait3A_99 : memref<320x128xf32, #tpu.memory_space<hbm>>) dst(%dma_wait3A_97 : memref<320x128xf32, #tpu.memory_space<vmem_shared>>)
      tpu.yield
    }) : () -> ()
    %barrier3A = arith.constant 0 : index
    tpu.barrier barrier_id(%barrier3A)
    %mul3A_5 = arith.constant 160 : i32
    %mul3A_6 = arith.muli %arg1, %mul3A_5 : i32
    "tpu.region"() ({
      %run_scoped3A = tpu.sem_alloc : memref<!tpu.dma_semaphore, #tpu.memory_space<semaphore_mem>>
      %dma_start3A_92 = arith.constant 0 : i32
      %dma_start3A_93 = tpu.memref_slice %arg3[%arg0, %mul3A_6, %dma_start3A_92] : memref<2x2560x128xi32, #tpu.memory_space<hbm>> -> memref<1x160x128xi32, #tpu.memory_space<hbm>>
      %dma_start3A_94 = tpu.memref_squeeze %dma_start3A_93 : memref<1x160x128xi32, #tpu.memory_space<hbm>> -> memref<160x128xi32, #tpu.memory_space<hbm>>
      %dma_start3A_95 = arith.constant 0 : i32
      %dma_start3A_96 = tpu.memref_slice %arg3[%arg0, %mul3A_6, %dma_start3A_95] : memref<2x2560x128xi32, #tpu.memory_space<hbm>> -> memref<1x160x128xi32, #tpu.memory_space<hbm>>
      %dma_start3A_97 = tpu.memref_squeeze %dma_start3A_96 : memref<1x160x128xi32, #tpu.memory_space<hbm>> -> memref<160x128xi32, #tpu.memory_space<hbm>>
      tpu.enqueue_dma source(%dma_start3A_97 : memref<160x128xi32, #tpu.memory_space<hbm>>) target(%arg7 : memref<160x128xi32, #tpu.memory_space<vmem>>) target_semaphore(%run_scoped3A : memref<!tpu.dma_semaphore, #tpu.memory_space<semaphore_mem>>)
      %dma_wait3A_98 = arith.constant 0 : i32
      %dma_wait3A_99 = tpu.memref_slice %arg3[%arg0, %mul3A_6, %dma_wait3A_98] : memref<2x2560x128xi32, #tpu.memory_space<hbm>> -> memref<1x160x128xi32, #tpu.memory_space<hbm>>
      %dma_wait3A_100 = tpu.memref_squeeze %dma_wait3A_99 : memref<1x160x128xi32, #tpu.memory_space<hbm>> -> memref<160x128xi32, #tpu.memory_space<hbm>>
      %dma_wait3A_101 = arith.constant 0 : i32
      %dma_wait3A_102 = tpu.memref_slice %arg3[%arg0, %mul3A_6, %dma_wait3A_101] : memref<2x2560x128xi32, #tpu.memory_space<hbm>> -> memref<1x160x128xi32, #tpu.memory_space<hbm>>
      %dma_wait3A_103 = tpu.memref_squeeze %dma_wait3A_102 : memref<1x160x128xi32, #tpu.memory_space<hbm>> -> memref<160x128xi32, #tpu.memory_space<hbm>>
      tpu.wait_dma2 semaphore(%run_scoped3A : memref<!tpu.dma_semaphore, #tpu.memory_space<semaphore_mem>>) src(%dma_wait3A_103 : memref<160x128xi32, #tpu.memory_space<hbm>>) dst(%arg7 : memref<160x128xi32, #tpu.memory_space<vmem>>)
      tpu.yield
    }) : () -> ()
    %mul3A_7 = arith.constant 160 : i32
    %mul3A_8 = arith.muli %arg1, %mul3A_7 : i32
    "tpu.region"() ({
      %run_scoped3A = tpu.sem_alloc : memref<!tpu.dma_semaphore, #tpu.memory_space<semaphore_mem>>
      %dma_start3A_92 = arith.constant 0 : i32
      %dma_start3A_93 = tpu.memref_slice %arg4[%arg0, %mul3A_8, %dma_start3A_92] : memref<2x2560x128xi32, #tpu.memory_space<hbm>> -> memref<1x160x128xi32, #tpu.memory_space<hbm>>
      %dma_start3A_94 = tpu.memref_squeeze %dma_start3A_93 : memref<1x160x128xi32, #tpu.memory_space<hbm>> -> memref<160x128xi32, #tpu.memory_space<hbm>>
      %dma_start3A_95 = arith.constant 0 : i32
      %dma_start3A_96 = tpu.memref_slice %arg4[%arg0, %mul3A_8, %dma_start3A_95] : memref<2x2560x128xi32, #tpu.memory_space<hbm>> -> memref<1x160x128xi32, #tpu.memory_space<hbm>>
      %dma_start3A_97 = tpu.memref_squeeze %dma_start3A_96 : memref<1x160x128xi32, #tpu.memory_space<hbm>> -> memref<160x128xi32, #tpu.memory_space<hbm>>
      tpu.enqueue_dma source(%dma_start3A_97 : memref<160x128xi32, #tpu.memory_space<hbm>>) target(%arg8 : memref<160x128xi32, #tpu.memory_space<vmem>>) target_semaphore(%run_scoped3A : memref<!tpu.dma_semaphore, #tpu.memory_space<semaphore_mem>>)
      %dma_wait3A_98 = arith.constant 0 : i32
      %dma_wait3A_99 = tpu.memref_slice %arg4[%arg0, %mul3A_8, %dma_wait3A_98] : memref<2x2560x128xi32, #tpu.memory_space<hbm>> -> memref<1x160x128xi32, #tpu.memory_space<hbm>>
      %dma_wait3A_100 = tpu.memref_squeeze %dma_wait3A_99 : memref<1x160x128xi32, #tpu.memory_space<hbm>> -> memref<160x128xi32, #tpu.memory_space<hbm>>
      %dma_wait3A_101 = arith.constant 0 : i32
      %dma_wait3A_102 = tpu.memref_slice %arg4[%arg0, %mul3A_8, %dma_wait3A_101] : memref<2x2560x128xi32, #tpu.memory_space<hbm>> -> memref<1x160x128xi32, #tpu.memory_space<hbm>>
      %dma_wait3A_103 = tpu.memref_squeeze %dma_wait3A_102 : memref<1x160x128xi32, #tpu.memory_space<hbm>> -> memref<160x128xi32, #tpu.memory_space<hbm>>
      tpu.wait_dma2 semaphore(%run_scoped3A : memref<!tpu.dma_semaphore, #tpu.memory_space<semaphore_mem>>) src(%dma_wait3A_103 : memref<160x128xi32, #tpu.memory_space<hbm>>) dst(%arg8 : memref<160x128xi32, #tpu.memory_space<vmem>>)
      tpu.yield
    }) : () -> ()
    "tpu.region"() ({
      %run_scoped3A = tpu.sem_alloc : memref<!tpu.dma_semaphore, #tpu.memory_space<semaphore_mem>>
      %dma_start3A_92 = arith.constant 0 : i32
      %dma_start3A_93 = tpu.memref_slice %arg5[%arg0, %arg1, %dma_start3A_92] : memref<2x16x16xi32, #tpu.memory_space<hbm>> -> memref<1x1x16xi32, #tpu.memory_space<hbm>>
      %dma_start3A_94 = tpu.memref_squeeze %dma_start3A_93 : memref<1x1x16xi32, #tpu.memory_space<hbm>> -> memref<16xi32, #tpu.memory_space<hbm>>
      %dma_start3A_95 = arith.constant 0 : i32
      %dma_start3A_96 = tpu.memref_slice %arg5[%arg0, %arg1, %dma_start3A_95] : memref<2x16x16xi32, #tpu.memory_space<hbm>> -> memref<1x1x16xi32, #tpu.memory_space<hbm>>
      %dma_start3A_97 = tpu.memref_squeeze %dma_start3A_96 : memref<1x1x16xi32, #tpu.memory_space<hbm>> -> memref<16xi32, #tpu.memory_space<hbm>>
      tpu.enqueue_dma source(%dma_start3A_97 : memref<16xi32, #tpu.memory_space<hbm>>) target(%arg9 : memref<16xi32, #tpu.memory_space<vmem>>) target_semaphore(%run_scoped3A : memref<!tpu.dma_semaphore, #tpu.memory_space<semaphore_mem>>)
      %dma_wait3A_98 = arith.constant 0 : i32
      %dma_wait3A_99 = tpu.memref_slice %arg5[%arg0, %arg1, %dma_wait3A_98] : memref<2x16x16xi32, #tpu.memory_space<hbm>> -> memref<1x1x16xi32, #tpu.memory_space<hbm>>
      %dma_wait3A_100 = tpu.memref_squeeze %dma_wait3A_99 : memref<1x1x16xi32, #tpu.memory_space<hbm>> -> memref<16xi32, #tpu.memory_space<hbm>>
      %dma_wait3A_101 = arith.constant 0 : i32
      %dma_wait3A_102 = tpu.memref_slice %arg5[%arg0, %arg1, %dma_wait3A_101] : memref<2x16x16xi32, #tpu.memory_space<hbm>> -> memref<1x1x16xi32, #tpu.memory_space<hbm>>
      %dma_wait3A_103 = tpu.memref_squeeze %dma_wait3A_102 : memref<1x1x16xi32, #tpu.memory_space<hbm>> -> memref<16xi32, #tpu.memory_space<hbm>>
      tpu.wait_dma2 semaphore(%run_scoped3A : memref<!tpu.dma_semaphore, #tpu.memory_space<semaphore_mem>>) src(%dma_wait3A_103 : memref<16xi32, #tpu.memory_space<hbm>>) dst(%arg9 : memref<16xi32, #tpu.memory_space<vmem>>)
      tpu.yield
    }) : () -> ()
    %get3A = arith.constant 0 : index
    %get3A_9 = tpu.vector_load %arg9[%get3A] {strides = array<i32>} : memref<16xi32, #tpu.memory_space<vmem>>, vector<16xi32>,
    %get3A_10 = vector.shape_cast %get3A_9 : vector<16xi32> to vector<16xi32>
    %slice3A = vector.extract_strided_slice %get3A_10 {offsets = [0], sizes = [1], strides = [1]} : vector<16xi32> to vector<1xi32>
    %squeeze3A = vector.extract %slice3A[0] : i32 from vector<1xi32>
    %add3A_11 = arith.constant 256 : i32
    %add3A_12 = arith.addi %squeeze3A, %add3A_11 : i32
    %sub3A = arith.constant 1 : i32
    %sub3A_13 = arith.subi %add3A_12, %sub3A : i32
    %jit3A = arith.constant 256 : i32
    %div3A = arith.divsi %sub3A_13, %jit3A : i32
    %sign3A = arith.constant 0 : i32
    %sign3A_14 = arith.cmpi sgt, %sub3A_13, %sign3A : i32
    %sign3A_15 = arith.extui %sign3A_14 : i1 to i32
    %sign3A_16 = arith.constant 0 : i32
    %sign3A_17 = arith.cmpi slt, %sub3A_13, %sign3A_16 : i32
    %sign3A_18 = arith.extui %sign3A_17 : i1 to i32
    %sign3A_19 = arith.subi %sign3A_15, %sign3A_18 : i32
    %sign3A_20 = arith.constant 0 : i32
    %sign3A_21 = arith.cmpi sgt, %jit3A, %sign3A_20 : i32
    %sign3A_22 = arith.extui %sign3A_21 : i1 to i32
    %sign3A_23 = arith.constant 0 : i32
    %sign3A_24 = arith.cmpi slt, %jit3A, %sign3A_23 : i32
    %sign3A_25 = arith.extui %sign3A_24 : i1 to i32
    %sign3A_26 = arith.subi %sign3A_22, %sign3A_25 : i32
    %ne3A = arith.cmpi ne, %sign3A_19, %sign3A_26 : i32
    %rem3A = arith.remsi %sub3A_13, %jit3A : i32
    %ne3A_27 = arith.constant 0 : i32
    %ne3A_28 = arith.cmpi ne, %rem3A, %ne3A_27 : i32
    %and3A = arith.andi %ne3A, %ne3A_28 : i1
    %sub3A_29 = arith.constant 1 : i32
    %sub3A_30 = arith.subi %div3A, %sub3A_29 : i32
    %select_n3A = arith.select %and3A, %sub3A_30, %div3A : i32
    %max3A = arith.constant 1 : i32
    %max3A_31 = arith.maxsi %select_n3A, %max3A : i32
    %mul3A_32 = arith.constant 2 : i32
    %mul3A_33 = arith.muli %mul3A_32, %max3A_31 : i32
    %dma_start3A = arith.constant 0 : i32
    %dma_start3A_34 = arith.constant 0 : i32
    %dma_start3A_35 = tpu.memref_slice %arg7[%dma_start3A, %dma_start3A_34] : memref<160x128xi32, #tpu.memory_space<vmem>> -> memref<1x128xi32, #tpu.memory_space<vmem>>
    %dma_start3A_36 = tpu.memref_squeeze %dma_start3A_35 : memref<1x128xi32, #tpu.memory_space<vmem>> -> memref<128xi32, #tpu.memory_space<vmem>>
    %dma_start3A_37 = arith.constant 0 : i32
    %dma_start3A_38 = arith.constant 0 : i32
    %dma_start3A_39 = tpu.memref_slice %arg2[%dma_start3A_37, %dma_start3A_38] : memref<10240x128xf32, #tpu.memory_space<hbm>> -> memref<10240x128xf32, #tpu.memory_space<hbm>>
    tpu.enqueue_indirect_dma source(%dma_start3A_39 : memref<10240x128xf32, #tpu.memory_space<hbm>>) target(%arg10 : memref<128x128xf32, #tpu.memory_space<vmem>>) offsets(%dma_start3A_36 : memref<128xi32, #tpu.memory_space<vmem>>) semaphore(%arg12 : memref<!tpu.dma_semaphore, #tpu.memory_space<semaphore_mem>>)
    %dma_wait3A = arith.constant 0 : i32
    %dma_wait3A_40 = arith.constant 0 : i32
    %dma_wait3A_41 = tpu.memref_slice %arg7[%dma_wait3A, %dma_wait3A_40] : memref<160x128xi32, #tpu.memory_space<vmem>> -> memref<1x128xi32, #tpu.memory_space<vmem>>
    %dma_wait3A_42 = tpu.memref_squeeze %dma_wait3A_41 : memref<1x128xi32, #tpu.memory_space<vmem>> -> memref<128xi32, #tpu.memory_space<vmem>>
    %dma_wait3A_43 = arith.constant 0 : i32
    %dma_wait3A_44 = arith.constant 0 : i32
    %dma_wait3A_45 = tpu.memref_slice %arg2[%dma_wait3A_43, %dma_wait3A_44] : memref<10240x128xf32, #tpu.memory_space<hbm>> -> memref<10240x128xf32, #tpu.memory_space<hbm>>
    tpu.wait_indirect_dma semaphore(%arg12 : memref<!tpu.dma_semaphore, #tpu.memory_space<semaphore_mem>>) src(%dma_wait3A_45 : memref<10240x128xf32, #tpu.memory_space<hbm>>) dst(%arg10 : memref<128x128xf32, #tpu.memory_space<vmem>>)
    %dma_start3A_46 = arith.constant 0 : i32
    %dma_start3A_47 = arith.constant 0 : i32
    %dma_start3A_48 = tpu.memref_slice %arg8[%dma_start3A_46, %dma_start3A_47] : memref<160x128xi32, #tpu.memory_space<vmem>> -> memref<1x128xi32, #tpu.memory_space<vmem>>
    %dma_start3A_49 = tpu.memref_squeeze %dma_start3A_48 : memref<1x128xi32, #tpu.memory_space<vmem>> -> memref<128xi32, #tpu.memory_space<vmem>>
    %dma_start3A_50 = arith.constant 0 : i32
    %dma_start3A_51 = arith.constant 0 : i32
    %dma_start3A_52 = tpu.memref_slice %arg16[%dma_start3A_50, %dma_start3A_51] : memref<5128x128xf32, #tpu.memory_space<vmem_shared>> -> memref<5128x128xf32, #tpu.memory_space<vmem_shared>>
    tpu.enqueue_indirect_dma source(%arg10 : memref<128x128xf32, #tpu.memory_space<vmem>>) target(%dma_start3A_52 : memref<5128x128xf32, #tpu.memory_space<vmem_shared>>) offsets(%dma_start3A_49 : memref<128xi32, #tpu.memory_space<vmem>>) semaphore(%arg14 : memref<!tpu.dma_semaphore, #tpu.memory_space<semaphore_mem>>) {add = true}
    %dma_start3A_53 = arith.constant 1 : i32
    %dma_start3A_54 = arith.constant 0 : i32
    %dma_start3A_55 = tpu.memref_slice %arg7[%dma_start3A_53, %dma_start3A_54] : memref<160x128xi32, #tpu.memory_space<vmem>> -> memref<1x128xi32, #tpu.memory_space<vmem>>
    %dma_start3A_56 = tpu.memref_squeeze %dma_start3A_55 : memref<1x128xi32, #tpu.memory_space<vmem>> -> memref<128xi32, #tpu.memory_space<vmem>>
    %dma_start3A_57 = arith.constant 0 : i32
    %dma_start3A_58 = arith.constant 0 : i32
    %dma_start3A_59 = tpu.memref_slice %arg2[%dma_start3A_57, %dma_start3A_58] : memref<10240x128xf32, #tpu.memory_space<hbm>> -> memref<10240x128xf32, #tpu.memory_space<hbm>>
    tpu.enqueue_indirect_dma source(%dma_start3A_59 : memref<10240x128xf32, #tpu.memory_space<hbm>>) target(%arg11 : memref<128x128xf32, #tpu.memory_space<vmem>>) offsets(%dma_start3A_56 : memref<128xi32, #tpu.memory_space<vmem>>) semaphore(%arg13 : memref<!tpu.dma_semaphore, #tpu.memory_space<semaphore_mem>>)
    %while3A = arith.constant 0 : i32
    %while3A_60 = arith.constant 0 : i32
    %while3A_61 = arith.subi %max3A_31, %while3A : i32
    %while3A_62 = arith.addi %while3A, %while3A_61 : i32
    %while3A_63 = arith.constant 1 : i32
    %while3A_64 = arith.divsi %while3A_61, %while3A_63 : i32
    %while3A_65 = arith.muli %while3A_64, %while3A_63 : i32
    %while3A_66 = arith.addi %while3A, %while3A_65 : i32
    %while3A_67 = arith.constant 1 : i32
    %while3A_68 = scf.for %while3A_92 = %while3A to %while3A_66 step %while3A_67 iter_args(%while3A_93 = %while3A_60) -> (i32)  : i32 {
      %mul3A_94 = arith.constant 2 : i32
      %mul3A_95 = arith.muli %mul3A_94, %while3A_92 : i32
      %add3A_96 = arith.constant 1 : i32
      %add3A_97 = arith.addi %mul3A_95, %add3A_96 : i32
      %dma_wait3A_98 = arith.constant 0 : i32
      %dma_wait3A_99 = tpu.memref_slice %arg7[%add3A_97, %dma_wait3A_98] : memref<160x128xi32, #tpu.memory_space<vmem>> -> memref<1x128xi32, #tpu.memory_space<vmem>>
      %dma_wait3A_100 = tpu.memref_squeeze %dma_wait3A_99 : memref<1x128xi32, #tpu.memory_space<vmem>> -> memref<128xi32, #tpu.memory_space<vmem>>
      %dma_wait3A_101 = arith.constant 0 : i32
      %dma_wait3A_102 = arith.constant 0 : i32
      %dma_wait3A_103 = tpu.memref_slice %arg2[%dma_wait3A_101, %dma_wait3A_102] : memref<10240x128xf32, #tpu.memory_space<hbm>> -> memref<10240x128xf32, #tpu.memory_space<hbm>>
      tpu.wait_indirect_dma semaphore(%arg13 : memref<!tpu.dma_semaphore, #tpu.memory_space<semaphore_mem>>) src(%dma_wait3A_103 : memref<10240x128xf32, #tpu.memory_space<hbm>>) dst(%arg11 : memref<128x128xf32, #tpu.memory_space<vmem>>)
      %dma_start3A_104 = arith.constant 0 : i32
      %dma_start3A_105 = tpu.memref_slice %arg8[%add3A_97, %dma_start3A_104] : memref<160x128xi32, #tpu.memory_space<vmem>> -> memref<1x128xi32, #tpu.memory_space<vmem>>
      %dma_start3A_106 = tpu.memref_squeeze %dma_start3A_105 : memref<1x128xi32, #tpu.memory_space<vmem>> -> memref<128xi32, #tpu.memory_space<vmem>>
      %dma_start3A_107 = arith.constant 0 : i32
      %dma_start3A_108 = arith.constant 0 : i32
      %dma_start3A_109 = tpu.memref_slice %arg16[%dma_start3A_107, %dma_start3A_108] : memref<5128x128xf32, #tpu.memory_space<vmem_shared>> -> memref<5128x128xf32, #tpu.memory_space<vmem_shared>>
      tpu.enqueue_indirect_dma source(%arg11 : memref<128x128xf32, #tpu.memory_space<vmem>>) target(%dma_start3A_109 : memref<5128x128xf32, #tpu.memory_space<vmem_shared>>) offsets(%dma_start3A_106 : memref<128xi32, #tpu.memory_space<vmem>>) semaphore(%arg15 : memref<!tpu.dma_semaphore, #tpu.memory_space<semaphore_mem>>) {add = true}
      %add3A_110 = arith.constant 1 : i32
      %add3A_111 = arith.addi %add3A_97, %add3A_110 : i32
      %lt3A = arith.cmpi slt, %add3A_111, %mul3A_33 : i32
      %convert_element_type3A = arith.extui %lt3A : i1 to i32
      %cond3A = arith.constant 0 : i32
      %cond3A_112 = arith.cmpi ne, %convert_element_type3A, %cond3A : i32
      scf.if %cond3A_112 {
        %sub3A_114 = arith.constant 1 : i32
        %sub3A_115 = arith.subi %add3A_97, %sub3A_114 : i32
        %dma_wait3A_116 = arith.constant 0 : i32
        %dma_wait3A_117 = tpu.memref_slice %arg8[%sub3A_115, %dma_wait3A_116] : memref<160x128xi32, #tpu.memory_space<vmem>> -> memref<1x128xi32, #tpu.memory_space<vmem>>
        %dma_wait3A_118 = tpu.memref_squeeze %dma_wait3A_117 : memref<1x128xi32, #tpu.memory_space<vmem>> -> memref<128xi32, #tpu.memory_space<vmem>>
        %dma_wait3A_119 = arith.constant 0 : i32
        %dma_wait3A_120 = arith.constant 0 : i32
        %dma_wait3A_121 = tpu.memref_slice %arg16[%dma_wait3A_119, %dma_wait3A_120] : memref<5128x128xf32, #tpu.memory_space<vmem_shared>> -> memref<5128x128xf32, #tpu.memory_space<vmem_shared>>
        tpu.wait_indirect_dma semaphore(%arg14 : memref<!tpu.dma_semaphore, #tpu.memory_space<semaphore_mem>>) src(%arg10 : memref<128x128xf32, #tpu.memory_space<vmem>>) dst(%dma_wait3A_121 : memref<5128x128xf32, #tpu.memory_space<vmem_shared>>)
        %add3A_122 = arith.constant 1 : i32
        %add3A_123 = arith.addi %add3A_97, %add3A_122 : i32
        %dma_start3A_124 = arith.constant 0 : i32
        %dma_start3A_125 = tpu.memref_slice %arg7[%add3A_123, %dma_start3A_124] : memref<160x128xi32, #tpu.memory_space<vmem>> -> memref<1x128xi32, #tpu.memory_space<vmem>>
        %dma_start3A_126 = tpu.memref_squeeze %dma_start3A_125 : memref<1x128xi32, #tpu.memory_space<vmem>> -> memref<128xi32, #tpu.memory_space<vmem>>
        %dma_start3A_127 = arith.constant 0 : i32
        %dma_start3A_128 = arith.constant 0 : i32
        %dma_start3A_129 = tpu.memref_slice %arg2[%dma_start3A_127, %dma_start3A_128] : memref<10240x128xf32, #tpu.memory_space<hbm>> -> memref<10240x128xf32, #tpu.memory_space<hbm>>
        tpu.enqueue_indirect_dma source(%dma_start3A_129 : memref<10240x128xf32, #tpu.memory_space<hbm>>) target(%arg10 : memref<128x128xf32, #tpu.memory_space<vmem>>) offsets(%dma_start3A_126 : memref<128xi32, #tpu.memory_space<vmem>>) semaphore(%arg12 : memref<!tpu.dma_semaphore, #tpu.memory_space<semaphore_mem>>)
        %add3A_130 = arith.constant 1 : i32
        %add3A_131 = arith.addi %add3A_97, %add3A_130 : i32
        %dma_wait3A_132 = arith.constant 0 : i32
        %dma_wait3A_133 = tpu.memref_slice %arg7[%add3A_131, %dma_wait3A_132] : memref<160x128xi32, #tpu.memory_space<vmem>> -> memref<1x128xi32, #tpu.memory_space<vmem>>
        %dma_wait3A_134 = tpu.memref_squeeze %dma_wait3A_133 : memref<1x128xi32, #tpu.memory_space<vmem>> -> memref<128xi32, #tpu.memory_space<vmem>>
        %dma_wait3A_135 = arith.constant 0 : i32
        %dma_wait3A_136 = arith.constant 0 : i32
        %dma_wait3A_137 = tpu.memref_slice %arg2[%dma_wait3A_135, %dma_wait3A_136] : memref<10240x128xf32, #tpu.memory_space<hbm>> -> memref<10240x128xf32, #tpu.memory_space<hbm>>
        tpu.wait_indirect_dma semaphore(%arg12 : memref<!tpu.dma_semaphore, #tpu.memory_space<semaphore_mem>>) src(%dma_wait3A_137 : memref<10240x128xf32, #tpu.memory_space<hbm>>) dst(%arg10 : memref<128x128xf32, #tpu.memory_space<vmem>>)
        %add3A_138 = arith.constant 1 : i32
        %add3A_139 = arith.addi %add3A_97, %add3A_138 : i32
        %dma_start3A_140 = arith.constant 0 : i32
        %dma_start3A_141 = tpu.memref_slice %arg8[%add3A_139, %dma_start3A_140] : memref<160x128xi32, #tpu.memory_space<vmem>> -> memref<1x128xi32, #tpu.memory_space<vmem>>
        %dma_start3A_142 = tpu.memref_squeeze %dma_start3A_141 : memref<1x128xi32, #tpu.memory_space<vmem>> -> memref<128xi32, #tpu.memory_space<vmem>>
        %dma_start3A_143 = arith.constant 0 : i32
        %dma_start3A_144 = arith.constant 0 : i32
        %dma_start3A_145 = tpu.memref_slice %arg16[%dma_start3A_143, %dma_start3A_144] : memref<5128x128xf32, #tpu.memory_space<vmem_shared>> -> memref<5128x128xf32, #tpu.memory_space<vmem_shared>>
        tpu.enqueue_indirect_dma source(%arg10 : memref<128x128xf32, #tpu.memory_space<vmem>>) target(%dma_start3A_145 : memref<5128x128xf32, #tpu.memory_space<vmem_shared>>) offsets(%dma_start3A_142 : memref<128xi32, #tpu.memory_space<vmem>>) semaphore(%arg14 : memref<!tpu.dma_semaphore, #tpu.memory_space<semaphore_mem>>) {add = true}
        %add3A_146 = arith.constant 2 : i32
        %add3A_147 = arith.addi %add3A_97, %add3A_146 : i32
        %lt3A_148 = arith.cmpi slt, %add3A_147, %mul3A_33 : i32
        %convert_element_type3A_149 = arith.extui %lt3A_148 : i1 to i32
        %cond3A_150 = arith.constant 0 : i32
        %cond3A_151 = arith.cmpi ne, %convert_element_type3A_149, %cond3A_150 : i32
        scf.if %cond3A_151 {
          %dma_wait3A_152 = arith.constant 0 : i32
          %dma_wait3A_153 = tpu.memref_slice %arg8[%add3A_97, %dma_wait3A_152] : memref<160x128xi32, #tpu.memory_space<vmem>> -> memref<1x128xi32, #tpu.memory_space<vmem>>
          %dma_wait3A_154 = tpu.memref_squeeze %dma_wait3A_153 : memref<1x128xi32, #tpu.memory_space<vmem>> -> memref<128xi32, #tpu.memory_space<vmem>>
          %dma_wait3A_155 = arith.constant 0 : i32
          %dma_wait3A_156 = arith.constant 0 : i32
          %dma_wait3A_157 = tpu.memref_slice %arg16[%dma_wait3A_155, %dma_wait3A_156] : memref<5128x128xf32, #tpu.memory_space<vmem_shared>> -> memref<5128x128xf32, #tpu.memory_space<vmem_shared>>
          tpu.wait_indirect_dma semaphore(%arg15 : memref<!tpu.dma_semaphore, #tpu.memory_space<semaphore_mem>>) src(%arg11 : memref<128x128xf32, #tpu.memory_space<vmem>>) dst(%dma_wait3A_157 : memref<5128x128xf32, #tpu.memory_space<vmem_shared>>)
          %add3A_158 = arith.constant 2 : i32
          %add3A_159 = arith.addi %add3A_97, %add3A_158 : i32
          %dma_start3A_160 = arith.constant 0 : i32
          %dma_start3A_161 = tpu.memref_slice %arg7[%add3A_159, %dma_start3A_160] : memref<160x128xi32, #tpu.memory_space<vmem>> -> memref<1x128xi32, #tpu.memory_space<vmem>>
          %dma_start3A_162 = tpu.memref_squeeze %dma_start3A_161 : memref<1x128xi32, #tpu.memory_space<vmem>> -> memref<128xi32, #tpu.memory_space<vmem>>
          %dma_start3A_163 = arith.constant 0 : i32
          %dma_start3A_164 = arith.constant 0 : i32
          %dma_start3A_165 = tpu.memref_slice %arg2[%dma_start3A_163, %dma_start3A_164] : memref<10240x128xf32, #tpu.memory_space<hbm>> -> memref<10240x128xf32, #tpu.memory_space<hbm>>
          tpu.enqueue_indirect_dma source(%dma_start3A_165 : memref<10240x128xf32, #tpu.memory_space<hbm>>) target(%arg11 : memref<128x128xf32, #tpu.memory_space<vmem>>) offsets(%dma_start3A_162 : memref<128xi32, #tpu.memory_space<vmem>>) semaphore(%arg13 : memref<!tpu.dma_semaphore, #tpu.memory_space<semaphore_mem>>)
        } else {
        }
      } else {
      }
      %while3A_113 = arith.constant 0 : i32
      scf.yield %while3A_113 : i32
    }
    %while3A_69 = arith.constant 1 : i32
    %while3A_70 = scf.for %while3A_92 = %while3A_66 to %while3A_62 step %while3A_69 iter_args(%while3A_93 = %while3A_68) -> (i32)  : i32 {
      %mul3A_94 = arith.constant 2 : i32
      %mul3A_95 = arith.muli %mul3A_94, %while3A_92 : i32
      %add3A_96 = arith.constant 1 : i32
      %add3A_97 = arith.addi %mul3A_95, %add3A_96 : i32
      %dma_wait3A_98 = arith.constant 0 : i32
      %dma_wait3A_99 = tpu.memref_slice %arg7[%add3A_97, %dma_wait3A_98] : memref<160x128xi32, #tpu.memory_space<vmem>> -> memref<1x128xi32, #tpu.memory_space<vmem>>
      %dma_wait3A_100 = tpu.memref_squeeze %dma_wait3A_99 : memref<1x128xi32, #tpu.memory_space<vmem>> -> memref<128xi32, #tpu.memory_space<vmem>>
      %dma_wait3A_101 = arith.constant 0 : i32
      %dma_wait3A_102 = arith.constant 0 : i32
      %dma_wait3A_103 = tpu.memref_slice %arg2[%dma_wait3A_101, %dma_wait3A_102] : memref<10240x128xf32, #tpu.memory_space<hbm>> -> memref<10240x128xf32, #tpu.memory_space<hbm>>
      tpu.wait_indirect_dma semaphore(%arg13 : memref<!tpu.dma_semaphore, #tpu.memory_space<semaphore_mem>>) src(%dma_wait3A_103 : memref<10240x128xf32, #tpu.memory_space<hbm>>) dst(%arg11 : memref<128x128xf32, #tpu.memory_space<vmem>>)
      %dma_start3A_104 = arith.constant 0 : i32
      %dma_start3A_105 = tpu.memref_slice %arg8[%add3A_97, %dma_start3A_104] : memref<160x128xi32, #tpu.memory_space<vmem>> -> memref<1x128xi32, #tpu.memory_space<vmem>>
      %dma_start3A_106 = tpu.memref_squeeze %dma_start3A_105 : memref<1x128xi32, #tpu.memory_space<vmem>> -> memref<128xi32, #tpu.memory_space<vmem>>
      %dma_start3A_107 = arith.constant 0 : i32
      %dma_start3A_108 = arith.constant 0 : i32
      %dma_start3A_109 = tpu.memref_slice %arg16[%dma_start3A_107, %dma_start3A_108] : memref<5128x128xf32, #tpu.memory_space<vmem_shared>> -> memref<5128x128xf32, #tpu.memory_space<vmem_shared>>
      tpu.enqueue_indirect_dma source(%arg11 : memref<128x128xf32, #tpu.memory_space<vmem>>) target(%dma_start3A_109 : memref<5128x128xf32, #tpu.memory_space<vmem_shared>>) offsets(%dma_start3A_106 : memref<128xi32, #tpu.memory_space<vmem>>) semaphore(%arg15 : memref<!tpu.dma_semaphore, #tpu.memory_space<semaphore_mem>>) {add = true}
      %add3A_110 = arith.constant 1 : i32
      %add3A_111 = arith.addi %add3A_97, %add3A_110 : i32
      %lt3A = arith.cmpi slt, %add3A_111, %mul3A_33 : i32
      %convert_element_type3A = arith.extui %lt3A : i1 to i32
      %cond3A = arith.constant 0 : i32
      %cond3A_112 = arith.cmpi ne, %convert_element_type3A, %cond3A : i32
      scf.if %cond3A_112 {
        %sub3A_114 = arith.constant 1 : i32
        %sub3A_115 = arith.subi %add3A_97, %sub3A_114 : i32
        %dma_wait3A_116 = arith.constant 0 : i32
        %dma_wait3A_117 = tpu.memref_slice %arg8[%sub3A_115, %dma_wait3A_116] : memref<160x128xi32, #tpu.memory_space<vmem>> -> memref<1x128xi32, #tpu.memory_space<vmem>>
        %dma_wait3A_118 = tpu.memref_squeeze %dma_wait3A_117 : memref<1x128xi32, #tpu.memory_space<vmem>> -> memref<128xi32, #tpu.memory_space<vmem>>
        %dma_wait3A_119 = arith.constant 0 : i32
        %dma_wait3A_120 = arith.constant 0 : i32
        %dma_wait3A_121 = tpu.memref_slice %arg16[%dma_wait3A_119, %dma_wait3A_120] : memref<5128x128xf32, #tpu.memory_space<vmem_shared>> -> memref<5128x128xf32, #tpu.memory_space<vmem_shared>>
        tpu.wait_indirect_dma semaphore(%arg14 : memref<!tpu.dma_semaphore, #tpu.memory_space<semaphore_mem>>) src(%arg10 : memref<128x128xf32, #tpu.memory_space<vmem>>) dst(%dma_wait3A_121 : memref<5128x128xf32, #tpu.memory_space<vmem_shared>>)
        %add3A_122 = arith.constant 1 : i32
        %add3A_123 = arith.addi %add3A_97, %add3A_122 : i32
        %dma_start3A_124 = arith.constant 0 : i32
        %dma_start3A_125 = tpu.memref_slice %arg7[%add3A_123, %dma_start3A_124] : memref<160x128xi32, #tpu.memory_space<vmem>> -> memref<1x128xi32, #tpu.memory_space<vmem>>
        %dma_start3A_126 = tpu.memref_squeeze %dma_start3A_125 : memref<1x128xi32, #tpu.memory_space<vmem>> -> memref<128xi32, #tpu.memory_space<vmem>>
        %dma_start3A_127 = arith.constant 0 : i32
        %dma_start3A_128 = arith.constant 0 : i32
        %dma_start3A_129 = tpu.memref_slice %arg2[%dma_start3A_127, %dma_start3A_128] : memref<10240x128xf32, #tpu.memory_space<hbm>> -> memref<10240x128xf32, #tpu.memory_space<hbm>>
        tpu.enqueue_indirect_dma source(%dma_start3A_129 : memref<10240x128xf32, #tpu.memory_space<hbm>>) target(%arg10 : memref<128x128xf32, #tpu.memory_space<vmem>>) offsets(%dma_start3A_126 : memref<128xi32, #tpu.memory_space<vmem>>) semaphore(%arg12 : memref<!tpu.dma_semaphore, #tpu.memory_space<semaphore_mem>>)
        %add3A_130 = arith.constant 1 : i32
        %add3A_131 = arith.addi %add3A_97, %add3A_130 : i32
        %dma_wait3A_132 = arith.constant 0 : i32
        %dma_wait3A_133 = tpu.memref_slice %arg7[%add3A_131, %dma_wait3A_132] : memref<160x128xi32, #tpu.memory_space<vmem>> -> memref<1x128xi32, #tpu.memory_space<vmem>>
        %dma_wait3A_134 = tpu.memref_squeeze %dma_wait3A_133 : memref<1x128xi32, #tpu.memory_space<vmem>> -> memref<128xi32, #tpu.memory_space<vmem>>
        %dma_wait3A_135 = arith.constant 0 : i32
        %dma_wait3A_136 = arith.constant 0 : i32
        %dma_wait3A_137 = tpu.memref_slice %arg2[%dma_wait3A_135, %dma_wait3A_136] : memref<10240x128xf32, #tpu.memory_space<hbm>> -> memref<10240x128xf32, #tpu.memory_space<hbm>>
        tpu.wait_indirect_dma semaphore(%arg12 : memref<!tpu.dma_semaphore, #tpu.memory_space<semaphore_mem>>) src(%dma_wait3A_137 : memref<10240x128xf32, #tpu.memory_space<hbm>>) dst(%arg10 : memref<128x128xf32, #tpu.memory_space<vmem>>)
        %add3A_138 = arith.constant 1 : i32
        %add3A_139 = arith.addi %add3A_97, %add3A_138 : i32
        %dma_start3A_140 = arith.constant 0 : i32
        %dma_start3A_141 = tpu.memref_slice %arg8[%add3A_139, %dma_start3A_140] : memref<160x128xi32, #tpu.memory_space<vmem>> -> memref<1x128xi32, #tpu.memory_space<vmem>>
        %dma_start3A_142 = tpu.memref_squeeze %dma_start3A_141 : memref<1x128xi32, #tpu.memory_space<vmem>> -> memref<128xi32, #tpu.memory_space<vmem>>
        %dma_start3A_143 = arith.constant 0 : i32
        %dma_start3A_144 = arith.constant 0 : i32
        %dma_start3A_145 = tpu.memref_slice %arg16[%dma_start3A_143, %dma_start3A_144] : memref<5128x128xf32, #tpu.memory_space<vmem_shared>> -> memref<5128x128xf32, #tpu.memory_space<vmem_shared>>
        tpu.enqueue_indirect_dma source(%arg10 : memref<128x128xf32, #tpu.memory_space<vmem>>) target(%dma_start3A_145 : memref<5128x128xf32, #tpu.memory_space<vmem_shared>>) offsets(%dma_start3A_142 : memref<128xi32, #tpu.memory_space<vmem>>) semaphore(%arg14 : memref<!tpu.dma_semaphore, #tpu.memory_space<semaphore_mem>>) {add = true}
        %add3A_146 = arith.constant 2 : i32
        %add3A_147 = arith.addi %add3A_97, %add3A_146 : i32
        %lt3A_148 = arith.cmpi slt, %add3A_147, %mul3A_33 : i32
        %convert_element_type3A_149 = arith.extui %lt3A_148 : i1 to i32
        %cond3A_150 = arith.constant 0 : i32
        %cond3A_151 = arith.cmpi ne, %convert_element_type3A_149, %cond3A_150 : i32
        scf.if %cond3A_151 {
          %dma_wait3A_152 = arith.constant 0 : i32
          %dma_wait3A_153 = tpu.memref_slice %arg8[%add3A_97, %dma_wait3A_152] : memref<160x128xi32, #tpu.memory_space<vmem>> -> memref<1x128xi32, #tpu.memory_space<vmem>>
          %dma_wait3A_154 = tpu.memref_squeeze %dma_wait3A_153 : memref<1x128xi32, #tpu.memory_space<vmem>> -> memref<128xi32, #tpu.memory_space<vmem>>
          %dma_wait3A_155 = arith.constant 0 : i32
          %dma_wait3A_156 = arith.constant 0 : i32
          %dma_wait3A_157 = tpu.memref_slice %arg16[%dma_wait3A_155, %dma_wait3A_156] : memref<5128x128xf32, #tpu.memory_space<vmem_shared>> -> memref<5128x128xf32, #tpu.memory_space<vmem_shared>>
          tpu.wait_indirect_dma semaphore(%arg15 : memref<!tpu.dma_semaphore, #tpu.memory_space<semaphore_mem>>) src(%arg11 : memref<128x128xf32, #tpu.memory_space<vmem>>) dst(%dma_wait3A_157 : memref<5128x128xf32, #tpu.memory_space<vmem_shared>>)
          %add3A_158 = arith.constant 2 : i32
          %add3A_159 = arith.addi %add3A_97, %add3A_158 : i32
          %dma_start3A_160 = arith.constant 0 : i32
          %dma_start3A_161 = tpu.memref_slice %arg7[%add3A_159, %dma_start3A_160] : memref<160x128xi32, #tpu.memory_space<vmem>> -> memref<1x128xi32, #tpu.memory_space<vmem>>
          %dma_start3A_162 = tpu.memref_squeeze %dma_start3A_161 : memref<1x128xi32, #tpu.memory_space<vmem>> -> memref<128xi32, #tpu.memory_space<vmem>>
          %dma_start3A_163 = arith.constant 0 : i32
          %dma_start3A_164 = arith.constant 0 : i32
          %dma_start3A_165 = tpu.memref_slice %arg2[%dma_start3A_163, %dma_start3A_164] : memref<10240x128xf32, #tpu.memory_space<hbm>> -> memref<10240x128xf32, #tpu.memory_space<hbm>>
          tpu.enqueue_indirect_dma source(%dma_start3A_165 : memref<10240x128xf32, #tpu.memory_space<hbm>>) target(%arg11 : memref<128x128xf32, #tpu.memory_space<vmem>>) offsets(%dma_start3A_162 : memref<128xi32, #tpu.memory_space<vmem>>) semaphore(%arg13 : memref<!tpu.dma_semaphore, #tpu.memory_space<semaphore_mem>>)
        } else {
        }
      } else {
      }
      %while3A_113 = arith.constant 0 : i32
      scf.yield %while3A_113 : i32
    }
    %sub3A_71 = arith.constant 2 : i32
    %sub3A_72 = arith.subi %mul3A_33, %sub3A_71 : i32
    %dma_wait3A_73 = arith.constant 0 : i32
    %dma_wait3A_74 = tpu.memref_slice %arg8[%sub3A_72, %dma_wait3A_73] : memref<160x128xi32, #tpu.memory_space<vmem>> -> memref<1x128xi32, #tpu.memory_space<vmem>>
    %dma_wait3A_75 = tpu.memref_squeeze %dma_wait3A_74 : memref<1x128xi32, #tpu.memory_space<vmem>> -> memref<128xi32, #tpu.memory_space<vmem>>
    %dma_wait3A_76 = arith.constant 0 : i32
    %dma_wait3A_77 = arith.constant 0 : i32
    %dma_wait3A_78 = tpu.memref_slice %arg16[%dma_wait3A_76, %dma_wait3A_77] : memref<5128x128xf32, #tpu.memory_space<vmem_shared>> -> memref<5128x128xf32, #tpu.memory_space<vmem_shared>>
    tpu.wait_indirect_dma semaphore(%arg14 : memref<!tpu.dma_semaphore, #tpu.memory_space<semaphore_mem>>) src(%arg10 : memref<128x128xf32, #tpu.memory_space<vmem>>) dst(%dma_wait3A_78 : memref<5128x128xf32, #tpu.memory_space<vmem_shared>>)
    %sub3A_79 = arith.constant 1 : i32
    %sub3A_80 = arith.subi %mul3A_33, %sub3A_79 : i32
    %dma_wait3A_81 = arith.constant 0 : i32
    %dma_wait3A_82 = tpu.memref_slice %arg8[%sub3A_80, %dma_wait3A_81] : memref<160x128xi32, #tpu.memory_space<vmem>> -> memref<1x128xi32, #tpu.memory_space<vmem>>
    %dma_wait3A_83 = tpu.memref_squeeze %dma_wait3A_82 : memref<1x128xi32, #tpu.memory_space<vmem>> -> memref<128xi32, #tpu.memory_space<vmem>>
    %dma_wait3A_84 = arith.constant 0 : i32
    %dma_wait3A_85 = arith.constant 0 : i32
    %dma_wait3A_86 = tpu.memref_slice %arg16[%dma_wait3A_84, %dma_wait3A_85] : memref<5128x128xf32, #tpu.memory_space<vmem_shared>> -> memref<5128x128xf32, #tpu.memory_space<vmem_shared>>
    tpu.wait_indirect_dma semaphore(%arg15 : memref<!tpu.dma_semaphore, #tpu.memory_space<semaphore_mem>>) src(%arg11 : memref<128x128xf32, #tpu.memory_space<vmem>>) dst(%dma_wait3A_86 : memref<5128x128xf32, #tpu.memory_space<vmem_shared>>)
    %barrier3A_87 = arith.constant 0 : index
    tpu.barrier barrier_id(%barrier3A_87)
    %mul3A_88 = arith.constant 320 : i32
    %mul3A_89 = arith.muli %arg1, %mul3A_88 : i32
    %mul3A_90 = arith.constant 320 : i32
    %mul3A_91 = arith.muli %arg1, %mul3A_90 : i32
    "tpu.region"() ({
      %run_scoped3A = tpu.sem_alloc : memref<!tpu.dma_semaphore, #tpu.memory_space<semaphore_mem>>
      %dma_start3A_92 = arith.constant 0 : i32
      %dma_start3A_93 = tpu.memref_slice %arg6[%arg0, %mul3A_91, %dma_start3A_92] : memref<2x5120x128xf32, #tpu.memory_space<hbm>> -> memref<1x320x128xf32, #tpu.memory_space<hbm>>
      %dma_start3A_94 = tpu.memref_squeeze %dma_start3A_93 : memref<1x320x128xf32, #tpu.memory_space<hbm>> -> memref<320x128xf32, #tpu.memory_space<hbm>>
      %dma_start3A_95 = arith.constant 0 : i32
      %dma_start3A_96 = tpu.memref_slice %arg16[%mul3A_89, %dma_start3A_95] : memref<5128x128xf32, #tpu.memory_space<vmem_shared>> -> memref<320x128xf32, #tpu.memory_space<vmem_shared>>
      tpu.enqueue_dma source(%dma_start3A_96 : memref<320x128xf32, #tpu.memory_space<vmem_shared>>) target(%dma_start3A_94 : memref<320x128xf32, #tpu.memory_space<hbm>>) target_semaphore(%run_scoped3A : memref<!tpu.dma_semaphore, #tpu.memory_space<semaphore_mem>>)
      %dma_wait3A_97 = arith.constant 0 : i32
      %dma_wait3A_98 = tpu.memref_slice %arg6[%arg0, %mul3A_91, %dma_wait3A_97] : memref<2x5120x128xf32, #tpu.memory_space<hbm>> -> memref<1x320x128xf32, #tpu.memory_space<hbm>>
      %dma_wait3A_99 = tpu.memref_squeeze %dma_wait3A_98 : memref<1x320x128xf32, #tpu.memory_space<hbm>> -> memref<320x128xf32, #tpu.memory_space<hbm>>
      %dma_wait3A_100 = arith.constant 0 : i32
      %dma_wait3A_101 = tpu.memref_slice %arg16[%mul3A_89, %dma_wait3A_100] : memref<5128x128xf32, #tpu.memory_space<vmem_shared>> -> memref<320x128xf32, #tpu.memory_space<vmem_shared>>
      tpu.wait_dma2 semaphore(%run_scoped3A : memref<!tpu.dma_semaphore, #tpu.memory_space<semaphore_mem>>) src(%dma_wait3A_101 : memref<320x128xf32, #tpu.memory_space<vmem_shared>>) dst(%dma_wait3A_99 : memref<320x128xf32, #tpu.memory_space<hbm>>)
      tpu.yield
    }) : () -> ()
    return
  }
}

module attributes {stable_mosaic.version = 14 : i64} {
  func.func @_tc1_body(%arg0: i32, %arg1: memref<1280x2xf32, #tpu.memory_space<vmem>>, %arg2: memref<1280x128xf32, #tpu.memory_space<vmem>>, %arg3: memref<128x128xf32, #tpu.memory_space<vmem>>, %arg4: memref<1280x1xf32, #tpu.memory_space<vmem>>, %arg5: memref<1280x128xf32, #tpu.memory_space<vmem>>) attributes {dimension_semantics = [#tpu.dimension_semantics<arbitrary>], iteration_bounds = array<i64: 8>, scalar_prefetch = 0 : i64, scratch_operands = 0 : i64, tpu.core_type = #tpu.core_type<tc>, window_params = [{transform_indices = @transform_0, window_bounds = array<i64: 1280, 2>}, {transform_indices = @transform_1, window_bounds = array<i64: 1280, 128>}, {pipeline_mode = #tpu.pipeline_mode<synchronous>, transform_indices = @transform_2, window_bounds = array<i64: 128, 128>}, {transform_indices = @transform_3, window_bounds = array<i64: 1280, 1>}, {transform_indices = @transform_4, window_bounds = array<i64: 1280, 128>}]} {
    %get3A = arith.constant 0 : index
    %get3A_0 = arith.constant 0 : index
    %get3A_1 = vector.load %arg1[%get3A, %get3A_0] : memref<1280x2xf32, #tpu.memory_space<vmem>>, vector<1280x1xf32>
    %get3A_2 = arith.constant 0 : index
    %get3A_3 = arith.constant 1 : index
    %get3A_4 = vector.load %arg1[%get3A_2, %get3A_3] : memref<1280x2xf32, #tpu.memory_space<vmem>>, vector<1280x1xf32>
    %add3A = arith.addf %get3A_1, %get3A_4 : vector<1280x1xf32>
    %add3A_5 = arith.constant 1.000000e+00 : f32
    %add3A_6 = vector.broadcast %add3A_5 : f32 to vector<1280x1xf32>
    %add3A_7 = arith.addf %add3A, %add3A_6 : vector<1280x1xf32>
    %rsqrt3A = math.rsqrt %add3A_7 : vector<1280x1xf32>
    %swap3A = arith.constant 0 : index
    %swap3A_8 = arith.constant 0 : index
    %swap3A_9 = vector.load %arg4[%swap3A, %swap3A_8] : memref<1280x1xf32, #tpu.memory_space<vmem>>, vector<1280x1xf32>
    tpu.vector_store %arg4[%swap3A, %swap3A_8], %rsqrt3A {strides = array<i32>} : memref<1280x1xf32, #tpu.memory_space<vmem>>, vector<1280x1xf32>,
    %get3A_10 = arith.constant 0 : index
    %get3A_11 = arith.constant 0 : index
    %get3A_12 = vector.load %arg2[%get3A_10, %get3A_11] : memref<1280x128xf32, #tpu.memory_space<vmem>>, vector<1280x128xf32>
    %get3A_13 = arith.constant 0 : index
    %get3A_14 = arith.constant 0 : index
    %get3A_15 = vector.load %arg3[%get3A_13, %get3A_14] : memref<128x128xf32, #tpu.memory_space<vmem>>, vector<128x128xf32>
    %dot_general3A = arith.constant dense<0.000000e+00> : vector<1280x128xf32>
    %dot_general3A_16 = tpu.matmul %get3A_12, %get3A_15, %dot_general3A {dimension_numbers = #tpu.dot_dimension_numbers<[1], [0], [0], [1], [0, 0, 1, 1], [], []>, transpose_lhs_hint = false} : vector<1280x128xf32>, vector<128x128xf32>, vector<1280x128xf32> -> vector<1280x128xf32>
    %mul3A = vector.broadcast %rsqrt3A : vector<1280x1xf32> to vector<1280x128xf32>
    %mul3A_17 = arith.mulf %dot_general3A_16, %mul3A : vector<1280x128xf32>
    %swap3A_18 = arith.constant 0 : index
    %swap3A_19 = arith.constant 0 : index
    %swap3A_20 = vector.load %arg5[%swap3A_18, %swap3A_19] : memref<1280x128xf32, #tpu.memory_space<vmem>>, vector<1280x128xf32>
    tpu.vector_store %arg5[%swap3A_18, %swap3A_19], %mul3A_17 {strides = array<i32>} : memref<1280x128xf32, #tpu.memory_space<vmem>>, vector<1280x128xf32>,
    return
  }
  func.func @transform_0(%arg0: i32) -> (i32, i32) {
    %c0_i32 = arith.constant 0 : i32
    %c0_i32_0 = arith.constant 0 : i32
    return %arg0, %c0_i32 : i32, i32
  }
  func.func @transform_1(%arg0: i32) -> (i32, i32) {
    %c0_i32 = arith.constant 0 : i32
    %c0_i32_0 = arith.constant 0 : i32
    return %arg0, %c0_i32 : i32, i32
  }
  func.func @transform_2(%arg0: i32) -> (i32, i32) {
    %c0_i32 = arith.constant 0 : i32
    %c0_i32_0 = arith.constant 0 : i32
    %c0_i32_1 = arith.constant 0 : i32
    return %c0_i32, %c0_i32_0 : i32, i32
  }
  func.func @transform_3(%arg0: i32) -> (i32, i32) {
    %c0_i32 = arith.constant 0 : i32
    %c0_i32_0 = arith.constant 0 : i32
    return %arg0, %c0_i32 : i32, i32
  }
  func.func @transform_4(%arg0: i32) -> (i32, i32) {
    %c0_i32 = arith.constant 0 : i32
    %c0_i32_0 = arith.constant 0 : i32
    return %arg0, %c0_i32 : i32, i32
  }
}

module attributes {stable_mosaic.version = 14 : i64} {
  func.func @_tc3_body(%arg0: i32, %arg1: memref<1280x128xf32, #tpu.memory_space<vmem>>, %arg2: memref<1280x1xf32, #tpu.memory_space<vmem>>, %arg3: memref<1x128xf32, #tpu.memory_space<vmem>>, %arg4: memref<1280x128xf32, #tpu.memory_space<vmem>>) attributes {dimension_semantics = [#tpu.dimension_semantics<arbitrary>], iteration_bounds = array<i64: 8>, scalar_prefetch = 0 : i64, scratch_operands = 0 : i64, tpu.core_type = #tpu.core_type<tc>, window_params = [{transform_indices = @transform_0, window_bounds = array<i64: 1280, 128>}, {transform_indices = @transform_1, window_bounds = array<i64: 1280, 1>}, {pipeline_mode = #tpu.pipeline_mode<synchronous>, transform_indices = @transform_2, window_bounds = array<i64: 1, 128>}, {transform_indices = @transform_3, window_bounds = array<i64: 1280, 128>}]} {
    %get3A = arith.constant 0 : index
    %get3A_0 = arith.constant 0 : index
    %get3A_1 = vector.load %arg2[%get3A, %get3A_0] : memref<1280x1xf32, #tpu.memory_space<vmem>>, vector<1280x1xf32>
    %get3A_2 = arith.constant 0 : index
    %get3A_3 = arith.constant 0 : index
    %get3A_4 = vector.load %arg1[%get3A_2, %get3A_3] : memref<1280x128xf32, #tpu.memory_space<vmem>>, vector<1280x128xf32>
    %mul3A = vector.broadcast %get3A_1 : vector<1280x1xf32> to vector<1280x128xf32>
    %mul3A_5 = arith.mulf %mul3A, %get3A_4 : vector<1280x128xf32>
    %get3A_6 = arith.constant 0 : index
    %get3A_7 = arith.constant 0 : index
    %get3A_8 = vector.load %arg3[%get3A_6, %get3A_7] : memref<1x128xf32, #tpu.memory_space<vmem>>, vector<1x128xf32>
    %add3A = vector.broadcast %get3A_8 : vector<1x128xf32> to vector<1280x128xf32>
    %add3A_9 = arith.addf %mul3A_5, %add3A : vector<1280x128xf32>
    %swap3A = arith.constant 0 : index
    %swap3A_10 = arith.constant 0 : index
    %swap3A_11 = vector.load %arg4[%swap3A, %swap3A_10] : memref<1280x128xf32, #tpu.memory_space<vmem>>, vector<1280x128xf32>
    tpu.vector_store %arg4[%swap3A, %swap3A_10], %add3A_9 {strides = array<i32>} : memref<1280x128xf32, #tpu.memory_space<vmem>>, vector<1280x128xf32>,
    return
  }
  func.func @transform_0(%arg0: i32) -> (i32, i32) {
    %c0_i32 = arith.constant 0 : i32
    %c0_i32_0 = arith.constant 0 : i32
    return %arg0, %c0_i32 : i32, i32
  }
  func.func @transform_1(%arg0: i32) -> (i32, i32) {
    %c0_i32 = arith.constant 0 : i32
    %c0_i32_0 = arith.constant 0 : i32
    return %arg0, %c0_i32 : i32, i32
  }
  func.func @transform_2(%arg0: i32) -> (i32, i32) {
    %c0_i32 = arith.constant 0 : i32
    %c0_i32_0 = arith.constant 0 : i32
    %c0_i32_1 = arith.constant 0 : i32
    return %c0_i32, %c0_i32_0 : i32, i32
  }
  func.func @transform_3(%arg0: i32) -> (i32, i32) {
    %c0_i32 = arith.constant 0 : i32
    %c0_i32_0 = arith.constant 0 : i32
    return %arg0, %c0_i32 : i32, i32
  }
}

module attributes {stable_mosaic.version = 14 : i64} {
  func.func @_tc2_body(%arg0: i32, %arg1: memref<1280x128xf32, #tpu.memory_space<vmem>>, %arg2: memref<1280x1xf32, #tpu.memory_space<vmem>>, %arg3: memref<1x128xf32, #tpu.memory_space<vmem>>, %arg4: memref<128x128xf32, #tpu.memory_space<vmem>>, %arg5: memref<1280x128xf32, #tpu.memory_space<vmem>>) attributes {dimension_semantics = [#tpu.dimension_semantics<arbitrary>], iteration_bounds = array<i64: 8>, scalar_prefetch = 0 : i64, scratch_operands = 0 : i64, tpu.core_type = #tpu.core_type<tc>, window_params = [{transform_indices = @transform_0, window_bounds = array<i64: 1280, 128>}, {transform_indices = @transform_1, window_bounds = array<i64: 1280, 1>}, {pipeline_mode = #tpu.pipeline_mode<synchronous>, transform_indices = @transform_2, window_bounds = array<i64: 1, 128>}, {pipeline_mode = #tpu.pipeline_mode<synchronous>, transform_indices = @transform_3, window_bounds = array<i64: 128, 128>}, {transform_indices = @transform_4, window_bounds = array<i64: 1280, 128>}]} {
    %get3A = arith.constant 0 : index
    %get3A_0 = arith.constant 0 : index
    %get3A_1 = vector.load %arg1[%get3A, %get3A_0] : memref<1280x128xf32, #tpu.memory_space<vmem>>, vector<1280x128xf32>
    %get3A_2 = arith.constant 0 : index
    %get3A_3 = arith.constant 0 : index
    %get3A_4 = vector.load %arg2[%get3A_2, %get3A_3] : memref<1280x1xf32, #tpu.memory_space<vmem>>, vector<1280x1xf32>
    %mul3A = vector.broadcast %get3A_4 : vector<1280x1xf32> to vector<1280x128xf32>
    %mul3A_5 = arith.mulf %mul3A, %get3A_1 : vector<1280x128xf32>
    %get3A_6 = arith.constant 0 : index
    %get3A_7 = arith.constant 0 : index
    %get3A_8 = vector.load %arg3[%get3A_6, %get3A_7] : memref<1x128xf32, #tpu.memory_space<vmem>>, vector<1x128xf32>
    %add3A = vector.broadcast %get3A_8 : vector<1x128xf32> to vector<1280x128xf32>
    %add3A_9 = arith.addf %mul3A_5, %add3A : vector<1280x128xf32>
    %max3A = arith.constant 0.000000e+00 : f32
    %max3A_10 = vector.broadcast %max3A : f32 to vector<1280x128xf32>
    %max3A_11 = arith.maximumf %add3A_9, %max3A_10 : vector<1280x128xf32>
    %get3A_12 = arith.constant 0 : index
    %get3A_13 = arith.constant 0 : index
    %get3A_14 = vector.load %arg4[%get3A_12, %get3A_13] : memref<128x128xf32, #tpu.memory_space<vmem>>, vector<128x128xf32>
    %dot_general3A = arith.constant dense<0.000000e+00> : vector<1280x128xf32>
    %dot_general3A_15 = tpu.matmul %max3A_11, %get3A_14, %dot_general3A {dimension_numbers = #tpu.dot_dimension_numbers<[1], [0], [0], [1], [0, 0, 1, 1], [], []>, transpose_lhs_hint = false} : vector<1280x128xf32>, vector<128x128xf32>, vector<1280x128xf32> -> vector<1280x128xf32>
    %mul3A_16 = vector.broadcast %get3A_4 : vector<1280x1xf32> to vector<1280x128xf32>
    %mul3A_17 = arith.mulf %mul3A_16, %dot_general3A_15 : vector<1280x128xf32>
    %swap3A = arith.constant 0 : index
    %swap3A_18 = arith.constant 0 : index
    %swap3A_19 = vector.load %arg5[%swap3A, %swap3A_18] : memref<1280x128xf32, #tpu.memory_space<vmem>>, vector<1280x128xf32>
    tpu.vector_store %arg5[%swap3A, %swap3A_18], %mul3A_17 {strides = array<i32>} : memref<1280x128xf32, #tpu.memory_space<vmem>>, vector<1280x128xf32>,
    return
  }
  func.func @transform_0(%arg0: i32) -> (i32, i32) {
    %c0_i32 = arith.constant 0 : i32
    %c0_i32_0 = arith.constant 0 : i32
    return %arg0, %c0_i32 : i32, i32
  }
  func.func @transform_1(%arg0: i32) -> (i32, i32) {
    %c0_i32 = arith.constant 0 : i32
    %c0_i32_0 = arith.constant 0 : i32
    return %arg0, %c0_i32 : i32, i32
  }
  func.func @transform_2(%arg0: i32) -> (i32, i32) {
    %c0_i32 = arith.constant 0 : i32
    %c0_i32_0 = arith.constant 0 : i32
    %c0_i32_1 = arith.constant 0 : i32
    return %c0_i32, %c0_i32_0 : i32, i32
  }
  func.func @transform_3(%arg0: i32) -> (i32, i32) {
    %c0_i32 = arith.constant 0 : i32
    %c0_i32_0 = arith.constant 0 : i32
    %c0_i32_1 = arith.constant 0 : i32
    return %c0_i32, %c0_i32_0 : i32, i32
  }
  func.func @transform_4(%arg0: i32) -> (i32, i32) {
    %c0_i32 = arith.constant 0 : i32
    %c0_i32_0 = arith.constant 0 : i32
    return %arg0, %c0_i32 : i32, i32
  }
}

</mosaic_0001>

<sc_bundles>
// kernel: kernel.11.cloned.1.call-start
scs
__scs_entry_jumppad:
0x0: {  	(pc) =	sbr.rel $0x88, $3  }
0x1: {  	(tag) =	ssettag $0x0;
	lr =	simm.s32 $0x1  }
0x2: {  	[smem:$0x3F9B] =	sst lr;
	_ =	strace $0xD0000000  }
0x3: {  	_ = 	snop  }
0x4: {  	_ = 	snop  }
0x5: {  	_ = 	snop  }
0x6: {  	_ = 	snop  }
0x7: {  	_ = 	snop  }
__scs_overlays_trampoline_lowered:
0x8: {  	[smem:$0x3FAA] =	sst s0  }
0x9: {  	[smem:$0x3FAB] =	sst s1  }
0xa: {  	[smem:$0x3FAC] =	sst s2  }
0xb: {  	[smem:$0x3FAD] =	sst s3  }
0xc: {  	[smem:$0x3FAE] =	sst s4  }
0xd: {  	[smem:$0x3FAF] =	sst s5  }
0xe: {  	[smem:$0x3FB0] =	sst s6  }
0xf: {  	[smem:$0x3FB1] =	sst s7  }
0x10: {  	[smem:$0x3FB2] =	sst s8  }
0x11: {  	[smem:$0x3FB3] =	sst s9;
	s0 =	simm.s32 @!p0 $0x0  }
0x12: {  	s1 =	sld [smem:$0x3F99];
	s0 =	simm.s32 @p0 $0x1  }
0x13: {  	[smem:$0x3FB4] =	sst s0;
	s0 =	simm.s32 @!p1 $0x0  }
0x14: {  	s2 =	sld [smem:$0x3F98];
	s0 =	simm.s32 @p1 $0x1  }
0x15: {  	[smem:$0x3FB5] =	sst s0;
	s0 =	simm.s32 @!p2 $0x0  }
0x16: {  	s3 =	sld [smem:$0x3FDB];
	s0 =	simm.s32 @p2 $0x1  }
0x17: {  	s4 =	simm.s32 $0x1BF5;
	[smem:$0x3FB7] =	sst s0  }
0x18: {  	s0 =	sld [smem:$0x3F9A];
	_ =	swait.ge [sflag:s4], $0x0  }
0x19: {  	s7 =	sld [smem:$0x3F9B]  }
0x1a: {  	s8 =	sadd.s32 $0xFFFFE003, lr  }
0x1b: {  	s9 =	sadd.s32 $0xFFFFFEF7, lr;
	s5 =	simm.s32 $0xFFFFFFFF;
	p2 =	slt.u32 s8, $0xFFFFF086  }
0x1c: {  	p1 =	slt.u32 s9, $0xF7A;
	s5 =	simm.s32 @!p2 $0x0  }
0x1d: {  	s5 =	simm.s32 @p1 $0x1;
	p0 =	seq.s32 s7, s2  }
0x1e: {  	s7 =	smul.u32 @!p0 $0xF7A, s2;
	p2 =	seq.s32 @!p0 s5, $0x0  }
0x1f: {  	s9 =	smul.u32 $0xF7A, s1;
	s8 =	simm.s32 @!p0 $0x1BF5;
	p2 =	por !p2, p0  }
0x20: {  	[sflag:s8] =	ssyncset.s32 @!p0 $0xFFFFF086;
	s6 =	sadd.s32 @!p0 s3, s7;
	s7 =	simm.s32 @!p0 $0x108  }
0x21: {  	s3 =	sadd.s32 s3, s9;
	s6 =	sadd.s32 @!p0 $0x88, s6;
	s7 =	simm.s32 @p2 $0x1082  }
0x22: {  	[simem:s7], [sflag:s8] =	dma.local @!p0 [hbm:s6], $0xF7A  }
0x23: {  	s9 =	sor.u32 $0xD0000000, s2;
	s6 =	simm.s32 $0x108;
	_ =	swait.ge @!p0 [sflag:s8], $0x0  }
0x24: {  	s3 =	sadd.s32 $0x88, s3;
	s6 =	simm.s32 @!p1 $0x1082;
	[sflag:s4] =	ssyncset.s32 $0xFFFFF086  }
0x25: {  	[simem:s6], [sflag:s4] =	dma.local [hbm:s3], $0xF7A  }
0x26: {  	[smem:$0x3F9B] =	sst s1;
	(tag) =	ssettag s2;
	_ =	strace s9  }
0x27: {  	s1 =	sld [smem:$0x3FAB]  }
0x28: {  	s2 =	sld [smem:$0x3FAC]  }
0x29: {  	s4 =	sld [smem:$0x3FAE]  }
0x2a: {  	p0 =	seq.s32 s5, $0x0;
	s5 =	sld [smem:$0x3FAF]  }
0x2b: {  	s6 =	sld [smem:$0x3FB0]  }
0x2c: {  	s7 =	sld [smem:$0x3FB1]  }
0x2d: {  	s3 =	simm.s32 $0x108;
	s8 =	sld [smem:$0x3FB2]  }
0x2e: {  	s3 =	simm.s32 @!p0 $0x1082;
	s9 =	sld [smem:$0x3FB3]  }
0x2f: {  	lr =	sadd.s32 s0, s3;
	s0 =	sld [smem:$0x3FAA]  }
0x30: {  	s3 =	sld [smem:$0x3FAD]  }
0x31: {  	[smem:$0x3FB6] =	sst s10  }
0x32: {  	s10 =	sld [smem:$0x3FB4];
	_ =	sdelay $0x3  }
0x33: {  	p0 =	seq.s32 s10, $0x1;
	s10 =	sld [smem:$0x3FB6];
	_ =	sdelay $0x3  }
0x34: {  	[smem:$0x3FB6] =	sst s10  }
0x35: {  	s10 =	sld [smem:$0x3FB5];
	_ =	sdelay $0x3  }
0x36: {  	p1 =	seq.s32 s10, $0x1;
	s10 =	sld [smem:$0x3FB6];
	_ =	sdelay $0x3  }
0x37: {  	[smem:$0x3FB6] =	sst s10  }
0x38: {  	s10 =	sld [smem:$0x3FB7]  }
0x39: {  	_ = 	snop;
	(pc) =	sbr.ind lr, $3  }
0x3a: {  	_ = 	snop  }
0x3b: {  	_ = 	snop  }
0x3c: {  	p2 =	seq.s32 s10, $0x1;
	s10 =	sld [smem:$0x3FB6]  }
0x3d: {  	_ =	shalt  }
0x3e: {  	_ =	shalt  }
0x3f: {  	_ =	shalt  }
0x40: {  	_ =	shalt  }
0x41: {  	_ =	shalt  }
0x42: {  	_ =	shalt  }
0x43: {  	_ =	shalt  }
0x44: {  	_ =	shalt  }
0x45: {  	_ =	shalt  }
0x46: {  	_ =	shalt  }
0x47: {  	_ =	shalt  }
0x48: {  	_ =	shalt  }
0x49: {  	_ =	shalt  }
0x4a: {  	_ =	shalt  }
0x4b: {  	_ =	shalt  }
0x4c: {  	_ =	shalt  }
0x4d: {  	_ =	shalt  }
0x4e: {  	_ =	shalt  }
0x4f: {  	_ =	shalt  }
0x50: {  	_ =	shalt  }
0x51: {  	_ =	shalt  }
0x52: {  	_ =	shalt  }
0x53: {  	_ =	shalt  }
0x54: {  	_ =	shalt  }
0x55: {  	_ =	shalt  }
0x56: {  	_ =	shalt  }
0x57: {  	_ =	shalt  }
0x58: {  	_ =	shalt  }
0x59: {  	_ =	shalt  }
0x5a: {  	_ =	shalt  }
0x5b: {  	_ =	shalt  }
0x5c: {  	_ =	shalt  }
0x5d: {  	_ =	shalt  }
0x5e: {  	_ =	shalt  }
0x5f: {  	_ =	shalt  }
0x60: {  	_ =	shalt  }
0x61: {  	_ =	shalt  }
0x62: {  	_ =	shalt  }
0x63: {  	_ =	shalt  }
0x64: {  	_ =	shalt  }
0x65: {  	_ =	shalt  }
0x66: {  	_ =	shalt  }
0x67: {  	_ =	shalt  }
0x68: {  	_ =	shalt  }
0x69: {  	_ =	shalt  }
0x6a: {  	_ =	shalt  }
0x6b: {  	_ =	shalt  }
0x6c: {  	_ =	shalt  }
0x6d: {  	_ =	shalt  }
0x6e: {  	_ =	shalt  }
0x6f: {  	_ =	shalt  }
0x70: {  	_ =	shalt  }
0x71: {  	_ =	shalt  }
0x72: {  	_ =	shalt  }
0x73: {  	_ =	shalt  }
0x74: {  	_ =	shalt  }
0x75: {  	_ =	shalt  }
0x76: {  	_ =	shalt  }
0x77: {  	_ =	shalt  }
0x78: {  	_ =	shalt  }
0x79: {  	_ =	shalt  }
0x7a: {  	_ =	shalt  }
0x7b: {  	_ =	shalt  }
0x7c: {  	_ =	shalt  }
0x7d: {  	_ =	shalt  }
0x7e: {  	_ =	shalt  }
0x7f: {  	_ =	shalt  }
0x80: {  	_ =	shalt  }
0x81: {  	_ =	shalt  }
0x82: {  	_ =	shalt  }
0x83: {  	_ =	shalt  }
0x84: {  	_ =	shalt  }
0x85: {  	_ =	shalt  }
0x86: {  	_ =	shalt  }
0x87: {  	_ =	shalt  }
.Lfunc_end0:
.L_simem_size_0:
called_computation.1_lowered:
.L_overlay_start_0:
0x88: {  	s2 =	sld [smem:$0x3FD9]  }
0x89: {  	s3 =	sld [smem:$0x3FFE];
	_ =	sdelay $0x1  }
0x8a: {  	s1 =	srdreg.scid  }
0x8b: {  	s0 =	sand.u32 $0x1, s1  }
0x8c: {  	s17 =	sshll.u32 s0, $0xA;
	s2 =	sadd.s32 s3, s2  }
0x8d: {  	s2 =	sadd.s32 s2, s17  }
0x8e: {  	[smem:$0x3FC2] =	sst s2  }
0x8f: {  	_ = 	snop  }
0x90: {  	s2 =	sld [smem:$0x3FD0];
	(tm) =	ssettm $0x1  }
0x91: {  	s18 =	sld [smem:$0x3FFB];
	_ =	sdelay $0x3  }
0x92: {  	_ =	strace s18  }
0x93: {  	s3 =	sld [smem:$0x3FFC];
	_ =	sdelay $0x3  }
0x94: {  	_ =	strace s3  }
0x95: {  	s3 =	sld [smem:$0x3FFD];
	_ =	sdelay $0x3  }
0x96: {  	_ =	strace s3  }
0x97: {  	_ =	strace $0x8FFFFFFF  }
0x98: {  	s19 =	sld [smem:$0x3FDB];
	_ =	sdelay $0x1  }
0x99: {  	s4 =	simm.s32 $_scs_section_size  }
0x9a: {  	s5 =	simm.s32 $_size__tile_overlayer_lowered;
	s6 =	simm.s32 $_tile_overlayer_lowered  }
0x9b: {  	s22 =	simm.s32 $0x1BFF;
	s21 =	sshll.u32 s6, $0x1;
	s3 =	sadd.s32 s4, s19  }
0x9c: {  	s7 =	simm.s32 $0x0;
	s20 =	sshll.u32 s5, $0x1;
	s5 =	sadd.s32 s21, s3  }
0x9d: {  	[timem:s7], [sflag:s22] =	dma.local [hbm:s5], s20  }
0x9e: {  	_ =	swait.ge [sflag:s22], s20  }
0x9f: {  	s4 =	ssub.s32 $0x0, s20;
	[sflag:s22] =	ssyncset.done $0x0  }
0xa0: {  	[sflag:s22] =	ssyncadd.s32 s4;
	_ =	sdelay $0x1  }
0xa1: {  	s23 =	simm.s32 $0x1B8B  }
0xa2: {  	_ =	swait.ge [sflag:s23], $0x1  }
0xa3: {  	[sflag:s23] =	ssyncset.done $0x0  }
0xa4: {  	s25 =	simm.s32 $0x1B8E;
	s24 =	sld [smem:$0x3FFE];
	[sflag:s23] =	ssyncadd.s32 $0xFFFFFFFF  }
0xa5: {  	s26 =	simm.s32 $execute0_lowered;
	[smem:$0x3FD2] =	sst s25  }
0xa6: {  	s5 =	sshll.u32 s26, $0x1;
	_ =	strace $0x80000049;
	[dreg:$0x1] =	wrdreg $0xFFFFFFFF  }
0xa7: {  	s28 =	simm.s32 $_size_execute0_lowered;
	s3 =	sadd.s32 s3, s5;
	[dreg:$0x0] =	wrdreg $0x0  }
0xa8: {  	s5 =	sshll.u32 s28, $0x1;
	[dreg:$0x2] =	wrdreg s3  }
0xa9: {  	[dreg:$0x3] =	wrdreg s5  }
0xaa: {  	[dreg:$0x4] =	wrdreg $0xC0  }
0xab: {  	_ =	task [dreg:s7], $0x5FFFF  }
0xac: {  	[dreg:$0x1] =	wrdreg $0xFFFFFFFF  }
0xad: {  	[dreg:$0x0] =	wrdreg $0x60  }
0xae: {  	[dreg:$0x2] =	wrdreg s24  }
0xaf: {  	[dreg:$0x3] =	wrdreg s2  }
0xb0: {  	[dreg:$0x4] =	wrdreg $0x120800  }
0xb1: {  	[dreg:$0x5] =	wrdreg $0x9  }
0xb2: {  	_ =	task.clear_ibuf [dreg:s7], $0x6FFFF;
	_ =	strace $0x90000049  }
0xb3: {  	s29 =	simm.s32 $0x9;
	_ =	strace $0x8000004B  }
0xb4: {  	_ =	swait.ge [sflag:s29], $0x1  }
0xb5: {  	[sflag:s29] =	ssyncadd.s32 $0xFFFFFFFF  }
0xb6: {  	_ =	strace $0x9000004B  }
0xb7: {  	_ =	sfence  }
0xb8: {  	s30 =	sld [smem:$0x0];
	_ =	sdelay $0x2  }
0xb9: {  	s31 =	sshll.u32 s1, $0xD;
	s1 =	sshrl.u32 s1, $0x2  }
0xba: {  	s3 =	sand.u32 $0x4000, s31;
	s1 =	sadd.s32 s1, s30  }
0xbb: {  	s0 =	sor.u32 s3, s0;
	s1 =	sshll.u32 s1, $0x11  }
0xbc: {  	s0 =	sor.u32 s1, s0  }
0xbd: {  	s0 =	sadd.s32 $0x8F2B, s0  }
0xbe: {  	[sflag:s0] =	ssyncadd.remote.s32 $0x1  }
0xbf: {  	_ =	sfence.sel $0xFFFF  }
0xc0: {  	[dreg:$0x0] =	wrdreg $0xFFFFFFFF;
	(pc) =	sbr.abs _section_cstart, $3  }
0xc1: {  	[dreg:$0x1] =	wrdreg $0xFFFFFFFF  }
0xc2: {  	_ =	task.clear_ibuf [dreg:s7], $0x2FFFF;
	_ =	strace $0x9FFFFFFF  }
0xc3: {  	(tm) =	ssettm $0x7FFFFFFF  }
tec
execute0_lowered:
.L_overlay_start_1:
0x0: {  	(tag) =	ssettag $0x1  }
0x1: {  	s0 =	rddreg [dreg:$0x0]  }
0x2: {  	s7 =	rddreg [dreg:$0x1]  }
0x3: {  	s1 =	rddreg [dreg:$0x2];
	s2 =	srdreg.scid  }
0x4: {  	s3 =	simm.s32 $0x0;
	s22 =	stileid.u32;
	s17 =	simm.s32 $0x80  }
0x5: {  	s18 =	simm.s32 $0xA080;
	s19 =	simm.s32 $0xE080;
	s6 =	smul.u32 $0x5000, s22  }
0x6: {  	s20 =	simm.s32 $0x2;
	s21 =	simm.s32 $0x3;
	s10 =	smul.u32 $0xA000, s22  }
0x7: {  	s8 =	sand.u32 $0x1, s2;
	[smem:$0x7FF] =	sst s3;
	s25 =	smul.u32 $0x28000, s22  }
0x8: {  	s4 =	sadd.s32 $0x2B000, s0;
	s24 =	sshll.u32 s22, $0x4;
	s15 =	smul.u32 $0x1400, s22  }
0x9: {  	s29 =	sshll.u32 s22, $0x6;
	s22 =	simm.s32 $0x4;
	s5 =	smul.u32 $0x50000, s8  }
0xa: {  	_ =	strace $0x8000004A;
	s23 =	smul.u32 $0xA0000, s8;
	s12 =	sadd.s32 s24, s0  }
0xb: {  	s26 =	ssub.s32 $0x2, s8;
	s13 =	smul.u32 $0x14000, s8;
	s30 =	sshll.u32 s8, $0x8  }
0xc: {  	s14 =	sshrl.u32 s26, $0x1;
	s31 =	sadd.s32 s30, s12;
	s5 =	sadd.s32 s6, s5  }
0xd: {  	s6 =	sadd.s32 s10, s23;
	s14 =	ssub.s32 s26, s14;
	s28 =	sadd.s32 s15, s13  }
0xe: {  	s13 =	simm.s32 $0x5;
	s23 =	simm.s32 $0x0;
	s9 =	sshrl.u32 s5, $0x3  }
0xf: {  	s6 =	sshrl.u32 s6, $0x3;
	s5 =	sshrl.u32 s25, $0x2;
	s11 =	sadd.s32 s9, s0  }
0x10: {  	s0 =	sadd.s32 s6, s0;
	s16 =	sadd.s32 s5, s1;
	s5 =	sadd.s32 s4, s28  }
0x11: {  	s6 =	sor.u32 $0x1C05, s29;
	s7 =	sadd.s32 s7, s9;
	s9 =	sadd.s32 $0x2AE00, s31  }
0x12: {  	s8 =	sadd.s32 $0x16E00, s11;
	s10 =	sadd.s32 $0x53000, s0;
	s11 =	smax.u32 s14, $0x1  }
0x13: {  	s12 =	sshrl.u32 s16, $0x3;
	s14 =	simm.s32 $0x5000;
	s16 =	simm.s32 $0x1  }
.LBB2_1:
0x14: {  	[spmem:s12], [sflag:s6] =	dma.local [hbm:s5], $0x1400  }
0x15: {  	_ =	swait.ge [sflag:s13], $0x1400  }
0x16: {  	[sflag:s13] =	ssyncset.done $0x0  }
0x17: {  	[sflag:s13] =	ssyncadd.s32 $0xFFFFEC00  }
0x18: {  	[bflag:$0x0] =	sbarrier.arrive $0xFFFF  }
0x19: {  	[tilespmem:s3], [sflag:$0x5] =	stream.linear.gather [hbm4b:s7+s3], $0x5000, $0x38;
	[tilespmem:$0x1C0C0] =	vst v63  }
0x1a: {  	_ =	swait.ge [sflag:s13], $0x5000  }
0x1b: {  	[sflag:s13] =	ssyncset.done $0x0  }
0x1c: {  	[sflag:s13] =	ssyncadd.s32 $0xFFFFB000  }
0x1d: {  	[tilespmem:s14], [sflag:$0x5] =	stream.linear.gather [hbm4b:s8+s3], $0x5000, $0x38;
	[tilespmem:$0x1C0C0] =	vst v63  }
0x1e: {  	_ =	swait.ge [sflag:s13], $0x5000  }
0x1f: {  	[sflag:s13] =	ssyncset.done $0x0  }
0x20: {  	s0 =	simm.s32 $0xA000;
	[sflag:s13] =	ssyncadd.s32 $0xFFFFB000  }
0x21: {  	[tilespmem:s0], [sflag:$0x5] =	stream.linear.gather [hbm4b:s9+s3], $0x80, $0x38;
	[tilespmem:$0x1C0C0] =	vst v63  }
0x22: {  	_ =	swait.ge [sflag:s13], $0x80  }
0x23: {  	[sflag:s13] =	ssyncset.done $0x0  }
0x24: {  	[sflag:s13] =	ssyncadd.s32 $0xFFFFFF80  }
0x25: {  	v0 =	vld [tilespmem:$0xA000];
	_ =	sdelay $0x4  }
0x26: {  	(v2sf) =	vpush v0, $0x0;
	_ =	sdelay $0xd  }
0x27: {  	[tilespmem:s18], [sflag:$0x1] =	stream.indirect.gather [hbm4b:s4+s17], $0x80, s3, s17, $0xb8;
	[tilespmem:$0x1C0C0] =	vst v63  }
0x28: {  	s25 =	spop (v2sf)  }
0x29: {  	s0 =	sadd.s32 $0xFF, s25  }
0x2a: {  	_ =	swait.ge [sflag:s16], $0x4000;
	s24 =	sand.u32 $0xFF, s0;
	s25 =	sshra.s32 s0, $0x1F  }
0x2b: {  	p0 =	slt.s32 s0, $0x1;
	[sflag:s16] =	ssyncset.done $0x0;
	p1 =	sne.s32 s24, $0x0  }
0x2c: {  	s26 =	sshrl.u32 s25, $0x18;
	[sflag:s16] =	ssyncadd.s32 $0xFFFFC000;
	p0 =	por !p0, !p1  }
0x2d: {  	[spmem:s1] =	stream.indirect.scatter.add.f32 [tilespmem:s18], [sflag:$0x3], $0x80, s14, s17, $0xb8;
	[tilespmem:$0x1C0C0] =	vst v63  }
0x2e: {  	s24 =	simm.s32 $0x1;
	s0 =	sadd.s32 s26, s0;
	p0 =	por !p0, !p0  }
0x2f: {  	s0 =	sshra.s32 s0, $0x8;
	s24 =	simm.s32 @!p0 $0x0  }
0x30: {  	[tilespmem:s19], [sflag:$0x2] =	stream.indirect.gather [hbm4b:s4+s17], $0x80, s17, s17, $0xb8;
	[tilespmem:$0x1C0C0] =	vst v63  }
0x31: {  	s0 =	ssub.s32 s0, s24  }
0x32: {  	_ =	swait.ge [sflag:s20], $0x4000;
	p0 =	sgt.s32 s0, $0x1  }
0x33: {  	[sflag:s20] =	ssyncset.done $0x0;
	s0 =	simm.s32 @!p0 $0x1  }
0x34: {  	s25 =	simm.s32 $0x5080;
	[sflag:s20] =	ssyncadd.s32 $0xFFFFC000;
	s24 =	sshll.u32 s0, $0x1  }
0x35: {  	[spmem:s1] =	stream.indirect.scatter.add.f32 [tilespmem:s19], [sflag:$0x4], $0x80, s25, s17, $0xb8;
	[tilespmem:$0x1C0C0] =	vst v63  }
0x36: {  	p0 =	sle.u32 s24, $0x2  }
0x37: {  	s0 =	simm.s32 @!p0 $0x3  }
0x38: {  	s26 =	simm.s32 $0x100;
	_ =	swait.ge @!p0 [sflag:s0], $0x4000  }
0x39: {  	p2 =	sne.s32 s24, $0x2;
	s28 =	simm.s32 @!p0 $0x80;
	[sflag:s0] =	ssyncset.done @!p0 $0x0  }
0x3a: {  	s30 =	simm.s32 @!p0 $0xA080;
	[sflag:s0] =	ssyncadd.s32 @!p0 $0xFFFFC000;
	s0 =	simm.s32 @!p0 $0x1  }
0x3b: {  	[tilespmem:s30], [sflag:$0x1] =	stream.indirect.gather @!p0 [hbm4b:s4+s28], $0x80, s26, s28, $0xb8;
	[tilespmem:$0x1C0C0] =	vst v63  }
0x3c: {  	p1 =	sle.u32 @!p0 s24, $0x3;
	s31 =	simm.s32 @!p0 $0x5100;
	_ =	swait.ge @!p0 [sflag:s0], $0x4000  }
.Ltmp0:
0x3d: {  	p1 =	por p1, p0;
	[sflag:s0] =	ssyncset.done @!p0 $0x0;
	(pc) =	sbr.rel @!p2 .LBB2_3-.Ltmp0, $4  }
0x3e: {  	s29 =	simm.s32 @!p1 $0x4;
	s26 =	simm.s32 $0x2;
	[sflag:s0] =	ssyncadd.s32 @!p0 $0xFFFFC000  }
0x3f: {  	[spmem:s1] =	stream.indirect.scatter.add.f32 @!p0 [tilespmem:s30], [sflag:$0x3], $0x80, s31, s28, $0xb8;
	[tilespmem:$0x1C0C0] =	vst v63  }
0x40: {  	s0 =	simm.s32 @!p1 $0x80;
	s30 =	simm.s32 @!p1 $0xE080;
	_ =	swait.ge @!p1 [sflag:s29], $0x4000  }
0x41: {  	s28 =	simm.s32 $0x200;
	s31 =	simm.s32 @!p1 $0x180;
	[sflag:s29] =	ssyncset.done @!p1 $0x0  }
.LBB2_2:
0x42: {  	[sflag:s29] =	ssyncadd.s32 @!p1 $0xFFFFC000;
	s25 =	sadd.s32 $0x100, s25  }
0x43: {  	s29 =	smov.u32 s26;
	s26 =	sadd.s32 $0x2, s26;
	s2 =	smov.u32 s28  }
0x44: {  	[tilespmem:s30], [sflag:$0x2] =	stream.indirect.gather @!p1 [hbm4b:s4+s0], $0x80, s31, s0, $0xb8;
	[tilespmem:$0x1C0C0] =	vst v63  }
0x45: {  	p0 =	sne.s32 s24, s26;
	_ =	swait.ge [sflag:s20], $0x4000  }
0x46: {  	p2 =	sge.u32 s26, s24;
	[sflag:s20] =	ssyncset.done $0x0  }
0x47: {  	s0 =	simm.s32 @!p2 $0x3;
	s29 =	sadd.s32 @!p2 $0x3, s29;
	[sflag:s20] =	ssyncadd.s32 $0xFFFFC000  }
0x48: {  	[spmem:s1] =	stream.indirect.scatter.add.f32 [tilespmem:s19], [sflag:$0x4], $0x80, s25, s17, $0xb8;
	[tilespmem:$0x1C0C0] =	vst v63  }
0x49: {  	p1 =	sge.u32 @!p2 s29, s24;
	_ =	swait.ge @!p2 [sflag:s0], $0x4000  }
0x4a: {  	s30 =	simm.s32 @!p2 $0x80;
	s31 =	simm.s32 @!p2 $0xA080;
	[sflag:s0] =	ssyncset.done @!p2 $0x0  }
0x4b: {  	[sflag:s0] =	ssyncadd.s32 @!p2 $0xFFFFC000;
	s0 =	simm.s32 @!p2 $0x1  }
0x4c: {  	[tilespmem:s31], [sflag:$0x1] =	stream.indirect.gather @!p2 [hbm4b:s4+s30], $0x80, s28, s30, $0xb8;
	[tilespmem:$0x1C0C0] =	vst v63  }
0x4d: {  	s15 =	sadd.s32 @!p2 $0x80, s25;
	_ =	swait.ge @!p2 [sflag:s0], $0x4000  }
.Ltmp1:
0x4e: {  	p1 =	por p1, p2;
	[sflag:s0] =	ssyncset.done @!p2 $0x0;
	(pc) =	sbr.rel @p0 .LBB2_2-.Ltmp1, $4  }
0x4f: {  	s29 =	simm.s32 @!p1 $0x4;
	[sflag:s0] =	ssyncadd.s32 @!p2 $0xFFFFC000  }
0x50: {  	[spmem:s1] =	stream.indirect.scatter.add.f32 @!p2 [tilespmem:s31], [sflag:$0x3], $0x80, s15, s30, $0xb8;
	[tilespmem:$0x1C0C0] =	vst v63  }
0x51: {  	s28 =	sadd.s32 $0x100, s28;
	s30 =	simm.s32 @!p1 $0xE080;
	_ =	swait.ge @!p1 [sflag:s29], $0x4000  }
0x52: {  	s0 =	simm.s32 @!p1 $0x80;
	s31 =	sadd.s32 @!p1 $0x80, s2;
	[sflag:s29] =	ssyncset.done @!p1 $0x0  }
.LBB2_3:
0x53: {  	[sflag:s29] =	ssyncadd.s32 @!p1 $0xFFFFC000  }
0x54: {  	[tilespmem:s30], [sflag:$0x2] =	stream.indirect.gather @!p1 [hbm4b:s4+s0], $0x80, s31, s0, $0xb8;
	[tilespmem:$0x1C0C0] =	vst v63  }
0x55: {  	_ =	swait.ge [sflag:s21], $0x4000  }
0x56: {  	[sflag:s21] =	ssyncset.done $0x0  }
0x57: {  	[sflag:s21] =	ssyncadd.s32 $0xFFFFC000  }
0x58: {  	_ =	swait.ge [sflag:s22], $0x4000  }
0x59: {  	s23 =	sadd.s32 $0x1, s23;
	[sflag:s22] =	ssyncset.done $0x0  }
0x5a: {  	p0 =	sne.s32 s23, s11;
	[sflag:s22] =	ssyncadd.s32 $0xFFFFC000  }
.Ltmp2:
0x5b: {  	[bflag:$0x0] =	sbarrier.arrive $0xFFFF;
	(pc) =	sbr.rel @p0 .LBB2_1-.Ltmp2, $4  }
0x5c: {  	[hbm:s10], [sflag:s6] =	dma.local [spmem:s12], $0x1400  }
0x5d: {  	_ =	swait.ge [sflag:s13], $0x1400  }
0x5e: {  	[sflag:s13] =	ssyncset.done $0x0  }
0x5f: {  	[sflag:s13] =	ssyncadd.s32 $0xFFFFEC00  }
0x60: {  	_ =	sfence.sel $0x180000  }
0x61: {  	[bflag:$0x0] =	sbarrier.arrive $0xFFFF  }
0x62: {  	_ =	strace $0x9000004A  }
0x63: {  	s0 =	stileid.u32;
	[bflag:$0x2] =	sbarrier.arrive $0xFFFF  }
0x64: {  	p0 =	sne.s32 s0, $0x0;
	s0 =	rddreg [dreg:$0x3]  }
0x65: {  	s0 =	sadd.s32 @!p0 $0x100000, s0  }
0x66: {  	[sflag:s0] =	ssyncadd.tile.s32 @!p0 $0x1;
	_ =	shalt  }
.Lfunc_end2:
_tile_overlayer_lowered:
.L_overlay_start_2:
0x67: {  	(tag) =	ssettag $0x2  }
0x68: {  	s0 =	rddreg [dreg:$0x0];
	s2 =	stileid.u32  }
0x69: {  	s1 =	rddreg [dreg:$0x1];
	p0 =	sne.s32 s2, $0x0  }
0x6a: {  	s3 =	rddreg [dreg:$0x2];
	[bflag:$0x3] =	sbarrier.arrive $0xFFFF;
	s2 =	simm.s32 @!p0 $0x1C05  }
0x6b: {  	[timem:s3], [sflag:s2] =	dma.local @!p0 [hbm:s0], s1  }
0x6c: {  	s0 =	simm.s32 @!p0 $0x5  }
0x6d: {  	_ =	swait.ge @!p0 [sflag:s0], s1  }
0x6e: {  	s1 =	ssub.s32 @!p0 $0x0, s1;
	[sflag:s0] =	ssyncset.done @!p0 $0x0  }
0x6f: {  	[sflag:s0] =	ssyncadd.s32 @!p0 s1  }
0x70: {  	[bflag:$0x3] =	sbarrier.arrive $0xFFFF  }
0x71: {  	_ =	shalt  }

// kernel: kernel.14.cloned.1.call-start
scs
__scs_entry_jumppad:
0x0: {  	(pc) =	sbr.rel $0x88, $3  }
0x1: {  	(tag) =	ssettag $0x0;
	lr =	simm.s32 $0x1  }
0x2: {  	[smem:$0x3F9B] =	sst lr;
	_ =	strace $0xD0000000  }
0x3: {  	_ = 	snop  }
0x4: {  	_ = 	snop  }
0x5: {  	_ = 	snop  }
0x6: {  	_ = 	snop  }
0x7: {  	_ = 	snop  }
__scs_overlays_trampoline_lowered:
0x8: {  	[smem:$0x3FAA] =	sst s0  }
0x9: {  	[smem:$0x3FAB] =	sst s1  }
0xa: {  	[smem:$0x3FAC] =	sst s2  }
0xb: {  	[smem:$0x3FAD] =	sst s3  }
0xc: {  	[smem:$0x3FAE] =	sst s4  }
0xd: {  	[smem:$0x3FAF] =	sst s5  }
0xe: {  	[smem:$0x3FB0] =	sst s6  }
0xf: {  	[smem:$0x3FB1] =	sst s7  }
0x10: {  	[smem:$0x3FB2] =	sst s8  }
0x11: {  	[smem:$0x3FB3] =	sst s9;
	s0 =	simm.s32 @!p0 $0x0  }
0x12: {  	s1 =	sld [smem:$0x3F99];
	s0 =	simm.s32 @p0 $0x1  }
0x13: {  	[smem:$0x3FB4] =	sst s0;
	s0 =	simm.s32 @!p1 $0x0  }
0x14: {  	s2 =	sld [smem:$0x3F98];
	s0 =	simm.s32 @p1 $0x1  }
0x15: {  	[smem:$0x3FB5] =	sst s0;
	s0 =	simm.s32 @!p2 $0x0  }
0x16: {  	s3 =	sld [smem:$0x3FDB];
	s0 =	simm.s32 @p2 $0x1  }
0x17: {  	s4 =	simm.s32 $0x1BF5;
	[smem:$0x3FB7] =	sst s0  }
0x18: {  	s0 =	sld [smem:$0x3F9A];
	_ =	swait.ge [sflag:s4], $0x0  }
0x19: {  	s7 =	sld [smem:$0x3F9B]  }
0x1a: {  	s8 =	sadd.s32 $0xFFFFE003, lr  }
0x1b: {  	s9 =	sadd.s32 $0xFFFFFEF7, lr;
	s5 =	simm.s32 $0xFFFFFFFF;
	p2 =	slt.u32 s8, $0xFFFFF086  }
0x1c: {  	p1 =	slt.u32 s9, $0xF7A;
	s5 =	simm.s32 @!p2 $0x0  }
0x1d: {  	s5 =	simm.s32 @p1 $0x1;
	p0 =	seq.s32 s7, s2  }
0x1e: {  	s7 =	smul.u32 @!p0 $0xF7A, s2;
	p2 =	seq.s32 @!p0 s5, $0x0  }
0x1f: {  	s9 =	smul.u32 $0xF7A, s1;
	s8 =	simm.s32 @!p0 $0x1BF5;
	p2 =	por !p2, p0  }
0x20: {  	[sflag:s8] =	ssyncset.s32 @!p0 $0xFFFFF086;
	s6 =	sadd.s32 @!p0 s3, s7;
	s7 =	simm.s32 @!p0 $0x108  }
0x21: {  	s3 =	sadd.s32 s3, s9;
	s6 =	sadd.s32 @!p0 $0x88, s6;
	s7 =	simm.s32 @p2 $0x1082  }
0x22: {  	[simem:s7], [sflag:s8] =	dma.local @!p0 [hbm:s6], $0xF7A  }
0x23: {  	s9 =	sor.u32 $0xD0000000, s2;
	s6 =	simm.s32 $0x108;
	_ =	swait.ge @!p0 [sflag:s8], $0x0  }
0x24: {  	s3 =	sadd.s32 $0x88, s3;
	s6 =	simm.s32 @!p1 $0x1082;
	[sflag:s4] =	ssyncset.s32 $0xFFFFF086  }
0x25: {  	[simem:s6], [sflag:s4] =	dma.local [hbm:s3], $0xF7A  }
0x26: {  	[smem:$0x3F9B] =	sst s1;
	(tag) =	ssettag s2;
	_ =	strace s9  }
0x27: {  	s1 =	sld [smem:$0x3FAB]  }
0x28: {  	s2 =	sld [smem:$0x3FAC]  }
0x29: {  	s4 =	sld [smem:$0x3FAE]  }
0x2a: {  	p0 =	seq.s32 s5, $0x0;
	s5 =	sld [smem:$0x3FAF]  }
0x2b: {  	s6 =	sld [smem:$0x3FB0]  }
0x2c: {  	s7 =	sld [smem:$0x3FB1]  }
0x2d: {  	s3 =	simm.s32 $0x108;
	s8 =	sld [smem:$0x3FB2]  }
0x2e: {  	s3 =	simm.s32 @!p0 $0x1082;
	s9 =	sld [smem:$0x3FB3]  }
0x2f: {  	lr =	sadd.s32 s0, s3;
	s0 =	sld [smem:$0x3FAA]  }
0x30: {  	s3 =	sld [smem:$0x3FAD]  }
0x31: {  	[smem:$0x3FB6] =	sst s10  }
0x32: {  	s10 =	sld [smem:$0x3FB4];
	_ =	sdelay $0x3  }
0x33: {  	p0 =	seq.s32 s10, $0x1;
	s10 =	sld [smem:$0x3FB6];
	_ =	sdelay $0x3  }
0x34: {  	[smem:$0x3FB6] =	sst s10  }
0x35: {  	s10 =	sld [smem:$0x3FB5];
	_ =	sdelay $0x3  }
0x36: {  	p1 =	seq.s32 s10, $0x1;
	s10 =	sld [smem:$0x3FB6];
	_ =	sdelay $0x3  }
0x37: {  	[smem:$0x3FB6] =	sst s10  }
0x38: {  	s10 =	sld [smem:$0x3FB7]  }
0x39: {  	_ = 	snop;
	(pc) =	sbr.ind lr, $3  }
0x3a: {  	_ = 	snop  }
0x3b: {  	_ = 	snop  }
0x3c: {  	p2 =	seq.s32 s10, $0x1;
	s10 =	sld [smem:$0x3FB6]  }
0x3d: {  	_ =	shalt  }
0x3e: {  	_ =	shalt  }
0x3f: {  	_ =	shalt  }
0x40: {  	_ =	shalt  }
0x41: {  	_ =	shalt  }
0x42: {  	_ =	shalt  }
0x43: {  	_ =	shalt  }
0x44: {  	_ =	shalt  }
0x45: {  	_ =	shalt  }
0x46: {  	_ =	shalt  }
0x47: {  	_ =	shalt  }
0x48: {  	_ =	shalt  }
0x49: {  	_ =	shalt  }
0x4a: {  	_ =	shalt  }
0x4b: {  	_ =	shalt  }
0x4c: {  	_ =	shalt  }
0x4d: {  	_ =	shalt  }
0x4e: {  	_ =	shalt  }
0x4f: {  	_ =	shalt  }
0x50: {  	_ =	shalt  }
0x51: {  	_ =	shalt  }
0x52: {  	_ =	shalt  }
0x53: {  	_ =	shalt  }
0x54: {  	_ =	shalt  }
0x55: {  	_ =	shalt  }
0x56: {  	_ =	shalt  }
0x57: {  	_ =	shalt  }
0x58: {  	_ =	shalt  }
0x59: {  	_ =	shalt  }
0x5a: {  	_ =	shalt  }
0x5b: {  	_ =	shalt  }
0x5c: {  	_ =	shalt  }
0x5d: {  	_ =	shalt  }
0x5e: {  	_ =	shalt  }
0x5f: {  	_ =	shalt  }
0x60: {  	_ =	shalt  }
0x61: {  	_ =	shalt  }
0x62: {  	_ =	shalt  }
0x63: {  	_ =	shalt  }
0x64: {  	_ =	shalt  }
0x65: {  	_ =	shalt  }
0x66: {  	_ =	shalt  }
0x67: {  	_ =	shalt  }
0x68: {  	_ =	shalt  }
0x69: {  	_ =	shalt  }
0x6a: {  	_ =	shalt  }
0x6b: {  	_ =	shalt  }
0x6c: {  	_ =	shalt  }
0x6d: {  	_ =	shalt  }
0x6e: {  	_ =	shalt  }
0x6f: {  	_ =	shalt  }
0x70: {  	_ =	shalt  }
0x71: {  	_ =	shalt  }
0x72: {  	_ =	shalt  }
0x73: {  	_ =	shalt  }
0x74: {  	_ =	shalt  }
0x75: {  	_ =	shalt  }
0x76: {  	_ =	shalt  }
0x77: {  	_ =	shalt  }
0x78: {  	_ =	shalt  }
0x79: {  	_ =	shalt  }
0x7a: {  	_ =	shalt  }
0x7b: {  	_ =	shalt  }
0x7c: {  	_ =	shalt  }
0x7d: {  	_ =	shalt  }
0x7e: {  	_ =	shalt  }
0x7f: {  	_ =	shalt  }
0x80: {  	_ =	shalt  }
0x81: {  	_ =	shalt  }
0x82: {  	_ =	shalt  }
0x83: {  	_ =	shalt  }
0x84: {  	_ =	shalt  }
0x85: {  	_ =	shalt  }
0x86: {  	_ =	shalt  }
0x87: {  	_ =	shalt  }
.Lfunc_end0:
.L_simem_size_0:
called_computation.2_lowered:
.L_overlay_start_0:
0x88: {  	s2 =	sld [smem:$0x3FD9]  }
0x89: {  	s3 =	sld [smem:$0x3FFE];
	_ =	sdelay $0x1  }
0x8a: {  	s1 =	srdreg.scid  }
0x8b: {  	s0 =	sand.u32 $0x1, s1  }
0x8c: {  	s17 =	sshll.u32 s0, $0xA;
	s2 =	sadd.s32 s3, s2  }
0x8d: {  	s2 =	sadd.s32 s2, s17  }
0x8e: {  	[smem:$0x3FC2] =	sst s2  }
0x8f: {  	_ = 	snop  }
0x90: {  	s2 =	sld [smem:$0x3FD0];
	(tm) =	ssettm $0x1  }
0x91: {  	s18 =	sld [smem:$0x3FFB];
	_ =	sdelay $0x3  }
0x92: {  	_ =	strace s18  }
0x93: {  	s3 =	sld [smem:$0x3FFC];
	_ =	sdelay $0x3  }
0x94: {  	_ =	strace s3  }
0x95: {  	s3 =	sld [smem:$0x3FFD];
	_ =	sdelay $0x3  }
0x96: {  	_ =	strace s3  }
0x97: {  	_ =	strace $0x8FFFFFFF  }
0x98: {  	s19 =	sld [smem:$0x3FDB];
	_ =	sdelay $0x1  }
0x99: {  	s4 =	simm.s32 $_scs_section_size  }
0x9a: {  	s5 =	simm.s32 $_size__tile_overlayer_lowered;
	s6 =	simm.s32 $_tile_overlayer_lowered  }
0x9b: {  	s22 =	simm.s32 $0x1BFF;
	s21 =	sshll.u32 s6, $0x1;
	s3 =	sadd.s32 s4, s19  }
0x9c: {  	s7 =	simm.s32 $0x0;
	s20 =	sshll.u32 s5, $0x1;
	s5 =	sadd.s32 s21, s3  }
0x9d: {  	[timem:s7], [sflag:s22] =	dma.local [hbm:s5], s20  }
0x9e: {  	_ =	swait.ge [sflag:s22], s20  }
0x9f: {  	s4 =	ssub.s32 $0x0, s20;
	[sflag:s22] =	ssyncset.done $0x0  }
0xa0: {  	[sflag:s22] =	ssyncadd.s32 s4;
	_ =	sdelay $0x1  }
0xa1: {  	s23 =	simm.s32 $0x1B8B  }
0xa2: {  	_ =	swait.ge [sflag:s23], $0x1  }
0xa3: {  	[sflag:s23] =	ssyncset.done $0x0  }
0xa4: {  	s25 =	simm.s32 $0x1B8E;
	s24 =	sld [smem:$0x3FFE];
	[sflag:s23] =	ssyncadd.s32 $0xFFFFFFFF  }
0xa5: {  	s26 =	simm.s32 $execute0_lowered;
	[smem:$0x3FD2] =	sst s25  }
0xa6: {  	s5 =	sshll.u32 s26, $0x1;
	_ =	strace $0x8000004C;
	[dreg:$0x1] =	wrdreg $0xFFFFFFFF  }
0xa7: {  	s28 =	simm.s32 $_size_execute0_lowered;
	s3 =	sadd.s32 s3, s5;
	[dreg:$0x0] =	wrdreg $0x0  }
0xa8: {  	s5 =	sshll.u32 s28, $0x1;
	[dreg:$0x2] =	wrdreg s3  }
0xa9: {  	[dreg:$0x3] =	wrdreg s5  }
0xaa: {  	[dreg:$0x4] =	wrdreg $0xC0  }
0xab: {  	_ =	task [dreg:s7], $0x5FFFF  }
0xac: {  	[dreg:$0x1] =	wrdreg $0xFFFFFFFF  }
0xad: {  	[dreg:$0x0] =	wrdreg $0x60  }
0xae: {  	[dreg:$0x2] =	wrdreg s24  }
0xaf: {  	[dreg:$0x3] =	wrdreg s2  }
0xb0: {  	[dreg:$0x4] =	wrdreg $0x120800  }
0xb1: {  	[dreg:$0x5] =	wrdreg $0x9  }
0xb2: {  	_ =	task.clear_ibuf [dreg:s7], $0x6FFFF;
	_ =	strace $0x9000004C  }
0xb3: {  	s29 =	simm.s32 $0x9;
	_ =	strace $0x8000004E  }
0xb4: {  	_ =	swait.ge [sflag:s29], $0x1  }
0xb5: {  	[sflag:s29] =	ssyncadd.s32 $0xFFFFFFFF  }
0xb6: {  	_ =	strace $0x9000004E  }
0xb7: {  	_ =	sfence  }
0xb8: {  	s30 =	sld [smem:$0x0];
	_ =	sdelay $0x2  }
0xb9: {  	s31 =	sshll.u32 s1, $0xD;
	s1 =	sshrl.u32 s1, $0x2  }
0xba: {  	s3 =	sand.u32 $0x4000, s31;
	s1 =	sadd.s32 s1, s30  }
0xbb: {  	s0 =	sor.u32 s3, s0;
	s1 =	sshll.u32 s1, $0x11  }
0xbc: {  	s0 =	sor.u32 s1, s0  }
0xbd: {  	s0 =	sadd.s32 $0x8F2B, s0  }
0xbe: {  	[sflag:s0] =	ssyncadd.remote.s32 $0x1  }
0xbf: {  	_ =	sfence.sel $0xFFFF  }
0xc0: {  	[dreg:$0x0] =	wrdreg $0xFFFFFFFF;
	(pc) =	sbr.abs _section_cstart, $3  }
0xc1: {  	[dreg:$0x1] =	wrdreg $0xFFFFFFFF  }
0xc2: {  	_ =	task.clear_ibuf [dreg:s7], $0x2FFFF;
	_ =	strace $0x9FFFFFFF  }
0xc3: {  	(tm) =	ssettm $0x7FFFFFFF  }
tec
execute0_lowered:
.L_overlay_start_1:
0x0: {  	(tag) =	ssettag $0x1  }
0x1: {  	s0 =	rddreg [dreg:$0x0]  }
0x2: {  	s7 =	rddreg [dreg:$0x1]  }
0x3: {  	s1 =	rddreg [dreg:$0x2];
	s2 =	srdreg.scid  }
0x4: {  	s3 =	simm.s32 $0x0;
	s22 =	stileid.u32;
	s17 =	simm.s32 $0x80  }
0x5: {  	s18 =	simm.s32 $0xA080;
	s19 =	simm.s32 $0xE080;
	s6 =	smul.u32 $0x5000, s22  }
0x6: {  	s20 =	simm.s32 $0x2;
	s21 =	simm.s32 $0x3;
	s10 =	smul.u32 $0xA000, s22  }
0x7: {  	s8 =	sand.u32 $0x1, s2;
	[smem:$0x7FF] =	sst s3;
	s25 =	smul.u32 $0x28000, s22  }
0x8: {  	s4 =	sadd.s32 $0x2B000, s0;
	s24 =	sshll.u32 s22, $0x4;
	s15 =	smul.u32 $0x1400, s22  }
0x9: {  	s29 =	sshll.u32 s22, $0x6;
	s22 =	simm.s32 $0x4;
	s5 =	smul.u32 $0x50000, s8  }
0xa: {  	_ =	strace $0x8000004D;
	s23 =	smul.u32 $0xA0000, s8;
	s12 =	sadd.s32 s24, s0  }
0xb: {  	s26 =	ssub.s32 $0x2, s8;
	s13 =	smul.u32 $0x14000, s8;
	s30 =	sshll.u32 s8, $0x8  }
0xc: {  	s14 =	sshrl.u32 s26, $0x1;
	s31 =	sadd.s32 s30, s12;
	s5 =	sadd.s32 s6, s5  }
0xd: {  	s6 =	sadd.s32 s10, s23;
	s14 =	ssub.s32 s26, s14;
	s28 =	sadd.s32 s15, s13  }
0xe: {  	s13 =	simm.s32 $0x5;
	s23 =	simm.s32 $0x0;
	s9 =	sshrl.u32 s5, $0x3  }
0xf: {  	s6 =	sshrl.u32 s6, $0x3;
	s5 =	sshrl.u32 s25, $0x2;
	s11 =	sadd.s32 s9, s0  }
0x10: {  	s0 =	sadd.s32 s6, s0;
	s16 =	sadd.s32 s5, s1;
	s5 =	sadd.s32 s4, s28  }
0x11: {  	s6 =	sor.u32 $0x1C05, s29;
	s7 =	sadd.s32 s7, s9;
	s9 =	sadd.s32 $0x2AE00, s31  }
0x12: {  	s8 =	sadd.s32 $0x16E00, s11;
	s10 =	sadd.s32 $0x53000, s0;
	s11 =	smax.u32 s14, $0x1  }
0x13: {  	s12 =	sshrl.u32 s16, $0x3;
	s14 =	simm.s32 $0x5000;
	s16 =	simm.s32 $0x1  }
.LBB2_1:
0x14: {  	[spmem:s12], [sflag:s6] =	dma.local [hbm:s5], $0x1400  }
0x15: {  	_ =	swait.ge [sflag:s13], $0x1400  }
0x16: {  	[sflag:s13] =	ssyncset.done $0x0  }
0x17: {  	[sflag:s13] =	ssyncadd.s32 $0xFFFFEC00  }
0x18: {  	[bflag:$0x0] =	sbarrier.arrive $0xFFFF  }
0x19: {  	[tilespmem:s3], [sflag:$0x5] =	stream.linear.gather [hbm4b:s7+s3], $0x5000, $0x38;
	[tilespmem:$0x1C0C0] =	vst v63  }
0x1a: {  	_ =	swait.ge [sflag:s13], $0x5000  }
0x1b: {  	[sflag:s13] =	ssyncset.done $0x0  }
0x1c: {  	[sflag:s13] =	ssyncadd.s32 $0xFFFFB000  }
0x1d: {  	[tilespmem:s14], [sflag:$0x5] =	stream.linear.gather [hbm4b:s8+s3], $0x5000, $0x38;
	[tilespmem:$0x1C0C0] =	vst v63  }
0x1e: {  	_ =	swait.ge [sflag:s13], $0x5000  }
0x1f: {  	[sflag:s13] =	ssyncset.done $0x0  }
0x20: {  	s0 =	simm.s32 $0xA000;
	[sflag:s13] =	ssyncadd.s32 $0xFFFFB000  }
0x21: {  	[tilespmem:s0], [sflag:$0x5] =	stream.linear.gather [hbm4b:s9+s3], $0x80, $0x38;
	[tilespmem:$0x1C0C0] =	vst v63  }
0x22: {  	_ =	swait.ge [sflag:s13], $0x80  }
0x23: {  	[sflag:s13] =	ssyncset.done $0x0  }
0x24: {  	[sflag:s13] =	ssyncadd.s32 $0xFFFFFF80  }
0x25: {  	v0 =	vld [tilespmem:$0xA000];
	_ =	sdelay $0x4  }
0x26: {  	(v2sf) =	vpush v0, $0x0;
	_ =	sdelay $0xd  }
0x27: {  	[tilespmem:s18], [sflag:$0x1] =	stream.indirect.gather [hbm4b:s4+s17], $0x80, s3, s17, $0xb8;
	[tilespmem:$0x1C0C0] =	vst v63  }
0x28: {  	s25 =	spop (v2sf)  }
0x29: {  	s0 =	sadd.s32 $0xFF, s25  }
0x2a: {  	_ =	swait.ge [sflag:s16], $0x4000;
	s24 =	sand.u32 $0xFF, s0;
	s25 =	sshra.s32 s0, $0x1F  }
0x2b: {  	p0 =	slt.s32 s0, $0x1;
	[sflag:s16] =	ssyncset.done $0x0;
	p1 =	sne.s32 s24, $0x0  }
0x2c: {  	s26 =	sshrl.u32 s25, $0x18;
	[sflag:s16] =	ssyncadd.s32 $0xFFFFC000;
	p0 =	por !p0, !p1  }
0x2d: {  	[spmem:s1] =	stream.indirect.scatter.add.f32 [tilespmem:s18], [sflag:$0x3], $0x80, s14, s17, $0xb8;
	[tilespmem:$0x1C0C0] =	vst v63  }
0x2e: {  	s24 =	simm.s32 $0x1;
	s0 =	sadd.s32 s26, s0;
	p0 =	por !p0, !p0  }
0x2f: {  	s0 =	sshra.s32 s0, $0x8;
	s24 =	simm.s32 @!p0 $0x0  }
0x30: {  	[tilespmem:s19], [sflag:$0x2] =	stream.indirect.gather [hbm4b:s4+s17], $0x80, s17, s17, $0xb8;
	[tilespmem:$0x1C0C0] =	vst v63  }
0x31: {  	s0 =	ssub.s32 s0, s24  }
0x32: {  	_ =	swait.ge [sflag:s20], $0x4000;
	p0 =	sgt.s32 s0, $0x1  }
0x33: {  	[sflag:s20] =	ssyncset.done $0x0;
	s0 =	simm.s32 @!p0 $0x1  }
0x34: {  	s25 =	simm.s32 $0x5080;
	[sflag:s20] =	ssyncadd.s32 $0xFFFFC000;
	s24 =	sshll.u32 s0, $0x1  }
0x35: {  	[spmem:s1] =	stream.indirect.scatter.add.f32 [tilespmem:s19], [sflag:$0x4], $0x80, s25, s17, $0xb8;
	[tilespmem:$0x1C0C0] =	vst v63  }
0x36: {  	p0 =	sle.u32 s24, $0x2  }
0x37: {  	s0 =	simm.s32 @!p0 $0x3  }
0x38: {  	s26 =	simm.s32 $0x100;
	_ =	swait.ge @!p0 [sflag:s0], $0x4000  }
0x39: {  	p2 =	sne.s32 s24, $0x2;
	s28 =	simm.s32 @!p0 $0x80;
	[sflag:s0] =	ssyncset.done @!p0 $0x0  }
0x3a: {  	s30 =	simm.s32 @!p0 $0xA080;
	[sflag:s0] =	ssyncadd.s32 @!p0 $0xFFFFC000;
	s0 =	simm.s32 @!p0 $0x1  }
0x3b: {  	[tilespmem:s30], [sflag:$0x1] =	stream.indirect.gather @!p0 [hbm4b:s4+s28], $0x80, s26, s28, $0xb8;
	[tilespmem:$0x1C0C0] =	vst v63  }
0x3c: {  	p1 =	sle.u32 @!p0 s24, $0x3;
	s31 =	simm.s32 @!p0 $0x5100;
	_ =	swait.ge @!p0 [sflag:s0], $0x4000  }
.Ltmp0:
0x3d: {  	p1 =	por p1, p0;
	[sflag:s0] =	ssyncset.done @!p0 $0x0;
	(pc) =	sbr.rel @!p2 .LBB2_3-.Ltmp0, $4  }
0x3e: {  	s29 =	simm.s32 @!p1 $0x4;
	s26 =	simm.s32 $0x2;
	[sflag:s0] =	ssyncadd.s32 @!p0 $0xFFFFC000  }
0x3f: {  	[spmem:s1] =	stream.indirect.scatter.add.f32 @!p0 [tilespmem:s30], [sflag:$0x3], $0x80, s31, s28, $0xb8;
	[tilespmem:$0x1C0C0] =	vst v63  }
0x40: {  	s0 =	simm.s32 @!p1 $0x80;
	s30 =	simm.s32 @!p1 $0xE080;
	_ =	swait.ge @!p1 [sflag:s29], $0x4000  }
0x41: {  	s28 =	simm.s32 $0x200;
	s31 =	simm.s32 @!p1 $0x180;
	[sflag:s29] =	ssyncset.done @!p1 $0x0  }
.LBB2_2:
0x42: {  	[sflag:s29] =	ssyncadd.s32 @!p1 $0xFFFFC000;
	s25 =	sadd.s32 $0x100, s25  }
0x43: {  	s29 =	smov.u32 s26;
	s26 =	sadd.s32 $0x2, s26;
	s2 =	smov.u32 s28  }
0x44: {  	[tilespmem:s30], [sflag:$0x2] =	stream.indirect.gather @!p1 [hbm4b:s4+s0], $0x80, s31, s0, $0xb8;
	[tilespmem:$0x1C0C0] =	vst v63  }
0x45: {  	p0 =	sne.s32 s24, s26;
	_ =	swait.ge [sflag:s20], $0x4000  }
0x46: {  	p2 =	sge.u32 s26, s24;
	[sflag:s20] =	ssyncset.done $0x0  }
0x47: {  	s0 =	simm.s32 @!p2 $0x3;
	s29 =	sadd.s32 @!p2 $0x3, s29;
	[sflag:s20] =	ssyncadd.s32 $0xFFFFC000  }
0x48: {  	[spmem:s1] =	stream.indirect.scatter.add.f32 [tilespmem:s19], [sflag:$0x4], $0x80, s25, s17, $0xb8;
	[tilespmem:$0x1C0C0] =	vst v63  }
0x49: {  	p1 =	sge.u32 @!p2 s29, s24;
	_ =	swait.ge @!p2 [sflag:s0], $0x4000  }
0x4a: {  	s30 =	simm.s32 @!p2 $0x80;
	s31 =	simm.s32 @!p2 $0xA080;
	[sflag:s0] =	ssyncset.done @!p2 $0x0  }
0x4b: {  	[sflag:s0] =	ssyncadd.s32 @!p2 $0xFFFFC000;
	s0 =	simm.s32 @!p2 $0x1  }
0x4c: {  	[tilespmem:s31], [sflag:$0x1] =	stream.indirect.gather @!p2 [hbm4b:s4+s30], $0x80, s28, s30, $0xb8;
	[tilespmem:$0x1C0C0] =	vst v63  }
0x4d: {  	s15 =	sadd.s32 @!p2 $0x80, s25;
	_ =	swait.ge @!p2 [sflag:s0], $0x4000  }
.Ltmp1:
0x4e: {  	p1 =	por p1, p2;
	[sflag:s0] =	ssyncset.done @!p2 $0x0;
	(pc) =	sbr.rel @p0 .LBB2_2-.Ltmp1, $4  }
0x4f: {  	s29 =	simm.s32 @!p1 $0x4;
	[sflag:s0] =	ssyncadd.s32 @!p2 $0xFFFFC000  }
0x50: {  	[spmem:s1] =	stream.indirect.scatter.add.f32 @!p2 [tilespmem:s31], [sflag:$0x3], $0x80, s15, s30, $0xb8;
	[tilespmem:$0x1C0C0] =	vst v63  }
0x51: {  	s28 =	sadd.s32 $0x100, s28;
	s30 =	simm.s32 @!p1 $0xE080;
	_ =	swait.ge @!p1 [sflag:s29], $0x4000  }
0x52: {  	s0 =	simm.s32 @!p1 $0x80;
	s31 =	sadd.s32 @!p1 $0x80, s2;
	[sflag:s29] =	ssyncset.done @!p1 $0x0  }
.LBB2_3:
0x53: {  	[sflag:s29] =	ssyncadd.s32 @!p1 $0xFFFFC000  }
0x54: {  	[tilespmem:s30], [sflag:$0x2] =	stream.indirect.gather @!p1 [hbm4b:s4+s0], $0x80, s31, s0, $0xb8;
	[tilespmem:$0x1C0C0] =	vst v63  }
0x55: {  	_ =	swait.ge [sflag:s21], $0x4000  }
0x56: {  	[sflag:s21] =	ssyncset.done $0x0  }
0x57: {  	[sflag:s21] =	ssyncadd.s32 $0xFFFFC000  }
0x58: {  	_ =	swait.ge [sflag:s22], $0x4000  }
0x59: {  	s23 =	sadd.s32 $0x1, s23;
	[sflag:s22] =	ssyncset.done $0x0  }
0x5a: {  	p0 =	sne.s32 s23, s11;
	[sflag:s22] =	ssyncadd.s32 $0xFFFFC000  }
.Ltmp2:
0x5b: {  	[bflag:$0x0] =	sbarrier.arrive $0xFFFF;
	(pc) =	sbr.rel @p0 .LBB2_1-.Ltmp2, $4  }
0x5c: {  	[hbm:s10], [sflag:s6] =	dma.local [spmem:s12], $0x1400  }
0x5d: {  	_ =	swait.ge [sflag:s13], $0x1400  }
0x5e: {  	[sflag:s13] =	ssyncset.done $0x0  }
0x5f: {  	[sflag:s13] =	ssyncadd.s32 $0xFFFFEC00  }
0x60: {  	_ =	sfence.sel $0x180000  }
0x61: {  	[bflag:$0x0] =	sbarrier.arrive $0xFFFF  }
0x62: {  	_ =	strace $0x9000004D  }
0x63: {  	s0 =	stileid.u32;
	[bflag:$0x2] =	sbarrier.arrive $0xFFFF  }
0x64: {  	p0 =	sne.s32 s0, $0x0;
	s0 =	rddreg [dreg:$0x3]  }
0x65: {  	s0 =	sadd.s32 @!p0 $0x100000, s0  }
0x66: {  	[sflag:s0] =	ssyncadd.tile.s32 @!p0 $0x1;
	_ =	shalt  }
.Lfunc_end2:
_tile_overlayer_lowered:
.L_overlay_start_2:
0x67: {  	(tag) =	ssettag $0x2  }
0x68: {  	s0 =	rddreg [dreg:$0x0];
	s2 =	stileid.u32  }
0x69: {  	s1 =	rddreg [dreg:$0x1];
	p0 =	sne.s32 s2, $0x0  }
0x6a: {  	s3 =	rddreg [dreg:$0x2];
	[bflag:$0x3] =	sbarrier.arrive $0xFFFF;
	s2 =	simm.s32 @!p0 $0x1C05  }
0x6b: {  	[timem:s3], [sflag:s2] =	dma.local @!p0 [hbm:s0], s1  }
0x6c: {  	s0 =	simm.s32 @!p0 $0x5  }
0x6d: {  	_ =	swait.ge @!p0 [sflag:s0], s1  }
0x6e: {  	s1 =	ssub.s32 @!p0 $0x0, s1;
	[sflag:s0] =	ssyncset.done @!p0 $0x0  }
0x6f: {  	[sflag:s0] =	ssyncadd.s32 @!p0 s1  }
0x70: {  	[bflag:$0x3] =	sbarrier.arrive $0xFFFF  }
0x71: {  	_ =	shalt  }

// kernel: kernel.8.cloned.1.call-start
scs
__scs_entry_jumppad:
0x0: {  	(pc) =	sbr.rel $0x88, $3  }
0x1: {  	(tag) =	ssettag $0x0;
	lr =	simm.s32 $0x1  }
0x2: {  	[smem:$0x3F9B] =	sst lr;
	_ =	strace $0xD0000000  }
0x3: {  	_ = 	snop  }
0x4: {  	_ = 	snop  }
0x5: {  	_ = 	snop  }
0x6: {  	_ = 	snop  }
0x7: {  	_ = 	snop  }
__scs_overlays_trampoline_lowered:
0x8: {  	[smem:$0x3FAA] =	sst s0  }
0x9: {  	[smem:$0x3FAB] =	sst s1  }
0xa: {  	[smem:$0x3FAC] =	sst s2  }
0xb: {  	[smem:$0x3FAD] =	sst s3  }
0xc: {  	[smem:$0x3FAE] =	sst s4  }
0xd: {  	[smem:$0x3FAF] =	sst s5  }
0xe: {  	[smem:$0x3FB0] =	sst s6  }
0xf: {  	[smem:$0x3FB1] =	sst s7  }
0x10: {  	[smem:$0x3FB2] =	sst s8  }
0x11: {  	[smem:$0x3FB3] =	sst s9;
	s0 =	simm.s32 @!p0 $0x0  }
0x12: {  	s1 =	sld [smem:$0x3F99];
	s0 =	simm.s32 @p0 $0x1  }
0x13: {  	[smem:$0x3FB4] =	sst s0;
	s0 =	simm.s32 @!p1 $0x0  }
0x14: {  	s2 =	sld [smem:$0x3F98];
	s0 =	simm.s32 @p1 $0x1  }
0x15: {  	[smem:$0x3FB5] =	sst s0;
	s0 =	simm.s32 @!p2 $0x0  }
0x16: {  	s3 =	sld [smem:$0x3FDB];
	s0 =	simm.s32 @p2 $0x1  }
0x17: {  	s4 =	simm.s32 $0x1BF5;
	[smem:$0x3FB7] =	sst s0  }
0x18: {  	s0 =	sld [smem:$0x3F9A];
	_ =	swait.ge [sflag:s4], $0x0  }
0x19: {  	s7 =	sld [smem:$0x3F9B]  }
0x1a: {  	s8 =	sadd.s32 $0xFFFFE003, lr  }
0x1b: {  	s9 =	sadd.s32 $0xFFFFFEF7, lr;
	s5 =	simm.s32 $0xFFFFFFFF;
	p2 =	slt.u32 s8, $0xFFFFF086  }
0x1c: {  	p1 =	slt.u32 s9, $0xF7A;
	s5 =	simm.s32 @!p2 $0x0  }
0x1d: {  	s5 =	simm.s32 @p1 $0x1;
	p0 =	seq.s32 s7, s2  }
0x1e: {  	s7 =	smul.u32 @!p0 $0xF7A, s2;
	p2 =	seq.s32 @!p0 s5, $0x0  }
0x1f: {  	s9 =	smul.u32 $0xF7A, s1;
	s8 =	simm.s32 @!p0 $0x1BF5;
	p2 =	por !p2, p0  }
0x20: {  	[sflag:s8] =	ssyncset.s32 @!p0 $0xFFFFF086;
	s6 =	sadd.s32 @!p0 s3, s7;
	s7 =	simm.s32 @!p0 $0x108  }
0x21: {  	s3 =	sadd.s32 s3, s9;
	s6 =	sadd.s32 @!p0 $0x88, s6;
	s7 =	simm.s32 @p2 $0x1082  }
0x22: {  	[simem:s7], [sflag:s8] =	dma.local @!p0 [hbm:s6], $0xF7A  }
0x23: {  	s9 =	sor.u32 $0xD0000000, s2;
	s6 =	simm.s32 $0x108;
	_ =	swait.ge @!p0 [sflag:s8], $0x0  }
0x24: {  	s3 =	sadd.s32 $0x88, s3;
	s6 =	simm.s32 @!p1 $0x1082;
	[sflag:s4] =	ssyncset.s32 $0xFFFFF086  }
0x25: {  	[simem:s6], [sflag:s4] =	dma.local [hbm:s3], $0xF7A  }
0x26: {  	[smem:$0x3F9B] =	sst s1;
	(tag) =	ssettag s2;
	_ =	strace s9  }
0x27: {  	s1 =	sld [smem:$0x3FAB]  }
0x28: {  	s2 =	sld [smem:$0x3FAC]  }
0x29: {  	s4 =	sld [smem:$0x3FAE]  }
0x2a: {  	p0 =	seq.s32 s5, $0x0;
	s5 =	sld [smem:$0x3FAF]  }
0x2b: {  	s6 =	sld [smem:$0x3FB0]  }
0x2c: {  	s7 =	sld [smem:$0x3FB1]  }
0x2d: {  	s3 =	simm.s32 $0x108;
	s8 =	sld [smem:$0x3FB2]  }
0x2e: {  	s3 =	simm.s32 @!p0 $0x1082;
	s9 =	sld [smem:$0x3FB3]  }
0x2f: {  	lr =	sadd.s32 s0, s3;
	s0 =	sld [smem:$0x3FAA]  }
0x30: {  	s3 =	sld [smem:$0x3FAD]  }
0x31: {  	[smem:$0x3FB6] =	sst s10  }
0x32: {  	s10 =	sld [smem:$0x3FB4];
	_ =	sdelay $0x3  }
0x33: {  	p0 =	seq.s32 s10, $0x1;
	s10 =	sld [smem:$0x3FB6];
	_ =	sdelay $0x3  }
0x34: {  	[smem:$0x3FB6] =	sst s10  }
0x35: {  	s10 =	sld [smem:$0x3FB5];
	_ =	sdelay $0x3  }
0x36: {  	p1 =	seq.s32 s10, $0x1;
	s10 =	sld [smem:$0x3FB6];
	_ =	sdelay $0x3  }
0x37: {  	[smem:$0x3FB6] =	sst s10  }
0x38: {  	s10 =	sld [smem:$0x3FB7]  }
0x39: {  	_ = 	snop;
	(pc) =	sbr.ind lr, $3  }
0x3a: {  	_ = 	snop  }
0x3b: {  	_ = 	snop  }
0x3c: {  	p2 =	seq.s32 s10, $0x1;
	s10 =	sld [smem:$0x3FB6]  }
0x3d: {  	_ =	shalt  }
0x3e: {  	_ =	shalt  }
0x3f: {  	_ =	shalt  }
0x40: {  	_ =	shalt  }
0x41: {  	_ =	shalt  }
0x42: {  	_ =	shalt  }
0x43: {  	_ =	shalt  }
0x44: {  	_ =	shalt  }
0x45: {  	_ =	shalt  }
0x46: {  	_ =	shalt  }
0x47: {  	_ =	shalt  }
0x48: {  	_ =	shalt  }
0x49: {  	_ =	shalt  }
0x4a: {  	_ =	shalt  }
0x4b: {  	_ =	shalt  }
0x4c: {  	_ =	shalt  }
0x4d: {  	_ =	shalt  }
0x4e: {  	_ =	shalt  }
0x4f: {  	_ =	shalt  }
0x50: {  	_ =	shalt  }
0x51: {  	_ =	shalt  }
0x52: {  	_ =	shalt  }
0x53: {  	_ =	shalt  }
0x54: {  	_ =	shalt  }
0x55: {  	_ =	shalt  }
0x56: {  	_ =	shalt  }
0x57: {  	_ =	shalt  }
0x58: {  	_ =	shalt  }
0x59: {  	_ =	shalt  }
0x5a: {  	_ =	shalt  }
0x5b: {  	_ =	shalt  }
0x5c: {  	_ =	shalt  }
0x5d: {  	_ =	shalt  }
0x5e: {  	_ =	shalt  }
0x5f: {  	_ =	shalt  }
0x60: {  	_ =	shalt  }
0x61: {  	_ =	shalt  }
0x62: {  	_ =	shalt  }
0x63: {  	_ =	shalt  }
0x64: {  	_ =	shalt  }
0x65: {  	_ =	shalt  }
0x66: {  	_ =	shalt  }
0x67: {  	_ =	shalt  }
0x68: {  	_ =	shalt  }
0x69: {  	_ =	shalt  }
0x6a: {  	_ =	shalt  }
0x6b: {  	_ =	shalt  }
0x6c: {  	_ =	shalt  }
0x6d: {  	_ =	shalt  }
0x6e: {  	_ =	shalt  }
0x6f: {  	_ =	shalt  }
0x70: {  	_ =	shalt  }
0x71: {  	_ =	shalt  }
0x72: {  	_ =	shalt  }
0x73: {  	_ =	shalt  }
0x74: {  	_ =	shalt  }
0x75: {  	_ =	shalt  }
0x76: {  	_ =	shalt  }
0x77: {  	_ =	shalt  }
0x78: {  	_ =	shalt  }
0x79: {  	_ =	shalt  }
0x7a: {  	_ =	shalt  }
0x7b: {  	_ =	shalt  }
0x7c: {  	_ =	shalt  }
0x7d: {  	_ =	shalt  }
0x7e: {  	_ =	shalt  }
0x7f: {  	_ =	shalt  }
0x80: {  	_ =	shalt  }
0x81: {  	_ =	shalt  }
0x82: {  	_ =	shalt  }
0x83: {  	_ =	shalt  }
0x84: {  	_ =	shalt  }
0x85: {  	_ =	shalt  }
0x86: {  	_ =	shalt  }
0x87: {  	_ =	shalt  }
.Lfunc_end0:
.L_simem_size_0:
called_computation_lowered:
.L_overlay_start_0:
0x88: {  	s2 =	sld [smem:$0x3FD9]  }
0x89: {  	s3 =	sld [smem:$0x3FFE];
	_ =	sdelay $0x1  }
0x8a: {  	s1 =	srdreg.scid  }
0x8b: {  	s0 =	sand.u32 $0x1, s1  }
0x8c: {  	s17 =	sshll.u32 s0, $0xA;
	s2 =	sadd.s32 s3, s2  }
0x8d: {  	s2 =	sadd.s32 s2, s17  }
0x8e: {  	[smem:$0x3FC2] =	sst s2  }
0x8f: {  	_ = 	snop  }
0x90: {  	s2 =	sld [smem:$0x3FD0];
	(tm) =	ssettm $0x1  }
0x91: {  	s18 =	sld [smem:$0x3FFB];
	_ =	sdelay $0x3  }
0x92: {  	_ =	strace s18  }
0x93: {  	s3 =	sld [smem:$0x3FFC];
	_ =	sdelay $0x3  }
0x94: {  	_ =	strace s3  }
0x95: {  	s3 =	sld [smem:$0x3FFD];
	_ =	sdelay $0x3  }
0x96: {  	_ =	strace s3  }
0x97: {  	_ =	strace $0x8FFFFFFF  }
0x98: {  	s19 =	sld [smem:$0x3FDB];
	_ =	sdelay $0x1  }
0x99: {  	s4 =	simm.s32 $_scs_section_size  }
0x9a: {  	s5 =	simm.s32 $_size__tile_overlayer_lowered;
	s6 =	simm.s32 $_tile_overlayer_lowered  }
0x9b: {  	s22 =	simm.s32 $0x1BFF;
	s21 =	sshll.u32 s6, $0x1;
	s3 =	sadd.s32 s4, s19  }
0x9c: {  	s7 =	simm.s32 $0x0;
	s20 =	sshll.u32 s5, $0x1;
	s5 =	sadd.s32 s21, s3  }
0x9d: {  	[timem:s7], [sflag:s22] =	dma.local [hbm:s5], s20  }
0x9e: {  	_ =	swait.ge [sflag:s22], s20  }
0x9f: {  	s4 =	ssub.s32 $0x0, s20;
	[sflag:s22] =	ssyncset.done $0x0  }
0xa0: {  	[sflag:s22] =	ssyncadd.s32 s4;
	_ =	sdelay $0x1  }
0xa1: {  	s23 =	simm.s32 $0x1B8B  }
0xa2: {  	_ =	swait.ge [sflag:s23], $0x1  }
0xa3: {  	[sflag:s23] =	ssyncset.done $0x0  }
0xa4: {  	s25 =	simm.s32 $0x1B8E;
	s24 =	sld [smem:$0x3FFE];
	[sflag:s23] =	ssyncadd.s32 $0xFFFFFFFF  }
0xa5: {  	s26 =	simm.s32 $execute0_lowered;
	[smem:$0x3FD2] =	sst s25  }
0xa6: {  	s5 =	sshll.u32 s26, $0x1;
	_ =	strace $0x80000046;
	[dreg:$0x1] =	wrdreg $0xFFFFFFFF  }
0xa7: {  	s28 =	simm.s32 $_size_execute0_lowered;
	s3 =	sadd.s32 s3, s5;
	[dreg:$0x0] =	wrdreg $0x0  }
0xa8: {  	s5 =	sshll.u32 s28, $0x1;
	[dreg:$0x2] =	wrdreg s3  }
0xa9: {  	[dreg:$0x3] =	wrdreg s5  }
0xaa: {  	[dreg:$0x4] =	wrdreg $0xC0  }
0xab: {  	_ =	task [dreg:s7], $0x5FFFF  }
0xac: {  	[dreg:$0x1] =	wrdreg $0xFFFFFFFF  }
0xad: {  	[dreg:$0x0] =	wrdreg $0x60  }
0xae: {  	[dreg:$0x2] =	wrdreg s24  }
0xaf: {  	[dreg:$0x3] =	wrdreg s2  }
0xb0: {  	[dreg:$0x4] =	wrdreg $0xF4000  }
0xb1: {  	[dreg:$0x5] =	wrdreg $0x9  }
0xb2: {  	_ =	task.clear_ibuf [dreg:s7], $0x6FFFF;
	_ =	strace $0x90000046  }
0xb3: {  	s29 =	simm.s32 $0x9;
	_ =	strace $0x80000048  }
0xb4: {  	_ =	swait.ge [sflag:s29], $0x1  }
0xb5: {  	[sflag:s29] =	ssyncadd.s32 $0xFFFFFFFF  }
0xb6: {  	_ =	strace $0x90000048  }
0xb7: {  	_ =	sfence  }
0xb8: {  	s30 =	sld [smem:$0x0];
	_ =	sdelay $0x2  }
0xb9: {  	s31 =	sshll.u32 s1, $0xD;
	s1 =	sshrl.u32 s1, $0x2  }
0xba: {  	s3 =	sand.u32 $0x4000, s31;
	s1 =	sadd.s32 s1, s30  }
0xbb: {  	s0 =	sor.u32 s3, s0;
	s1 =	sshll.u32 s1, $0x11  }
0xbc: {  	s0 =	sor.u32 s1, s0  }
0xbd: {  	s0 =	sadd.s32 $0x8F2B, s0  }
0xbe: {  	[sflag:s0] =	ssyncadd.remote.s32 $0x1  }
0xbf: {  	_ =	sfence.sel $0xFFFF  }
0xc0: {  	[dreg:$0x0] =	wrdreg $0xFFFFFFFF;
	(pc) =	sbr.abs _section_cstart, $3  }
0xc1: {  	[dreg:$0x1] =	wrdreg $0xFFFFFFFF  }
0xc2: {  	_ =	task.clear_ibuf [dreg:s7], $0x2FFFF;
	_ =	strace $0x9FFFFFFF  }
0xc3: {  	(tm) =	ssettm $0x7FFFFFFF  }
tec
execute0_lowered:
.L_overlay_start_1:
0x0: {  	(tag) =	ssettag $0x1  }
0x1: {  	s4 =	rddreg [dreg:$0x0]  }
0x2: {  	s8 =	rddreg [dreg:$0x1]  }
0x3: {  	s2 =	rddreg [dreg:$0x2]  }
0x4: {  	s0 =	rddreg [dreg:$0x3]  }
0x5: {  	s1 =	stileid.u32;
	s5 =	srdreg.scid  }
0x6: {  	s3 =	simm.s32 $0x0;
	s16 =	simm.s32 $0x80;
	s19 =	simm.s32 $0xF080  }
0x7: {  	s20 =	simm.s32 $0x20;
	s21 =	simm.s32 $0x10;
	s6 =	smul.u32 $0x5000, s1  }
0x8: {  	s22 =	simm.s32 $0x0;
	s7 =	sand.u32 $0x1, s5;
	s24 =	smul.u32 $0x500, s1  }
0x9: {  	[smem:$0x7FF] =	sst s3;
	s12 =	sshll.u32 s1, $0x4;
	s14 =	smul.u32 $0xA00, s1  }
0xa: {  	s5 =	smul.u32 $0x50000, s7;
	_ =	strace $0x80000047;
	s25 =	sshll.u32 s7, $0x7  }
0xb: {  	s12 =	sadd.s32 s12, s4;
	s26 =	ssub.s32 $0x2, s7;
	s17 =	smul.u32 $0x1400, s7  }
0xc: {  	s30 =	sshll.u32 s7, $0x8;
	s31 =	smul.u32 $0xA000, s7;
	s9 =	sshrl.u32 s6, $0x3  }
0xd: {  	s28 =	sshrl.u32 s26, $0x1;
	s29 =	sshrl.u32 s14, $0x2;
	s14 =	simm.s32 $0x5000  }
0xe: {  	s5 =	sadd.s32 s6, s5;
	s9 =	sadd.s32 s9, s4;
	s15 =	ssub.s32 s26, s28  }
0xf: {  	s6 =	sadd.s32 s29, s2;
	s10 =	sshrl.u32 s5, $0x3;
	s5 =	sor.u32 s25, s24  }
0x10: {  	s18 =	sadd.s32 $0x1400, s17;
	v0 =	vmov s17;
	s17 =	simm.s32 $0xF100;
	s5 =	sshrl.u32 s5, $0x3  }
0x11: {  	v1 =	vmov s18;
	s18 =	simm.s32 $0x1;
	s11 =	sadd.s32 s10, s4;
	s13 =	sadd.s32 s5, s4  }
0x12: {  	s4 =	sadd.s32 $0xC400, s9;
	s5 =	sadd.s32 $0x2400, s9;
	s9 =	sadd.s32 s30, s12  }
0x13: {  	s8 =	sadd.s32 s8, s10;
	s12 =	sshrl.u32 s31, $0x2;
	s7 =	sadd.s32 $0x2AE00, s9  }
0x14: {  	v2 =	vimm.f32 $1.000000000e+00;
	s9 =	sadd.s32 $0x16E00, s11;
	s10 =	sadd.s32 $0x16400, s13;
	s11 =	smax.u32 s15, $0x1  }
0x15: {  	v3 =	vimm.f32 $0.0e+00;
	v4 =	vimm.s32 $0x5002710;
	v5 =	vimm.s32 $0x0;
	s12 =	sadd.s32 $0x5000, s12;
	s13 =	simm.s32 $0x2;
	s15 =	simm.s32 $0xF180  }
.LBB2_1:
0x16: {  	[tilespmem:s3], [sflag:$0x2] =	stream.linear.gather [hbm4b:s4+s3], $0x5000, $0x38;
	[tilespmem:$0xF688] =	vst v63  }
0x17: {  	_ =	swait.ge [sflag:s13], $0x5000  }
0x18: {  	[sflag:s13] =	ssyncset.done $0x0  }
0x19: {  	[sflag:s13] =	ssyncadd.s32 $0xFFFFB000  }
0x1a: {  	[tilespmem:s14], [sflag:$0x2] =	stream.linear.gather [hbm4b:s5+s3], $0x5000, $0x38;
	[tilespmem:$0xF688] =	vst v63  }
0x1b: {  	_ =	swait.ge [sflag:s13], $0x5000  }
0x1c: {  	[sflag:s13] =	ssyncset.done $0x0  }
0x1d: {  	[sflag:s13] =	ssyncadd.s32 $0xFFFFB000  }
0x1e: {  	[tilespmem:$0xF100] =	vst v2  }
0x1f: {  	[tilespmem:$0xF110] =	vst v2  }
0x20: {  	[tilespmem:$0xF120] =	vst v2  }
0x21: {  	[tilespmem:$0xF130] =	vst v2  }
0x22: {  	[tilespmem:$0xF140] =	vst v2  }
0x23: {  	[tilespmem:$0xF150] =	vst v2  }
0x24: {  	[tilespmem:$0xF160] =	vst v2  }
0x25: {  	[tilespmem:$0xF170] =	vst v2  }
0x26: {  	[tilespmem:$0xF180] =	vst v3  }
0x27: {  	[tilespmem:$0xF190] =	vst v3  }
0x28: {  	[tilespmem:$0xF1A0] =	vst v3  }
0x29: {  	[tilespmem:$0xF1B0] =	vst v3  }
0x2a: {  	[tilespmem:$0xF1C0] =	vst v3  }
0x2b: {  	[tilespmem:$0xF1D0] =	vst v3  }
0x2c: {  	[tilespmem:$0xF1E0] =	vst v3  }
0x2d: {  	[tilespmem:$0xF1F0] =	vst v3  }
0x2e: {  	[tilespmem:$0xF200] =	vst v3  }
0x2f: {  	[tilespmem:$0xF210] =	vst v3  }
0x30: {  	[tilespmem:$0xF220] =	vst v3  }
0x31: {  	[tilespmem:$0xF230] =	vst v3  }
0x32: {  	[tilespmem:$0xF240] =	vst v3  }
0x33: {  	[tilespmem:$0xF250] =	vst v3  }
0x34: {  	[tilespmem:$0xF260] =	vst v3  }
0x35: {  	[tilespmem:$0xF270] =	vst v3  }
0x36: {  	[tilespmem:$0xF280] =	vst v3  }
0x37: {  	[tilespmem:$0xF290] =	vst v3  }
0x38: {  	[tilespmem:$0xF2A0] =	vst v3  }
0x39: {  	[tilespmem:$0xF2B0] =	vst v3  }
0x3a: {  	[tilespmem:$0xF2C0] =	vst v3  }
0x3b: {  	[tilespmem:$0xF2D0] =	vst v3  }
0x3c: {  	[tilespmem:$0xF2E0] =	vst v3  }
0x3d: {  	[tilespmem:$0xF2F0] =	vst v3  }
0x3e: {  	[tilespmem:$0xF300] =	vst v3  }
0x3f: {  	[tilespmem:$0xF310] =	vst v3  }
0x40: {  	[tilespmem:$0xF320] =	vst v3  }
0x41: {  	[tilespmem:$0xF330] =	vst v3  }
0x42: {  	[tilespmem:$0xF340] =	vst v3  }
0x43: {  	[tilespmem:$0xF350] =	vst v3  }
0x44: {  	[tilespmem:$0xF360] =	vst v3  }
0x45: {  	[tilespmem:$0xF370] =	vst v3  }
0x46: {  	[tilespmem:$0xF380] =	vst v3  }
0x47: {  	[tilespmem:$0xF390] =	vst v3  }
0x48: {  	[tilespmem:$0xF3A0] =	vst v3  }
0x49: {  	[tilespmem:$0xF3B0] =	vst v3  }
0x4a: {  	[tilespmem:$0xF3C0] =	vst v3  }
0x4b: {  	[tilespmem:$0xF3D0] =	vst v3  }
0x4c: {  	[tilespmem:$0xF3E0] =	vst v3  }
0x4d: {  	[tilespmem:$0xF3F0] =	vst v3  }
0x4e: {  	[spmem:s6] =	stream.linear.scatter [tilespmem:s15], [sflag:$0x2], $0x280, $0x38;
	[tilespmem:$0xF688] =	vst v63  }
0x4f: {  	_ =	swait.ge [sflag:s13], $0x280  }
0x50: {  	[sflag:s13] =	ssyncset.done $0x0  }
0x51: {  	[sflag:s13] =	ssyncadd.s32 $0xFFFFFD80  }
0x52: {  	s23 =	simm.s32 $0x200;
	s25 =	sadd.s32 $0x0, s12;
	[bflag:$0x0] =	sbarrier.arrive $0xFFFF  }
.LBB2_2:
0x53: {  	[spmem:s2] =	stream.indirect.scatter.add.f32 [tilespmem:s17], [sflag:$0x1], $0x1, s25, s16, $0xb8;
	[tilespmem:$0xF688] =	vst v63  }
0x54: {  	s24 =	smov.u32 s23;
	p0 =	sne.s32 s23, $0x9E00  }
.Ltmp0:
0x55: {  	s23 =	sadd.s32 $0x200, s23;
	(pc) =	sbr.rel @p0 .LBB2_2-.Ltmp0, $3  }
0x56: {  	_ =	sdelay $0x1  }
0x57: {  	s24 =	sshra.s32 s24, $0x2  }
0x58: {  	s25 =	sadd.s32 s24, s12;
	s24 =	simm.s32 $0x0  }
0x59: {  	[spmem:s2] =	stream.indirect.scatter.add.f32 [tilespmem:s17], [sflag:$0x1], $0x1, s25, s16, $0xb8;
	[tilespmem:$0xF688] =	vst v63  }
0x5a: {  	s23 =	simm.s32 $0x40;
	s25 =	simm.s32 $0x0  }
.LBB2_4:
0x5b: {  	p0 =	sne.s32 s23, $0x14000;
	[tilespmem:s25+$0xA000] =	vst v4;
	s25 =	smov.u32 s23;
	s23 =	sadd.s32 $0x40, s23  }
.Ltmp1:
0x5c: {  	(pc) =	sbr.rel @p0 .LBB2_4-.Ltmp1, $2  }
0x5d: {  	_ =	sdelay $0x2  }
0x5e: {  	s25 =	sshra.s32 s25, $0x2  }
0x5f: {  	[tilespmem:s25+$0xA000] =	vst v4;
	s23 =	simm.s32 $0x0  }
0x60: {  	v6 =	vld [tilespmem:s23+$0x5000];
	_ =	sdelay $0x4  }
0x61: {  	vm0 =	vge.s32 v6, v0;
	vm1 =	vlt.s32 v6, v1  }
0x62: {  	vm0 =	vmand vm0, vm1  }
0x63: {  	v7 =	vsel vm0, $0x1, v5  }
0x64: {  	(v2sf) =	vpush v7, $0x0  }
0x65: {  	(v2sf) =	vpush v7, $0x1  }
0x66: {  	(v2sf) =	vpush v7, $0x2  }
0x67: {  	(v2sf) =	vpush v7, $0x3  }
0x68: {  	(v2sf) =	vpush v7, $0x4  }
0x69: {  	(v2sf) =	vpush v7, $0x5  }
0x6a: {  	(v2sf) =	vpush v7, $0x6  }
0x6b: {  	(v2sf) =	vpush v7, $0x7  }
0x6c: {  	v8 =	vld [tilespmem:s23+$0x0];
	(v2sf) =	vpush v7, $0x8  }
0x6d: {  	(v2sf) =	vpush v7, $0x9  }
0x6e: {  	(v2sf) =	vpush v7, $0xA  }
0x6f: {  	v6 =	vsub.s32 v6, v0;
	(v2sf) =	vpush v7, $0xB  }
0x70: {  	v6 =	vshll.u32 v6, $0xE;
	(v2sf) =	vpush v7, $0xC  }
0x71: {  	v6 =	vor.u32 v8, v6;
	(v2sf) =	vpush v7, $0xD  }
0x72: {  	v8 =	vbroadcast v6, $0x0;
	(v2sf) =	vpush v7, $0xE  }
0x73: {  	v9 =	vbroadcast v6, $0x1;
	s31 =	spop (v2sf)  }
0x74: {  	[tilespmem:s24+$0xA000] =	vst v8;
	v8 =	vbroadcast v6, $0x2;
	s26 =	sadd.s32 $0x0, s31;
	s30 =	spop (v2sf)  }
0x75: {  	v15 =	vbroadcast v6, $0x3;
	[tilespmem:s26+$0xA000] =	vst v9;
	s24 =	sadd.s32 s30, s26;
	s31 =	spop (v2sf)  }
0x76: {  	[tilespmem:s24+$0xA000] =	vst v8;
	s24 =	sadd.s32 s31, s24;
	v8 =	vbroadcast v6, $0x4;
	s26 =	spop (v2sf)  }
0x77: {  	v16 =	vbroadcast v6, $0x5;
	[tilespmem:s24+$0xA000] =	vst v15;
	s24 =	sadd.s32 s26, s24;
	s30 =	spop (v2sf)  }
0x78: {  	[tilespmem:s24+$0xA000] =	vst v8;
	s24 =	sadd.s32 s30, s24;
	v8 =	vbroadcast v6, $0x6;
	s31 =	spop (v2sf)  }
0x79: {  	v17 =	vbroadcast v6, $0x7;
	[tilespmem:s24+$0xA000] =	vst v16;
	s24 =	sadd.s32 s31, s24;
	s26 =	spop (v2sf)  }
0x7a: {  	[tilespmem:s24+$0xA000] =	vst v8;
	s24 =	sadd.s32 s26, s24;
	v8 =	vbroadcast v6, $0x8;
	s30 =	spop (v2sf)  }
0x7b: {  	v18 =	vbroadcast v6, $0x9;
	[tilespmem:s24+$0xA000] =	vst v17;
	s24 =	sadd.s32 s30, s24;
	s31 =	spop (v2sf)  }
0x7c: {  	[tilespmem:s24+$0xA000] =	vst v8;
	s24 =	sadd.s32 s31, s24;
	v8 =	vbroadcast v6, $0xA;
	s26 =	spop (v2sf)  }
0x7d: {  	v19 =	vbroadcast v6, $0xB;
	[tilespmem:s24+$0xA000] =	vst v18;
	s24 =	sadd.s32 s26, s24;
	s30 =	spop (v2sf)  }
0x7e: {  	[tilespmem:s24+$0xA000] =	vst v8;
	s24 =	sadd.s32 s30, s24;
	v8 =	vbroadcast v6, $0xC;
	s31 =	spop (v2sf)  }
0x7f: {  	v20 =	vbroadcast v6, $0xD;
	[tilespmem:s24+$0xA000] =	vst v19;
	s24 =	sadd.s32 s31, s24;
	s26 =	spop (v2sf)  }
0x80: {  	[tilespmem:s24+$0xA000] =	vst v8;
	s24 =	sadd.s32 s26, s24;
	v8 =	vbroadcast v6, $0xE;
	s30 =	spop (v2sf)  }
0x81: {  	v6 =	vbroadcast v6, $0xF;
	[tilespmem:s24+$0xA000] =	vst v20;
	s24 =	sadd.s32 s30, s24;
	s31 =	spop (v2sf)  }
0x82: {  	[tilespmem:s24+$0xA000] =	vst v8;
	s24 =	sadd.s32 s31, s24  }
0x83: {  	[tilespmem:s24+$0xA000] =	vst v6  }
0x84: {  	v6 =	vld [tilespmem:s23+$0x5010];
	_ =	sdelay $0x4  }
0x85: {  	vm14 =	vge.s32 v6, v0;
	vm15 =	vlt.s32 v6, v1  }
0x86: {  	vm0 =	vmand vm14, vm15  }
0x87: {  	(v2sf) =	vpush v7, $0xF;
	v8 =	vsel vm0, $0x1, v5  }
0x88: {  	(v2sf) =	vpush v8, $0x0  }
0x89: {  	(v2sf) =	vpush v8, $0x1  }
0x8a: {  	(v2sf) =	vpush v8, $0x2  }
0x8b: {  	(v2sf) =	vpush v8, $0x3  }
0x8c: {  	(v2sf) =	vpush v8, $0x4  }
0x8d: {  	(v2sf) =	vpush v8, $0x5  }
0x8e: {  	(v2sf) =	vpush v8, $0x6  }
0x8f: {  	(v2sf) =	vpush v8, $0x7  }
0x90: {  	v7 =	vld [tilespmem:s23+$0x10];
	(v2sf) =	vpush v8, $0x8  }
0x91: {  	(v2sf) =	vpush v8, $0x9  }
0x92: {  	(v2sf) =	vpush v8, $0xA  }
0x93: {  	v6 =	vsub.s32 v6, v0;
	(v2sf) =	vpush v8, $0xB  }
0x94: {  	v6 =	vshll.u32 v6, $0xE;
	(v2sf) =	vpush v8, $0xC  }
0x95: {  	v6 =	vor.u32 v7, v6;
	(v2sf) =	vpush v8, $0xD  }
0x96: {  	s26 =	spop (v2sf);
	v7 =	vbroadcast v6, $0x0;
	(v2sf) =	vpush v8, $0xE  }
0x97: {  	s24 =	sadd.s32 s26, s24;
	v21 =	vbroadcast v6, $0x1;
	s30 =	spop (v2sf)  }
0x98: {  	[tilespmem:s24+$0xA000] =	vst v7;
	v7 =	vbroadcast v6, $0x2;
	s24 =	sadd.s32 s24, s30;
	s31 =	spop (v2sf)  }
0x99: {  	v22 =	vbroadcast v6, $0x3;
	[tilespmem:s24+$0xA000] =	vst v21;
	s24 =	sadd.s32 s31, s24;
	s26 =	spop (v2sf)  }
0x9a: {  	[tilespmem:s24+$0xA000] =	vst v7;
	s24 =	sadd.s32 s26, s24;
	v7 =	vbroadcast v6, $0x4;
	s30 =	spop (v2sf)  }
0x9b: {  	v23 =	vbroadcast v6, $0x5;
	[tilespmem:s24+$0xA000] =	vst v22;
	s24 =	sadd.s32 s30, s24;
	s31 =	spop (v2sf)  }
0x9c: {  	[tilespmem:s24+$0xA000] =	vst v7;
	s24 =	sadd.s32 s31, s24;
	v7 =	vbroadcast v6, $0x6;
	s26 =	spop (v2sf)  }
0x9d: {  	v24 =	vbroadcast v6, $0x7;
	[tilespmem:s24+$0xA000] =	vst v23;
	s24 =	sadd.s32 s26, s24;
	s30 =	spop (v2sf)  }
0x9e: {  	[tilespmem:s24+$0xA000] =	vst v7;
	s24 =	sadd.s32 s30, s24;
	v7 =	vbroadcast v6, $0x8;
	s31 =	spop (v2sf)  }
0x9f: {  	v25 =	vbroadcast v6, $0x9;
	[tilespmem:s24+$0xA000] =	vst v24;
	s24 =	sadd.s32 s31, s24;
	s26 =	spop (v2sf)  }
0xa0: {  	[tilespmem:s24+$0xA000] =	vst v7;
	s24 =	sadd.s32 s26, s24;
	v7 =	vbroadcast v6, $0xA;
	s30 =	spop (v2sf)  }
0xa1: {  	v26 =	vbroadcast v6, $0xB;
	[tilespmem:s24+$0xA000] =	vst v25;
	s24 =	sadd.s32 s30, s24;
	s31 =	spop (v2sf)  }
0xa2: {  	[tilespmem:s24+$0xA000] =	vst v7;
	s24 =	sadd.s32 s31, s24;
	v7 =	vbroadcast v6, $0xC;
	s26 =	spop (v2sf)  }
0xa3: {  	v27 =	vbroadcast v6, $0xD;
	[tilespmem:s24+$0xA000] =	vst v26;
	s24 =	sadd.s32 s26, s24;
	s30 =	spop (v2sf)  }
0xa4: {  	[tilespmem:s24+$0xA000] =	vst v7;
	s24 =	sadd.s32 s30, s24;
	v7 =	vbroadcast v6, $0xE;
	s31 =	spop (v2sf)  }
0xa5: {  	v6 =	vbroadcast v6, $0xF;
	[tilespmem:s24+$0xA000] =	vst v27;
	s24 =	sadd.s32 s31, s24;
	s26 =	spop (v2sf)  }
0xa6: {  	[tilespmem:s24+$0xA000] =	vst v7;
	s24 =	sadd.s32 s26, s24  }
0xa7: {  	[tilespmem:s24+$0xA000] =	vst v6  }
0xa8: {  	v6 =	vld [tilespmem:s23+$0x5020];
	_ =	sdelay $0x4  }
0xa9: {  	vm4 =	vge.s32 v6, v0;
	vm5 =	vlt.s32 v6, v1  }
0xaa: {  	vm0 =	vmand vm4, vm5  }
0xab: {  	(v2sf) =	vpush v8, $0xF;
	v7 =	vsel vm0, $0x1, v5  }
0xac: {  	(v2sf) =	vpush v7, $0x0  }
0xad: {  	(v2sf) =	vpush v7, $0x1  }
0xae: {  	(v2sf) =	vpush v7, $0x2  }
0xaf: {  	(v2sf) =	vpush v7, $0x3  }
0xb0: {  	(v2sf) =	vpush v7, $0x4  }
0xb1: {  	(v2sf) =	vpush v7, $0x5  }
0xb2: {  	(v2sf) =	vpush v7, $0x6  }
0xb3: {  	(v2sf) =	vpush v7, $0x7  }
0xb4: {  	v8 =	vld [tilespmem:s23+$0x20];
	(v2sf) =	vpush v7, $0x8  }
0xb5: {  	(v2sf) =	vpush v7, $0x9  }
0xb6: {  	(v2sf) =	vpush v7, $0xA  }
0xb7: {  	v6 =	vsub.s32 v6, v0;
	(v2sf) =	vpush v7, $0xB  }
0xb8: {  	v6 =	vshll.u32 v6, $0xE;
	(v2sf) =	vpush v7, $0xC  }
0xb9: {  	v6 =	vor.u32 v8, v6;
	(v2sf) =	vpush v7, $0xD  }
0xba: {  	v8 =	vbroadcast v6, $0x0;
	s30 =	spop (v2sf);
	(v2sf) =	vpush v7, $0xE  }
0xbb: {  	v28 =	vbroadcast v6, $0x1;
	s24 =	sadd.s32 s30, s24;
	s31 =	spop (v2sf)  }
0xbc: {  	[tilespmem:s24+$0xA000] =	vst v8;
	v8 =	vbroadcast v6, $0x2;
	s24 =	sadd.s32 s24, s31;
	s26 =	spop (v2sf)  }
0xbd: {  	v29 =	vbroadcast v6, $0x3;
	[tilespmem:s24+$0xA000] =	vst v28;
	s24 =	sadd.s32 s26, s24;
	s30 =	spop (v2sf)  }
0xbe: {  	[tilespmem:s24+$0xA000] =	vst v8;
	s24 =	sadd.s32 s30, s24;
	v8 =	vbroadcast v6, $0x4;
	s31 =	spop (v2sf)  }
0xbf: {  	v30 =	vbroadcast v6, $0x5;
	[tilespmem:s24+$0xA000] =	vst v29;
	s24 =	sadd.s32 s31, s24;
	s26 =	spop (v2sf)  }
0xc0: {  	[tilespmem:s24+$0xA000] =	vst v8;
	s24 =	sadd.s32 s26, s24;
	v8 =	vbroadcast v6, $0x6;
	s30 =	spop (v2sf)  }
0xc1: {  	v31 =	vbroadcast v6, $0x7;
	[tilespmem:s24+$0xA000] =	vst v30;
	s24 =	sadd.s32 s30, s24;
	s31 =	spop (v2sf)  }
0xc2: {  	[tilespmem:s24+$0xA000] =	vst v8;
	s24 =	sadd.s32 s31, s24;
	v8 =	vbroadcast v6, $0x8;
	s26 =	spop (v2sf)  }
0xc3: {  	v32 =	vbroadcast v6, $0x9;
	[tilespmem:s24+$0xA000] =	vst v31;
	s24 =	sadd.s32 s26, s24;
	s30 =	spop (v2sf)  }
0xc4: {  	[tilespmem:s24+$0xA000] =	vst v8;
	s24 =	sadd.s32 s30, s24;
	v8 =	vbroadcast v6, $0xA;
	s31 =	spop (v2sf)  }
0xc5: {  	v33 =	vbroadcast v6, $0xB;
	[tilespmem:s24+$0xA000] =	vst v32;
	s24 =	sadd.s32 s31, s24;
	s26 =	spop (v2sf)  }
0xc6: {  	[tilespmem:s24+$0xA000] =	vst v8;
	s24 =	sadd.s32 s26, s24;
	v8 =	vbroadcast v6, $0xC;
	s30 =	spop (v2sf)  }
0xc7: {  	v34 =	vbroadcast v6, $0xD;
	[tilespmem:s24+$0xA000] =	vst v33;
	s24 =	sadd.s32 s30, s24;
	s31 =	spop (v2sf)  }
0xc8: {  	[tilespmem:s24+$0xA000] =	vst v8;
	s24 =	sadd.s32 s31, s24;
	v8 =	vbroadcast v6, $0xE;
	s26 =	spop (v2sf)  }
0xc9: {  	v6 =	vbroadcast v6, $0xF;
	[tilespmem:s24+$0xA000] =	vst v34;
	s24 =	sadd.s32 s26, s24;
	s30 =	spop (v2sf)  }
0xca: {  	[tilespmem:s24+$0xA000] =	vst v8;
	s24 =	sadd.s32 s30, s24  }
0xcb: {  	[tilespmem:s24+$0xA000] =	vst v6  }
0xcc: {  	v6 =	vld [tilespmem:s23+$0x5030];
	_ =	sdelay $0x4  }
0xcd: {  	vm6 =	vge.s32 v6, v0;
	vm7 =	vlt.s32 v6, v1  }
0xce: {  	vm0 =	vmand vm6, vm7  }
0xcf: {  	(v2sf) =	vpush v7, $0xF;
	v8 =	vsel vm0, $0x1, v5  }
0xd0: {  	(v2sf) =	vpush v8, $0x0  }
0xd1: {  	(v2sf) =	vpush v8, $0x1  }
0xd2: {  	(v2sf) =	vpush v8, $0x2  }
0xd3: {  	(v2sf) =	vpush v8, $0x3  }
0xd4: {  	(v2sf) =	vpush v8, $0x4  }
0xd5: {  	(v2sf) =	vpush v8, $0x5  }
0xd6: {  	(v2sf) =	vpush v8, $0x6  }
0xd7: {  	(v2sf) =	vpush v8, $0x7  }
0xd8: {  	v7 =	vld [tilespmem:s23+$0x30];
	(v2sf) =	vpush v8, $0x8  }
0xd9: {  	(v2sf) =	vpush v8, $0x9  }
0xda: {  	(v2sf) =	vpush v8, $0xA  }
0xdb: {  	v6 =	vsub.s32 v6, v0;
	(v2sf) =	vpush v8, $0xB  }
0xdc: {  	v6 =	vshll.u32 v6, $0xE;
	(v2sf) =	vpush v8, $0xC  }
0xdd: {  	v6 =	vor.u32 v7, v6;
	(v2sf) =	vpush v8, $0xD  }
0xde: {  	v7 =	vbroadcast v6, $0x0;
	s31 =	spop (v2sf);
	(v2sf) =	vpush v8, $0xE  }
0xdf: {  	v35 =	vbroadcast v6, $0x1;
	s24 =	sadd.s32 s31, s24;
	s26 =	spop (v2sf)  }
0xe0: {  	[tilespmem:s24+$0xA000] =	vst v7;
	v7 =	vbroadcast v6, $0x2;
	s24 =	sadd.s32 s24, s26;
	s30 =	spop (v2sf)  }
0xe1: {  	v36 =	vbroadcast v6, $0x3;
	[tilespmem:s24+$0xA000] =	vst v35;
	s24 =	sadd.s32 s30, s24;
	s31 =	spop (v2sf)  }
0xe2: {  	[tilespmem:s24+$0xA000] =	vst v7;
	s24 =	sadd.s32 s31, s24;
	v7 =	vbroadcast v6, $0x4;
	s26 =	spop (v2sf)  }
0xe3: {  	v37 =	vbroadcast v6, $0x5;
	[tilespmem:s24+$0xA000] =	vst v36;
	s24 =	sadd.s32 s26, s24;
	s30 =	spop (v2sf)  }
0xe4: {  	[tilespmem:s24+$0xA000] =	vst v7;
	s24 =	sadd.s32 s30, s24;
	v7 =	vbroadcast v6, $0x6;
	s31 =	spop (v2sf)  }
0xe5: {  	v38 =	vbroadcast v6, $0x7;
	[tilespmem:s24+$0xA000] =	vst v37;
	s24 =	sadd.s32 s31, s24;
	s26 =	spop (v2sf)  }
0xe6: {  	[tilespmem:s24+$0xA000] =	vst v7;
	s24 =	sadd.s32 s26, s24;
	v7 =	vbroadcast v6, $0x8;
	s30 =	spop (v2sf)  }
0xe7: {  	v39 =	vbroadcast v6, $0x9;
	[tilespmem:s24+$0xA000] =	vst v38;
	s24 =	sadd.s32 s30, s24;
	s31 =	spop (v2sf)  }
0xe8: {  	[tilespmem:s24+$0xA000] =	vst v7;
	s24 =	sadd.s32 s31, s24;
	v7 =	vbroadcast v6, $0xA;
	s26 =	spop (v2sf)  }
0xe9: {  	v40 =	vbroadcast v6, $0xB;
	[tilespmem:s24+$0xA000] =	vst v39;
	s24 =	sadd.s32 s26, s24;
	s30 =	spop (v2sf)  }
0xea: {  	[tilespmem:s24+$0xA000] =	vst v7;
	s24 =	sadd.s32 s30, s24;
	v7 =	vbroadcast v6, $0xC;
	s31 =	spop (v2sf)  }
0xeb: {  	v41 =	vbroadcast v6, $0xD;
	[tilespmem:s24+$0xA000] =	vst v40;
	s24 =	sadd.s32 s31, s24;
	s26 =	spop (v2sf)  }
0xec: {  	[tilespmem:s24+$0xA000] =	vst v7;
	s24 =	sadd.s32 s26, s24;
	v7 =	vbroadcast v6, $0xE;
	s30 =	spop (v2sf)  }
0xed: {  	v6 =	vbroadcast v6, $0xF;
	[tilespmem:s24+$0xA000] =	vst v41;
	s24 =	sadd.s32 s30, s24;
	s31 =	spop (v2sf)  }
0xee: {  	[tilespmem:s24+$0xA000] =	vst v7;
	s24 =	sadd.s32 s31, s24  }
0xef: {  	[tilespmem:s24+$0xA000] =	vst v6  }
0xf0: {  	v6 =	vld [tilespmem:s23+$0x5040];
	_ =	sdelay $0x4  }
0xf1: {  	vm8 =	vge.s32 v6, v0;
	vm9 =	vlt.s32 v6, v1  }
0xf2: {  	vm0 =	vmand vm8, vm9  }
0xf3: {  	(v2sf) =	vpush v8, $0xF;
	v7 =	vsel vm0, $0x1, v5  }
0xf4: {  	(v2sf) =	vpush v7, $0x0  }
0xf5: {  	(v2sf) =	vpush v7, $0x1  }
0xf6: {  	(v2sf) =	vpush v7, $0x2  }
0xf7: {  	(v2sf) =	vpush v7, $0x3  }
0xf8: {  	(v2sf) =	vpush v7, $0x4  }
0xf9: {  	(v2sf) =	vpush v7, $0x5  }
0xfa: {  	(v2sf) =	vpush v7, $0x6  }
0xfb: {  	(v2sf) =	vpush v7, $0x7  }
0xfc: {  	v8 =	vld [tilespmem:s23+$0x40];
	(v2sf) =	vpush v7, $0x8  }
0xfd: {  	(v2sf) =	vpush v7, $0x9  }
0xfe: {  	(v2sf) =	vpush v7, $0xA  }
0xff: {  	v6 =	vsub.s32 v6, v0;
	(v2sf) =	vpush v7, $0xB  }
0x100: {  	v6 =	vshll.u32 v6, $0xE;
	(v2sf) =	vpush v7, $0xC  }
0x101: {  	v6 =	vor.u32 v8, v6;
	(v2sf) =	vpush v7, $0xD  }
0x102: {  	v8 =	vbroadcast v6, $0x0;
	s26 =	spop (v2sf);
	(v2sf) =	vpush v7, $0xE  }
0x103: {  	v42 =	vbroadcast v6, $0x1;
	s24 =	sadd.s32 s26, s24;
	s30 =	spop (v2sf)  }
0x104: {  	[tilespmem:s24+$0xA000] =	vst v8;
	v8 =	vbroadcast v6, $0x2;
	s24 =	sadd.s32 s24, s30;
	s31 =	spop (v2sf)  }
0x105: {  	v43 =	vbroadcast v6, $0x3;
	[tilespmem:s24+$0xA000] =	vst v42;
	s24 =	sadd.s32 s31, s24;
	s26 =	spop (v2sf)  }
0x106: {  	[tilespmem:s24+$0xA000] =	vst v8;
	s24 =	sadd.s32 s26, s24;
	v8 =	vbroadcast v6, $0x4;
	s30 =	spop (v2sf)  }
0x107: {  	v44 =	vbroadcast v6, $0x5;
	[tilespmem:s24+$0xA000] =	vst v43;
	s24 =	sadd.s32 s30, s24;
	s31 =	spop (v2sf)  }
0x108: {  	[tilespmem:s24+$0xA000] =	vst v8;
	s24 =	sadd.s32 s31, s24;
	v8 =	vbroadcast v6, $0x6;
	s26 =	spop (v2sf)  }
0x109: {  	v45 =	vbroadcast v6, $0x7;
	[tilespmem:s24+$0xA000] =	vst v44;
	s24 =	sadd.s32 s26, s24;
	s30 =	spop (v2sf)  }
0x10a: {  	[tilespmem:s24+$0xA000] =	vst v8;
	s24 =	sadd.s32 s30, s24;
	v8 =	vbroadcast v6, $0x8;
	s31 =	spop (v2sf)  }
0x10b: {  	v46 =	vbroadcast v6, $0x9;
	[tilespmem:s24+$0xA000] =	vst v45;
	s24 =	sadd.s32 s31, s24;
	s26 =	spop (v2sf)  }
0x10c: {  	[tilespmem:s24+$0xA000] =	vst v8;
	s24 =	sadd.s32 s26, s24;
	v8 =	vbroadcast v6, $0xA;
	s30 =	spop (v2sf)  }
0x10d: {  	v47 =	vbroadcast v6, $0xB;
	[tilespmem:s24+$0xA000] =	vst v46;
	s24 =	sadd.s32 s30, s24;
	s31 =	spop (v2sf)  }
0x10e: {  	[tilespmem:s24+$0xA000] =	vst v8;
	s24 =	sadd.s32 s31, s24;
	v8 =	vbroadcast v6, $0xC;
	s26 =	spop (v2sf)  }
0x10f: {  	v48 =	vbroadcast v6, $0xD;
	[tilespmem:s24+$0xA000] =	vst v47;
	s24 =	sadd.s32 s26, s24;
	s30 =	spop (v2sf)  }
0x110: {  	[tilespmem:s24+$0xA000] =	vst v8;
	s24 =	sadd.s32 s30, s24;
	v8 =	vbroadcast v6, $0xE;
	s31 =	spop (v2sf)  }
0x111: {  	v6 =	vbroadcast v6, $0xF;
	[tilespmem:s24+$0xA000] =	vst v48;
	s24 =	sadd.s32 s31, s24;
	s26 =	spop (v2sf)  }
0x112: {  	[tilespmem:s24+$0xA000] =	vst v8;
	s24 =	sadd.s32 s26, s24  }
0x113: {  	[tilespmem:s24+$0xA000] =	vst v6  }
0x114: {  	v6 =	vld [tilespmem:s23+$0x5050];
	_ =	sdelay $0x4  }
0x115: {  	vm10 =	vge.s32 v6, v0;
	vm11 =	vlt.s32 v6, v1  }
0x116: {  	vm0 =	vmand vm10, vm11  }
0x117: {  	(v2sf) =	vpush v7, $0xF;
	v7 =	vsel vm0, $0x1, v5  }
0x118: {  	(v2sf) =	vpush v7, $0x0  }
0x119: {  	(v2sf) =	vpush v7, $0x1  }
0x11a: {  	(v2sf) =	vpush v7, $0x2  }
0x11b: {  	(v2sf) =	vpush v7, $0x3  }
0x11c: {  	(v2sf) =	vpush v7, $0x4  }
0x11d: {  	(v2sf) =	vpush v7, $0x5  }
0x11e: {  	(v2sf) =	vpush v7, $0x6  }
0x11f: {  	(v2sf) =	vpush v7, $0x7  }
0x120: {  	v8 =	vld [tilespmem:s23+$0x50];
	(v2sf) =	vpush v7, $0x8  }
0x121: {  	(v2sf) =	vpush v7, $0x9  }
0x122: {  	(v2sf) =	vpush v7, $0xA  }
0x123: {  	v6 =	vsub.s32 v6, v0;
	(v2sf) =	vpush v7, $0xB  }
0x124: {  	v6 =	vshll.u32 v6, $0xE;
	(v2sf) =	vpush v7, $0xC  }
0x125: {  	v6 =	vor.u32 v8, v6;
	(v2sf) =	vpush v7, $0xD  }
0x126: {  	v8 =	vbroadcast v6, $0x0;
	s30 =	spop (v2sf);
	(v2sf) =	vpush v7, $0xE  }
0x127: {  	v49 =	vbroadcast v6, $0x1;
	s24 =	sadd.s32 s30, s24;
	s31 =	spop (v2sf)  }
0x128: {  	[tilespmem:s24+$0xA000] =	vst v8;
	v8 =	vbroadcast v6, $0x2;
	s24 =	sadd.s32 s24, s31;
	s26 =	spop (v2sf)  }
0x129: {  	v50 =	vbroadcast v6, $0x3;
	[tilespmem:s24+$0xA000] =	vst v49;
	s24 =	sadd.s32 s26, s24;
	s30 =	spop (v2sf)  }
0x12a: {  	[tilespmem:s24+$0xA000] =	vst v8;
	s24 =	sadd.s32 s30, s24;
	v8 =	vbroadcast v6, $0x4;
	s31 =	spop (v2sf)  }
0x12b: {  	v51 =	vbroadcast v6, $0x5;
	[tilespmem:s24+$0xA000] =	vst v50;
	s24 =	sadd.s32 s31, s24;
	s26 =	spop (v2sf)  }
0x12c: {  	[tilespmem:s24+$0xA000] =	vst v8;
	s24 =	sadd.s32 s26, s24;
	v8 =	vbroadcast v6, $0x6;
	s30 =	spop (v2sf)  }
0x12d: {  	v52 =	vbroadcast v6, $0x7;
	[tilespmem:s24+$0xA000] =	vst v51;
	s24 =	sadd.s32 s30, s24;
	s31 =	spop (v2sf)  }
0x12e: {  	[tilespmem:s24+$0xA000] =	vst v8;
	s24 =	sadd.s32 s31, s24;
	v8 =	vbroadcast v6, $0x8;
	s26 =	spop (v2sf)  }
0x12f: {  	v53 =	vbroadcast v6, $0x9;
	[tilespmem:s24+$0xA000] =	vst v52;
	s24 =	sadd.s32 s26, s24;
	s30 =	spop (v2sf)  }
0x130: {  	[tilespmem:s24+$0xA000] =	vst v8;
	s24 =	sadd.s32 s30, s24;
	v8 =	vbroadcast v6, $0xA;
	s31 =	spop (v2sf)  }
0x131: {  	v54 =	vbroadcast v6, $0xB;
	[tilespmem:s24+$0xA000] =	vst v53;
	s24 =	sadd.s32 s31, s24;
	s26 =	spop (v2sf)  }
0x132: {  	[tilespmem:s24+$0xA000] =	vst v8;
	s24 =	sadd.s32 s26, s24;
	v8 =	vbroadcast v6, $0xC;
	s30 =	spop (v2sf)  }
0x133: {  	v55 =	vbroadcast v6, $0xD;
	[tilespmem:s24+$0xA000] =	vst v54;
	s24 =	sadd.s32 s30, s24;
	s31 =	spop (v2sf)  }
0x134: {  	[tilespmem:s24+$0xA000] =	vst v8;
	s24 =	sadd.s32 s31, s24;
	v8 =	vbroadcast v6, $0xE;
	s26 =	spop (v2sf)  }
0x135: {  	v6 =	vbroadcast v6, $0xF;
	[tilespmem:s24+$0xA000] =	vst v55;
	s24 =	sadd.s32 s26, s24;
	s30 =	spop (v2sf)  }
0x136: {  	[tilespmem:s24+$0xA000] =	vst v8;
	s24 =	sadd.s32 s30, s24  }
0x137: {  	[tilespmem:s24+$0xA000] =	vst v6  }
0x138: {  	v6 =	vld [tilespmem:s23+$0x5060];
	_ =	sdelay $0x4  }
0x139: {  	vm12 =	vge.s32 v6, v0;
	vm13 =	vlt.s32 v6, v1  }
0x13a: {  	vm0 =	vmand vm12, vm13  }
0x13b: {  	(v2sf) =	vpush v7, $0xF;
	v7 =	vsel vm0, $0x1, v5  }
0x13c: {  	(v2sf) =	vpush v7, $0x0  }
0x13d: {  	(v2sf) =	vpush v7, $0x1  }
0x13e: {  	(v2sf) =	vpush v7, $0x2  }
0x13f: {  	(v2sf) =	vpush v7, $0x3  }
0x140: {  	(v2sf) =	vpush v7, $0x4  }
0x141: {  	(v2sf) =	vpush v7, $0x5  }
0x142: {  	(v2sf) =	vpush v7, $0x6  }
0x143: {  	(v2sf) =	vpush v7, $0x7  }
0x144: {  	v8 =	vld [tilespmem:s23+$0x60];
	(v2sf) =	vpush v7, $0x8  }
0x145: {  	(v2sf) =	vpush v7, $0x9  }
0x146: {  	(v2sf) =	vpush v7, $0xA  }
0x147: {  	v6 =	vsub.s32 v6, v0;
	(v2sf) =	vpush v7, $0xB  }
0x148: {  	v6 =	vshll.u32 v6, $0xE;
	(v2sf) =	vpush v7, $0xC  }
0x149: {  	v6 =	vor.u32 v8, v6;
	(v2sf) =	vpush v7, $0xD  }
0x14a: {  	v8 =	vbroadcast v6, $0x0;
	s31 =	spop (v2sf);
	(v2sf) =	vpush v7, $0xE  }
0x14b: {  	v56 =	vbroadcast v6, $0x1;
	s24 =	sadd.s32 s31, s24;
	s26 =	spop (v2sf)  }
0x14c: {  	[tilespmem:s24+$0xA000] =	vst v8;
	v8 =	vbroadcast v6, $0x2;
	s24 =	sadd.s32 s24, s26;
	s30 =	spop (v2sf)  }
0x14d: {  	v57 =	vbroadcast v6, $0x3;
	[tilespmem:s24+$0xA000] =	vst v56;
	s24 =	sadd.s32 s30, s24;
	s31 =	spop (v2sf)  }
0x14e: {  	[tilespmem:s24+$0xA000] =	vst v8;
	s24 =	sadd.s32 s31, s24;
	v8 =	vbroadcast v6, $0x4;
	s26 =	spop (v2sf)  }
0x14f: {  	v58 =	vbroadcast v6, $0x5;
	[tilespmem:s24+$0xA000] =	vst v57;
	s24 =	sadd.s32 s26, s24;
	s30 =	spop (v2sf)  }
0x150: {  	[tilespmem:s24+$0xA000] =	vst v8;
	s24 =	sadd.s32 s30, s24;
	v8 =	vbroadcast v6, $0x6;
	s31 =	spop (v2sf)  }
0x151: {  	v59 =	vbroadcast v6, $0x7;
	[tilespmem:s24+$0xA000] =	vst v58;
	s24 =	sadd.s32 s31, s24;
	s26 =	spop (v2sf)  }
0x152: {  	[tilespmem:s24+$0xA000] =	vst v8;
	s24 =	sadd.s32 s26, s24;
	v8 =	vbroadcast v6, $0x8;
	s30 =	spop (v2sf)  }
0x153: {  	v60 =	vbroadcast v6, $0x9;
	[tilespmem:s24+$0xA000] =	vst v59;
	s24 =	sadd.s32 s30, s24;
	s31 =	spop (v2sf)  }
0x154: {  	[tilespmem:s24+$0xA000] =	vst v8;
	s24 =	sadd.s32 s31, s24;
	v8 =	vbroadcast v6, $0xA;
	s26 =	spop (v2sf)  }
0x155: {  	v61 =	vbroadcast v6, $0xB;
	[tilespmem:s24+$0xA000] =	vst v60;
	s24 =	sadd.s32 s26, s24;
	s30 =	spop (v2sf)  }
0x156: {  	[tilespmem:s24+$0xA000] =	vst v8;
	s24 =	sadd.s32 s30, s24;
	v8 =	vbroadcast v6, $0xC;
	s31 =	spop (v2sf)  }
0x157: {  	v62 =	vbroadcast v6, $0xD;
	[tilespmem:s24+$0xA000] =	vst v61;
	s24 =	sadd.s32 s31, s24;
	s26 =	spop (v2sf)  }
0x158: {  	[tilespmem:s24+$0xA000] =	vst v8;
	s24 =	sadd.s32 s26, s24;
	v8 =	vbroadcast v6, $0xE;
	s30 =	spop (v2sf)  }
0x159: {  	v6 =	vbroadcast v6, $0xF;
	[tilespmem:s24+$0xA000] =	vst v62;
	s24 =	sadd.s32 s30, s24;
	s31 =	spop (v2sf)  }
0x15a: {  	[tilespmem:s24+$0xA000] =	vst v8;
	s24 =	sadd.s32 s31, s24  }
0x15b: {  	[tilespmem:s24+$0xA000] =	vst v6  }
0x15c: {  	v6 =	vld [tilespmem:s23+$0x5070];
	_ =	sdelay $0x4  }
0x15d: {  	vm14 =	vge.s32 v6, v0;
	vm15 =	vlt.s32 v6, v1  }
0x15e: {  	vm0 =	vmand vm14, vm15  }
0x15f: {  	(v2sf) =	vpush v7, $0xF;
	v7 =	vsel vm0, $0x1, v5  }
0x160: {  	(v2sf) =	vpush v7, $0x0  }
0x161: {  	(v2sf) =	vpush v7, $0x1  }
0x162: {  	(v2sf) =	vpush v7, $0x2  }
0x163: {  	(v2sf) =	vpush v7, $0x3  }
0x164: {  	(v2sf) =	vpush v7, $0x4  }
0x165: {  	(v2sf) =	vpush v7, $0x5  }
0x166: {  	(v2sf) =	vpush v7, $0x6  }
0x167: {  	(v2sf) =	vpush v7, $0x7  }
0x168: {  	v8 =	vld [tilespmem:s23+$0x70];
	(v2sf) =	vpush v7, $0x8  }
0x169: {  	(v2sf) =	vpush v7, $0x9  }
0x16a: {  	(v2sf) =	vpush v7, $0xA  }
0x16b: {  	v6 =	vsub.s32 v6, v0;
	(v2sf) =	vpush v7, $0xB  }
0x16c: {  	v6 =	vshll.u32 v6, $0xE;
	(v2sf) =	vpush v7, $0xC  }
0x16d: {  	v6 =	vor.u32 v8, v6;
	(v2sf) =	vpush v7, $0xD  }
0x16e: {  	v8 =	vbroadcast v6, $0x0;
	s25 =	spop (v2sf);
	(v2sf) =	vpush v7, $0xE  }
0x16f: {  	v63 =	vbroadcast v6, $0x1;
	s23 =	sadd.s32 s25, s24;
	s26 =	spop (v2sf);
	(v2sf) =	vpush v7, $0xF  }
0x170: {  	[tilespmem:s23+$0xA000] =	vst v8;
	v7 =	vbroadcast v6, $0x2;
	s23 =	sadd.s32 s23, s26;
	s30 =	spop (v2sf)  }
0x171: {  	v8 =	vbroadcast v6, $0x3;
	[tilespmem:s23+$0xA000] =	vst v63;
	s23 =	sadd.s32 s30, s23;
	s31 =	spop (v2sf)  }
0x172: {  	[tilespmem:s23+$0xA000] =	vst v7;
	s23 =	sadd.s32 s31, s23;
	v7 =	vbroadcast v6, $0x4;
	s25 =	spop (v2sf)  }
0x173: {  	[tilespmem:s23+$0xA000] =	vst v8;
	s23 =	sadd.s32 s25, s23;
	v8 =	vbroadcast v6, $0x5;
	s26 =	spop (v2sf)  }
0x174: {  	[tilespmem:s23+$0xA000] =	vst v7;
	s23 =	sadd.s32 s26, s23;
	v7 =	vbroadcast v6, $0x6;
	s30 =	spop (v2sf)  }
0x175: {  	[tilespmem:s23+$0xA000] =	vst v8;
	s23 =	sadd.s32 s30, s23;
	v8 =	vbroadcast v6, $0x7;
	s31 =	spop (v2sf)  }
0x176: {  	[tilespmem:s23+$0xA000] =	vst v7;
	s23 =	sadd.s32 s31, s23;
	v7 =	vbroadcast v6, $0x8;
	s25 =	spop (v2sf)  }
0x177: {  	[tilespmem:s23+$0xA000] =	vst v8;
	s23 =	sadd.s32 s25, s23;
	v8 =	vbroadcast v6, $0x9;
	s26 =	spop (v2sf)  }
0x178: {  	[tilespmem:s23+$0xA000] =	vst v7;
	s23 =	sadd.s32 s26, s23;
	v7 =	vbroadcast v6, $0xA;
	s30 =	spop (v2sf)  }
0x179: {  	[tilespmem:s23+$0xA000] =	vst v8;
	s23 =	sadd.s32 s30, s23;
	v8 =	vbroadcast v6, $0xB;
	s31 =	spop (v2sf)  }
0x17a: {  	[tilespmem:s23+$0xA000] =	vst v7;
	s23 =	sadd.s32 s31, s23;
	v7 =	vbroadcast v6, $0xC;
	s25 =	spop (v2sf)  }
0x17b: {  	[tilespmem:s23+$0xA000] =	vst v8;
	s23 =	sadd.s32 s25, s23;
	v8 =	vbroadcast v6, $0xD;
	s26 =	spop (v2sf)  }
0x17c: {  	[tilespmem:s23+$0xA000] =	vst v7;
	s24 =	sadd.s32 s26, s23;
	v7 =	vbroadcast v6, $0xE;
	s30 =	spop (v2sf)  }
0x17d: {  	s29 =	simm.s32 $0x400;
	[tilespmem:s24+$0xA000] =	vst v8;
	s24 =	sadd.s32 s30, s24;
	s31 =	spop (v2sf)  }
0x17e: {  	s23 =	simm.s32 $0x200;
	v6 =	vbroadcast v6, $0xF;
	[tilespmem:s24+$0xA000] =	vst v7;
	s26 =	sadd.s32 s31, s24;
	s28 =	spop (v2sf)  }
.LBB2_6:
0x17f: {  	s25 =	sshra.s32 s23, $0x2  }
0x180: {  	[tilespmem:s26+$0xA000] =	vst v6;
	s26 =	sadd.s32 s28, s26;
	s23 =	smov.u32 s29;
	s24 =	sadd.s32 $0x200, s29  }
0x181: {  	p0 =	sne.s32 s29, $0x13E00;
	v6 =	vld [tilespmem:s25+$0x5000];
	_ =	sdelay $0x1  }
0x182: {  	v7 =	vld [tilespmem:s25+$0x0];
	_ =	sdelay $0x2  }
0x183: {  	vm0 =	vge.s32 v6, v0;
	vm1 =	vlt.s32 v6, v1;
	v6 =	vsub.s32 v6, v0  }
0x184: {  	vm0 =	vmand vm0, vm1;
	v6 =	vshll.u32 v6, $0xE  }
0x185: {  	v8 =	vsel vm0, $0x1, v5;
	v6 =	vor.u32 v7, v6  }
0x186: {  	v7 =	vbroadcast v6, $0x0;
	(v2sf) =	vpush v8, $0x0  }
0x187: {  	(v2sf) =	vpush v8, $0x1  }
0x188: {  	(v2sf) =	vpush v8, $0x2  }
0x189: {  	(v2sf) =	vpush v8, $0x3  }
0x18a: {  	(v2sf) =	vpush v8, $0x4  }
0x18b: {  	(v2sf) =	vpush v8, $0x5  }
0x18c: {  	(v2sf) =	vpush v8, $0x6  }
0x18d: {  	(v2sf) =	vpush v8, $0x7  }
0x18e: {  	(v2sf) =	vpush v8, $0x8  }
0x18f: {  	(v2sf) =	vpush v8, $0x9  }
0x190: {  	(v2sf) =	vpush v8, $0xA  }
0x191: {  	(v2sf) =	vpush v8, $0xB  }
0x192: {  	(v2sf) =	vpush v8, $0xC  }
0x193: {  	(v2sf) =	vpush v8, $0xD  }
0x194: {  	(v2sf) =	vpush v8, $0xE  }
0x195: {  	v9 =	vbroadcast v6, $0x1;
	s28 =	spop (v2sf)  }
0x196: {  	[tilespmem:s26+$0xA000] =	vst v7;
	s26 =	sadd.s32 s26, s28;
	v7 =	vbroadcast v6, $0x2;
	s28 =	spop (v2sf)  }
0x197: {  	[tilespmem:s26+$0xA000] =	vst v9;
	s26 =	sadd.s32 s28, s26;
	v9 =	vbroadcast v6, $0x3;
	s28 =	spop (v2sf)  }
0x198: {  	[tilespmem:s26+$0xA000] =	vst v7;
	s26 =	sadd.s32 s28, s26;
	v7 =	vbroadcast v6, $0x4;
	s28 =	spop (v2sf)  }
0x199: {  	[tilespmem:s26+$0xA000] =	vst v9;
	s26 =	sadd.s32 s28, s26;
	v9 =	vbroadcast v6, $0x5;
	s28 =	spop (v2sf)  }
0x19a: {  	[tilespmem:s26+$0xA000] =	vst v7;
	s26 =	sadd.s32 s28, s26;
	v7 =	vbroadcast v6, $0x6;
	s28 =	spop (v2sf)  }
0x19b: {  	[tilespmem:s26+$0xA000] =	vst v9;
	s26 =	sadd.s32 s28, s26;
	v9 =	vbroadcast v6, $0x7;
	s28 =	spop (v2sf)  }
0x19c: {  	[tilespmem:s26+$0xA000] =	vst v7;
	s26 =	sadd.s32 s28, s26;
	v7 =	vbroadcast v6, $0x8;
	s28 =	spop (v2sf)  }
0x19d: {  	[tilespmem:s26+$0xA000] =	vst v9;
	s26 =	sadd.s32 s28, s26;
	v9 =	vbroadcast v6, $0x9;
	s28 =	spop (v2sf)  }
0x19e: {  	[tilespmem:s26+$0xA000] =	vst v7;
	s26 =	sadd.s32 s28, s26;
	v7 =	vbroadcast v6, $0xA;
	s28 =	spop (v2sf)  }
0x19f: {  	[tilespmem:s26+$0xA000] =	vst v9;
	s26 =	sadd.s32 s28, s26;
	v9 =	vbroadcast v6, $0xB;
	s28 =	spop (v2sf)  }
0x1a0: {  	[tilespmem:s26+$0xA000] =	vst v7;
	s26 =	sadd.s32 s28, s26;
	v7 =	vbroadcast v6, $0xC;
	s28 =	spop (v2sf)  }
0x1a1: {  	[tilespmem:s26+$0xA000] =	vst v9;
	s26 =	sadd.s32 s28, s26;
	v9 =	vbroadcast v6, $0xD;
	s28 =	spop (v2sf)  }
0x1a2: {  	[tilespmem:s26+$0xA000] =	vst v7;
	s26 =	sadd.s32 s28, s26;
	v7 =	vbroadcast v6, $0xE;
	s28 =	spop (v2sf)  }
0x1a3: {  	v6 =	vbroadcast v6, $0xF;
	[tilespmem:s26+$0xA000] =	vst v9;
	s26 =	sadd.s32 s28, s26;
	s28 =	spop (v2sf)  }
0x1a4: {  	[tilespmem:s26+$0xA000] =	vst v7;
	s26 =	sadd.s32 s28, s26  }
0x1a5: {  	[tilespmem:s26+$0xA000] =	vst v6  }
0x1a6: {  	v6 =	vld [tilespmem:s25+$0x5010];
	_ =	sdelay $0x1  }
0x1a7: {  	v7 =	vld [tilespmem:s25+$0x10];
	_ =	sdelay $0x2  }
0x1a8: {  	vm0 =	vge.s32 v6, v0;
	vm1 =	vlt.s32 v6, v1;
	v6 =	vsub.s32 v6, v0  }
0x1a9: {  	vm0 =	vmand vm0, vm1;
	v9 =	vshll.u32 v6, $0xE  }
0x1aa: {  	v6 =	vsel vm0, $0x1, v5;
	v7 =	vor.u32 v7, v9;
	(v2sf) =	vpush v8, $0xF  }
0x1ab: {  	v8 =	vbroadcast v7, $0x0;
	(v2sf) =	vpush v6, $0x0  }
0x1ac: {  	(v2sf) =	vpush v6, $0x1  }
0x1ad: {  	(v2sf) =	vpush v6, $0x2  }
0x1ae: {  	(v2sf) =	vpush v6, $0x3  }
0x1af: {  	(v2sf) =	vpush v6, $0x4  }
0x1b0: {  	(v2sf) =	vpush v6, $0x5  }
0x1b1: {  	(v2sf) =	vpush v6, $0x6  }
0x1b2: {  	(v2sf) =	vpush v6, $0x7  }
0x1b3: {  	(v2sf) =	vpush v6, $0x8  }
0x1b4: {  	(v2sf) =	vpush v6, $0x9  }
0x1b5: {  	(v2sf) =	vpush v6, $0xA  }
0x1b6: {  	(v2sf) =	vpush v6, $0xB  }
0x1b7: {  	(v2sf) =	vpush v6, $0xC  }
0x1b8: {  	(v2sf) =	vpush v6, $0xD  }
0x1b9: {  	s28 =	spop (v2sf);
	(v2sf) =	vpush v6, $0xE  }
0x1ba: {  	v9 =	vbroadcast v7, $0x1;
	s26 =	sadd.s32 s28, s26;
	s28 =	spop (v2sf)  }
0x1bb: {  	[tilespmem:s26+$0xA000] =	vst v8;
	s26 =	sadd.s32 s26, s28;
	v8 =	vbroadcast v7, $0x2;
	s28 =	spop (v2sf)  }
0x1bc: {  	[tilespmem:s26+$0xA000] =	vst v9;
	s26 =	sadd.s32 s28, s26;
	v9 =	vbroadcast v7, $0x3;
	s28 =	spop (v2sf)  }
0x1bd: {  	[tilespmem:s26+$0xA000] =	vst v8;
	s26 =	sadd.s32 s28, s26;
	v8 =	vbroadcast v7, $0x4;
	s28 =	spop (v2sf)  }
0x1be: {  	[tilespmem:s26+$0xA000] =	vst v9;
	s26 =	sadd.s32 s28, s26;
	v9 =	vbroadcast v7, $0x5;
	s28 =	spop (v2sf)  }
0x1bf: {  	[tilespmem:s26+$0xA000] =	vst v8;
	s26 =	sadd.s32 s28, s26;
	v8 =	vbroadcast v7, $0x6;
	s28 =	spop (v2sf)  }
0x1c0: {  	[tilespmem:s26+$0xA000] =	vst v9;
	s26 =	sadd.s32 s28, s26;
	v9 =	vbroadcast v7, $0x7;
	s28 =	spop (v2sf)  }
0x1c1: {  	[tilespmem:s26+$0xA000] =	vst v8;
	s26 =	sadd.s32 s28, s26;
	v8 =	vbroadcast v7, $0x8;
	s28 =	spop (v2sf)  }
0x1c2: {  	[tilespmem:s26+$0xA000] =	vst v9;
	s26 =	sadd.s32 s28, s26;
	v9 =	vbroadcast v7, $0x9;
	s28 =	spop (v2sf)  }
0x1c3: {  	[tilespmem:s26+$0xA000] =	vst v8;
	s26 =	sadd.s32 s28, s26;
	v8 =	vbroadcast v7, $0xA;
	s28 =	spop (v2sf)  }
0x1c4: {  	[tilespmem:s26+$0xA000] =	vst v9;
	s26 =	sadd.s32 s28, s26;
	v9 =	vbroadcast v7, $0xB;
	s28 =	spop (v2sf)  }
0x1c5: {  	[tilespmem:s26+$0xA000] =	vst v8;
	s26 =	sadd.s32 s28, s26;
	v8 =	vbroadcast v7, $0xC;
	s28 =	spop (v2sf)  }
0x1c6: {  	[tilespmem:s26+$0xA000] =	vst v9;
	s26 =	sadd.s32 s28, s26;
	v9 =	vbroadcast v7, $0xD;
	s28 =	spop (v2sf)  }
0x1c7: {  	[tilespmem:s26+$0xA000] =	vst v8;
	s26 =	sadd.s32 s28, s26;
	v8 =	vbroadcast v7, $0xE;
	s28 =	spop (v2sf)  }
0x1c8: {  	v7 =	vbroadcast v7, $0xF;
	[tilespmem:s26+$0xA000] =	vst v9;
	s26 =	sadd.s32 s28, s26;
	s28 =	spop (v2sf)  }
0x1c9: {  	[tilespmem:s26+$0xA000] =	vst v8;
	s26 =	sadd.s32 s28, s26  }
0x1ca: {  	[tilespmem:s26+$0xA000] =	vst v7  }
0x1cb: {  	v7 =	vld [tilespmem:s25+$0x5020];
	_ =	sdelay $0x1  }
0x1cc: {  	v8 =	vld [tilespmem:s25+$0x20];
	_ =	sdelay $0x2  }
0x1cd: {  	vm0 =	vge.s32 v7, v0;
	vm1 =	vlt.s32 v7, v1;
	v7 =	vsub.s32 v7, v0  }
0x1ce: {  	vm0 =	vmand vm0, vm1;
	v9 =	vshll.u32 v7, $0xE  }
0x1cf: {  	v7 =	vsel vm0, $0x1, v5;
	v8 =	vor.u32 v8, v9;
	(v2sf) =	vpush v6, $0xF  }
0x1d0: {  	v6 =	vbroadcast v8, $0x0;
	(v2sf) =	vpush v7, $0x0  }
0x1d1: {  	(v2sf) =	vpush v7, $0x1  }
0x1d2: {  	(v2sf) =	vpush v7, $0x2  }
0x1d3: {  	(v2sf) =	vpush v7, $0x3  }
0x1d4: {  	(v2sf) =	vpush v7, $0x4  }
0x1d5: {  	(v2sf) =	vpush v7, $0x5  }
0x1d6: {  	(v2sf) =	vpush v7, $0x6  }
0x1d7: {  	(v2sf) =	vpush v7, $0x7  }
0x1d8: {  	(v2sf) =	vpush v7, $0x8  }
0x1d9: {  	(v2sf) =	vpush v7, $0x9  }
0x1da: {  	(v2sf) =	vpush v7, $0xA  }
0x1db: {  	(v2sf) =	vpush v7, $0xB  }
0x1dc: {  	(v2sf) =	vpush v7, $0xC  }
0x1dd: {  	(v2sf) =	vpush v7, $0xD  }
0x1de: {  	s28 =	spop (v2sf);
	(v2sf) =	vpush v7, $0xE  }
0x1df: {  	v9 =	vbroadcast v8, $0x1;
	s26 =	sadd.s32 s28, s26;
	s28 =	spop (v2sf)  }
0x1e0: {  	[tilespmem:s26+$0xA000] =	vst v6;
	s26 =	sadd.s32 s26, s28;
	v6 =	vbroadcast v8, $0x2;
	s28 =	spop (v2sf)  }
0x1e1: {  	[tilespmem:s26+$0xA000] =	vst v9;
	s26 =	sadd.s32 s28, s26;
	v9 =	vbroadcast v8, $0x3;
	s28 =	spop (v2sf)  }
0x1e2: {  	[tilespmem:s26+$0xA000] =	vst v6;
	s26 =	sadd.s32 s28, s26;
	v6 =	vbroadcast v8, $0x4;
	s28 =	spop (v2sf)  }
0x1e3: {  	[tilespmem:s26+$0xA000] =	vst v9;
	s26 =	sadd.s32 s28, s26;
	v9 =	vbroadcast v8, $0x5;
	s28 =	spop (v2sf)  }
0x1e4: {  	[tilespmem:s26+$0xA000] =	vst v6;
	s26 =	sadd.s32 s28, s26;
	v6 =	vbroadcast v8, $0x6;
	s28 =	spop (v2sf)  }
0x1e5: {  	[tilespmem:s26+$0xA000] =	vst v9;
	s26 =	sadd.s32 s28, s26;
	v9 =	vbroadcast v8, $0x7;
	s28 =	spop (v2sf)  }
0x1e6: {  	[tilespmem:s26+$0xA000] =	vst v6;
	s26 =	sadd.s32 s28, s26;
	v6 =	vbroadcast v8, $0x8;
	s28 =	spop (v2sf)  }
0x1e7: {  	[tilespmem:s26+$0xA000] =	vst v9;
	s26 =	sadd.s32 s28, s26;
	v9 =	vbroadcast v8, $0x9;
	s28 =	spop (v2sf)  }
0x1e8: {  	[tilespmem:s26+$0xA000] =	vst v6;
	s26 =	sadd.s32 s28, s26;
	v6 =	vbroadcast v8, $0xA;
	s28 =	spop (v2sf)  }
0x1e9: {  	[tilespmem:s26+$0xA000] =	vst v9;
	s26 =	sadd.s32 s28, s26;
	v9 =	vbroadcast v8, $0xB;
	s28 =	spop (v2sf)  }
0x1ea: {  	[tilespmem:s26+$0xA000] =	vst v6;
	s26 =	sadd.s32 s28, s26;
	v6 =	vbroadcast v8, $0xC;
	s28 =	spop (v2sf)  }
0x1eb: {  	[tilespmem:s26+$0xA000] =	vst v9;
	s26 =	sadd.s32 s28, s26;
	v9 =	vbroadcast v8, $0xD;
	s28 =	spop (v2sf)  }
0x1ec: {  	[tilespmem:s26+$0xA000] =	vst v6;
	s26 =	sadd.s32 s28, s26;
	v6 =	vbroadcast v8, $0xE;
	s28 =	spop (v2sf)  }
0x1ed: {  	v8 =	vbroadcast v8, $0xF;
	[tilespmem:s26+$0xA000] =	vst v9;
	s26 =	sadd.s32 s28, s26;
	s28 =	spop (v2sf)  }
0x1ee: {  	[tilespmem:s26+$0xA000] =	vst v6;
	s26 =	sadd.s32 s28, s26  }
0x1ef: {  	[tilespmem:s26+$0xA000] =	vst v8  }
0x1f0: {  	v6 =	vld [tilespmem:s25+$0x5030];
	_ =	sdelay $0x1  }
0x1f1: {  	v8 =	vld [tilespmem:s25+$0x30];
	_ =	sdelay $0x2  }
0x1f2: {  	vm0 =	vge.s32 v6, v0;
	vm1 =	vlt.s32 v6, v1;
	v6 =	vsub.s32 v6, v0  }
0x1f3: {  	vm0 =	vmand vm0, vm1;
	v6 =	vshll.u32 v6, $0xE  }
0x1f4: {  	v9 =	vsel vm0, $0x1, v5;
	v6 =	vor.u32 v8, v6;
	(v2sf) =	vpush v7, $0xF  }
0x1f5: {  	v7 =	vbroadcast v6, $0x0;
	(v2sf) =	vpush v9, $0x0  }
0x1f6: {  	(v2sf) =	vpush v9, $0x1  }
0x1f7: {  	(v2sf) =	vpush v9, $0x2  }
0x1f8: {  	(v2sf) =	vpush v9, $0x3  }
0x1f9: {  	(v2sf) =	vpush v9, $0x4  }
0x1fa: {  	(v2sf) =	vpush v9, $0x5  }
0x1fb: {  	(v2sf) =	vpush v9, $0x6  }
0x1fc: {  	(v2sf) =	vpush v9, $0x7  }
0x1fd: {  	(v2sf) =	vpush v9, $0x8  }
0x1fe: {  	(v2sf) =	vpush v9, $0x9  }
0x1ff: {  	(v2sf) =	vpush v9, $0xA  }
0x200: {  	(v2sf) =	vpush v9, $0xB  }
0x201: {  	(v2sf) =	vpush v9, $0xC  }
0x202: {  	(v2sf) =	vpush v9, $0xD  }
0x203: {  	s28 =	spop (v2sf);
	(v2sf) =	vpush v9, $0xE  }
0x204: {  	v8 =	vbroadcast v6, $0x1;
	s26 =	sadd.s32 s28, s26;
	s28 =	spop (v2sf)  }
0x205: {  	[tilespmem:s26+$0xA000] =	vst v7;
	s26 =	sadd.s32 s26, s28;
	v7 =	vbroadcast v6, $0x2;
	s28 =	spop (v2sf)  }
0x206: {  	[tilespmem:s26+$0xA000] =	vst v8;
	s26 =	sadd.s32 s28, s26;
	v8 =	vbroadcast v6, $0x3;
	s28 =	spop (v2sf)  }
0x207: {  	[tilespmem:s26+$0xA000] =	vst v7;
	s26 =	sadd.s32 s28, s26;
	v7 =	vbroadcast v6, $0x4;
	s28 =	spop (v2sf)  }
0x208: {  	[tilespmem:s26+$0xA000] =	vst v8;
	s26 =	sadd.s32 s28, s26;
	v8 =	vbroadcast v6, $0x5;
	s28 =	spop (v2sf)  }
0x209: {  	[tilespmem:s26+$0xA000] =	vst v7;
	s26 =	sadd.s32 s28, s26;
	v7 =	vbroadcast v6, $0x6;
	s28 =	spop (v2sf)  }
0x20a: {  	[tilespmem:s26+$0xA000] =	vst v8;
	s26 =	sadd.s32 s28, s26;
	v8 =	vbroadcast v6, $0x7;
	s28 =	spop (v2sf)  }
0x20b: {  	[tilespmem:s26+$0xA000] =	vst v7;
	s26 =	sadd.s32 s28, s26;
	v7 =	vbroadcast v6, $0x8;
	s28 =	spop (v2sf)  }
0x20c: {  	[tilespmem:s26+$0xA000] =	vst v8;
	s26 =	sadd.s32 s28, s26;
	v8 =	vbroadcast v6, $0x9;
	s28 =	spop (v2sf)  }
0x20d: {  	[tilespmem:s26+$0xA000] =	vst v7;
	s26 =	sadd.s32 s28, s26;
	v7 =	vbroadcast v6, $0xA;
	s28 =	spop (v2sf)  }
0x20e: {  	[tilespmem:s26+$0xA000] =	vst v8;
	s26 =	sadd.s32 s28, s26;
	v8 =	vbroadcast v6, $0xB;
	s28 =	spop (v2sf);
	(v2sf) =	vpush v9, $0xF  }
0x20f: {  	[tilespmem:s26+$0xA000] =	vst v7;
	s26 =	sadd.s32 s28, s26;
	v7 =	vbroadcast v6, $0xC;
	s28 =	spop (v2sf)  }
0x210: {  	[tilespmem:s26+$0xA000] =	vst v8;
	s26 =	sadd.s32 s28, s26;
	v8 =	vbroadcast v6, $0xD;
	s28 =	spop (v2sf)  }
0x211: {  	[tilespmem:s26+$0xA000] =	vst v7;
	s26 =	sadd.s32 s28, s26;
	v7 =	vbroadcast v6, $0xE;
	s28 =	spop (v2sf)  }
0x212: {  	v6 =	vbroadcast v6, $0xF;
	[tilespmem:s26+$0xA000] =	vst v8;
	s26 =	sadd.s32 s28, s26;
	s28 =	spop (v2sf)  }
0x213: {  	[tilespmem:s26+$0xA000] =	vst v7;
	s26 =	sadd.s32 s28, s26  }
0x214: {  	[tilespmem:s26+$0xA000] =	vst v6  }
0x215: {  	v6 =	vld [tilespmem:s25+$0x5040];
	_ =	sdelay $0x1  }
0x216: {  	v7 =	vld [tilespmem:s25+$0x40];
	_ =	sdelay $0x2  }
0x217: {  	vm0 =	vge.s32 v6, v0;
	vm1 =	vlt.s32 v6, v1;
	v6 =	vsub.s32 v6, v0  }
0x218: {  	vm0 =	vmand vm0, vm1;
	v6 =	vshll.u32 v6, $0xE  }
0x219: {  	v8 =	vsel vm0, $0x1, v5;
	v6 =	vor.u32 v7, v6  }
0x21a: {  	v7 =	vbroadcast v6, $0x0;
	s28 =	spop (v2sf);
	(v2sf) =	vpush v8, $0x0  }
0x21b: {  	s26 =	sadd.s32 s28, s26;
	(v2sf) =	vpush v8, $0x1  }
0x21c: {  	[tilespmem:s26+$0xA000] =	vst v7;
	(v2sf) =	vpush v8, $0x2  }
0x21d: {  	(v2sf) =	vpush v8, $0x3  }
0x21e: {  	(v2sf) =	vpush v8, $0x4  }
0x21f: {  	(v2sf) =	vpush v8, $0x5  }
0x220: {  	(v2sf) =	vpush v8, $0x6  }
0x221: {  	(v2sf) =	vpush v8, $0x7  }
0x222: {  	(v2sf) =	vpush v8, $0x8  }
0x223: {  	(v2sf) =	vpush v8, $0x9  }
0x224: {  	(v2sf) =	vpush v8, $0xA  }
0x225: {  	(v2sf) =	vpush v8, $0xB  }
0x226: {  	(v2sf) =	vpush v8, $0xC  }
0x227: {  	(v2sf) =	vpush v8, $0xD  }
0x228: {  	(v2sf) =	vpush v8, $0xE  }
0x229: {  	v7 =	vbroadcast v6, $0x1;
	s28 =	spop (v2sf)  }
0x22a: {  	v9 =	vbroadcast v6, $0x2;
	s26 =	sadd.s32 s26, s28;
	s28 =	spop (v2sf)  }
0x22b: {  	[tilespmem:s26+$0xA000] =	vst v7;
	s26 =	sadd.s32 s28, s26;
	v7 =	vbroadcast v6, $0x3;
	s28 =	spop (v2sf)  }
0x22c: {  	[tilespmem:s26+$0xA000] =	vst v9;
	s26 =	sadd.s32 s28, s26;
	v9 =	vbroadcast v6, $0x4;
	s28 =	spop (v2sf)  }
0x22d: {  	[tilespmem:s26+$0xA000] =	vst v7;
	s26 =	sadd.s32 s28, s26;
	v7 =	vbroadcast v6, $0x5;
	s28 =	spop (v2sf)  }
0x22e: {  	[tilespmem:s26+$0xA000] =	vst v9;
	s26 =	sadd.s32 s28, s26;
	v9 =	vbroadcast v6, $0x6;
	s28 =	spop (v2sf)  }
0x22f: {  	[tilespmem:s26+$0xA000] =	vst v7;
	s26 =	sadd.s32 s28, s26;
	v7 =	vbroadcast v6, $0x7;
	s28 =	spop (v2sf)  }
0x230: {  	[tilespmem:s26+$0xA000] =	vst v9;
	s26 =	sadd.s32 s28, s26;
	v9 =	vbroadcast v6, $0x8;
	s28 =	spop (v2sf)  }
0x231: {  	[tilespmem:s26+$0xA000] =	vst v7;
	s26 =	sadd.s32 s28, s26;
	v7 =	vbroadcast v6, $0x9;
	s28 =	spop (v2sf)  }
0x232: {  	[tilespmem:s26+$0xA000] =	vst v9;
	s26 =	sadd.s32 s28, s26;
	v9 =	vbroadcast v6, $0xA;
	s28 =	spop (v2sf)  }
0x233: {  	[tilespmem:s26+$0xA000] =	vst v7;
	s26 =	sadd.s32 s28, s26;
	v7 =	vbroadcast v6, $0xB;
	s28 =	spop (v2sf);
	(v2sf) =	vpush v8, $0xF  }
0x234: {  	v8 =	vbroadcast v6, $0xC;
	[tilespmem:s26+$0xA000] =	vst v9;
	s26 =	sadd.s32 s28, s26;
	s28 =	spop (v2sf)  }
0x235: {  	[tilespmem:s26+$0xA000] =	vst v7;
	s26 =	sadd.s32 s28, s26;
	v7 =	vbroadcast v6, $0xD;
	s28 =	spop (v2sf)  }
0x236: {  	[tilespmem:s26+$0xA000] =	vst v8;
	s26 =	sadd.s32 s28, s26;
	v8 =	vbroadcast v6, $0xE;
	s28 =	spop (v2sf)  }
0x237: {  	v6 =	vbroadcast v6, $0xF;
	[tilespmem:s26+$0xA000] =	vst v7;
	s26 =	sadd.s32 s28, s26;
	s28 =	spop (v2sf)  }
0x238: {  	[tilespmem:s26+$0xA000] =	vst v8;
	s26 =	sadd.s32 s28, s26  }
0x239: {  	[tilespmem:s26+$0xA000] =	vst v6  }
0x23a: {  	v6 =	vld [tilespmem:s25+$0x5050]  }
0x23b: {  	v7 =	vld [tilespmem:s25+$0x50];
	_ =	sdelay $0x3  }
0x23c: {  	vm0 =	vge.s32 v6, v0;
	vm1 =	vlt.s32 v6, v1;
	v6 =	vsub.s32 v6, v0  }
0x23d: {  	vm0 =	vmand vm0, vm1;
	v6 =	vshll.u32 v6, $0xE  }
0x23e: {  	v8 =	vsel vm0, $0x1, v5;
	v6 =	vor.u32 v7, v6  }
0x23f: {  	v7 =	vbroadcast v6, $0x0;
	s28 =	spop (v2sf);
	(v2sf) =	vpush v8, $0x0  }
0x240: {  	s26 =	sadd.s32 s28, s26;
	(v2sf) =	vpush v8, $0x1  }
0x241: {  	[tilespmem:s26+$0xA000] =	vst v7;
	(v2sf) =	vpush v8, $0x2  }
0x242: {  	(v2sf) =	vpush v8, $0x3  }
0x243: {  	(v2sf) =	vpush v8, $0x4  }
0x244: {  	(v2sf) =	vpush v8, $0x5  }
0x245: {  	(v2sf) =	vpush v8, $0x6  }
0x246: {  	(v2sf) =	vpush v8, $0x7  }
0x247: {  	(v2sf) =	vpush v8, $0x8  }
0x248: {  	(v2sf) =	vpush v8, $0x9  }
0x249: {  	(v2sf) =	vpush v8, $0xA  }
0x24a: {  	(v2sf) =	vpush v8, $0xB  }
0x24b: {  	(v2sf) =	vpush v8, $0xC  }
0x24c: {  	(v2sf) =	vpush v8, $0xD  }
0x24d: {  	(v2sf) =	vpush v8, $0xE  }
0x24e: {  	v7 =	vbroadcast v6, $0x1;
	s28 =	spop (v2sf)  }
0x24f: {  	v9 =	vbroadcast v6, $0x2;
	s26 =	sadd.s32 s26, s28;
	s28 =	spop (v2sf)  }
0x250: {  	[tilespmem:s26+$0xA000] =	vst v7;
	s26 =	sadd.s32 s28, s26;
	v7 =	vbroadcast v6, $0x3;
	s28 =	spop (v2sf)  }
0x251: {  	[tilespmem:s26+$0xA000] =	vst v9;
	s26 =	sadd.s32 s28, s26;
	v9 =	vbroadcast v6, $0x4;
	s28 =	spop (v2sf)  }
0x252: {  	[tilespmem:s26+$0xA000] =	vst v7;
	s26 =	sadd.s32 s28, s26;
	v7 =	vbroadcast v6, $0x5;
	s28 =	spop (v2sf)  }
0x253: {  	[tilespmem:s26+$0xA000] =	vst v9;
	s26 =	sadd.s32 s28, s26;
	v9 =	vbroadcast v6, $0x6;
	s28 =	spop (v2sf)  }
0x254: {  	[tilespmem:s26+$0xA000] =	vst v7;
	s26 =	sadd.s32 s28, s26;
	v7 =	vbroadcast v6, $0x7;
	s28 =	spop (v2sf)  }
0x255: {  	[tilespmem:s26+$0xA000] =	vst v9;
	s26 =	sadd.s32 s28, s26;
	v9 =	vbroadcast v6, $0x8;
	s28 =	spop (v2sf)  }
0x256: {  	[tilespmem:s26+$0xA000] =	vst v7;
	s26 =	sadd.s32 s28, s26;
	v7 =	vbroadcast v6, $0x9;
	s28 =	spop (v2sf)  }
0x257: {  	[tilespmem:s26+$0xA000] =	vst v9;
	s26 =	sadd.s32 s28, s26;
	v9 =	vbroadcast v6, $0xA;
	s28 =	spop (v2sf)  }
0x258: {  	[tilespmem:s26+$0xA000] =	vst v7;
	s26 =	sadd.s32 s28, s26;
	v7 =	vbroadcast v6, $0xB;
	s28 =	spop (v2sf);
	(v2sf) =	vpush v8, $0xF  }
0x259: {  	v8 =	vbroadcast v6, $0xC;
	[tilespmem:s26+$0xA000] =	vst v9;
	s26 =	sadd.s32 s28, s26;
	s28 =	spop (v2sf)  }
0x25a: {  	[tilespmem:s26+$0xA000] =	vst v7;
	s26 =	sadd.s32 s28, s26;
	v7 =	vbroadcast v6, $0xD;
	s28 =	spop (v2sf)  }
0x25b: {  	[tilespmem:s26+$0xA000] =	vst v8;
	s26 =	sadd.s32 s28, s26;
	v8 =	vbroadcast v6, $0xE;
	s28 =	spop (v2sf)  }
0x25c: {  	v6 =	vbroadcast v6, $0xF;
	[tilespmem:s26+$0xA000] =	vst v7;
	s26 =	sadd.s32 s28, s26;
	s28 =	spop (v2sf)  }
0x25d: {  	[tilespmem:s26+$0xA000] =	vst v8;
	s26 =	sadd.s32 s28, s26  }
0x25e: {  	[tilespmem:s26+$0xA000] =	vst v6  }
0x25f: {  	v6 =	vld [tilespmem:s25+$0x5060]  }
0x260: {  	v7 =	vld [tilespmem:s25+$0x60];
	_ =	sdelay $0x3  }
0x261: {  	vm0 =	vge.s32 v6, v0;
	vm1 =	vlt.s32 v6, v1;
	v6 =	vsub.s32 v6, v0  }
0x262: {  	vm0 =	vmand vm0, vm1;
	v6 =	vshll.u32 v6, $0xE  }
0x263: {  	v8 =	vsel vm0, $0x1, v5;
	v6 =	vor.u32 v7, v6  }
0x264: {  	v7 =	vbroadcast v6, $0x0;
	s28 =	spop (v2sf);
	(v2sf) =	vpush v8, $0x0  }
0x265: {  	s26 =	sadd.s32 s28, s26;
	(v2sf) =	vpush v8, $0x1  }
0x266: {  	[tilespmem:s26+$0xA000] =	vst v7;
	(v2sf) =	vpush v8, $0x2  }
0x267: {  	(v2sf) =	vpush v8, $0x3  }
0x268: {  	(v2sf) =	vpush v8, $0x4  }
0x269: {  	(v2sf) =	vpush v8, $0x5  }
0x26a: {  	(v2sf) =	vpush v8, $0x6  }
0x26b: {  	(v2sf) =	vpush v8, $0x7  }
0x26c: {  	(v2sf) =	vpush v8, $0x8  }
0x26d: {  	(v2sf) =	vpush v8, $0x9  }
0x26e: {  	(v2sf) =	vpush v8, $0xA  }
0x26f: {  	(v2sf) =	vpush v8, $0xB  }
0x270: {  	(v2sf) =	vpush v8, $0xC  }
0x271: {  	(v2sf) =	vpush v8, $0xD  }
0x272: {  	(v2sf) =	vpush v8, $0xE  }
0x273: {  	v7 =	vbroadcast v6, $0x1;
	s28 =	spop (v2sf)  }
0x274: {  	v9 =	vbroadcast v6, $0x2;
	s26 =	sadd.s32 s26, s28;
	s28 =	spop (v2sf)  }
0x275: {  	[tilespmem:s26+$0xA000] =	vst v7;
	s26 =	sadd.s32 s28, s26;
	v7 =	vbroadcast v6, $0x3;
	s28 =	spop (v2sf)  }
0x276: {  	[tilespmem:s26+$0xA000] =	vst v9;
	s26 =	sadd.s32 s28, s26;
	v9 =	vbroadcast v6, $0x4;
	s28 =	spop (v2sf)  }
0x277: {  	[tilespmem:s26+$0xA000] =	vst v7;
	s26 =	sadd.s32 s28, s26;
	v7 =	vbroadcast v6, $0x5;
	s28 =	spop (v2sf)  }
0x278: {  	[tilespmem:s26+$0xA000] =	vst v9;
	s26 =	sadd.s32 s28, s26;
	v9 =	vbroadcast v6, $0x6;
	s28 =	spop (v2sf)  }
0x279: {  	[tilespmem:s26+$0xA000] =	vst v7;
	s26 =	sadd.s32 s28, s26;
	v7 =	vbroadcast v6, $0x7;
	s28 =	spop (v2sf)  }
0x27a: {  	[tilespmem:s26+$0xA000] =	vst v9;
	s26 =	sadd.s32 s28, s26;
	v9 =	vbroadcast v6, $0x8;
	s28 =	spop (v2sf)  }
0x27b: {  	[tilespmem:s26+$0xA000] =	vst v7;
	s26 =	sadd.s32 s28, s26;
	v7 =	vbroadcast v6, $0x9;
	s28 =	spop (v2sf)  }
0x27c: {  	[tilespmem:s26+$0xA000] =	vst v9;
	s26 =	sadd.s32 s28, s26;
	v9 =	vbroadcast v6, $0xA;
	s28 =	spop (v2sf)  }
0x27d: {  	[tilespmem:s26+$0xA000] =	vst v7;
	s26 =	sadd.s32 s28, s26;
	v7 =	vbroadcast v6, $0xB;
	s28 =	spop (v2sf);
	(v2sf) =	vpush v8, $0xF  }
0x27e: {  	v8 =	vbroadcast v6, $0xC;
	[tilespmem:s26+$0xA000] =	vst v9;
	s26 =	sadd.s32 s28, s26;
	s28 =	spop (v2sf)  }
0x27f: {  	[tilespmem:s26+$0xA000] =	vst v7;
	s26 =	sadd.s32 s28, s26;
	v7 =	vbroadcast v6, $0xD;
	s28 =	spop (v2sf)  }
0x280: {  	[tilespmem:s26+$0xA000] =	vst v8;
	s26 =	sadd.s32 s28, s26;
	v8 =	vbroadcast v6, $0xE;
	s28 =	spop (v2sf)  }
0x281: {  	v6 =	vbroadcast v6, $0xF;
	[tilespmem:s26+$0xA000] =	vst v7;
	s26 =	sadd.s32 s28, s26;
	s28 =	spop (v2sf)  }
0x282: {  	[tilespmem:s26+$0xA000] =	vst v8;
	s26 =	sadd.s32 s28, s26  }
0x283: {  	[tilespmem:s26+$0xA000] =	vst v6  }
0x284: {  	v6 =	vld [tilespmem:s25+$0x5070]  }
0x285: {  	v7 =	vld [tilespmem:s25+$0x70];
	_ =	sdelay $0x3  }
0x286: {  	vm0 =	vge.s32 v6, v0;
	vm1 =	vlt.s32 v6, v1;
	v6 =	vsub.s32 v6, v0  }
0x287: {  	vm0 =	vmand vm0, vm1;
	v6 =	vshll.u32 v6, $0xE  }
0x288: {  	v8 =	vsel vm0, $0x1, v5;
	v6 =	vor.u32 v7, v6  }
0x289: {  	v7 =	vbroadcast v6, $0x0;
	s25 =	spop (v2sf);
	(v2sf) =	vpush v8, $0x0  }
0x28a: {  	s25 =	sadd.s32 s25, s26;
	(v2sf) =	vpush v8, $0x1  }
0x28b: {  	[tilespmem:s25+$0xA000] =	vst v7;
	(v2sf) =	vpush v8, $0x2  }
0x28c: {  	(v2sf) =	vpush v8, $0x3  }
0x28d: {  	(v2sf) =	vpush v8, $0x4  }
0x28e: {  	(v2sf) =	vpush v8, $0x5  }
0x28f: {  	(v2sf) =	vpush v8, $0x6  }
0x290: {  	(v2sf) =	vpush v8, $0x7  }
0x291: {  	(v2sf) =	vpush v8, $0x8  }
0x292: {  	(v2sf) =	vpush v8, $0x9  }
0x293: {  	(v2sf) =	vpush v8, $0xA  }
0x294: {  	(v2sf) =	vpush v8, $0xB  }
0x295: {  	(v2sf) =	vpush v8, $0xC  }
0x296: {  	(v2sf) =	vpush v8, $0xD  }
0x297: {  	(v2sf) =	vpush v8, $0xE  }
0x298: {  	v7 =	vbroadcast v6, $0x1;
	s26 =	spop (v2sf);
	(v2sf) =	vpush v8, $0xF  }
0x299: {  	v8 =	vbroadcast v6, $0x2;
	s25 =	sadd.s32 s25, s26;
	s26 =	spop (v2sf)  }
0x29a: {  	[tilespmem:s25+$0xA000] =	vst v7;
	s25 =	sadd.s32 s26, s25;
	v7 =	vbroadcast v6, $0x3;
	s26 =	spop (v2sf)  }
0x29b: {  	[tilespmem:s25+$0xA000] =	vst v8;
	s25 =	sadd.s32 s26, s25;
	v8 =	vbroadcast v6, $0x4;
	s26 =	spop (v2sf)  }
0x29c: {  	[tilespmem:s25+$0xA000] =	vst v7;
	s25 =	sadd.s32 s26, s25;
	v7 =	vbroadcast v6, $0x5;
	s26 =	spop (v2sf)  }
0x29d: {  	[tilespmem:s25+$0xA000] =	vst v8;
	s25 =	sadd.s32 s26, s25;
	v8 =	vbroadcast v6, $0x6;
	s26 =	spop (v2sf)  }
0x29e: {  	[tilespmem:s25+$0xA000] =	vst v7;
	s25 =	sadd.s32 s26, s25;
	v7 =	vbroadcast v6, $0x7;
	s26 =	spop (v2sf)  }
0x29f: {  	[tilespmem:s25+$0xA000] =	vst v8;
	s25 =	sadd.s32 s26, s25;
	v8 =	vbroadcast v6, $0x8;
	s26 =	spop (v2sf)  }
0x2a0: {  	[tilespmem:s25+$0xA000] =	vst v7;
	s25 =	sadd.s32 s26, s25;
	v7 =	vbroadcast v6, $0x9;
	s26 =	spop (v2sf)  }
0x2a1: {  	[tilespmem:s25+$0xA000] =	vst v8;
	s25 =	sadd.s32 s26, s25;
	v8 =	vbroadcast v6, $0xA;
	s26 =	spop (v2sf)  }
0x2a2: {  	[tilespmem:s25+$0xA000] =	vst v7;
	s25 =	sadd.s32 s26, s25;
	v7 =	vbroadcast v6, $0xB;
	s26 =	spop (v2sf)  }
.Ltmp2:
0x2a3: {  	[tilespmem:s25+$0xA000] =	vst v8;
	s25 =	sadd.s32 s26, s25;
	v8 =	vbroadcast v6, $0xC;
	s26 =	spop (v2sf);
	(pc) =	sbr.rel @p0 .LBB2_6-.Ltmp2, $4  }
0x2a4: {  	[tilespmem:s25+$0xA000] =	vst v7;
	s25 =	sadd.s32 s26, s25;
	v7 =	vbroadcast v6, $0xD;
	s26 =	spop (v2sf)  }
0x2a5: {  	[tilespmem:s25+$0xA000] =	vst v8;
	s25 =	sadd.s32 s26, s25;
	v8 =	vbroadcast v6, $0xE;
	s26 =	spop (v2sf)  }
0x2a6: {  	v6 =	vbroadcast v6, $0xF;
	[tilespmem:s25+$0xA000] =	vst v7;
	s25 =	sadd.s32 s26, s25;
	s26 =	spop (v2sf)  }
0x2a7: {  	s29 =	smov.u32 s24;
	[tilespmem:s25+$0xA000] =	vst v8;
	s26 =	sadd.s32 s26, s25;
	s28 =	spop (v2sf)  }
0x2a8: {  	s23 =	sshra.s32 s23, $0x2;
	[tilespmem:s26+$0xA000] =	vst v6  }
0x2a9: {  	v6 =	vld [tilespmem:s23+$0x5000];
	_ =	sdelay $0x4  }
0x2aa: {  	vm0 =	vge.s32 v6, v0;
	vm1 =	vlt.s32 v6, v1  }
0x2ab: {  	vm0 =	vmand vm0, vm1  }
0x2ac: {  	v7 =	vsel vm0, $0x1, v5  }
0x2ad: {  	(v2sf) =	vpush v7, $0x0  }
0x2ae: {  	(v2sf) =	vpush v7, $0x1  }
0x2af: {  	(v2sf) =	vpush v7, $0x2  }
0x2b0: {  	(v2sf) =	vpush v7, $0x3  }
0x2b1: {  	(v2sf) =	vpush v7, $0x4  }
0x2b2: {  	(v2sf) =	vpush v7, $0x5  }
0x2b3: {  	(v2sf) =	vpush v7, $0x6  }
0x2b4: {  	(v2sf) =	vpush v7, $0x7  }
0x2b5: {  	v8 =	vld [tilespmem:s23+$0x0];
	(v2sf) =	vpush v7, $0x8  }
0x2b6: {  	(v2sf) =	vpush v7, $0x9  }
0x2b7: {  	(v2sf) =	vpush v7, $0xA  }
0x2b8: {  	v6 =	vsub.s32 v6, v0;
	(v2sf) =	vpush v7, $0xB  }
0x2b9: {  	v6 =	vshll.u32 v6, $0xE;
	(v2sf) =	vpush v7, $0xC  }
0x2ba: {  	v6 =	vor.u32 v8, v6;
	(v2sf) =	vpush v7, $0xD  }
0x2bb: {  	v8 =	vbroadcast v6, $0x0;
	(v2sf) =	vpush v7, $0xE  }
0x2bc: {  	s24 =	sadd.s32 s28, s26;
	v9 =	vbroadcast v6, $0x1;
	s25 =	spop (v2sf)  }
0x2bd: {  	v22 =	vbroadcast v6, $0x2;
	[tilespmem:s24+$0xA000] =	vst v8;
	s24 =	sadd.s32 s24, s25;
	s26 =	spop (v2sf)  }
0x2be: {  	v23 =	vbroadcast v6, $0x3;
	[tilespmem:s24+$0xA000] =	vst v9;
	s24 =	sadd.s32 s26, s24;
	s28 =	spop (v2sf)  }
0x2bf: {  	v24 =	vbroadcast v6, $0x4;
	[tilespmem:s24+$0xA000] =	vst v22;
	s24 =	sadd.s32 s28, s24;
	s29 =	spop (v2sf)  }
0x2c0: {  	v25 =	vbroadcast v6, $0x5;
	[tilespmem:s24+$0xA000] =	vst v23;
	s24 =	sadd.s32 s29, s24;
	s30 =	spop (v2sf)  }
0x2c1: {  	v26 =	vbroadcast v6, $0x6;
	[tilespmem:s24+$0xA000] =	vst v24;
	s24 =	sadd.s32 s30, s24;
	s31 =	spop (v2sf)  }
0x2c2: {  	v27 =	vbroadcast v6, $0x7;
	[tilespmem:s24+$0xA000] =	vst v25;
	s24 =	sadd.s32 s31, s24;
	s26 =	spop (v2sf)  }
0x2c3: {  	v28 =	vbroadcast v6, $0x8;
	[tilespmem:s24+$0xA000] =	vst v26;
	s24 =	sadd.s32 s26, s24;
	s28 =	spop (v2sf)  }
0x2c4: {  	v29 =	vbroadcast v6, $0x9;
	[tilespmem:s24+$0xA000] =	vst v27;
	s24 =	sadd.s32 s28, s24;
	s29 =	spop (v2sf)  }
0x2c5: {  	v30 =	vbroadcast v6, $0xA;
	[tilespmem:s24+$0xA000] =	vst v28;
	s24 =	sadd.s32 s29, s24;
	s30 =	spop (v2sf)  }
0x2c6: {  	v31 =	vbroadcast v6, $0xB;
	[tilespmem:s24+$0xA000] =	vst v29;
	s24 =	sadd.s32 s30, s24;
	s31 =	spop (v2sf)  }
0x2c7: {  	v32 =	vbroadcast v6, $0xC;
	[tilespmem:s24+$0xA000] =	vst v30;
	s24 =	sadd.s32 s31, s24;
	s26 =	spop (v2sf)  }
0x2c8: {  	v33 =	vbroadcast v6, $0xD;
	[tilespmem:s24+$0xA000] =	vst v31;
	s24 =	sadd.s32 s26, s24;
	s28 =	spop (v2sf)  }
0x2c9: {  	v34 =	vbroadcast v6, $0xE;
	[tilespmem:s24+$0xA000] =	vst v32;
	s24 =	sadd.s32 s28, s24;
	s29 =	spop (v2sf)  }
0x2ca: {  	v6 =	vbroadcast v6, $0xF;
	[tilespmem:s24+$0xA000] =	vst v33;
	s24 =	sadd.s32 s29, s24;
	s30 =	spop (v2sf)  }
0x2cb: {  	[tilespmem:s24+$0xA000] =	vst v34;
	s24 =	sadd.s32 s30, s24  }
0x2cc: {  	[tilespmem:s24+$0xA000] =	vst v6  }
0x2cd: {  	v6 =	vld [tilespmem:s23+$0x5010];
	_ =	sdelay $0x4  }
0x2ce: {  	vm14 =	vge.s32 v6, v0;
	vm15 =	vlt.s32 v6, v1  }
0x2cf: {  	vm0 =	vmand vm14, vm15  }
0x2d0: {  	(v2sf) =	vpush v7, $0xF;
	v35 =	vsel vm0, $0x1, v5  }
0x2d1: {  	(v2sf) =	vpush v35, $0x0  }
0x2d2: {  	(v2sf) =	vpush v35, $0x1  }
0x2d3: {  	(v2sf) =	vpush v35, $0x2  }
0x2d4: {  	(v2sf) =	vpush v35, $0x3  }
0x2d5: {  	(v2sf) =	vpush v35, $0x4  }
0x2d6: {  	(v2sf) =	vpush v35, $0x5  }
0x2d7: {  	(v2sf) =	vpush v35, $0x6  }
0x2d8: {  	(v2sf) =	vpush v35, $0x7  }
0x2d9: {  	v7 =	vld [tilespmem:s23+$0x10];
	(v2sf) =	vpush v35, $0x8  }
0x2da: {  	(v2sf) =	vpush v35, $0x9  }
0x2db: {  	(v2sf) =	vpush v35, $0xA  }
0x2dc: {  	v6 =	vsub.s32 v6, v0;
	(v2sf) =	vpush v35, $0xB  }
0x2dd: {  	v6 =	vshll.u32 v6, $0xE;
	(v2sf) =	vpush v35, $0xC  }
0x2de: {  	v6 =	vor.u32 v7, v6;
	(v2sf) =	vpush v35, $0xD  }
0x2df: {  	s31 =	spop (v2sf);
	v7 =	vbroadcast v6, $0x0;
	(v2sf) =	vpush v35, $0xE  }
0x2e0: {  	s24 =	sadd.s32 s31, s24;
	v36 =	vbroadcast v6, $0x1;
	s26 =	spop (v2sf)  }
0x2e1: {  	[tilespmem:s24+$0xA000] =	vst v7;
	v7 =	vbroadcast v6, $0x2;
	s24 =	sadd.s32 s24, s26;
	s28 =	spop (v2sf)  }
0x2e2: {  	v37 =	vbroadcast v6, $0x3;
	[tilespmem:s24+$0xA000] =	vst v36;
	s24 =	sadd.s32 s28, s24;
	s29 =	spop (v2sf)  }
0x2e3: {  	[tilespmem:s24+$0xA000] =	vst v7;
	s24 =	sadd.s32 s29, s24;
	v7 =	vbroadcast v6, $0x4;
	s30 =	spop (v2sf)  }
0x2e4: {  	v38 =	vbroadcast v6, $0x5;
	[tilespmem:s24+$0xA000] =	vst v37;
	s24 =	sadd.s32 s30, s24;
	s31 =	spop (v2sf)  }
0x2e5: {  	[tilespmem:s24+$0xA000] =	vst v7;
	s24 =	sadd.s32 s31, s24;
	v7 =	vbroadcast v6, $0x6;
	s26 =	spop (v2sf)  }
0x2e6: {  	v39 =	vbroadcast v6, $0x7;
	[tilespmem:s24+$0xA000] =	vst v38;
	s24 =	sadd.s32 s26, s24;
	s28 =	spop (v2sf)  }
0x2e7: {  	[tilespmem:s24+$0xA000] =	vst v7;
	s24 =	sadd.s32 s28, s24;
	v7 =	vbroadcast v6, $0x8;
	s29 =	spop (v2sf)  }
0x2e8: {  	v40 =	vbroadcast v6, $0x9;
	[tilespmem:s24+$0xA000] =	vst v39;
	s24 =	sadd.s32 s29, s24;
	s30 =	spop (v2sf)  }
0x2e9: {  	[tilespmem:s24+$0xA000] =	vst v7;
	s24 =	sadd.s32 s30, s24;
	v7 =	vbroadcast v6, $0xA;
	s31 =	spop (v2sf)  }
0x2ea: {  	v41 =	vbroadcast v6, $0xB;
	[tilespmem:s24+$0xA000] =	vst v40;
	s24 =	sadd.s32 s31, s24;
	s26 =	spop (v2sf)  }
0x2eb: {  	[tilespmem:s24+$0xA000] =	vst v7;
	s24 =	sadd.s32 s26, s24;
	v7 =	vbroadcast v6, $0xC;
	s28 =	spop (v2sf)  }
0x2ec: {  	v42 =	vbroadcast v6, $0xD;
	[tilespmem:s24+$0xA000] =	vst v41;
	s24 =	sadd.s32 s28, s24;
	s29 =	spop (v2sf)  }
0x2ed: {  	[tilespmem:s24+$0xA000] =	vst v7;
	s24 =	sadd.s32 s29, s24;
	v7 =	vbroadcast v6, $0xE;
	s30 =	spop (v2sf)  }
0x2ee: {  	v6 =	vbroadcast v6, $0xF;
	[tilespmem:s24+$0xA000] =	vst v42;
	s24 =	sadd.s32 s30, s24;
	s31 =	spop (v2sf)  }
0x2ef: {  	[tilespmem:s24+$0xA000] =	vst v7;
	s24 =	sadd.s32 s31, s24  }
0x2f0: {  	[tilespmem:s24+$0xA000] =	vst v6  }
0x2f1: {  	v6 =	vld [tilespmem:s23+$0x5020];
	_ =	sdelay $0x4  }
0x2f2: {  	vm4 =	vge.s32 v6, v0;
	vm5 =	vlt.s32 v6, v1  }
0x2f3: {  	vm0 =	vmand vm4, vm5  }
0x2f4: {  	(v2sf) =	vpush v35, $0xF;
	v7 =	vsel vm0, $0x1, v5  }
0x2f5: {  	(v2sf) =	vpush v7, $0x0  }
0x2f6: {  	(v2sf) =	vpush v7, $0x1  }
0x2f7: {  	(v2sf) =	vpush v7, $0x2  }
0x2f8: {  	(v2sf) =	vpush v7, $0x3  }
0x2f9: {  	(v2sf) =	vpush v7, $0x4  }
0x2fa: {  	(v2sf) =	vpush v7, $0x5  }
0x2fb: {  	(v2sf) =	vpush v7, $0x6  }
0x2fc: {  	(v2sf) =	vpush v7, $0x7  }
0x2fd: {  	v43 =	vld [tilespmem:s23+$0x20];
	(v2sf) =	vpush v7, $0x8  }
0x2fe: {  	(v2sf) =	vpush v7, $0x9  }
0x2ff: {  	(v2sf) =	vpush v7, $0xA  }
0x300: {  	v6 =	vsub.s32 v6, v0;
	(v2sf) =	vpush v7, $0xB  }
0x301: {  	v6 =	vshll.u32 v6, $0xE;
	(v2sf) =	vpush v7, $0xC  }
0x302: {  	v6 =	vor.u32 v43, v6;
	(v2sf) =	vpush v7, $0xD  }
0x303: {  	v8 =	vbroadcast v6, $0x0;
	s26 =	spop (v2sf);
	(v2sf) =	vpush v7, $0xE  }
0x304: {  	v44 =	vbroadcast v6, $0x1;
	s24 =	sadd.s32 s26, s24;
	s28 =	spop (v2sf)  }
0x305: {  	v45 =	vbroadcast v6, $0x2;
	[tilespmem:s24+$0xA000] =	vst v8;
	s24 =	sadd.s32 s24, s28;
	s29 =	spop (v2sf)  }
0x306: {  	v46 =	vbroadcast v6, $0x3;
	[tilespmem:s24+$0xA000] =	vst v44;
	s24 =	sadd.s32 s29, s24;
	s30 =	spop (v2sf)  }
0x307: {  	v47 =	vbroadcast v6, $0x4;
	[tilespmem:s24+$0xA000] =	vst v45;
	s24 =	sadd.s32 s30, s24;
	s31 =	spop (v2sf)  }
0x308: {  	v48 =	vbroadcast v6, $0x5;
	[tilespmem:s24+$0xA000] =	vst v46;
	s24 =	sadd.s32 s31, s24;
	s26 =	spop (v2sf)  }
0x309: {  	v49 =	vbroadcast v6, $0x6;
	[tilespmem:s24+$0xA000] =	vst v47;
	s24 =	sadd.s32 s26, s24;
	s28 =	spop (v2sf)  }
0x30a: {  	v50 =	vbroadcast v6, $0x7;
	[tilespmem:s24+$0xA000] =	vst v48;
	s24 =	sadd.s32 s28, s24;
	s29 =	spop (v2sf)  }
0x30b: {  	v51 =	vbroadcast v6, $0x8;
	[tilespmem:s24+$0xA000] =	vst v49;
	s24 =	sadd.s32 s29, s24;
	s30 =	spop (v2sf)  }
0x30c: {  	v52 =	vbroadcast v6, $0x9;
	[tilespmem:s24+$0xA000] =	vst v50;
	s24 =	sadd.s32 s30, s24;
	s31 =	spop (v2sf)  }
0x30d: {  	v53 =	vbroadcast v6, $0xA;
	[tilespmem:s24+$0xA000] =	vst v51;
	s24 =	sadd.s32 s31, s24;
	s26 =	spop (v2sf)  }
0x30e: {  	v54 =	vbroadcast v6, $0xB;
	[tilespmem:s24+$0xA000] =	vst v52;
	s24 =	sadd.s32 s26, s24;
	s28 =	spop (v2sf)  }
0x30f: {  	v55 =	vbroadcast v6, $0xC;
	[tilespmem:s24+$0xA000] =	vst v53;
	s24 =	sadd.s32 s28, s24;
	s29 =	spop (v2sf)  }
0x310: {  	v56 =	vbroadcast v6, $0xD;
	[tilespmem:s24+$0xA000] =	vst v54;
	s24 =	sadd.s32 s29, s24;
	s30 =	spop (v2sf)  }
0x311: {  	v57 =	vbroadcast v6, $0xE;
	[tilespmem:s24+$0xA000] =	vst v55;
	s24 =	sadd.s32 s30, s24;
	s31 =	spop (v2sf)  }
0x312: {  	v6 =	vbroadcast v6, $0xF;
	[tilespmem:s24+$0xA000] =	vst v56;
	s24 =	sadd.s32 s31, s24;
	s26 =	spop (v2sf)  }
0x313: {  	[tilespmem:s24+$0xA000] =	vst v57;
	s24 =	sadd.s32 s26, s24  }
0x314: {  	[tilespmem:s24+$0xA000] =	vst v6  }
0x315: {  	v6 =	vld [tilespmem:s23+$0x5030];
	_ =	sdelay $0x4  }
0x316: {  	vm6 =	vge.s32 v6, v0;
	vm7 =	vlt.s32 v6, v1  }
0x317: {  	vm0 =	vmand vm6, vm7  }
0x318: {  	(v2sf) =	vpush v7, $0xF;
	v58 =	vsel vm0, $0x1, v5  }
0x319: {  	(v2sf) =	vpush v58, $0x0  }
0x31a: {  	(v2sf) =	vpush v58, $0x1  }
0x31b: {  	(v2sf) =	vpush v58, $0x2  }
0x31c: {  	(v2sf) =	vpush v58, $0x3  }
0x31d: {  	(v2sf) =	vpush v58, $0x4  }
0x31e: {  	(v2sf) =	vpush v58, $0x5  }
0x31f: {  	(v2sf) =	vpush v58, $0x6  }
0x320: {  	(v2sf) =	vpush v58, $0x7  }
0x321: {  	v7 =	vld [tilespmem:s23+$0x30];
	(v2sf) =	vpush v58, $0x8  }
0x322: {  	(v2sf) =	vpush v58, $0x9  }
0x323: {  	(v2sf) =	vpush v58, $0xA  }
0x324: {  	v6 =	vsub.s32 v6, v0;
	(v2sf) =	vpush v58, $0xB  }
0x325: {  	v6 =	vshll.u32 v6, $0xE;
	(v2sf) =	vpush v58, $0xC  }
0x326: {  	v6 =	vor.u32 v7, v6;
	(v2sf) =	vpush v58, $0xD  }
0x327: {  	v7 =	vbroadcast v6, $0x0;
	s28 =	spop (v2sf);
	(v2sf) =	vpush v58, $0xE  }
0x328: {  	v59 =	vbroadcast v6, $0x1;
	s24 =	sadd.s32 s28, s24;
	s29 =	spop (v2sf)  }
0x329: {  	[tilespmem:s24+$0xA000] =	vst v7;
	v7 =	vbroadcast v6, $0x2;
	s24 =	sadd.s32 s24, s29;
	s30 =	spop (v2sf)  }
0x32a: {  	v60 =	vbroadcast v6, $0x3;
	[tilespmem:s24+$0xA000] =	vst v59;
	s24 =	sadd.s32 s30, s24;
	s31 =	spop (v2sf)  }
0x32b: {  	[tilespmem:s24+$0xA000] =	vst v7;
	s24 =	sadd.s32 s31, s24;
	v7 =	vbroadcast v6, $0x4;
	s26 =	spop (v2sf)  }
0x32c: {  	v61 =	vbroadcast v6, $0x5;
	[tilespmem:s24+$0xA000] =	vst v60;
	s24 =	sadd.s32 s26, s24;
	s28 =	spop (v2sf)  }
0x32d: {  	[tilespmem:s24+$0xA000] =	vst v7;
	s24 =	sadd.s32 s28, s24;
	v7 =	vbroadcast v6, $0x6;
	s29 =	spop (v2sf)  }
0x32e: {  	v62 =	vbroadcast v6, $0x7;
	[tilespmem:s24+$0xA000] =	vst v61;
	s24 =	sadd.s32 s29, s24;
	s30 =	spop (v2sf)  }
0x32f: {  	[tilespmem:s24+$0xA000] =	vst v7;
	s24 =	sadd.s32 s30, s24;
	v7 =	vbroadcast v6, $0x8;
	s31 =	spop (v2sf)  }
0x330: {  	v63 =	vbroadcast v6, $0x9;
	[tilespmem:s24+$0xA000] =	vst v62;
	s24 =	sadd.s32 s31, s24;
	s26 =	spop (v2sf)  }
0x331: {  	[tilespmem:s24+$0xA000] =	vst v7;
	s24 =	sadd.s32 s26, s24;
	v7 =	vbroadcast v6, $0xA;
	s28 =	spop (v2sf)  }
0x332: {  	v12 =	vbroadcast v6, $0xB;
	[tilespmem:s24+$0xA000] =	vst v63;
	s24 =	sadd.s32 s28, s24;
	s29 =	spop (v2sf)  }
0x333: {  	[tilespmem:s24+$0xA000] =	vst v7;
	s24 =	sadd.s32 s29, s24;
	v7 =	vbroadcast v6, $0xC;
	s30 =	spop (v2sf)  }
0x334: {  	v13 =	vbroadcast v6, $0xD;
	[tilespmem:s24+$0xA000] =	vst v12;
	s24 =	sadd.s32 s30, s24;
	s31 =	spop (v2sf)  }
0x335: {  	[tilespmem:s24+$0xA000] =	vst v7;
	s24 =	sadd.s32 s31, s24;
	v7 =	vbroadcast v6, $0xE;
	s26 =	spop (v2sf)  }
0x336: {  	v6 =	vbroadcast v6, $0xF;
	[tilespmem:s24+$0xA000] =	vst v13;
	s24 =	sadd.s32 s26, s24;
	s28 =	spop (v2sf)  }
0x337: {  	[tilespmem:s24+$0xA000] =	vst v7;
	s24 =	sadd.s32 s28, s24  }
0x338: {  	[tilespmem:s24+$0xA000] =	vst v6  }
0x339: {  	v6 =	vld [tilespmem:s23+$0x5040];
	_ =	sdelay $0x4  }
0x33a: {  	vm8 =	vge.s32 v6, v0;
	vm9 =	vlt.s32 v6, v1  }
0x33b: {  	vm0 =	vmand vm8, vm9  }
0x33c: {  	(v2sf) =	vpush v58, $0xF;
	v7 =	vsel vm0, $0x1, v5  }
0x33d: {  	(v2sf) =	vpush v7, $0x0  }
0x33e: {  	(v2sf) =	vpush v7, $0x1  }
0x33f: {  	(v2sf) =	vpush v7, $0x2  }
0x340: {  	(v2sf) =	vpush v7, $0x3  }
0x341: {  	(v2sf) =	vpush v7, $0x4  }
0x342: {  	(v2sf) =	vpush v7, $0x5  }
0x343: {  	(v2sf) =	vpush v7, $0x6  }
0x344: {  	(v2sf) =	vpush v7, $0x7  }
0x345: {  	v14 =	vld [tilespmem:s23+$0x40];
	(v2sf) =	vpush v7, $0x8  }
0x346: {  	(v2sf) =	vpush v7, $0x9  }
0x347: {  	(v2sf) =	vpush v7, $0xA  }
0x348: {  	v6 =	vsub.s32 v6, v0;
	(v2sf) =	vpush v7, $0xB  }
0x349: {  	v6 =	vshll.u32 v6, $0xE;
	(v2sf) =	vpush v7, $0xC  }
0x34a: {  	v6 =	vor.u32 v14, v6;
	(v2sf) =	vpush v7, $0xD  }
0x34b: {  	v8 =	vbroadcast v6, $0x0;
	s29 =	spop (v2sf);
	(v2sf) =	vpush v7, $0xE  }
0x34c: {  	v15 =	vbroadcast v6, $0x1;
	s24 =	sadd.s32 s29, s24;
	s30 =	spop (v2sf)  }
0x34d: {  	v16 =	vbroadcast v6, $0x2;
	[tilespmem:s24+$0xA000] =	vst v8;
	s24 =	sadd.s32 s24, s30;
	s31 =	spop (v2sf)  }
0x34e: {  	v17 =	vbroadcast v6, $0x3;
	[tilespmem:s24+$0xA000] =	vst v15;
	s24 =	sadd.s32 s31, s24;
	s26 =	spop (v2sf)  }
0x34f: {  	v18 =	vbroadcast v6, $0x4;
	[tilespmem:s24+$0xA000] =	vst v16;
	s24 =	sadd.s32 s26, s24;
	s28 =	spop (v2sf)  }
0x350: {  	v19 =	vbroadcast v6, $0x5;
	[tilespmem:s24+$0xA000] =	vst v17;
	s24 =	sadd.s32 s28, s24;
	s29 =	spop (v2sf)  }
0x351: {  	v20 =	vbroadcast v6, $0x6;
	[tilespmem:s24+$0xA000] =	vst v18;
	s24 =	sadd.s32 s29, s24;
	s30 =	spop (v2sf)  }
0x352: {  	v21 =	vbroadcast v6, $0x7;
	[tilespmem:s24+$0xA000] =	vst v19;
	s24 =	sadd.s32 s30, s24;
	s31 =	spop (v2sf)  }
0x353: {  	v22 =	vbroadcast v6, $0x8;
	[tilespmem:s24+$0xA000] =	vst v20;
	s24 =	sadd.s32 s31, s24;
	s26 =	spop (v2sf)  }
0x354: {  	v23 =	vbroadcast v6, $0x9;
	[tilespmem:s24+$0xA000] =	vst v21;
	s24 =	sadd.s32 s26, s24;
	s28 =	spop (v2sf)  }
0x355: {  	v24 =	vbroadcast v6, $0xA;
	[tilespmem:s24+$0xA000] =	vst v22;
	s24 =	sadd.s32 s28, s24;
	s29 =	spop (v2sf)  }
0x356: {  	v25 =	vbroadcast v6, $0xB;
	[tilespmem:s24+$0xA000] =	vst v23;
	s24 =	sadd.s32 s29, s24;
	s30 =	spop (v2sf)  }
0x357: {  	v26 =	vbroadcast v6, $0xC;
	[tilespmem:s24+$0xA000] =	vst v24;
	s24 =	sadd.s32 s30, s24;
	s31 =	spop (v2sf)  }
0x358: {  	v27 =	vbroadcast v6, $0xD;
	[tilespmem:s24+$0xA000] =	vst v25;
	s24 =	sadd.s32 s31, s24;
	s26 =	spop (v2sf)  }
0x359: {  	v28 =	vbroadcast v6, $0xE;
	[tilespmem:s24+$0xA000] =	vst v26;
	s24 =	sadd.s32 s26, s24;
	s28 =	spop (v2sf)  }
0x35a: {  	v6 =	vbroadcast v6, $0xF;
	[tilespmem:s24+$0xA000] =	vst v27;
	s24 =	sadd.s32 s28, s24;
	s29 =	spop (v2sf)  }
0x35b: {  	[tilespmem:s24+$0xA000] =	vst v28;
	s24 =	sadd.s32 s29, s24  }
0x35c: {  	[tilespmem:s24+$0xA000] =	vst v6  }
0x35d: {  	v6 =	vld [tilespmem:s23+$0x5050];
	_ =	sdelay $0x4  }
0x35e: {  	vm10 =	vge.s32 v6, v0;
	vm11 =	vlt.s32 v6, v1  }
0x35f: {  	vm0 =	vmand vm10, vm11  }
0x360: {  	(v2sf) =	vpush v7, $0xF;
	v7 =	vsel vm0, $0x1, v5  }
0x361: {  	(v2sf) =	vpush v7, $0x0  }
0x362: {  	(v2sf) =	vpush v7, $0x1  }
0x363: {  	(v2sf) =	vpush v7, $0x2  }
0x364: {  	(v2sf) =	vpush v7, $0x3  }
0x365: {  	(v2sf) =	vpush v7, $0x4  }
0x366: {  	(v2sf) =	vpush v7, $0x5  }
0x367: {  	(v2sf) =	vpush v7, $0x6  }
0x368: {  	(v2sf) =	vpush v7, $0x7  }
0x369: {  	v8 =	vld [tilespmem:s23+$0x50];
	(v2sf) =	vpush v7, $0x8  }
0x36a: {  	(v2sf) =	vpush v7, $0x9  }
0x36b: {  	(v2sf) =	vpush v7, $0xA  }
0x36c: {  	v6 =	vsub.s32 v6, v0;
	(v2sf) =	vpush v7, $0xB  }
0x36d: {  	v6 =	vshll.u32 v6, $0xE;
	(v2sf) =	vpush v7, $0xC  }
0x36e: {  	v6 =	vor.u32 v8, v6;
	(v2sf) =	vpush v7, $0xD  }
0x36f: {  	v8 =	vbroadcast v6, $0x0;
	s30 =	spop (v2sf);
	(v2sf) =	vpush v7, $0xE  }
0x370: {  	v29 =	vbroadcast v6, $0x1;
	s24 =	sadd.s32 s30, s24;
	s31 =	spop (v2sf)  }
0x371: {  	v30 =	vbroadcast v6, $0x2;
	[tilespmem:s24+$0xA000] =	vst v8;
	s24 =	sadd.s32 s24, s31;
	s26 =	spop (v2sf)  }
0x372: {  	v31 =	vbroadcast v6, $0x3;
	[tilespmem:s24+$0xA000] =	vst v29;
	s24 =	sadd.s32 s26, s24;
	s28 =	spop (v2sf)  }
0x373: {  	v32 =	vbroadcast v6, $0x4;
	[tilespmem:s24+$0xA000] =	vst v30;
	s24 =	sadd.s32 s28, s24;
	s29 =	spop (v2sf)  }
0x374: {  	v33 =	vbroadcast v6, $0x5;
	[tilespmem:s24+$0xA000] =	vst v31;
	s24 =	sadd.s32 s29, s24;
	s30 =	spop (v2sf)  }
0x375: {  	v34 =	vbroadcast v6, $0x6;
	[tilespmem:s24+$0xA000] =	vst v32;
	s24 =	sadd.s32 s30, s24;
	s31 =	spop (v2sf)  }
0x376: {  	v35 =	vbroadcast v6, $0x7;
	[tilespmem:s24+$0xA000] =	vst v33;
	s24 =	sadd.s32 s31, s24;
	s26 =	spop (v2sf)  }
0x377: {  	v36 =	vbroadcast v6, $0x8;
	[tilespmem:s24+$0xA000] =	vst v34;
	s24 =	sadd.s32 s26, s24;
	s28 =	spop (v2sf)  }
0x378: {  	v37 =	vbroadcast v6, $0x9;
	[tilespmem:s24+$0xA000] =	vst v35;
	s24 =	sadd.s32 s28, s24;
	s29 =	spop (v2sf)  }
0x379: {  	v38 =	vbroadcast v6, $0xA;
	[tilespmem:s24+$0xA000] =	vst v36;
	s24 =	sadd.s32 s29, s24;
	s30 =	spop (v2sf)  }
0x37a: {  	v39 =	vbroadcast v6, $0xB;
	[tilespmem:s24+$0xA000] =	vst v37;
	s24 =	sadd.s32 s30, s24;
	s31 =	spop (v2sf)  }
0x37b: {  	v40 =	vbroadcast v6, $0xC;
	[tilespmem:s24+$0xA000] =	vst v38;
	s24 =	sadd.s32 s31, s24;
	s26 =	spop (v2sf)  }
0x37c: {  	v41 =	vbroadcast v6, $0xD;
	[tilespmem:s24+$0xA000] =	vst v39;
	s24 =	sadd.s32 s26, s24;
	s28 =	spop (v2sf)  }
0x37d: {  	v42 =	vbroadcast v6, $0xE;
	[tilespmem:s24+$0xA000] =	vst v40;
	s24 =	sadd.s32 s28, s24;
	s29 =	spop (v2sf)  }
0x37e: {  	v6 =	vbroadcast v6, $0xF;
	[tilespmem:s24+$0xA000] =	vst v41;
	s24 =	sadd.s32 s29, s24;
	s30 =	spop (v2sf)  }
0x37f: {  	[tilespmem:s24+$0xA000] =	vst v42;
	s24 =	sadd.s32 s30, s24  }
0x380: {  	[tilespmem:s24+$0xA000] =	vst v6  }
0x381: {  	v6 =	vld [tilespmem:s23+$0x5060];
	_ =	sdelay $0x4  }
0x382: {  	vm12 =	vge.s32 v6, v0;
	vm13 =	vlt.s32 v6, v1  }
0x383: {  	vm0 =	vmand vm12, vm13  }
0x384: {  	(v2sf) =	vpush v7, $0xF;
	v7 =	vsel vm0, $0x1, v5  }
0x385: {  	(v2sf) =	vpush v7, $0x0  }
0x386: {  	(v2sf) =	vpush v7, $0x1  }
0x387: {  	(v2sf) =	vpush v7, $0x2  }
0x388: {  	(v2sf) =	vpush v7, $0x3  }
0x389: {  	(v2sf) =	vpush v7, $0x4  }
0x38a: {  	(v2sf) =	vpush v7, $0x5  }
0x38b: {  	(v2sf) =	vpush v7, $0x6  }
0x38c: {  	(v2sf) =	vpush v7, $0x7  }
0x38d: {  	v8 =	vld [tilespmem:s23+$0x60];
	(v2sf) =	vpush v7, $0x8  }
0x38e: {  	(v2sf) =	vpush v7, $0x9  }
0x38f: {  	(v2sf) =	vpush v7, $0xA  }
0x390: {  	v6 =	vsub.s32 v6, v0;
	(v2sf) =	vpush v7, $0xB  }
0x391: {  	v6 =	vshll.u32 v6, $0xE;
	(v2sf) =	vpush v7, $0xC  }
0x392: {  	v6 =	vor.u32 v8, v6;
	(v2sf) =	vpush v7, $0xD  }
0x393: {  	v8 =	vbroadcast v6, $0x0;
	s31 =	spop (v2sf);
	(v2sf) =	vpush v7, $0xE  }
0x394: {  	v43 =	vbroadcast v6, $0x1;
	s24 =	sadd.s32 s31, s24;
	s26 =	spop (v2sf)  }
0x395: {  	v44 =	vbroadcast v6, $0x2;
	[tilespmem:s24+$0xA000] =	vst v8;
	s24 =	sadd.s32 s24, s26;
	s28 =	spop (v2sf)  }
0x396: {  	v45 =	vbroadcast v6, $0x3;
	[tilespmem:s24+$0xA000] =	vst v43;
	s24 =	sadd.s32 s28, s24;
	s29 =	spop (v2sf)  }
0x397: {  	v46 =	vbroadcast v6, $0x4;
	[tilespmem:s24+$0xA000] =	vst v44;
	s24 =	sadd.s32 s29, s24;
	s30 =	spop (v2sf)  }
0x398: {  	v47 =	vbroadcast v6, $0x5;
	[tilespmem:s24+$0xA000] =	vst v45;
	s24 =	sadd.s32 s30, s24;
	s31 =	spop (v2sf)  }
0x399: {  	v48 =	vbroadcast v6, $0x6;
	[tilespmem:s24+$0xA000] =	vst v46;
	s24 =	sadd.s32 s31, s24;
	s26 =	spop (v2sf)  }
0x39a: {  	v49 =	vbroadcast v6, $0x7;
	[tilespmem:s24+$0xA000] =	vst v47;
	s24 =	sadd.s32 s26, s24;
	s28 =	spop (v2sf)  }
0x39b: {  	v50 =	vbroadcast v6, $0x8;
	[tilespmem:s24+$0xA000] =	vst v48;
	s24 =	sadd.s32 s28, s24;
	s29 =	spop (v2sf)  }
0x39c: {  	v51 =	vbroadcast v6, $0x9;
	[tilespmem:s24+$0xA000] =	vst v49;
	s24 =	sadd.s32 s29, s24;
	s30 =	spop (v2sf)  }
0x39d: {  	v52 =	vbroadcast v6, $0xA;
	[tilespmem:s24+$0xA000] =	vst v50;
	s24 =	sadd.s32 s30, s24;
	s31 =	spop (v2sf)  }
0x39e: {  	v53 =	vbroadcast v6, $0xB;
	[tilespmem:s24+$0xA000] =	vst v51;
	s24 =	sadd.s32 s31, s24;
	s26 =	spop (v2sf)  }
0x39f: {  	v54 =	vbroadcast v6, $0xC;
	[tilespmem:s24+$0xA000] =	vst v52;
	s24 =	sadd.s32 s26, s24;
	s28 =	spop (v2sf)  }
0x3a0: {  	v55 =	vbroadcast v6, $0xD;
	[tilespmem:s24+$0xA000] =	vst v53;
	s24 =	sadd.s32 s28, s24;
	s29 =	spop (v2sf)  }
0x3a1: {  	v56 =	vbroadcast v6, $0xE;
	[tilespmem:s24+$0xA000] =	vst v54;
	s24 =	sadd.s32 s29, s24;
	s30 =	spop (v2sf)  }
0x3a2: {  	v6 =	vbroadcast v6, $0xF;
	[tilespmem:s24+$0xA000] =	vst v55;
	s24 =	sadd.s32 s30, s24;
	s31 =	spop (v2sf)  }
0x3a3: {  	[tilespmem:s24+$0xA000] =	vst v56;
	s24 =	sadd.s32 s31, s24  }
0x3a4: {  	[tilespmem:s24+$0xA000] =	vst v6  }
0x3a5: {  	v6 =	vld [tilespmem:s23+$0x5070];
	_ =	sdelay $0x4  }
0x3a6: {  	vm14 =	vge.s32 v6, v0;
	vm15 =	vlt.s32 v6, v1  }
0x3a7: {  	vm0 =	vmand vm14, vm15  }
0x3a8: {  	(v2sf) =	vpush v7, $0xF;
	v7 =	vsel vm0, $0x1, v5  }
0x3a9: {  	(v2sf) =	vpush v7, $0x0  }
0x3aa: {  	(v2sf) =	vpush v7, $0x1  }
0x3ab: {  	(v2sf) =	vpush v7, $0x2  }
0x3ac: {  	(v2sf) =	vpush v7, $0x3  }
0x3ad: {  	(v2sf) =	vpush v7, $0x4  }
0x3ae: {  	(v2sf) =	vpush v7, $0x5  }
0x3af: {  	(v2sf) =	vpush v7, $0x6  }
0x3b0: {  	(v2sf) =	vpush v7, $0x7  }
0x3b1: {  	v8 =	vld [tilespmem:s23+$0x70];
	(v2sf) =	vpush v7, $0x8  }
0x3b2: {  	(v2sf) =	vpush v7, $0x9  }
0x3b3: {  	(v2sf) =	vpush v7, $0xA  }
0x3b4: {  	v6 =	vsub.s32 v6, v0;
	(v2sf) =	vpush v7, $0xB  }
0x3b5: {  	v6 =	vshll.u32 v6, $0xE;
	(v2sf) =	vpush v7, $0xC  }
0x3b6: {  	v6 =	vor.u32 v8, v6;
	(v2sf) =	vpush v7, $0xD  }
0x3b7: {  	v8 =	vbroadcast v6, $0x0;
	s26 =	spop (v2sf);
	(v2sf) =	vpush v7, $0xE  }
0x3b8: {  	v57 =	vbroadcast v6, $0x1;
	s23 =	sadd.s32 s26, s24;
	s28 =	spop (v2sf);
	(v2sf) =	vpush v7, $0xF  }
0x3b9: {  	[tilespmem:s23+$0xA000] =	vst v8;
	v7 =	vbroadcast v6, $0x2;
	s23 =	sadd.s32 s23, s28;
	s29 =	spop (v2sf)  }
0x3ba: {  	v58 =	vbroadcast v6, $0x3;
	[tilespmem:s23+$0xA000] =	vst v57;
	s23 =	sadd.s32 s29, s23;
	s30 =	spop (v2sf)  }
0x3bb: {  	[tilespmem:s23+$0xA000] =	vst v7;
	s23 =	sadd.s32 s30, s23;
	v7 =	vbroadcast v6, $0x4;
	s31 =	spop (v2sf)  }
0x3bc: {  	v59 =	vbroadcast v6, $0x5;
	[tilespmem:s23+$0xA000] =	vst v58;
	s23 =	sadd.s32 s31, s23;
	s25 =	spop (v2sf)  }
0x3bd: {  	[tilespmem:s23+$0xA000] =	vst v7;
	s23 =	sadd.s32 s25, s23;
	v7 =	vbroadcast v6, $0x6;
	s26 =	spop (v2sf)  }
0x3be: {  	v60 =	vbroadcast v6, $0x7;
	[tilespmem:s23+$0xA000] =	vst v59;
	s23 =	sadd.s32 s26, s23;
	s28 =	spop (v2sf)  }
0x3bf: {  	[tilespmem:s23+$0xA000] =	vst v7;
	s23 =	sadd.s32 s28, s23;
	v7 =	vbroadcast v6, $0x8;
	s29 =	spop (v2sf)  }
0x3c0: {  	v61 =	vbroadcast v6, $0x9;
	[tilespmem:s23+$0xA000] =	vst v60;
	s23 =	sadd.s32 s29, s23;
	s30 =	spop (v2sf)  }
0x3c1: {  	[tilespmem:s23+$0xA000] =	vst v7;
	s23 =	sadd.s32 s30, s23;
	v7 =	vbroadcast v6, $0xA;
	s31 =	spop (v2sf)  }
0x3c2: {  	v62 =	vbroadcast v6, $0xB;
	[tilespmem:s23+$0xA000] =	vst v61;
	s23 =	sadd.s32 s31, s23;
	s25 =	spop (v2sf)  }
0x3c3: {  	[tilespmem:s23+$0xA000] =	vst v7;
	s23 =	sadd.s32 s25, s23;
	v7 =	vbroadcast v6, $0xC;
	s26 =	spop (v2sf)  }
0x3c4: {  	v63 =	vbroadcast v6, $0xD;
	[tilespmem:s23+$0xA000] =	vst v62;
	s23 =	sadd.s32 s26, s23;
	s28 =	spop (v2sf)  }
0x3c5: {  	[tilespmem:s23+$0xA000] =	vst v7;
	s23 =	sadd.s32 s28, s23;
	v7 =	vbroadcast v6, $0xE;
	s29 =	spop (v2sf)  }
0x3c6: {  	v6 =	vbroadcast v6, $0xF;
	[tilespmem:s23+$0xA000] =	vst v63;
	s23 =	sadd.s32 s29, s23;
	s30 =	spop (v2sf)  }
0x3c7: {  	[tilespmem:s23+$0xA000] =	vst v7;
	s23 =	sadd.s32 s30, s23;
	s31 =	spop (v2sf)  }
0x3c8: {  	[tilespmem:s23+$0xA000] =	vst v6;
	s23 =	sadd.s32 s31, s23  }
0x3c9: {  	s24 =	simm.s32 $0x50;
	[tilespmem:s23+$0xA000] =	vst v4  }
.LBB2_8:
0x3ca: {  	p0 =	sne.s32 s24, $0x1  }
.Ltmp3:
0x3cb: {  	_ = 	snop;
	(pc) =	sbr.rel @p0 .LBB2_8-.Ltmp3, $4  }
0x3cc: {  	_ = 	snop  }
0x3cd: {  	_ =	swait.ge [sflag:s18], $0x80  }
0x3ce: {  	[sflag:s18] =	ssyncset.done $0x0  }
0x3cf: {  	s24 =	sadd.s32 $0xFFFFFFFF, s24;
	[sflag:s18] =	ssyncadd.s32 $0xFFFFFF80  }
0x3d0: {  	s24 =	simm.s32 $0x0  }
0x3d1: {  	v6 =	vld [tilespmem:s24+$0xA070]  }
0x3d2: {  	v7 =	vld [tilespmem:s24+$0xA000];
	_ =	sdelay $0x1  }
0x3d3: {  	v8 =	vld [tilespmem:s24+$0xA010]  }
0x3d4: {  	v11 =	vld [tilespmem:s24+$0xA040]  }
0x3d5: {  	v12 =	vshrl.u32 v6, $0xE  }
0x3d6: {  	v9 =	vld [tilespmem:s24+$0xA020];
	v14 =	vand.u32 $0x3FFF, v7;
	[tilespmem:s24+$0x5070] =	vst v12  }
0x3d7: {  	v7 =	vshrl.u32 v7, $0xE;
	[tilespmem:s24+$0x0] =	vst v14  }
0x3d8: {  	v10 =	vld [tilespmem:s24+$0xA030];
	v62 =	vand.u32 $0x3FFF, v8;
	[tilespmem:s24+$0x5000] =	vst v7  }
0x3d9: {  	v13 =	vld [tilespmem:s24+$0xA050];
	v63 =	vand.u32 $0x3FFF, v11;
	[tilespmem:s24+$0x10] =	vst v62  }
0x3da: {  	v61 =	vld [tilespmem:s24+$0xA060];
	v7 =	vshrl.u32 v8, $0xE;
	[tilespmem:s24+$0x40] =	vst v63  }
0x3db: {  	v8 =	vand.u32 $0x3FFF, v9;
	[tilespmem:s24+$0x5010] =	vst v7  }
0x3dc: {  	v7 =	vshrl.u32 v9, $0xE;
	[tilespmem:s24+$0x20] =	vst v8  }
0x3dd: {  	v6 =	vand.u32 $0x3FFF, v6;
	v8 =	vand.u32 $0x3FFF, v10;
	[tilespmem:s24+$0x5020] =	vst v7  }
0x3de: {  	v11 =	vshrl.u32 v11, $0xE;
	v9 =	vshrl.u32 v13, $0xE;
	v7 =	vshrl.u32 v10, $0xE;
	[tilespmem:s24+$0x30] =	vst v8  }
0x3df: {  	s25 =	simm.s32 $0x80;
	s26 =	simm.s32 $0x400;
	v10 =	vand.u32 $0x3FFF, v13;
	v8 =	vand.u32 $0x3FFF, v61;
	[tilespmem:s24+$0x5030] =	vst v7;
	v7 =	vshrl.u32 v61, $0xE  }
.LBB2_10:
0x3e0: {  	p0 =	sne.s32 s26, $0x13E00;
	v12 =	vld [tilespmem:s25+$0xA070];
	[tilespmem:s24+$0x5040] =	vst v11  }
0x3e1: {  	v11 =	vld [tilespmem:s25+$0xA000];
	[tilespmem:s24+$0x50] =	vst v10  }
0x3e2: {  	v10 =	vld [tilespmem:s25+$0xA010];
	[tilespmem:s24+$0x5050] =	vst v9  }
0x3e3: {  	v9 =	vld [tilespmem:s25+$0xA020];
	[tilespmem:s24+$0x60] =	vst v8  }
0x3e4: {  	v8 =	vld [tilespmem:s25+$0xA030];
	[tilespmem:s24+$0x5060] =	vst v7  }
0x3e5: {  	v7 =	vld [tilespmem:s25+$0xA040];
	v13 =	vshrl.u32 v12, $0xE;
	[tilespmem:s24+$0x70] =	vst v6;
	v6 =	vand.u32 $0x3FFF, v12;
	s24 =	smov.u32 s25  }
0x3e6: {  	v12 =	vand.u32 $0x3FFF, v11;
	v11 =	vshrl.u32 v11, $0xE;
	v14 =	vld [tilespmem:s24+$0xA050];
	[tilespmem:s24+$0x5070] =	vst v13  }
0x3e7: {  	[tilespmem:s24+$0x0] =	vst v12;
	v12 =	vand.u32 $0x3FFF, v10;
	v10 =	vshrl.u32 v10, $0xE;
	v13 =	vld [tilespmem:s24+$0xA060]  }
0x3e8: {  	[tilespmem:s24+$0x5000] =	vst v11;
	v15 =	vand.u32 $0x3FFF, v9;
	v16 =	vshrl.u32 v9, $0xE  }
0x3e9: {  	[tilespmem:s24+$0x10] =	vst v12;
	v12 =	vand.u32 $0x3FFF, v8;
	v17 =	vshrl.u32 v8, $0xE  }
0x3ea: {  	[tilespmem:s24+$0x5010] =	vst v10;
	v18 =	vand.u32 $0x3FFF, v7;
	v11 =	vshrl.u32 v7, $0xE  }
.Ltmp4:
0x3eb: {  	[tilespmem:s24+$0x20] =	vst v15;
	v10 =	vand.u32 $0x3FFF, v14;
	v9 =	vshrl.u32 v14, $0xE;
	(pc) =	sbr.rel @p0 .LBB2_10-.Ltmp4, $4  }
0x3ec: {  	[tilespmem:s24+$0x5020] =	vst v16;
	v8 =	vand.u32 $0x3FFF, v13;
	v7 =	vshrl.u32 v13, $0xE  }
0x3ed: {  	[tilespmem:s24+$0x30] =	vst v12  }
0x3ee: {  	[tilespmem:s24+$0x5030] =	vst v17  }
0x3ef: {  	s25 =	sshra.s32 s26, $0x2;
	s26 =	sadd.s32 $0x200, s26;
	[tilespmem:s24+$0x40] =	vst v18  }
0x3f0: {  	v12 =	vld [tilespmem:s25+$0xA070];
	[tilespmem:s24+$0x5040] =	vst v11  }
0x3f1: {  	v11 =	vld [tilespmem:s25+$0xA000];
	[tilespmem:s24+$0x50] =	vst v10  }
0x3f2: {  	v10 =	vld [tilespmem:s25+$0xA010];
	[tilespmem:s24+$0x5050] =	vst v9  }
0x3f3: {  	v9 =	vld [tilespmem:s25+$0xA020];
	[tilespmem:s24+$0x60] =	vst v8  }
0x3f4: {  	v8 =	vld [tilespmem:s25+$0xA030];
	[tilespmem:s24+$0x5060] =	vst v7  }
0x3f5: {  	v7 =	vld [tilespmem:s25+$0xA040];
	[tilespmem:s24+$0x70] =	vst v6;
	v6 =	vshrl.u32 v12, $0xE  }
0x3f6: {  	v14 =	vand.u32 $0x3FFF, v11;
	[tilespmem:s25+$0x5070] =	vst v6  }
0x3f7: {  	v6 =	vshrl.u32 v11, $0xE;
	[tilespmem:s25+$0x0] =	vst v14  }
0x3f8: {  	v60 =	vand.u32 $0x3FFF, v10;
	[tilespmem:s25+$0x5000] =	vst v6  }
0x3f9: {  	v6 =	vshrl.u32 v10, $0xE;
	[tilespmem:s25+$0x10] =	vst v60  }
0x3fa: {  	v61 =	vand.u32 $0x3FFF, v9;
	[tilespmem:s25+$0x5010] =	vst v6  }
0x3fb: {  	v13 =	vld [tilespmem:s25+$0xA050];
	v6 =	vshrl.u32 v9, $0xE;
	[tilespmem:s25+$0x20] =	vst v61  }
0x3fc: {  	v62 =	vand.u32 $0x3FFF, v8;
	[tilespmem:s25+$0x5020] =	vst v6  }
0x3fd: {  	v59 =	vld [tilespmem:s25+$0xA060];
	v6 =	vshrl.u32 v8, $0xE;
	[tilespmem:s25+$0x30] =	vst v62  }
0x3fe: {  	v63 =	vand.u32 $0x3FFF, v7;
	[tilespmem:s25+$0x5030] =	vst v6  }
0x3ff: {  	v6 =	vshrl.u32 v7, $0xE;
	[tilespmem:s25+$0x40] =	vst v63  }
0x400: {  	v7 =	vand.u32 $0x3FFF, v13;
	[tilespmem:s25+$0x5040] =	vst v6  }
0x401: {  	v6 =	vshrl.u32 v13, $0xE;
	[tilespmem:s25+$0x50] =	vst v7  }
0x402: {  	v7 =	vand.u32 $0x3FFF, v59;
	[tilespmem:s25+$0x5050] =	vst v6  }
0x403: {  	v6 =	vshrl.u32 v59, $0xE;
	[tilespmem:s25+$0x60] =	vst v7  }
0x404: {  	v7 =	vand.u32 $0x3FFF, v12;
	[tilespmem:s25+$0x5060] =	vst v6  }
0x405: {  	v6 =	vmov s23;
	[tilespmem:s25+$0x70] =	vst v7  }
0x406: {  	[tilespmem:$0xF080] =	vst v6  }
0x407: {  	[bflag:$0x0] =	sbarrier.arrive $0xFFFF  }
0x408: {  	[hbm4b:s7+s3] =	stream.linear.scatter [tilespmem:s19], [sflag:$0x2], $0x80, $0x38;
	[tilespmem:$0xF688] =	vst v63  }
0x409: {  	_ =	swait.ge [sflag:s13], $0x80  }
0x40a: {  	[sflag:s13] =	ssyncset.done $0x0  }
0x40b: {  	[sflag:s13] =	ssyncadd.s32 $0xFFFFFF80  }
0x40c: {  	[hbm4b:s8+s3] =	stream.linear.scatter [tilespmem:s3], [sflag:$0x2], $0x5000, $0x38;
	[tilespmem:$0xF688] =	vst v63  }
0x40d: {  	_ =	swait.ge [sflag:s13], $0x5000  }
0x40e: {  	[sflag:s13] =	ssyncset.done $0x0  }
0x40f: {  	[sflag:s13] =	ssyncadd.s32 $0xFFFFB000  }
0x410: {  	[hbm4b:s9+s3] =	stream.linear.scatter [tilespmem:s14], [sflag:$0x2], $0x5000, $0x38;
	[tilespmem:$0xF688] =	vst v63  }
0x411: {  	s30 =	sshll.u32 s1, $0x6;
	s22 =	sadd.s32 $0x1, s22;
	_ =	swait.ge [sflag:s13], $0x5000  }
0x412: {  	s31 =	sshrl.u32 s6, $0x3;
	p0 =	sne.s32 s22, s11;
	[sflag:s13] =	ssyncset.done $0x0  }
.Ltmp5:
0x413: {  	s23 =	sor.u32 $0x1C02, s30;
	[sflag:s13] =	ssyncadd.s32 $0xFFFFB000;
	(pc) =	sbr.rel @p0 .LBB2_1-.Ltmp5, $4  }
0x414: {  	[hbm:s10@s20], [sflag:s23] =	dma.strided [spmem:s31@s21], $0x50, s18, $0x10   }
0x415: {  	_ =	swait.ge [sflag:s13], $0x50  }
0x416: {  	[sflag:s13] =	ssyncset.done $0x0  }
0x417: {  	[sflag:s13] =	ssyncadd.s32 $0xFFFFFFB0  }
0x418: {  	_ =	sfence.sel $0x180000  }
0x419: {  	[bflag:$0x0] =	sbarrier.arrive $0xFFFF  }
0x41a: {  	p0 =	sne.s32 s1, $0x0;
	_ =	strace $0x90000047  }
0x41b: {  	s0 =	sadd.s32 @!p0 $0x100000, s0;
	[bflag:$0x2] =	sbarrier.arrive $0xFFFF  }
0x41c: {  	[sflag:s0] =	ssyncadd.tile.s32 @!p0 $0x1;
	_ =	shalt  }
.Lfunc_end2:
_tile_overlayer_lowered:
.L_overlay_start_2:
0x41d: {  	(tag) =	ssettag $0x2  }
0x41e: {  	s0 =	rddreg [dreg:$0x0];
	s2 =	stileid.u32  }
0x41f: {  	s1 =	rddreg [dreg:$0x1];
	p0 =	sne.s32 s2, $0x0  }
0x420: {  	s3 =	rddreg [dreg:$0x2];
	[bflag:$0x3] =	sbarrier.arrive $0xFFFF;
	s2 =	simm.s32 @!p0 $0x1C02  }
0x421: {  	[timem:s3], [sflag:s2] =	dma.local @!p0 [hbm:s0], s1  }
0x422: {  	s0 =	simm.s32 @!p0 $0x2  }
0x423: {  	_ =	swait.ge @!p0 [sflag:s0], s1  }
0x424: {  	s1 =	ssub.s32 @!p0 $0x0, s1;
	[sflag:s0] =	ssyncset.done @!p0 $0x0  }
0x425: {  	[sflag:s0] =	ssyncadd.s32 @!p0 s1  }
0x426: {  	[bflag:$0x3] =	sbarrier.arrive $0xFFFF  }
0x427: {  	_ =	shalt  }

</sc_bundles>
